<compile_context>
chip_gen: v7x
topology: tpu7x:2x2x1
jax: 0.10.2.dev20260603
libtpu: 0.0.44.dev20260713+nightly
codegen_flags: <defaults>
</compile_context>

<pallas_src>
import functools

import jax
import jax.numpy as jnp
from jax import lax
from jax.experimental import pallas as pl
from jax.experimental.pallas import tpu as pltpu
from jax.experimental.pallas import tpu_sc as plsc

N_NODES = 10000
N_EDGES = 160000
EMB = 256
HALF = 128
N_LAYERS = 3

NC = 2
NS = 16
CHUNK = 128

EP = 163840
E_PER_TILE = EP // NS
ECHUNK = 64
E_CHUNKS = E_PER_TILE // ECHUNK

AE = N_NODES * 9
AEP = 98304
A_PER_TILE = AEP // NS
A_CHUNKS = A_PER_TILE // CHUNK

NPAD = 10400
ZSTRIPE = 648
OUT_STRIPE = 624

ATAB_ROWS = 960
COMBO_ROWS = 128


def _vec_mesh():
    return plsc.VectorSubcoreMesh(core_axis_name="c", subcore_axis_name="s")


def _zero_rows(rows, n):
    z = jnp.zeros((16,), jnp.float32)

    @pl.loop(0, n)
    def _(i):
        for j in range(8):
            rows[i, pl.ds(j * 16, 16)] = z


def _zero_stripe(rows, n, agg_sh, t):
    base = t * ZSTRIPE

    @pl.loop(0, ZSTRIPE // n)
    def _(i):
        pltpu.sync_copy(rows.at[pl.ds(0, n)],
                        agg_sh.at[pl.ds(base + i * n, n)])

    rem = ZSTRIPE % n
    if rem:
        pltpu.sync_copy(rows.at[pl.ds(0, rem)],
                        agg_sh.at[pl.ds(base + ZSTRIPE - rem, rem)])

    @pl.when(t == NS - 1)
    def _():
        pltpu.sync_copy(rows.at[pl.ds(0, 32)],
                        agg_sh.at[pl.ds(NS * ZSTRIPE, 32)])


def _copy_out(agg_sh, out_hbm, s, t, half_rows):
    ob = s * half_rows + t * OUT_STRIPE
    lb = t * OUT_STRIPE

    @pl.loop(0, 4)
    def _(i):
        pltpu.sync_copy(agg_sh.at[pl.ds(lb + i * CHUNK, CHUNK)],
                        out_hbm.at[pl.ds(ob + i * CHUNK, CHUNK)])

    pltpu.sync_copy(agg_sh.at[pl.ds(lb + 512, 112)],
                    out_hbm.at[pl.ds(ob + 512, 112)])

    @pl.when(t == NS - 1)
    def _():
        pltpu.sync_copy(agg_sh.at[pl.ds(9984, 16)],
                        out_hbm.at[pl.ds(s * half_rows + 9984, 16)])


def _atom_encode(atabf, asrc, adst):

    @functools.partial(
        pl.kernel,
        out_type=jax.ShapeDtypeStruct((2 * N_NODES, HALF), jnp.float32),
        mesh=_vec_mesh(),
        scratch_types=[
            pltpu.VMEM((CHUNK,), jnp.int32),
            pltpu.VMEM((CHUNK,), jnp.int32),
            pltpu.VMEM((CHUNK,), jnp.int32),
            pltpu.VMEM((CHUNK, HALF), jnp.float32),
            pltpu.VMEM_SHARED((NPAD, HALF), jnp.float32),
        ],
    )
    def k(atab_hbm, asrc_hbm, adst_hbm, h_hbm, aidx, aidx2, didx, rows, agg_sh):
        s = lax.axis_index("c")
        t = lax.axis_index("s")
        _zero_rows(rows, CHUNK)
        _zero_stripe(rows, CHUNK, agg_sh, t)
        plsc.subcore_barrier()

        eb = t * A_PER_TILE
        soff = s * ATAB_ROWS

        @pl.loop(0, A_CHUNKS)
        def _(kk):
            cb = eb + kk * CHUNK
            pltpu.sync_copy(asrc_hbm.at[pl.ds(cb, CHUNK)], aidx)
            pltpu.sync_copy(adst_hbm.at[pl.ds(cb, CHUNK)], didx)

            @pl.loop(0, CHUNK // 16)
            def _(g):
                sl = pl.ds(g * 16, 16)
                aidx2[sl] = aidx[sl] + soff

            pltpu.sync_copy(atab_hbm.at[aidx2], rows)
            pltpu.sync_copy(rows, agg_sh.at[didx], add=True)

        plsc.subcore_barrier()
        _copy_out(agg_sh, h_hbm, s, t, N_NODES)

    return k(atabf, asrc, adst)


def _edge_layer(h_flat, esrc, edst, ecode, combo_rep):

    ib = lambda: pltpu.VMEM((ECHUNK,), jnp.int32)
    rb = lambda: pltpu.VMEM((ECHUNK, HALF), jnp.float32)

    @functools.partial(
        pl.kernel,
        out_type=jax.ShapeDtypeStruct((2 * NPAD, HALF), jnp.float32),
        mesh=_vec_mesh(),
        scratch_types=[
            ib(), ib(), ib(), ib(), ib(), ib(),
            rb(), rb(), rb(), rb(),
            pltpu.VMEM_SHARED((NPAD, HALF), jnp.float32),
            pltpu.SemaphoreType.DMA,
            pltpu.SemaphoreType.DMA,
            pltpu.SemaphoreType.DMA,
            pltpu.SemaphoreType.DMA,
            pltpu.SemaphoreType.DMA,
            pltpu.SemaphoreType.DMA,
            pltpu.SemaphoreType.DMA,
            pltpu.SemaphoreType.DMA,
        ],
    )
    def k(h_hbm, esrc_hbm, edst_hbm, ecode_hbm, combo_hbm, agg_hbm,
          sA, dA, cA, sB, dB, cB, rowsA, crowsA, rowsB, crowsB,
          agg_sh, semIA, semIB, semDA, semDB, semGA, semGB, semSA, semSB):
        s = lax.axis_index("c")
        t = lax.axis_index("s")
        _zero_rows(rowsA, ECHUNK)
        _zero_stripe(rowsA, ECHUNK, agg_sh, t)
        plsc.subcore_barrier()

        eb = t * E_PER_TILE
        hoff = s * N_NODES
        coff = (s * NS + t) * COMBO_ROWS

        def issue_idx_sc(c, sx, cx, semI):
            cbase = eb + c * ECHUNK
            pltpu.async_copy(esrc_hbm.at[pl.ds(cbase, ECHUNK)], sx, semI)
            pltpu.async_copy(ecode_hbm.at[pl.ds(cbase, ECHUNK)], cx, semI)

        def wait_idx_sc(sx, cx, semI):
            pltpu.make_async_copy(esrc_hbm.at[pl.ds(0, ECHUNK)], sx,
                                  semI).wait()
            pltpu.make_async_copy(ecode_hbm.at[pl.ds(0, ECHUNK)], cx,
                                  semI).wait()

        def issue_idx_d(c, dx, semD):
            pltpu.async_copy(edst_hbm.at[pl.ds(eb + c * ECHUNK, ECHUNK)],
                             dx, semD)

        def wait_idx_d(dx, semD):
            pltpu.make_async_copy(edst_hbm.at[pl.ds(0, ECHUNK)], dx,
                                  semD).wait()

        def add_offsets(sx, cx):
            @pl.loop(0, ECHUNK // 16)
            def _(g):
                sl = pl.ds(g * 16, 16)
                sx[sl] = sx[sl] + hoff
                cx[sl] = cx[sl] + coff

        def issue_gathers(sx, cx, rows, crows, semG):
            pltpu.async_copy(h_hbm.at[sx], rows, semG)
            pltpu.async_copy(combo_hbm.at[cx], crows, semG)

        def wait_gathers(sx, cx, rows, crows, semG):
            pltpu.make_async_copy(h_hbm.at[sx], rows, semG).wait()
            pltpu.make_async_copy(combo_hbm.at[cx], crows, semG).wait()

        def drain_scatter(rows, dx, semS):
            pltpu.make_async_copy(rows, agg_sh.at[dx], semS).wait()

        def step(c, X, Y, not_first, not_last2, y_has_next):
            sx, dx, cx, rows, crows, semI, semD, semG, semS = X
            sy, dy, cy, rows_y, crows_y, semIY, semDY, semGY, semSY = Y

            @pl.when(y_has_next)
            def _():
                wait_idx_sc(sy, cy, semIY)
                add_offsets(sy, cy)

            @pl.when(not_first)
            def _():
                drain_scatter(rows_y, dy, semSY)

            @pl.when(y_has_next)
            def _():
                issue_idx_d(c + 1, dy, semDY)
                issue_gathers(sy, cy, rows_y, crows_y, semGY)

            wait_gathers(sx, cx, rows, crows, semG)

            @pl.when(not_last2)
            def _():
                issue_idx_sc(c + 2, sx, cx, semI)

            @pl.loop(0, ECHUNK)
            def _(i):
                for q in range(8):
                    sl = pl.ds(q * 16, 16)
                    rows[i, sl] = rows[i, sl] * crows[i, sl]

            wait_idx_d(dx, semD)
            pltpu.async_copy(rows, agg_sh.at[dx], semS, add=True)

        A = (sA, dA, cA, rowsA, crowsA, semIA, semDA, semGA, semSA)
        B = (sB, dB, cB, rowsB, crowsB, semIB, semDB, semGB, semSB)

        issue_idx_sc(0, sA, cA, semIA)
        issue_idx_d(0, dA, semDA)
        wait_idx_sc(sA, cA, semIA)
        add_offsets(sA, cA)
        issue_gathers(sA, cA, rowsA, crowsA, semGA)
        issue_idx_sc(1, sB, cB, semIB)

        TRUE = jnp.bool_(True)

        @pl.loop(0, E_CHUNKS // 2)
        def _(kk):
            nl = kk < E_CHUNKS // 2 - 1
            step(2 * kk, A, B, not_first=kk > 0, not_last2=nl,
                 y_has_next=TRUE)
            step(2 * kk + 1, B, A, not_first=TRUE, not_last2=nl,
                 y_has_next=nl)

        drain_scatter(rowsB, dB, semSB)

        plsc.subcore_barrier()
        _copy_out(agg_sh, agg_hbm, s, t, NPAD)

    return k(h_flat, esrc, edst, ecode, combo_rep)


def _tc_linear(agg, W, b):

    def body(a0_ref, a1_ref, w_ref, b_ref, o_ref):
        x0 = a0_ref[...]
        x1 = a1_ref[...]
        y = jnp.dot(x0, w_ref[0:HALF, :], preferred_element_type=jnp.float32)
        y = y + jnp.dot(x1, w_ref[HALF:EMB, :],
                        preferred_element_type=jnp.float32)
        y = jnp.maximum(y + b_ref[...], 0.0)
        o_ref[0, :, :] = y[:, 0:HALF]
        o_ref[1, :, :] = y[:, HALF:EMB]

    return pl.pallas_call(
        body,
        grid=(25,),
        in_specs=[
            pl.BlockSpec((400, HALF), lambda i: (i, 0)),
            pl.BlockSpec((400, HALF), lambda i: (i + NPAD // 400, 0)),
            pl.BlockSpec((EMB, EMB), lambda i: (0, 0)),
            pl.BlockSpec((1, EMB), lambda i: (0, 0)),
        ],
        out_specs=pl.BlockSpec((2, 400, HALF), lambda i: (0, i, 0)),
        out_shape=jax.ShapeDtypeStruct((2, N_NODES, HALF), jnp.float32),
    )(agg, agg, W, b.reshape(1, EMB))


def _tc_last(agg, W, b, clf_W):

    def body(a0_ref, a1_ref, w_ref, b_ref, cw_ref, o_ref):
        i = pl.program_id(0)
        x0 = a0_ref[...]
        x1 = a1_ref[...]
        y = jnp.dot(x0, w_ref[0:HALF, :], preferred_element_type=jnp.float32)
        y = y + jnp.dot(x1, w_ref[HALF:EMB, :],
                        preferred_element_type=jnp.float32)
        y = jnp.maximum(y + b_ref[...], 0.0)
        p = y * cw_ref[...]
        acc = p[0:8, :]
        for r in range(1, 50):
            acc = acc + p[8 * r:8 * (r + 1), :]

        @pl.when(i == 0)
        def _():
            o_ref[...] = jnp.zeros((8, EMB), jnp.float32)

        o_ref[...] += acc

    return pl.pallas_call(
        body,
        grid=(25,),
        in_specs=[
            pl.BlockSpec((400, HALF), lambda i: (i, 0)),
            pl.BlockSpec((400, HALF), lambda i: (i + NPAD // 400, 0)),
            pl.BlockSpec((EMB, EMB), lambda i: (0, 0)),
            pl.BlockSpec((1, EMB), lambda i: (0, 0)),
            pl.BlockSpec((1, EMB), lambda i: (0, 0)),
        ],
        out_specs=pl.BlockSpec((8, EMB), lambda i: (0, 0)),
        out_shape=jax.ShapeDtypeStruct((8, EMB), jnp.float32),
    )(agg, agg, W, b.reshape(1, EMB), clf_W.reshape(1, EMB))


def kernel(node_feat, edge_feat, edge_index, atom_tables, bond_tables,
           lin_W, lin_b, clf_W, clf_b):
    i32 = jnp.int32

    asrc = (node_feat.astype(i32)
            + 100 * jnp.arange(9, dtype=i32)[None, :]).reshape(-1)
    adst = jnp.repeat(jnp.arange(N_NODES, dtype=i32), 9,
                      total_repeat_length=AE)
    apad = jnp.arange(AEP - AE, dtype=i32)
    asrc = jnp.concatenate([asrc, 900 + apad % 60])
    adst = jnp.concatenate([adst, N_NODES + apad % 16])

    atab = atom_tables.reshape(900, 2, HALF).transpose(1, 0, 2)
    atabf = jnp.concatenate(
        [atab, jnp.zeros((2, ATAB_ROWS - 900, HALF), jnp.float32)],
        axis=1).reshape(2 * ATAB_ROWS, HALF)

    ef = edge_feat.astype(i32)
    ecode = ef[:, 0] * 25 + ef[:, 1] * 5 + ef[:, 2]
    epad = jnp.arange(EP - N_EDGES, dtype=i32)
    esrc = jnp.concatenate([edge_index[0].astype(i32), epad % N_NODES])
    edst = jnp.concatenate([edge_index[1].astype(i32), N_NODES + epad % 16])
    ecode = jnp.concatenate([ecode, jnp.full((EP - N_EDGES,), 125, i32)])

    cb = (bond_tables[:, 0][:, :, None, None, :]
          + bond_tables[:, 1][:, None, :, None, :]
          + bond_tables[:, 2][:, None, None, :, :]).reshape(3, 125, EMB)
    cb = jnp.concatenate(
        [cb, jnp.zeros((3, COMBO_ROWS - 125, EMB), jnp.float32)], axis=1)
    cb = cb.reshape(3, COMBO_ROWS, 2, HALF).transpose(0, 2, 1, 3)
    cb = jnp.broadcast_to(cb[:, :, None], (3, 2, NS, COMBO_ROWS, HALF))
    combo_rep = cb.reshape(3, 2 * NS * COMBO_ROWS, HALF)

    h_flat = _atom_encode(atabf, asrc, adst)
    out8 = None
    for l in range(N_LAYERS):
        agg = _edge_layer(h_flat, esrc, edst, ecode, combo_rep[l])
        if l < N_LAYERS - 1:
            h3d = _tc_linear(agg, lin_W[l], lin_b[l])
            h_flat = h3d.reshape(2 * N_NODES, HALF)
        else:
            out8 = _tc_last(agg, lin_W[l], lin_b[l], clf_W)

    return jnp.sum(out8).reshape(1) + clf_b

# --- scband reference (transcript-rebuilt; emitter-appended) ---
"""Pipeline reference for scband-gnn-88837103550599 (READ-ONLY COPY).

The authoritative reference and input builder live on the scoring server;
editing this copy changes nothing except your own understanding.
"""

import jax, jax.numpy as jnp
import numpy as np

N_NODES = 10000
N_EDGES = 160000
EMB = 256
N_LAYERS = 3
ATOM_FIELDS = 9
BOND_FIELDS = 3
ATOM_VOCAB = 100
BOND_VOCAB = 5


def setup_inputs(seed: int = 0) -> dict:
    key = jax.random.key(seed)
    ks = jax.random.split(key, 12)
    node_feat = jax.random.randint(ks[0], (N_NODES, ATOM_FIELDS), 0, ATOM_VOCAB, dtype=jnp.int64 if jax.config.jax_enable_x64 else jnp.int32)
    edge_feat = jax.random.randint(ks[1], (N_EDGES, BOND_FIELDS), 0, BOND_VOCAB, dtype=jnp.int64 if jax.config.jax_enable_x64 else jnp.int32)
    edge_index = jax.random.randint(ks[2], (2, N_EDGES), 0, N_NODES, dtype=jnp.int64 if jax.config.jax_enable_x64 else jnp.int32)
    scale = 0.02
    atom_tables = jax.random.normal(ks[3], (ATOM_FIELDS, ATOM_VOCAB, EMB), dtype=jnp.float32) * scale
    bond_tables = jax.random.normal(ks[4], (N_LAYERS, BOND_FIELDS, BOND_VOCAB, EMB), dtype=jnp.float32) * scale
    lin_W = jax.random.normal(ks[5], (N_LAYERS, EMB, EMB), dtype=jnp.float32) * (1.0 / np.sqrt(EMB))
    lin_b = jnp.zeros((N_LAYERS, EMB), dtype=jnp.float32)
    clf_W = jax.random.normal(ks[6], (EMB, 1), dtype=jnp.float32) * (1.0 / np.sqrt(EMB))
    clf_b = jnp.zeros((1,), dtype=jnp.float32)
    return {
        "node_feat": node_feat,
        "edge_feat": edge_feat,
        "edge_index": edge_index,
        "atom_tables": atom_tables,
        "bond_tables": bond_tables,
        "lin_W": lin_W,
        "lin_b": lin_b,
        "clf_W": clf_W,
        "clf_b": clf_b,
    }


def reference(node_feat, edge_feat, edge_index, atom_tables, bond_tables, lin_W, lin_b, clf_W, clf_b):
    src = edge_index[0]
    dst = edge_index[1]
    # AtomEncoder: sum of per-field embedding lookups
    h = jnp.zeros((node_feat.shape[0], atom_tables.shape[-1]), dtype=jnp.float32)
    for f in range(atom_tables.shape[0]):
        h = h + jnp.take(atom_tables[f], node_feat[:, f], axis=0)
    for l in range(bond_tables.shape[0]):
        # BondEncoder for this layer
        he = jnp.zeros((edge_feat.shape[0], bond_tables.shape[-1]), dtype=jnp.float32)
        for f in range(bond_tables.shape[1]):
            he = he + jnp.take(bond_tables[l, f], edge_feat[:, f], axis=0)
        # message: src node feature * edge feature (v_mul_e)
        m = jnp.take(h, src, axis=0) * he
        # aggregation: sum over destination nodes
        agg = jax.ops.segment_sum(m, dst, num_segments=h.shape[0])
        # linear + relu
        h = agg @ lin_W[l] + lin_b[l]
        h = jax.nn.relu(h)
    # readout: sum over all nodes (single graph), then classifier
    hg = jnp.sum(h, axis=0)
    y = hg @ clf_W + clf_b
    return y

if __name__ == "__main__":
    import jax
    _d = setup_inputs()
    print(jax.jit(kernel)(*tuple(_d.values())))

</pallas_src>

<mosaic_0001>
#map = affine_map<(d0, d1) -> (0, 0)>
#map1 = affine_map<(d0, d1) -> (0)>
module attributes {stable_mosaic.version = 14 : i64} {
  func.func @k(%arg0: i32, %arg1: i32, %arg2: memref<20000x128xf32, #tpu.memory_space<hbm>>, %arg3: memref<163840xi32, #tpu.memory_space<hbm>>, %arg4: memref<163840xi32, #tpu.memory_space<hbm>>, %arg5: memref<163840xi32, #tpu.memory_space<hbm>>, %arg6: memref<4096x128xf32, #tpu.memory_space<hbm>>, %arg7: memref<20800x128xf32, #tpu.memory_space<hbm>>, %arg8: memref<64xi32, #tpu.memory_space<vmem>>, %arg9: memref<64xi32, #tpu.memory_space<vmem>>, %arg10: memref<64xi32, #tpu.memory_space<vmem>>, %arg11: memref<64xi32, #tpu.memory_space<vmem>>, %arg12: memref<64xi32, #tpu.memory_space<vmem>>, %arg13: memref<64xi32, #tpu.memory_space<vmem>>, %arg14: memref<64x128xf32, #tpu.memory_space<vmem>>, %arg15: memref<64x128xf32, #tpu.memory_space<vmem>>, %arg16: memref<64x128xf32, #tpu.memory_space<vmem>>, %arg17: memref<64x128xf32, #tpu.memory_space<vmem>>, %arg18: memref<10400x128xf32, #tpu.memory_space<vmem_shared>>, %arg19: memref<!tpu.dma_semaphore, #tpu.memory_space<semaphore_mem>>, %arg20: memref<!tpu.dma_semaphore, #tpu.memory_space<semaphore_mem>>, %arg21: memref<!tpu.dma_semaphore, #tpu.memory_space<semaphore_mem>>, %arg22: memref<!tpu.dma_semaphore, #tpu.memory_space<semaphore_mem>>, %arg23: memref<!tpu.dma_semaphore, #tpu.memory_space<semaphore_mem>>, %arg24: memref<!tpu.dma_semaphore, #tpu.memory_space<semaphore_mem>>, %arg25: memref<!tpu.dma_semaphore, #tpu.memory_space<semaphore_mem>>, %arg26: memref<!tpu.dma_semaphore, #tpu.memory_space<semaphore_mem>>) attributes {dimension_semantics = [#tpu.dimension_semantics<core_parallel>, #tpu.dimension_semantics<subcore_parallel>], iteration_bounds = array<i64: 2, 16>, scalar_prefetch = 0 : i64, scratch_operands = 19 : i64, tpu.core_type = #tpu.core_type<sc_vector_subcore>, window_params = [{transform_indices = #map}, {transform_indices = #map1}, {transform_indices = #map1}, {transform_indices = #map1}, {transform_indices = #map}, {transform_indices = #map}]} {
    %broadcast_in_dim3A = arith.constant 0.000000e+00 : f32
    %broadcast_in_dim3A_0 = vector.broadcast %broadcast_in_dim3A : f32 to vector<16xf32>
    %scan3A = arith.constant 0 : i32
    %scan3A_1 = arith.constant 64 : i32
    %scan3A_2 = arith.addi %scan3A, %scan3A_1 : i32
    %scan3A_3 = arith.constant 1 : i32
    scf.for %scan3A_88 = %scan3A to %scan3A_2 step %scan3A_3  : i32 {
      %mul3A_89 = arith.constant 1 : i32
      %mul3A_90 = arith.muli %scan3A_88, %mul3A_89 : i32
      %add3A_91 = arith.constant 0 : i32
      %add3A_92 = arith.addi %add3A_91, %mul3A_90 : i32
      %swap3A = arith.index_cast %add3A_92 : i32 to index
      %swap3A_93 = arith.constant 0 : index
      %swap3A_94 = tpu.vector_load %arg14[%swap3A, %swap3A_93] {strides = array<i32>} : memref<64x128xf32, #tpu.memory_space<vmem>>, vector<1x16xf32>,
      %swap3A_95 = vector.shape_cast %swap3A_94 : vector<1x16xf32> to vector<16xf32>
      %swap3A_96 = vector.shape_cast %broadcast_in_dim3A_0 : vector<16xf32> to vector<1x16xf32>
      tpu.vector_store %arg14[%swap3A, %swap3A_93], %swap3A_96 {strides = array<i32>} : memref<64x128xf32, #tpu.memory_space<vmem>>, vector<1x16xf32>,
      %swap3A_97 = arith.index_cast %add3A_92 : i32 to index
      %swap3A_98 = arith.constant 16 : index
      %swap3A_99 = tpu.vector_load %arg14[%swap3A_97, %swap3A_98] {strides = array<i32>} : memref<64x128xf32, #tpu.memory_space<vmem>>, vector<1x16xf32>,
      %swap3A_100 = vector.shape_cast %swap3A_99 : vector<1x16xf32> to vector<16xf32>
      %swap3A_101 = vector.shape_cast %broadcast_in_dim3A_0 : vector<16xf32> to vector<1x16xf32>
      tpu.vector_store %arg14[%swap3A_97, %swap3A_98], %swap3A_101 {strides = array<i32>} : memref<64x128xf32, #tpu.memory_space<vmem>>, vector<1x16xf32>,
      %swap3A_102 = arith.index_cast %add3A_92 : i32 to index
      %swap3A_103 = arith.constant 32 : index
      %swap3A_104 = tpu.vector_load %arg14[%swap3A_102, %swap3A_103] {strides = array<i32>} : memref<64x128xf32, #tpu.memory_space<vmem>>, vector<1x16xf32>,
      %swap3A_105 = vector.shape_cast %swap3A_104 : vector<1x16xf32> to vector<16xf32>
      %swap3A_106 = vector.shape_cast %broadcast_in_dim3A_0 : vector<16xf32> to vector<1x16xf32>
      tpu.vector_store %arg14[%swap3A_102, %swap3A_103], %swap3A_106 {strides = array<i32>} : memref<64x128xf32, #tpu.memory_space<vmem>>, vector<1x16xf32>,
      %swap3A_107 = arith.index_cast %add3A_92 : i32 to index
      %swap3A_108 = arith.constant 48 : index
      %swap3A_109 = tpu.vector_load %arg14[%swap3A_107, %swap3A_108] {strides = array<i32>} : memref<64x128xf32, #tpu.memory_space<vmem>>, vector<1x16xf32>,
      %swap3A_110 = vector.shape_cast %swap3A_109 : vector<1x16xf32> to vector<16xf32>
      %swap3A_111 = vector.shape_cast %broadcast_in_dim3A_0 : vector<16xf32> to vector<1x16xf32>
      tpu.vector_store %arg14[%swap3A_107, %swap3A_108], %swap3A_111 {strides = array<i32>} : memref<64x128xf32, #tpu.memory_space<vmem>>, vector<1x16xf32>,
      %swap3A_112 = arith.index_cast %add3A_92 : i32 to index
      %swap3A_113 = arith.constant 64 : index
      %swap3A_114 = tpu.vector_load %arg14[%swap3A_112, %swap3A_113] {strides = array<i32>} : memref<64x128xf32, #tpu.memory_space<vmem>>, vector<1x16xf32>,
      %swap3A_115 = vector.shape_cast %swap3A_114 : vector<1x16xf32> to vector<16xf32>
      %swap3A_116 = vector.shape_cast %broadcast_in_dim3A_0 : vector<16xf32> to vector<1x16xf32>
      tpu.vector_store %arg14[%swap3A_112, %swap3A_113], %swap3A_116 {strides = array<i32>} : memref<64x128xf32, #tpu.memory_space<vmem>>, vector<1x16xf32>,
      %swap3A_117 = arith.index_cast %add3A_92 : i32 to index
      %swap3A_118 = arith.constant 80 : index
      %swap3A_119 = tpu.vector_load %arg14[%swap3A_117, %swap3A_118] {strides = array<i32>} : memref<64x128xf32, #tpu.memory_space<vmem>>, vector<1x16xf32>,
      %swap3A_120 = vector.shape_cast %swap3A_119 : vector<1x16xf32> to vector<16xf32>
      %swap3A_121 = vector.shape_cast %broadcast_in_dim3A_0 : vector<16xf32> to vector<1x16xf32>
      tpu.vector_store %arg14[%swap3A_117, %swap3A_118], %swap3A_121 {strides = array<i32>} : memref<64x128xf32, #tpu.memory_space<vmem>>, vector<1x16xf32>,
      %swap3A_122 = arith.index_cast %add3A_92 : i32 to index
      %swap3A_123 = arith.constant 96 : index
      %swap3A_124 = tpu.vector_load %arg14[%swap3A_122, %swap3A_123] {strides = array<i32>} : memref<64x128xf32, #tpu.memory_space<vmem>>, vector<1x16xf32>,
      %swap3A_125 = vector.shape_cast %swap3A_124 : vector<1x16xf32> to vector<16xf32>
      %swap3A_126 = vector.shape_cast %broadcast_in_dim3A_0 : vector<16xf32> to vector<1x16xf32>
      tpu.vector_store %arg14[%swap3A_122, %swap3A_123], %swap3A_126 {strides = array<i32>} : memref<64x128xf32, #tpu.memory_space<vmem>>, vector<1x16xf32>,
      %swap3A_127 = arith.index_cast %add3A_92 : i32 to index
      %swap3A_128 = arith.constant 112 : index
      %swap3A_129 = tpu.vector_load %arg14[%swap3A_127, %swap3A_128] {strides = array<i32>} : memref<64x128xf32, #tpu.memory_space<vmem>>, vector<1x16xf32>,
      %swap3A_130 = vector.shape_cast %swap3A_129 : vector<1x16xf32> to vector<16xf32>
      %swap3A_131 = vector.shape_cast %broadcast_in_dim3A_0 : vector<16xf32> to vector<1x16xf32>
      tpu.vector_store %arg14[%swap3A_127, %swap3A_128], %swap3A_131 {strides = array<i32>} : memref<64x128xf32, #tpu.memory_space<vmem>>, vector<1x16xf32>,
    }
    %scan3A_4 = arith.constant 64 : i32
    %mul3A = arith.constant 648 : i32
    %mul3A_5 = arith.muli %arg1, %mul3A : i32
    %scan3A_6 = arith.constant 0 : i32
    %scan3A_7 = arith.constant 10 : i32
    %scan3A_8 = arith.addi %scan3A_6, %scan3A_7 : i32
    %scan3A_9 = arith.constant 1 : i32
    scf.for %scan3A_88 = %scan3A_6 to %scan3A_8 step %scan3A_9  : i32 {
      %mul3A_89 = arith.constant 1 : i32
      %mul3A_90 = arith.muli %scan3A_88, %mul3A_89 : i32
      %add3A_91 = arith.constant 0 : i32
      %add3A_92 = arith.addi %add3A_91, %mul3A_90 : i32
      %mul3A_93 = arith.constant 64 : i32
      %mul3A_94 = arith.muli %add3A_92, %mul3A_93 : i32
      %add3A_95 = arith.addi %mul3A_5, %mul3A_94 : i32
      "tpu.region"() ({
        %run_scoped3A = tpu.sem_alloc : memref<!tpu.dma_semaphore, #tpu.memory_space<semaphore_mem>>
        %dma_start3A_96 = arith.constant 0 : i32
        %dma_start3A_97 = arith.constant 0 : i32
        %dma_start3A_98 = tpu.memref_slice %arg14[%dma_start3A_96, %dma_start3A_97] : memref<64x128xf32, #tpu.memory_space<vmem>> -> memref<64x128xf32, #tpu.memory_space<vmem>>
        %dma_start3A_99 = arith.constant 0 : i32
        %dma_start3A_100 = tpu.memref_slice %arg18[%add3A_95, %dma_start3A_99] : memref<10400x128xf32, #tpu.memory_space<vmem_shared>> -> memref<64x128xf32, #tpu.memory_space<vmem_shared>>
        %dma_start3A_101 = arith.constant 0 : i32
        %dma_start3A_102 = tpu.memref_slice %arg18[%add3A_95, %dma_start3A_101] : memref<10400x128xf32, #tpu.memory_space<vmem_shared>> -> memref<64x128xf32, #tpu.memory_space<vmem_shared>>
        %dma_start3A_103 = arith.constant 0 : i32
        %dma_start3A_104 = arith.constant 0 : i32
        %dma_start3A_105 = tpu.memref_slice %arg14[%dma_start3A_103, %dma_start3A_104] : memref<64x128xf32, #tpu.memory_space<vmem>> -> memref<64x128xf32, #tpu.memory_space<vmem>>
        tpu.enqueue_dma source(%dma_start3A_105 : memref<64x128xf32, #tpu.memory_space<vmem>>) target(%dma_start3A_102 : memref<64x128xf32, #tpu.memory_space<vmem_shared>>) target_semaphore(%run_scoped3A : memref<!tpu.dma_semaphore, #tpu.memory_space<semaphore_mem>>)
        %dma_wait3A_106 = arith.constant 0 : i32
        %dma_wait3A_107 = arith.constant 0 : i32
        %dma_wait3A_108 = tpu.memref_slice %arg14[%dma_wait3A_106, %dma_wait3A_107] : memref<64x128xf32, #tpu.memory_space<vmem>> -> memref<64x128xf32, #tpu.memory_space<vmem>>
        %dma_wait3A_109 = arith.constant 0 : i32
        %dma_wait3A_110 = tpu.memref_slice %arg18[%add3A_95, %dma_wait3A_109] : memref<10400x128xf32, #tpu.memory_space<vmem_shared>> -> memref<64x128xf32, #tpu.memory_space<vmem_shared>>
        %dma_wait3A_111 = arith.constant 0 : i32
        %dma_wait3A_112 = tpu.memref_slice %arg18[%add3A_95, %dma_wait3A_111] : memref<10400x128xf32, #tpu.memory_space<vmem_shared>> -> memref<64x128xf32, #tpu.memory_space<vmem_shared>>
        %dma_wait3A_113 = arith.constant 0 : i32
        %dma_wait3A_114 = arith.constant 0 : i32
        %dma_wait3A_115 = tpu.memref_slice %arg14[%dma_wait3A_113, %dma_wait3A_114] : memref<64x128xf32, #tpu.memory_space<vmem>> -> memref<64x128xf32, #tpu.memory_space<vmem>>
        tpu.wait_dma2 semaphore(%run_scoped3A : memref<!tpu.dma_semaphore, #tpu.memory_space<semaphore_mem>>) src(%dma_wait3A_115 : memref<64x128xf32, #tpu.memory_space<vmem>>) dst(%dma_wait3A_112 : memref<64x128xf32, #tpu.memory_space<vmem_shared>>)
        tpu.yield
      }) : () -> ()
    }
    %scan3A_10 = arith.constant 10 : i32
    %add3A = arith.constant 648 : i32
    %add3A_11 = arith.addi %mul3A_5, %add3A : i32
    %sub3A = arith.constant 8 : i32
    %sub3A_12 = arith.subi %add3A_11, %sub3A : i32
    "tpu.region"() ({
      %run_scoped3A = tpu.sem_alloc : memref<!tpu.dma_semaphore, #tpu.memory_space<semaphore_mem>>
      %dma_start3A_88 = arith.constant 0 : i32
      %dma_start3A_89 = arith.constant 0 : i32
      %dma_start3A_90 = tpu.memref_slice %arg14[%dma_start3A_88, %dma_start3A_89] : memref<64x128xf32, #tpu.memory_space<vmem>> -> memref<8x128xf32, #tpu.memory_space<vmem>>
      %dma_start3A_91 = arith.constant 0 : i32
      %dma_start3A_92 = tpu.memref_slice %arg18[%sub3A_12, %dma_start3A_91] : memref<10400x128xf32, #tpu.memory_space<vmem_shared>> -> memref<8x128xf32, #tpu.memory_space<vmem_shared>>
      %dma_start3A_93 = arith.constant 0 : i32
      %dma_start3A_94 = tpu.memref_slice %arg18[%sub3A_12, %dma_start3A_93] : memref<10400x128xf32, #tpu.memory_space<vmem_shared>> -> memref<8x128xf32, #tpu.memory_space<vmem_shared>>
      %dma_start3A_95 = arith.constant 0 : i32
      %dma_start3A_96 = arith.constant 0 : i32
      %dma_start3A_97 = tpu.memref_slice %arg14[%dma_start3A_95, %dma_start3A_96] : memref<64x128xf32, #tpu.memory_space<vmem>> -> memref<8x128xf32, #tpu.memory_space<vmem>>
      tpu.enqueue_dma source(%dma_start3A_97 : memref<8x128xf32, #tpu.memory_space<vmem>>) target(%dma_start3A_94 : memref<8x128xf32, #tpu.memory_space<vmem_shared>>) target_semaphore(%run_scoped3A : memref<!tpu.dma_semaphore, #tpu.memory_space<semaphore_mem>>)
      %dma_wait3A_98 = arith.constant 0 : i32
      %dma_wait3A_99 = arith.constant 0 : i32
      %dma_wait3A_100 = tpu.memref_slice %arg14[%dma_wait3A_98, %dma_wait3A_99] : memref<64x128xf32, #tpu.memory_space<vmem>> -> memref<8x128xf32, #tpu.memory_space<vmem>>
      %dma_wait3A_101 = arith.constant 0 : i32
      %dma_wait3A_102 = tpu.memref_slice %arg18[%sub3A_12, %dma_wait3A_101] : memref<10400x128xf32, #tpu.memory_space<vmem_shared>> -> memref<8x128xf32, #tpu.memory_space<vmem_shared>>
      %dma_wait3A_103 = arith.constant 0 : i32
      %dma_wait3A_104 = tpu.memref_slice %arg18[%sub3A_12, %dma_wait3A_103] : memref<10400x128xf32, #tpu.memory_space<vmem_shared>> -> memref<8x128xf32, #tpu.memory_space<vmem_shared>>
      %dma_wait3A_105 = arith.constant 0 : i32
      %dma_wait3A_106 = arith.constant 0 : i32
      %dma_wait3A_107 = tpu.memref_slice %arg14[%dma_wait3A_105, %dma_wait3A_106] : memref<64x128xf32, #tpu.memory_space<vmem>> -> memref<8x128xf32, #tpu.memory_space<vmem>>
      tpu.wait_dma2 semaphore(%run_scoped3A : memref<!tpu.dma_semaphore, #tpu.memory_space<semaphore_mem>>) src(%dma_wait3A_107 : memref<8x128xf32, #tpu.memory_space<vmem>>) dst(%dma_wait3A_104 : memref<8x128xf32, #tpu.memory_space<vmem_shared>>)
      tpu.yield
    }) : () -> ()
    %eq3A = arith.constant 15 : i32
    %eq3A_13 = arith.cmpi eq, %arg1, %eq3A : i32
    %convert_element_type3A = arith.extui %eq3A_13 : i1 to i32
    %cond3A = arith.constant 0 : i32
    %cond3A_14 = arith.cmpi ne, %convert_element_type3A, %cond3A : i32
    scf.if %cond3A_14 {
      "tpu.region"() ({
        %run_scoped3A = tpu.sem_alloc : memref<!tpu.dma_semaphore, #tpu.memory_space<semaphore_mem>>
        %dma_start3A_88 = arith.constant 0 : i32
        %dma_start3A_89 = arith.constant 0 : i32
        %dma_start3A_90 = tpu.memref_slice %arg14[%dma_start3A_88, %dma_start3A_89] : memref<64x128xf32, #tpu.memory_space<vmem>> -> memref<32x128xf32, #tpu.memory_space<vmem>>
        %dma_start3A_91 = arith.constant 10368 : i32
        %dma_start3A_92 = arith.constant 0 : i32
        %dma_start3A_93 = tpu.memref_slice %arg18[%dma_start3A_91, %dma_start3A_92] : memref<10400x128xf32, #tpu.memory_space<vmem_shared>> -> memref<32x128xf32, #tpu.memory_space<vmem_shared>>
        %dma_start3A_94 = arith.constant 10368 : i32
        %dma_start3A_95 = arith.constant 0 : i32
        %dma_start3A_96 = tpu.memref_slice %arg18[%dma_start3A_94, %dma_start3A_95] : memref<10400x128xf32, #tpu.memory_space<vmem_shared>> -> memref<32x128xf32, #tpu.memory_space<vmem_shared>>
        %dma_start3A_97 = arith.constant 0 : i32
        %dma_start3A_98 = arith.constant 0 : i32
        %dma_start3A_99 = tpu.memref_slice %arg14[%dma_start3A_97, %dma_start3A_98] : memref<64x128xf32, #tpu.memory_space<vmem>> -> memref<32x128xf32, #tpu.memory_space<vmem>>
        tpu.enqueue_dma source(%dma_start3A_99 : memref<32x128xf32, #tpu.memory_space<vmem>>) target(%dma_start3A_96 : memref<32x128xf32, #tpu.memory_space<vmem_shared>>) target_semaphore(%run_scoped3A : memref<!tpu.dma_semaphore, #tpu.memory_space<semaphore_mem>>)
        %dma_wait3A_100 = arith.constant 0 : i32
        %dma_wait3A_101 = arith.constant 0 : i32
        %dma_wait3A_102 = tpu.memref_slice %arg14[%dma_wait3A_100, %dma_wait3A_101] : memref<64x128xf32, #tpu.memory_space<vmem>> -> memref<32x128xf32, #tpu.memory_space<vmem>>
        %dma_wait3A_103 = arith.constant 10368 : i32
        %dma_wait3A_104 = arith.constant 0 : i32
        %dma_wait3A_105 = tpu.memref_slice %arg18[%dma_wait3A_103, %dma_wait3A_104] : memref<10400x128xf32, #tpu.memory_space<vmem_shared>> -> memref<32x128xf32, #tpu.memory_space<vmem_shared>>
        %dma_wait3A_106 = arith.constant 10368 : i32
        %dma_wait3A_107 = arith.constant 0 : i32
        %dma_wait3A_108 = tpu.memref_slice %arg18[%dma_wait3A_106, %dma_wait3A_107] : memref<10400x128xf32, #tpu.memory_space<vmem_shared>> -> memref<32x128xf32, #tpu.memory_space<vmem_shared>>
        %dma_wait3A_109 = arith.constant 0 : i32
        %dma_wait3A_110 = arith.constant 0 : i32
        %dma_wait3A_111 = tpu.memref_slice %arg14[%dma_wait3A_109, %dma_wait3A_110] : memref<64x128xf32, #tpu.memory_space<vmem>> -> memref<32x128xf32, #tpu.memory_space<vmem>>
        tpu.wait_dma2 semaphore(%run_scoped3A : memref<!tpu.dma_semaphore, #tpu.memory_space<semaphore_mem>>) src(%dma_wait3A_111 : memref<32x128xf32, #tpu.memory_space<vmem>>) dst(%dma_wait3A_108 : memref<32x128xf32, #tpu.memory_space<vmem_shared>>)
        tpu.yield
      }) : () -> ()
    } else {
    }
    %barrier3A = arith.constant 0 : index
    tpu.barrier barrier_id(%barrier3A)
    %mul3A_15 = arith.constant 10240 : i32
    %mul3A_16 = arith.muli %arg1, %mul3A_15 : i32
    %mul3A_17 = arith.constant 10000 : i32
    %mul3A_18 = arith.muli %arg0, %mul3A_17 : i32
    %mul3A_19 = arith.constant 16 : i32
    %mul3A_20 = arith.muli %arg0, %mul3A_19 : i32
    %add3A_21 = arith.addi %mul3A_20, %arg1 : i32
    %mul3A_22 = arith.constant 128 : i32
    %mul3A_23 = arith.muli %add3A_21, %mul3A_22 : i32
    %add3A_24 = arith.constant 0 : i32
    %add3A_25 = arith.addi %mul3A_16, %add3A_24 : i32
    %dma_start3A = tpu.memref_slice %arg3[%add3A_25] : memref<163840xi32, #tpu.memory_space<hbm>> -> memref<64xi32, #tpu.memory_space<hbm>>
    %dma_start3A_26 = tpu.memref_slice %arg3[%add3A_25] : memref<163840xi32, #tpu.memory_space<hbm>> -> memref<64xi32, #tpu.memory_space<hbm>>
    tpu.enqueue_dma source(%dma_start3A_26 : memref<64xi32, #tpu.memory_space<hbm>>) target(%arg8 : memref<64xi32, #tpu.memory_space<vmem>>) target_semaphore(%arg19 : memref<!tpu.dma_semaphore, #tpu.memory_space<semaphore_mem>>)
    %dma_start3A_27 = tpu.memref_slice %arg5[%add3A_25] : memref<163840xi32, #tpu.memory_space<hbm>> -> memref<64xi32, #tpu.memory_space<hbm>>
    %dma_start3A_28 = tpu.memref_slice %arg5[%add3A_25] : memref<163840xi32, #tpu.memory_space<hbm>> -> memref<64xi32, #tpu.memory_space<hbm>>
    tpu.enqueue_dma source(%dma_start3A_28 : memref<64xi32, #tpu.memory_space<hbm>>) target(%arg10 : memref<64xi32, #tpu.memory_space<vmem>>) target_semaphore(%arg19 : memref<!tpu.dma_semaphore, #tpu.memory_space<semaphore_mem>>)
    %add3A_29 = arith.constant 0 : i32
    %add3A_30 = arith.addi %mul3A_16, %add3A_29 : i32
    %dma_start3A_31 = tpu.memref_slice %arg4[%add3A_30] : memref<163840xi32, #tpu.memory_space<hbm>> -> memref<64xi32, #tpu.memory_space<hbm>>
    %dma_start3A_32 = tpu.memref_slice %arg4[%add3A_30] : memref<163840xi32, #tpu.memory_space<hbm>> -> memref<64xi32, #tpu.memory_space<hbm>>
    tpu.enqueue_dma source(%dma_start3A_32 : memref<64xi32, #tpu.memory_space<hbm>>) target(%arg9 : memref<64xi32, #tpu.memory_space<vmem>>) target_semaphore(%arg21 : memref<!tpu.dma_semaphore, #tpu.memory_space<semaphore_mem>>)
    %dma_wait3A = arith.constant 0 : i32
    %dma_wait3A_33 = tpu.memref_slice %arg3[%dma_wait3A] : memref<163840xi32, #tpu.memory_space<hbm>> -> memref<64xi32, #tpu.memory_space<hbm>>
    %dma_wait3A_34 = arith.constant 0 : i32
    %dma_wait3A_35 = tpu.memref_slice %arg3[%dma_wait3A_34] : memref<163840xi32, #tpu.memory_space<hbm>> -> memref<64xi32, #tpu.memory_space<hbm>>
    tpu.wait_dma2 semaphore(%arg19 : memref<!tpu.dma_semaphore, #tpu.memory_space<semaphore_mem>>) src(%dma_wait3A_35 : memref<64xi32, #tpu.memory_space<hbm>>) dst(%arg8 : memref<64xi32, #tpu.memory_space<vmem>>)
    %dma_wait3A_36 = arith.constant 0 : i32
    %dma_wait3A_37 = tpu.memref_slice %arg5[%dma_wait3A_36] : memref<163840xi32, #tpu.memory_space<hbm>> -> memref<64xi32, #tpu.memory_space<hbm>>
    %dma_wait3A_38 = arith.constant 0 : i32
    %dma_wait3A_39 = tpu.memref_slice %arg5[%dma_wait3A_38] : memref<163840xi32, #tpu.memory_space<hbm>> -> memref<64xi32, #tpu.memory_space<hbm>>
    tpu.wait_dma2 semaphore(%arg19 : memref<!tpu.dma_semaphore, #tpu.memory_space<semaphore_mem>>) src(%dma_wait3A_39 : memref<64xi32, #tpu.memory_space<hbm>>) dst(%arg10 : memref<64xi32, #tpu.memory_space<vmem>>)
    %scan3A_40 = arith.constant 0 : i32
    %scan3A_41 = arith.constant 4 : i32
    %scan3A_42 = arith.addi %scan3A_40, %scan3A_41 : i32
    %scan3A_43 = arith.constant 1 : i32
    scf.for %scan3A_88 = %scan3A_40 to %scan3A_42 step %scan3A_43  : i32 {
      %mul3A_89 = arith.constant 1 : i32
      %mul3A_90 = arith.muli %scan3A_88, %mul3A_89 : i32
      %add3A_91 = arith.constant 0 : i32
      %add3A_92 = arith.addi %add3A_91, %mul3A_90 : i32
      %mul3A_93 = arith.constant 16 : i32
      %mul3A_94 = arith.muli %add3A_92, %mul3A_93 : i32
      %get3A = arith.index_cast %mul3A_94 : i32 to index
      %get3A_95 = tpu.vector_load %arg8[%get3A] {strides = array<i32>} : memref<64xi32, #tpu.memory_space<vmem>>, vector<16xi32>,
      %get3A_96 = vector.shape_cast %get3A_95 : vector<16xi32> to vector<16xi32>
      %add3A_97 = vector.broadcast %mul3A_18 : i32 to vector<16xi32>
      %add3A_98 = arith.addi %get3A_96, %add3A_97 : vector<16xi32>
      %swap3A = arith.index_cast %mul3A_94 : i32 to index
      %swap3A_99 = tpu.vector_load %arg8[%swap3A] {strides = array<i32>} : memref<64xi32, #tpu.memory_space<vmem>>, vector<16xi32>,
      %swap3A_100 = vector.shape_cast %swap3A_99 : vector<16xi32> to vector<16xi32>
      %swap3A_101 = vector.shape_cast %add3A_98 : vector<16xi32> to vector<16xi32>
      tpu.vector_store %arg8[%swap3A], %swap3A_101 {strides = array<i32>} : memref<64xi32, #tpu.memory_space<vmem>>, vector<16xi32>,
      %get3A_102 = arith.index_cast %mul3A_94 : i32 to index
      %get3A_103 = tpu.vector_load %arg10[%get3A_102] {strides = array<i32>} : memref<64xi32, #tpu.memory_space<vmem>>, vector<16xi32>,
      %get3A_104 = vector.shape_cast %get3A_103 : vector<16xi32> to vector<16xi32>
      %add3A_105 = vector.broadcast %mul3A_23 : i32 to vector<16xi32>
      %add3A_106 = arith.addi %get3A_104, %add3A_105 : vector<16xi32>
      %swap3A_107 = arith.index_cast %mul3A_94 : i32 to index
      %swap3A_108 = tpu.vector_load %arg10[%swap3A_107] {strides = array<i32>} : memref<64xi32, #tpu.memory_space<vmem>>, vector<16xi32>,
      %swap3A_109 = vector.shape_cast %swap3A_108 : vector<16xi32> to vector<16xi32>
      %swap3A_110 = vector.shape_cast %add3A_106 : vector<16xi32> to vector<16xi32>
      tpu.vector_store %arg10[%swap3A_107], %swap3A_110 {strides = array<i32>} : memref<64xi32, #tpu.memory_space<vmem>>, vector<16xi32>,
    }
    %scan3A_44 = arith.constant 4 : i32
    %dma_start3A_45 = arith.constant 0 : i32
    %dma_start3A_46 = arith.constant 0 : i32
    %dma_start3A_47 = tpu.memref_slice %arg2[%dma_start3A_45, %dma_start3A_46] : memref<20000x128xf32, #tpu.memory_space<hbm>> -> memref<20000x128xf32, #tpu.memory_space<hbm>>
    tpu.enqueue_indirect_dma source(%dma_start3A_47 : memref<20000x128xf32, #tpu.memory_space<hbm>>) target(%arg14 : memref<64x128xf32, #tpu.memory_space<vmem>>) offsets(%arg8 : memref<64xi32, #tpu.memory_space<vmem>>) semaphore(%arg23 : memref<!tpu.dma_semaphore, #tpu.memory_space<semaphore_mem>>)
    %dma_start3A_48 = arith.constant 0 : i32
    %dma_start3A_49 = arith.constant 0 : i32
    %dma_start3A_50 = tpu.memref_slice %arg6[%dma_start3A_48, %dma_start3A_49] : memref<4096x128xf32, #tpu.memory_space<hbm>> -> memref<4096x128xf32, #tpu.memory_space<hbm>>
    tpu.enqueue_indirect_dma source(%dma_start3A_50 : memref<4096x128xf32, #tpu.memory_space<hbm>>) target(%arg15 : memref<64x128xf32, #tpu.memory_space<vmem>>) offsets(%arg10 : memref<64xi32, #tpu.memory_space<vmem>>) semaphore(%arg23 : memref<!tpu.dma_semaphore, #tpu.memory_space<semaphore_mem>>)
    %add3A_51 = arith.constant 64 : i32
    %add3A_52 = arith.addi %mul3A_16, %add3A_51 : i32
    %dma_start3A_53 = tpu.memref_slice %arg3[%add3A_52] : memref<163840xi32, #tpu.memory_space<hbm>> -> memref<64xi32, #tpu.memory_space<hbm>>
    %dma_start3A_54 = tpu.memref_slice %arg3[%add3A_52] : memref<163840xi32, #tpu.memory_space<hbm>> -> memref<64xi32, #tpu.memory_space<hbm>>
    tpu.enqueue_dma source(%dma_start3A_54 : memref<64xi32, #tpu.memory_space<hbm>>) target(%arg11 : memref<64xi32, #tpu.memory_space<vmem>>) target_semaphore(%arg20 : memref<!tpu.dma_semaphore, #tpu.memory_space<semaphore_mem>>)
    %dma_start3A_55 = tpu.memref_slice %arg5[%add3A_52] : memref<163840xi32, #tpu.memory_space<hbm>> -> memref<64xi32, #tpu.memory_space<hbm>>
    %dma_start3A_56 = tpu.memref_slice %arg5[%add3A_52] : memref<163840xi32, #tpu.memory_space<hbm>> -> memref<64xi32, #tpu.memory_space<hbm>>
    tpu.enqueue_dma source(%dma_start3A_56 : memref<64xi32, #tpu.memory_space<hbm>>) target(%arg13 : memref<64xi32, #tpu.memory_space<vmem>>) target_semaphore(%arg20 : memref<!tpu.dma_semaphore, #tpu.memory_space<semaphore_mem>>)
    %scan3A_57 = arith.constant true
    %scan3A_58 = arith.constant 0 : i32
    %scan3A_59 = arith.constant 80 : i32
    %scan3A_60 = arith.addi %scan3A_58, %scan3A_59 : i32
    %scan3A_61 = arith.constant 1 : i32
    scf.for %scan3A_88 = %scan3A_58 to %scan3A_60 step %scan3A_61  : i32 {
      %mul3A_89 = arith.constant 1 : i32
      %mul3A_90 = arith.muli %scan3A_88, %mul3A_89 : i32
      %add3A_91 = arith.constant 0 : i32
      %add3A_92 = arith.addi %add3A_91, %mul3A_90 : i32
      %lt3A = arith.constant 79 : i32
      %lt3A_93 = arith.cmpi slt, %add3A_92, %lt3A : i32
      %mul3A_94 = arith.constant 2 : i32
      %mul3A_95 = arith.muli %mul3A_94, %add3A_92 : i32
      %gt3A = arith.constant 0 : i32
      %gt3A_96 = arith.cmpi sgt, %add3A_92, %gt3A : i32
      %convert_element_type3A_97 = arith.extui %scan3A_57 : i1 to i32
      %cond3A_98 = arith.constant 0 : i32
      %cond3A_99 = arith.cmpi ne, %convert_element_type3A_97, %cond3A_98 : i32
      scf.if %cond3A_99 {
        %dma_wait3A_161 = arith.constant 0 : i32
        %dma_wait3A_162 = tpu.memref_slice %arg3[%dma_wait3A_161] : memref<163840xi32, #tpu.memory_space<hbm>> -> memref<64xi32, #tpu.memory_space<hbm>>
        %dma_wait3A_163 = arith.constant 0 : i32
        %dma_wait3A_164 = tpu.memref_slice %arg3[%dma_wait3A_163] : memref<163840xi32, #tpu.memory_space<hbm>> -> memref<64xi32, #tpu.memory_space<hbm>>
        tpu.wait_dma2 semaphore(%arg20 : memref<!tpu.dma_semaphore, #tpu.memory_space<semaphore_mem>>) src(%dma_wait3A_164 : memref<64xi32, #tpu.memory_space<hbm>>) dst(%arg11 : memref<64xi32, #tpu.memory_space<vmem>>)
        %dma_wait3A_165 = arith.constant 0 : i32
        %dma_wait3A_166 = tpu.memref_slice %arg5[%dma_wait3A_165] : memref<163840xi32, #tpu.memory_space<hbm>> -> memref<64xi32, #tpu.memory_space<hbm>>
        %dma_wait3A_167 = arith.constant 0 : i32
        %dma_wait3A_168 = tpu.memref_slice %arg5[%dma_wait3A_167] : memref<163840xi32, #tpu.memory_space<hbm>> -> memref<64xi32, #tpu.memory_space<hbm>>
        tpu.wait_dma2 semaphore(%arg20 : memref<!tpu.dma_semaphore, #tpu.memory_space<semaphore_mem>>) src(%dma_wait3A_168 : memref<64xi32, #tpu.memory_space<hbm>>) dst(%arg13 : memref<64xi32, #tpu.memory_space<vmem>>)
        %scan3A_169 = arith.constant 0 : i32
        %scan3A_170 = arith.constant 4 : i32
        %scan3A_171 = arith.addi %scan3A_169, %scan3A_170 : i32
        %scan3A_172 = arith.constant 1 : i32
        scf.for %scan3A_174 = %scan3A_169 to %scan3A_171 step %scan3A_172  : i32 {
          %mul3A_175 = arith.constant 1 : i32
          %mul3A_176 = arith.muli %scan3A_174, %mul3A_175 : i32
          %add3A_177 = arith.constant 0 : i32
          %add3A_178 = arith.addi %add3A_177, %mul3A_176 : i32
          %mul3A_179 = arith.constant 16 : i32
          %mul3A_180 = arith.muli %add3A_178, %mul3A_179 : i32
          %get3A = arith.index_cast %mul3A_180 : i32 to index
          %get3A_181 = tpu.vector_load %arg11[%get3A] {strides = array<i32>} : memref<64xi32, #tpu.memory_space<vmem>>, vector<16xi32>,
          %get3A_182 = vector.shape_cast %get3A_181 : vector<16xi32> to vector<16xi32>
          %add3A_183 = vector.broadcast %mul3A_18 : i32 to vector<16xi32>
          %add3A_184 = arith.addi %get3A_182, %add3A_183 : vector<16xi32>
          %swap3A = arith.index_cast %mul3A_180 : i32 to index
          %swap3A_185 = tpu.vector_load %arg11[%swap3A] {strides = array<i32>} : memref<64xi32, #tpu.memory_space<vmem>>, vector<16xi32>,
          %swap3A_186 = vector.shape_cast %swap3A_185 : vector<16xi32> to vector<16xi32>
          %swap3A_187 = vector.shape_cast %add3A_184 : vector<16xi32> to vector<16xi32>
          tpu.vector_store %arg11[%swap3A], %swap3A_187 {strides = array<i32>} : memref<64xi32, #tpu.memory_space<vmem>>, vector<16xi32>,
          %get3A_188 = arith.index_cast %mul3A_180 : i32 to index
          %get3A_189 = tpu.vector_load %arg13[%get3A_188] {strides = array<i32>} : memref<64xi32, #tpu.memory_space<vmem>>, vector<16xi32>,
          %get3A_190 = vector.shape_cast %get3A_189 : vector<16xi32> to vector<16xi32>
          %add3A_191 = vector.broadcast %mul3A_23 : i32 to vector<16xi32>
          %add3A_192 = arith.addi %get3A_190, %add3A_191 : vector<16xi32>
          %swap3A_193 = arith.index_cast %mul3A_180 : i32 to index
          %swap3A_194 = tpu.vector_load %arg13[%swap3A_193] {strides = array<i32>} : memref<64xi32, #tpu.memory_space<vmem>>, vector<16xi32>,
          %swap3A_195 = vector.shape_cast %swap3A_194 : vector<16xi32> to vector<16xi32>
          %swap3A_196 = vector.shape_cast %add3A_192 : vector<16xi32> to vector<16xi32>
          tpu.vector_store %arg13[%swap3A_193], %swap3A_196 {strides = array<i32>} : memref<64xi32, #tpu.memory_space<vmem>>, vector<16xi32>,
        }
        %scan3A_173 = arith.constant 4 : i32
      } else {
      }
      %convert_element_type3A_100 = arith.extui %gt3A_96 : i1 to i32
      %cond3A_101 = arith.constant 0 : i32
      %cond3A_102 = arith.cmpi ne, %convert_element_type3A_100, %cond3A_101 : i32
      scf.if %cond3A_102 {
        %dma_wait3A_161 = arith.constant 0 : i32
        %dma_wait3A_162 = arith.constant 0 : i32
        %dma_wait3A_163 = tpu.memref_slice %arg18[%dma_wait3A_161, %dma_wait3A_162] : memref<10400x128xf32, #tpu.memory_space<vmem_shared>> -> memref<10400x128xf32, #tpu.memory_space<vmem_shared>>
        tpu.wait_indirect_dma semaphore(%arg26 : memref<!tpu.dma_semaphore, #tpu.memory_space<semaphore_mem>>) src(%arg16 : memref<64x128xf32, #tpu.memory_space<vmem>>) dst(%dma_wait3A_163 : memref<10400x128xf32, #tpu.memory_space<vmem_shared>>)
      } else {
      }
      %convert_element_type3A_103 = arith.extui %scan3A_57 : i1 to i32
      %cond3A_104 = arith.constant 0 : i32
      %cond3A_105 = arith.cmpi ne, %convert_element_type3A_103, %cond3A_104 : i32
      scf.if %cond3A_105 {
        %add3A_161 = arith.constant 1 : i32
        %add3A_162 = arith.addi %mul3A_95, %add3A_161 : i32
        %mul3A_163 = arith.constant 64 : i32
        %mul3A_164 = arith.muli %add3A_162, %mul3A_163 : i32
        %add3A_165 = arith.addi %mul3A_16, %mul3A_164 : i32
        %dma_start3A_166 = tpu.memref_slice %arg4[%add3A_165] : memref<163840xi32, #tpu.memory_space<hbm>> -> memref<64xi32, #tpu.memory_space<hbm>>
        %dma_start3A_167 = tpu.memref_slice %arg4[%add3A_165] : memref<163840xi32, #tpu.memory_space<hbm>> -> memref<64xi32, #tpu.memory_space<hbm>>
        tpu.enqueue_dma source(%dma_start3A_167 : memref<64xi32, #tpu.memory_space<hbm>>) target(%arg12 : memref<64xi32, #tpu.memory_space<vmem>>) target_semaphore(%arg22 : memref<!tpu.dma_semaphore, #tpu.memory_space<semaphore_mem>>)
        %dma_start3A_168 = arith.constant 0 : i32
        %dma_start3A_169 = arith.constant 0 : i32
        %dma_start3A_170 = tpu.memref_slice %arg2[%dma_start3A_168, %dma_start3A_169] : memref<20000x128xf32, #tpu.memory_space<hbm>> -> memref<20000x128xf32, #tpu.memory_space<hbm>>
        tpu.enqueue_indirect_dma source(%dma_start3A_170 : memref<20000x128xf32, #tpu.memory_space<hbm>>) target(%arg16 : memref<64x128xf32, #tpu.memory_space<vmem>>) offsets(%arg11 : memref<64xi32, #tpu.memory_space<vmem>>) semaphore(%arg24 : memref<!tpu.dma_semaphore, #tpu.memory_space<semaphore_mem>>)
        %dma_start3A_171 = arith.constant 0 : i32
        %dma_start3A_172 = arith.constant 0 : i32
        %dma_start3A_173 = tpu.memref_slice %arg6[%dma_start3A_171, %dma_start3A_172] : memref<4096x128xf32, #tpu.memory_space<hbm>> -> memref<4096x128xf32, #tpu.memory_space<hbm>>
        tpu.enqueue_indirect_dma source(%dma_start3A_173 : memref<4096x128xf32, #tpu.memory_space<hbm>>) target(%arg17 : memref<64x128xf32, #tpu.memory_space<vmem>>) offsets(%arg13 : memref<64xi32, #tpu.memory_space<vmem>>) semaphore(%arg24 : memref<!tpu.dma_semaphore, #tpu.memory_space<semaphore_mem>>)
      } else {
      }
      %dma_wait3A_106 = arith.constant 0 : i32
      %dma_wait3A_107 = arith.constant 0 : i32
      %dma_wait3A_108 = tpu.memref_slice %arg2[%dma_wait3A_106, %dma_wait3A_107] : memref<20000x128xf32, #tpu.memory_space<hbm>> -> memref<20000x128xf32, #tpu.memory_space<hbm>>
      tpu.wait_indirect_dma semaphore(%arg23 : memref<!tpu.dma_semaphore, #tpu.memory_space<semaphore_mem>>) src(%dma_wait3A_108 : memref<20000x128xf32, #tpu.memory_space<hbm>>) dst(%arg14 : memref<64x128xf32, #tpu.memory_space<vmem>>)
      %dma_wait3A_109 = arith.constant 0 : i32
      %dma_wait3A_110 = arith.constant 0 : i32
      %dma_wait3A_111 = tpu.memref_slice %arg6[%dma_wait3A_109, %dma_wait3A_110] : memref<4096x128xf32, #tpu.memory_space<hbm>> -> memref<4096x128xf32, #tpu.memory_space<hbm>>
      tpu.wait_indirect_dma semaphore(%arg23 : memref<!tpu.dma_semaphore, #tpu.memory_space<semaphore_mem>>) src(%dma_wait3A_111 : memref<4096x128xf32, #tpu.memory_space<hbm>>) dst(%arg15 : memref<64x128xf32, #tpu.memory_space<vmem>>)
      %convert_element_type3A_112 = arith.extui %lt3A_93 : i1 to i32
      %cond3A_113 = arith.constant 0 : i32
      %cond3A_114 = arith.cmpi ne, %convert_element_type3A_112, %cond3A_113 : i32
      scf.if %cond3A_114 {
        %add3A_161 = arith.constant 2 : i32
        %add3A_162 = arith.addi %mul3A_95, %add3A_161 : i32
        %mul3A_163 = arith.constant 64 : i32
        %mul3A_164 = arith.muli %add3A_162, %mul3A_163 : i32
        %add3A_165 = arith.addi %mul3A_16, %mul3A_164 : i32
        %dma_start3A_166 = tpu.memref_slice %arg3[%add3A_165] : memref<163840xi32, #tpu.memory_space<hbm>> -> memref<64xi32, #tpu.memory_space<hbm>>
        %dma_start3A_167 = tpu.memref_slice %arg3[%add3A_165] : memref<163840xi32, #tpu.memory_space<hbm>> -> memref<64xi32, #tpu.memory_space<hbm>>
        tpu.enqueue_dma source(%dma_start3A_167 : memref<64xi32, #tpu.memory_space<hbm>>) target(%arg8 : memref<64xi32, #tpu.memory_space<vmem>>) target_semaphore(%arg19 : memref<!tpu.dma_semaphore, #tpu.memory_space<semaphore_mem>>)
        %dma_start3A_168 = tpu.memref_slice %arg5[%add3A_165] : memref<163840xi32, #tpu.memory_space<hbm>> -> memref<64xi32, #tpu.memory_space<hbm>>
        %dma_start3A_169 = tpu.memref_slice %arg5[%add3A_165] : memref<163840xi32, #tpu.memory_space<hbm>> -> memref<64xi32, #tpu.memory_space<hbm>>
        tpu.enqueue_dma source(%dma_start3A_169 : memref<64xi32, #tpu.memory_space<hbm>>) target(%arg10 : memref<64xi32, #tpu.memory_space<vmem>>) target_semaphore(%arg19 : memref<!tpu.dma_semaphore, #tpu.memory_space<semaphore_mem>>)
      } else {
      }
      %scan3A_115 = arith.constant 0 : i32
      %scan3A_116 = arith.constant 64 : i32
      %scan3A_117 = arith.addi %scan3A_115, %scan3A_116 : i32
      %scan3A_118 = arith.constant 1 : i32
      scf.for %scan3A_161 = %scan3A_115 to %scan3A_117 step %scan3A_118  : i32 {
        %mul3A_162 = arith.constant 1 : i32
        %mul3A_163 = arith.muli %scan3A_161, %mul3A_162 : i32
        %add3A_164 = arith.constant 0 : i32
        %add3A_165 = arith.addi %add3A_164, %mul3A_163 : i32
        %get3A = arith.index_cast %add3A_165 : i32 to index
        %get3A_166 = arith.constant 0 : index
        %get3A_167 = tpu.vector_load %arg14[%get3A, %get3A_166] {strides = array<i32>} : memref<64x128xf32, #tpu.memory_space<vmem>>, vector<1x16xf32>,
        %get3A_168 = vector.shape_cast %get3A_167 : vector<1x16xf32> to vector<16xf32>
        %get3A_169 = arith.index_cast %add3A_165 : i32 to index
        %get3A_170 = arith.constant 0 : index
        %get3A_171 = tpu.vector_load %arg15[%get3A_169, %get3A_170] {strides = array<i32>} : memref<64x128xf32, #tpu.memory_space<vmem>>, vector<1x16xf32>,
        %get3A_172 = vector.shape_cast %get3A_171 : vector<1x16xf32> to vector<16xf32>
        %mul3A_173 = arith.mulf %get3A_168, %get3A_172 : vector<16xf32>
        %swap3A = arith.index_cast %add3A_165 : i32 to index
        %swap3A_174 = arith.constant 0 : index
        %swap3A_175 = tpu.vector_load %arg14[%swap3A, %swap3A_174] {strides = array<i32>} : memref<64x128xf32, #tpu.memory_space<vmem>>, vector<1x16xf32>,
        %swap3A_176 = vector.shape_cast %swap3A_175 : vector<1x16xf32> to vector<16xf32>
        %swap3A_177 = vector.shape_cast %mul3A_173 : vector<16xf32> to vector<1x16xf32>
        tpu.vector_store %arg14[%swap3A, %swap3A_174], %swap3A_177 {strides = array<i32>} : memref<64x128xf32, #tpu.memory_space<vmem>>, vector<1x16xf32>,
        %get3A_178 = arith.index_cast %add3A_165 : i32 to index
        %get3A_179 = arith.constant 16 : index
        %get3A_180 = tpu.vector_load %arg14[%get3A_178, %get3A_179] {strides = array<i32>} : memref<64x128xf32, #tpu.memory_space<vmem>>, vector<1x16xf32>,
        %get3A_181 = vector.shape_cast %get3A_180 : vector<1x16xf32> to vector<16xf32>
        %get3A_182 = arith.index_cast %add3A_165 : i32 to index
        %get3A_183 = arith.constant 16 : index
        %get3A_184 = tpu.vector_load %arg15[%get3A_182, %get3A_183] {strides = array<i32>} : memref<64x128xf32, #tpu.memory_space<vmem>>, vector<1x16xf32>,
        %get3A_185 = vector.shape_cast %get3A_184 : vector<1x16xf32> to vector<16xf32>
        %mul3A_186 = arith.mulf %get3A_181, %get3A_185 : vector<16xf32>
        %swap3A_187 = arith.index_cast %add3A_165 : i32 to index
        %swap3A_188 = arith.constant 16 : index
        %swap3A_189 = tpu.vector_load %arg14[%swap3A_187, %swap3A_188] {strides = array<i32>} : memref<64x128xf32, #tpu.memory_space<vmem>>, vector<1x16xf32>,
        %swap3A_190 = vector.shape_cast %swap3A_189 : vector<1x16xf32> to vector<16xf32>
        %swap3A_191 = vector.shape_cast %mul3A_186 : vector<16xf32> to vector<1x16xf32>
        tpu.vector_store %arg14[%swap3A_187, %swap3A_188], %swap3A_191 {strides = array<i32>} : memref<64x128xf32, #tpu.memory_space<vmem>>, vector<1x16xf32>,
        %get3A_192 = arith.index_cast %add3A_165 : i32 to index
        %get3A_193 = arith.constant 32 : index
        %get3A_194 = tpu.vector_load %arg14[%get3A_192, %get3A_193] {strides = array<i32>} : memref<64x128xf32, #tpu.memory_space<vmem>>, vector<1x16xf32>,
        %get3A_195 = vector.shape_cast %get3A_194 : vector<1x16xf32> to vector<16xf32>
        %get3A_196 = arith.index_cast %add3A_165 : i32 to index
        %get3A_197 = arith.constant 32 : index
        %get3A_198 = tpu.vector_load %arg15[%get3A_196, %get3A_197] {strides = array<i32>} : memref<64x128xf32, #tpu.memory_space<vmem>>, vector<1x16xf32>,
        %get3A_199 = vector.shape_cast %get3A_198 : vector<1x16xf32> to vector<16xf32>
        %mul3A_200 = arith.mulf %get3A_195, %get3A_199 : vector<16xf32>
        %swap3A_201 = arith.index_cast %add3A_165 : i32 to index
        %swap3A_202 = arith.constant 32 : index
        %swap3A_203 = tpu.vector_load %arg14[%swap3A_201, %swap3A_202] {strides = array<i32>} : memref<64x128xf32, #tpu.memory_space<vmem>>, vector<1x16xf32>,
        %swap3A_204 = vector.shape_cast %swap3A_203 : vector<1x16xf32> to vector<16xf32>
        %swap3A_205 = vector.shape_cast %mul3A_200 : vector<16xf32> to vector<1x16xf32>
        tpu.vector_store %arg14[%swap3A_201, %swap3A_202], %swap3A_205 {strides = array<i32>} : memref<64x128xf32, #tpu.memory_space<vmem>>, vector<1x16xf32>,
        %get3A_206 = arith.index_cast %add3A_165 : i32 to index
        %get3A_207 = arith.constant 48 : index
        %get3A_208 = tpu.vector_load %arg14[%get3A_206, %get3A_207] {strides = array<i32>} : memref<64x128xf32, #tpu.memory_space<vmem>>, vector<1x16xf32>,
        %get3A_209 = vector.shape_cast %get3A_208 : vector<1x16xf32> to vector<16xf32>
        %get3A_210 = arith.index_cast %add3A_165 : i32 to index
        %get3A_211 = arith.constant 48 : index
        %get3A_212 = tpu.vector_load %arg15[%get3A_210, %get3A_211] {strides = array<i32>} : memref<64x128xf32, #tpu.memory_space<vmem>>, vector<1x16xf32>,
        %get3A_213 = vector.shape_cast %get3A_212 : vector<1x16xf32> to vector<16xf32>
        %mul3A_214 = arith.mulf %get3A_209, %get3A_213 : vector<16xf32>
        %swap3A_215 = arith.index_cast %add3A_165 : i32 to index
        %swap3A_216 = arith.constant 48 : index
        %swap3A_217 = tpu.vector_load %arg14[%swap3A_215, %swap3A_216] {strides = array<i32>} : memref<64x128xf32, #tpu.memory_space<vmem>>, vector<1x16xf32>,
        %swap3A_218 = vector.shape_cast %swap3A_217 : vector<1x16xf32> to vector<16xf32>
        %swap3A_219 = vector.shape_cast %mul3A_214 : vector<16xf32> to vector<1x16xf32>
        tpu.vector_store %arg14[%swap3A_215, %swap3A_216], %swap3A_219 {strides = array<i32>} : memref<64x128xf32, #tpu.memory_space<vmem>>, vector<1x16xf32>,
        %get3A_220 = arith.index_cast %add3A_165 : i32 to index
        %get3A_221 = arith.constant 64 : index
        %get3A_222 = tpu.vector_load %arg14[%get3A_220, %get3A_221] {strides = array<i32>} : memref<64x128xf32, #tpu.memory_space<vmem>>, vector<1x16xf32>,
        %get3A_223 = vector.shape_cast %get3A_222 : vector<1x16xf32> to vector<16xf32>
        %get3A_224 = arith.index_cast %add3A_165 : i32 to index
        %get3A_225 = arith.constant 64 : index
        %get3A_226 = tpu.vector_load %arg15[%get3A_224, %get3A_225] {strides = array<i32>} : memref<64x128xf32, #tpu.memory_space<vmem>>, vector<1x16xf32>,
        %get3A_227 = vector.shape_cast %get3A_226 : vector<1x16xf32> to vector<16xf32>
        %mul3A_228 = arith.mulf %get3A_223, %get3A_227 : vector<16xf32>
        %swap3A_229 = arith.index_cast %add3A_165 : i32 to index
        %swap3A_230 = arith.constant 64 : index
        %swap3A_231 = tpu.vector_load %arg14[%swap3A_229, %swap3A_230] {strides = array<i32>} : memref<64x128xf32, #tpu.memory_space<vmem>>, vector<1x16xf32>,
        %swap3A_232 = vector.shape_cast %swap3A_231 : vector<1x16xf32> to vector<16xf32>
        %swap3A_233 = vector.shape_cast %mul3A_228 : vector<16xf32> to vector<1x16xf32>
        tpu.vector_store %arg14[%swap3A_229, %swap3A_230], %swap3A_233 {strides = array<i32>} : memref<64x128xf32, #tpu.memory_space<vmem>>, vector<1x16xf32>,
        %get3A_234 = arith.index_cast %add3A_165 : i32 to index
        %get3A_235 = arith.constant 80 : index
        %get3A_236 = tpu.vector_load %arg14[%get3A_234, %get3A_235] {strides = array<i32>} : memref<64x128xf32, #tpu.memory_space<vmem>>, vector<1x16xf32>,
        %get3A_237 = vector.shape_cast %get3A_236 : vector<1x16xf32> to vector<16xf32>
        %get3A_238 = arith.index_cast %add3A_165 : i32 to index
        %get3A_239 = arith.constant 80 : index
        %get3A_240 = tpu.vector_load %arg15[%get3A_238, %get3A_239] {strides = array<i32>} : memref<64x128xf32, #tpu.memory_space<vmem>>, vector<1x16xf32>,
        %get3A_241 = vector.shape_cast %get3A_240 : vector<1x16xf32> to vector<16xf32>
        %mul3A_242 = arith.mulf %get3A_237, %get3A_241 : vector<16xf32>
        %swap3A_243 = arith.index_cast %add3A_165 : i32 to index
        %swap3A_244 = arith.constant 80 : index
        %swap3A_245 = tpu.vector_load %arg14[%swap3A_243, %swap3A_244] {strides = array<i32>} : memref<64x128xf32, #tpu.memory_space<vmem>>, vector<1x16xf32>,
        %swap3A_246 = vector.shape_cast %swap3A_245 : vector<1x16xf32> to vector<16xf32>
        %swap3A_247 = vector.shape_cast %mul3A_242 : vector<16xf32> to vector<1x16xf32>
        tpu.vector_store %arg14[%swap3A_243, %swap3A_244], %swap3A_247 {strides = array<i32>} : memref<64x128xf32, #tpu.memory_space<vmem>>, vector<1x16xf32>,
        %get3A_248 = arith.index_cast %add3A_165 : i32 to index
        %get3A_249 = arith.constant 96 : index
        %get3A_250 = tpu.vector_load %arg14[%get3A_248, %get3A_249] {strides = array<i32>} : memref<64x128xf32, #tpu.memory_space<vmem>>, vector<1x16xf32>,
        %get3A_251 = vector.shape_cast %get3A_250 : vector<1x16xf32> to vector<16xf32>
        %get3A_252 = arith.index_cast %add3A_165 : i32 to index
        %get3A_253 = arith.constant 96 : index
        %get3A_254 = tpu.vector_load %arg15[%get3A_252, %get3A_253] {strides = array<i32>} : memref<64x128xf32, #tpu.memory_space<vmem>>, vector<1x16xf32>,
        %get3A_255 = vector.shape_cast %get3A_254 : vector<1x16xf32> to vector<16xf32>
        %mul3A_256 = arith.mulf %get3A_251, %get3A_255 : vector<16xf32>
        %swap3A_257 = arith.index_cast %add3A_165 : i32 to index
        %swap3A_258 = arith.constant 96 : index
        %swap3A_259 = tpu.vector_load %arg14[%swap3A_257, %swap3A_258] {strides = array<i32>} : memref<64x128xf32, #tpu.memory_space<vmem>>, vector<1x16xf32>,
        %swap3A_260 = vector.shape_cast %swap3A_259 : vector<1x16xf32> to vector<16xf32>
        %swap3A_261 = vector.shape_cast %mul3A_256 : vector<16xf32> to vector<1x16xf32>
        tpu.vector_store %arg14[%swap3A_257, %swap3A_258], %swap3A_261 {strides = array<i32>} : memref<64x128xf32, #tpu.memory_space<vmem>>, vector<1x16xf32>,
        %get3A_262 = arith.index_cast %add3A_165 : i32 to index
        %get3A_263 = arith.constant 112 : index
        %get3A_264 = tpu.vector_load %arg14[%get3A_262, %get3A_263] {strides = array<i32>} : memref<64x128xf32, #tpu.memory_space<vmem>>, vector<1x16xf32>,
        %get3A_265 = vector.shape_cast %get3A_264 : vector<1x16xf32> to vector<16xf32>
        %get3A_266 = arith.index_cast %add3A_165 : i32 to index
        %get3A_267 = arith.constant 112 : index
        %get3A_268 = tpu.vector_load %arg15[%get3A_266, %get3A_267] {strides = array<i32>} : memref<64x128xf32, #tpu.memory_space<vmem>>, vector<1x16xf32>,
        %get3A_269 = vector.shape_cast %get3A_268 : vector<1x16xf32> to vector<16xf32>
        %mul3A_270 = arith.mulf %get3A_265, %get3A_269 : vector<16xf32>
        %swap3A_271 = arith.index_cast %add3A_165 : i32 to index
        %swap3A_272 = arith.constant 112 : index
        %swap3A_273 = tpu.vector_load %arg14[%swap3A_271, %swap3A_272] {strides = array<i32>} : memref<64x128xf32, #tpu.memory_space<vmem>>, vector<1x16xf32>,
        %swap3A_274 = vector.shape_cast %swap3A_273 : vector<1x16xf32> to vector<16xf32>
        %swap3A_275 = vector.shape_cast %mul3A_270 : vector<16xf32> to vector<1x16xf32>
        tpu.vector_store %arg14[%swap3A_271, %swap3A_272], %swap3A_275 {strides = array<i32>} : memref<64x128xf32, #tpu.memory_space<vmem>>, vector<1x16xf32>,
      }
      %scan3A_119 = arith.constant 64 : i32
      %dma_wait3A_120 = arith.constant 0 : i32
      %dma_wait3A_121 = tpu.memref_slice %arg4[%dma_wait3A_120] : memref<163840xi32, #tpu.memory_space<hbm>> -> memref<64xi32, #tpu.memory_space<hbm>>
      %dma_wait3A_122 = arith.constant 0 : i32
      %dma_wait3A_123 = tpu.memref_slice %arg4[%dma_wait3A_122] : memref<163840xi32, #tpu.memory_space<hbm>> -> memref<64xi32, #tpu.memory_space<hbm>>
      tpu.wait_dma2 semaphore(%arg21 : memref<!tpu.dma_semaphore, #tpu.memory_space<semaphore_mem>>) src(%dma_wait3A_123 : memref<64xi32, #tpu.memory_space<hbm>>) dst(%arg9 : memref<64xi32, #tpu.memory_space<vmem>>)
      %dma_start3A_124 = arith.constant 0 : i32
      %dma_start3A_125 = arith.constant 0 : i32
      %dma_start3A_126 = tpu.memref_slice %arg18[%dma_start3A_124, %dma_start3A_125] : memref<10400x128xf32, #tpu.memory_space<vmem_shared>> -> memref<10400x128xf32, #tpu.memory_space<vmem_shared>>
      tpu.enqueue_indirect_dma source(%arg14 : memref<64x128xf32, #tpu.memory_space<vmem>>) target(%dma_start3A_126 : memref<10400x128xf32, #tpu.memory_space<vmem_shared>>) offsets(%arg9 : memref<64xi32, #tpu.memory_space<vmem>>) semaphore(%arg25 : memref<!tpu.dma_semaphore, #tpu.memory_space<semaphore_mem>>) {add = true}
      %mul3A_127 = arith.constant 2 : i32
      %mul3A_128 = arith.muli %mul3A_127, %add3A_92 : i32
      %add3A_129 = arith.constant 1 : i32
      %add3A_130 = arith.addi %mul3A_128, %add3A_129 : i32
      %convert_element_type3A_131 = arith.extui %lt3A_93 : i1 to i32
      %cond3A_132 = arith.constant 0 : i32
      %cond3A_133 = arith.cmpi ne, %convert_element_type3A_131, %cond3A_132 : i32
      scf.if %cond3A_133 {
        %dma_wait3A_161 = arith.constant 0 : i32
        %dma_wait3A_162 = tpu.memref_slice %arg3[%dma_wait3A_161] : memref<163840xi32, #tpu.memory_space<hbm>> -> memref<64xi32, #tpu.memory_space<hbm>>
        %dma_wait3A_163 = arith.constant 0 : i32
        %dma_wait3A_164 = tpu.memref_slice %arg3[%dma_wait3A_163] : memref<163840xi32, #tpu.memory_space<hbm>> -> memref<64xi32, #tpu.memory_space<hbm>>
        tpu.wait_dma2 semaphore(%arg19 : memref<!tpu.dma_semaphore, #tpu.memory_space<semaphore_mem>>) src(%dma_wait3A_164 : memref<64xi32, #tpu.memory_space<hbm>>) dst(%arg8 : memref<64xi32, #tpu.memory_space<vmem>>)
        %dma_wait3A_165 = arith.constant 0 : i32
        %dma_wait3A_166 = tpu.memref_slice %arg5[%dma_wait3A_165] : memref<163840xi32, #tpu.memory_space<hbm>> -> memref<64xi32, #tpu.memory_space<hbm>>
        %dma_wait3A_167 = arith.constant 0 : i32
        %dma_wait3A_168 = tpu.memref_slice %arg5[%dma_wait3A_167] : memref<163840xi32, #tpu.memory_space<hbm>> -> memref<64xi32, #tpu.memory_space<hbm>>
        tpu.wait_dma2 semaphore(%arg19 : memref<!tpu.dma_semaphore, #tpu.memory_space<semaphore_mem>>) src(%dma_wait3A_168 : memref<64xi32, #tpu.memory_space<hbm>>) dst(%arg10 : memref<64xi32, #tpu.memory_space<vmem>>)
        %scan3A_169 = arith.constant 0 : i32
        %scan3A_170 = arith.constant 4 : i32
        %scan3A_171 = arith.addi %scan3A_169, %scan3A_170 : i32
        %scan3A_172 = arith.constant 1 : i32
        scf.for %scan3A_174 = %scan3A_169 to %scan3A_171 step %scan3A_172  : i32 {
          %mul3A_175 = arith.constant 1 : i32
          %mul3A_176 = arith.muli %scan3A_174, %mul3A_175 : i32
          %add3A_177 = arith.constant 0 : i32
          %add3A_178 = arith.addi %add3A_177, %mul3A_176 : i32
          %mul3A_179 = arith.constant 16 : i32
          %mul3A_180 = arith.muli %add3A_178, %mul3A_179 : i32
          %get3A = arith.index_cast %mul3A_180 : i32 to index
          %get3A_181 = tpu.vector_load %arg8[%get3A] {strides = array<i32>} : memref<64xi32, #tpu.memory_space<vmem>>, vector<16xi32>,
          %get3A_182 = vector.shape_cast %get3A_181 : vector<16xi32> to vector<16xi32>
          %add3A_183 = vector.broadcast %mul3A_18 : i32 to vector<16xi32>
          %add3A_184 = arith.addi %get3A_182, %add3A_183 : vector<16xi32>
          %swap3A = arith.index_cast %mul3A_180 : i32 to index
          %swap3A_185 = tpu.vector_load %arg8[%swap3A] {strides = array<i32>} : memref<64xi32, #tpu.memory_space<vmem>>, vector<16xi32>,
          %swap3A_186 = vector.shape_cast %swap3A_185 : vector<16xi32> to vector<16xi32>
          %swap3A_187 = vector.shape_cast %add3A_184 : vector<16xi32> to vector<16xi32>
          tpu.vector_store %arg8[%swap3A], %swap3A_187 {strides = array<i32>} : memref<64xi32, #tpu.memory_space<vmem>>, vector<16xi32>,
          %get3A_188 = arith.index_cast %mul3A_180 : i32 to index
          %get3A_189 = tpu.vector_load %arg10[%get3A_188] {strides = array<i32>} : memref<64xi32, #tpu.memory_space<vmem>>, vector<16xi32>,
          %get3A_190 = vector.shape_cast %get3A_189 : vector<16xi32> to vector<16xi32>
          %add3A_191 = vector.broadcast %mul3A_23 : i32 to vector<16xi32>
          %add3A_192 = arith.addi %get3A_190, %add3A_191 : vector<16xi32>
          %swap3A_193 = arith.index_cast %mul3A_180 : i32 to index
          %swap3A_194 = tpu.vector_load %arg10[%swap3A_193] {strides = array<i32>} : memref<64xi32, #tpu.memory_space<vmem>>, vector<16xi32>,
          %swap3A_195 = vector.shape_cast %swap3A_194 : vector<16xi32> to vector<16xi32>
          %swap3A_196 = vector.shape_cast %add3A_192 : vector<16xi32> to vector<16xi32>
          tpu.vector_store %arg10[%swap3A_193], %swap3A_196 {strides = array<i32>} : memref<64xi32, #tpu.memory_space<vmem>>, vector<16xi32>,
        }
        %scan3A_173 = arith.constant 4 : i32
      } else {
      }
      %convert_element_type3A_134 = arith.extui %scan3A_57 : i1 to i32
      %cond3A_135 = arith.constant 0 : i32
      %cond3A_136 = arith.cmpi ne, %convert_element_type3A_134, %cond3A_135 : i32
      scf.if %cond3A_136 {
        %dma_wait3A_161 = arith.constant 0 : i32
        %dma_wait3A_162 = arith.constant 0 : i32
        %dma_wait3A_163 = tpu.memref_slice %arg18[%dma_wait3A_161, %dma_wait3A_162] : memref<10400x128xf32, #tpu.memory_space<vmem_shared>> -> memref<10400x128xf32, #tpu.memory_space<vmem_shared>>
        tpu.wait_indirect_dma semaphore(%arg25 : memref<!tpu.dma_semaphore, #tpu.memory_space<semaphore_mem>>) src(%arg14 : memref<64x128xf32, #tpu.memory_space<vmem>>) dst(%dma_wait3A_163 : memref<10400x128xf32, #tpu.memory_space<vmem_shared>>)
      } else {
      }
      %convert_element_type3A_137 = arith.extui %lt3A_93 : i1 to i32
      %cond3A_138 = arith.constant 0 : i32
      %cond3A_139 = arith.cmpi ne, %convert_element_type3A_137, %cond3A_138 : i32
      scf.if %cond3A_139 {
        %add3A_161 = arith.constant 1 : i32
        %add3A_162 = arith.addi %add3A_130, %add3A_161 : i32
        %mul3A_163 = arith.constant 64 : i32
        %mul3A_164 = arith.muli %add3A_162, %mul3A_163 : i32
        %add3A_165 = arith.addi %mul3A_16, %mul3A_164 : i32
        %dma_start3A_166 = tpu.memref_slice %arg4[%add3A_165] : memref<163840xi32, #tpu.memory_space<hbm>> -> memref<64xi32, #tpu.memory_space<hbm>>
        %dma_start3A_167 = tpu.memref_slice %arg4[%add3A_165] : memref<163840xi32, #tpu.memory_space<hbm>> -> memref<64xi32, #tpu.memory_space<hbm>>
        tpu.enqueue_dma source(%dma_start3A_167 : memref<64xi32, #tpu.memory_space<hbm>>) target(%arg9 : memref<64xi32, #tpu.memory_space<vmem>>) target_semaphore(%arg21 : memref<!tpu.dma_semaphore, #tpu.memory_space<semaphore_mem>>)
        %dma_start3A_168 = arith.constant 0 : i32
        %dma_start3A_169 = arith.constant 0 : i32
        %dma_start3A_170 = tpu.memref_slice %arg2[%dma_start3A_168, %dma_start3A_169] : memref<20000x128xf32, #tpu.memory_space<hbm>> -> memref<20000x128xf32, #tpu.memory_space<hbm>>
        tpu.enqueue_indirect_dma source(%dma_start3A_170 : memref<20000x128xf32, #tpu.memory_space<hbm>>) target(%arg14 : memref<64x128xf32, #tpu.memory_space<vmem>>) offsets(%arg8 : memref<64xi32, #tpu.memory_space<vmem>>) semaphore(%arg23 : memref<!tpu.dma_semaphore, #tpu.memory_space<semaphore_mem>>)
        %dma_start3A_171 = arith.constant 0 : i32
        %dma_start3A_172 = arith.constant 0 : i32
        %dma_start3A_173 = tpu.memref_slice %arg6[%dma_start3A_171, %dma_start3A_172] : memref<4096x128xf32, #tpu.memory_space<hbm>> -> memref<4096x128xf32, #tpu.memory_space<hbm>>
        tpu.enqueue_indirect_dma source(%dma_start3A_173 : memref<4096x128xf32, #tpu.memory_space<hbm>>) target(%arg15 : memref<64x128xf32, #tpu.memory_space<vmem>>) offsets(%arg10 : memref<64xi32, #tpu.memory_space<vmem>>) semaphore(%arg23 : memref<!tpu.dma_semaphore, #tpu.memory_space<semaphore_mem>>)
      } else {
      }
      %dma_wait3A_140 = arith.constant 0 : i32
      %dma_wait3A_141 = arith.constant 0 : i32
      %dma_wait3A_142 = tpu.memref_slice %arg2[%dma_wait3A_140, %dma_wait3A_141] : memref<20000x128xf32, #tpu.memory_space<hbm>> -> memref<20000x128xf32, #tpu.memory_space<hbm>>
      tpu.wait_indirect_dma semaphore(%arg24 : memref<!tpu.dma_semaphore, #tpu.memory_space<semaphore_mem>>) src(%dma_wait3A_142 : memref<20000x128xf32, #tpu.memory_space<hbm>>) dst(%arg16 : memref<64x128xf32, #tpu.memory_space<vmem>>)
      %dma_wait3A_143 = arith.constant 0 : i32
      %dma_wait3A_144 = arith.constant 0 : i32
      %dma_wait3A_145 = tpu.memref_slice %arg6[%dma_wait3A_143, %dma_wait3A_144] : memref<4096x128xf32, #tpu.memory_space<hbm>> -> memref<4096x128xf32, #tpu.memory_space<hbm>>
      tpu.wait_indirect_dma semaphore(%arg24 : memref<!tpu.dma_semaphore, #tpu.memory_space<semaphore_mem>>) src(%dma_wait3A_145 : memref<4096x128xf32, #tpu.memory_space<hbm>>) dst(%arg17 : memref<64x128xf32, #tpu.memory_space<vmem>>)
      %convert_element_type3A_146 = arith.extui %lt3A_93 : i1 to i32
      %cond3A_147 = arith.constant 0 : i32
      %cond3A_148 = arith.cmpi ne, %convert_element_type3A_146, %cond3A_147 : i32
      scf.if %cond3A_148 {
        %add3A_161 = arith.constant 2 : i32
        %add3A_162 = arith.addi %add3A_130, %add3A_161 : i32
        %mul3A_163 = arith.constant 64 : i32
        %mul3A_164 = arith.muli %add3A_162, %mul3A_163 : i32
        %add3A_165 = arith.addi %mul3A_16, %mul3A_164 : i32
        %dma_start3A_166 = tpu.memref_slice %arg3[%add3A_165] : memref<163840xi32, #tpu.memory_space<hbm>> -> memref<64xi32, #tpu.memory_space<hbm>>
        %dma_start3A_167 = tpu.memref_slice %arg3[%add3A_165] : memref<163840xi32, #tpu.memory_space<hbm>> -> memref<64xi32, #tpu.memory_space<hbm>>
        tpu.enqueue_dma source(%dma_start3A_167 : memref<64xi32, #tpu.memory_space<hbm>>) target(%arg11 : memref<64xi32, #tpu.memory_space<vmem>>) target_semaphore(%arg20 : memref<!tpu.dma_semaphore, #tpu.memory_space<semaphore_mem>>)
        %dma_start3A_168 = tpu.memref_slice %arg5[%add3A_165] : memref<163840xi32, #tpu.memory_space<hbm>> -> memref<64xi32, #tpu.memory_space<hbm>>
        %dma_start3A_169 = tpu.memref_slice %arg5[%add3A_165] : memref<163840xi32, #tpu.memory_space<hbm>> -> memref<64xi32, #tpu.memory_space<hbm>>
        tpu.enqueue_dma source(%dma_start3A_169 : memref<64xi32, #tpu.memory_space<hbm>>) target(%arg13 : memref<64xi32, #tpu.memory_space<vmem>>) target_semaphore(%arg20 : memref<!tpu.dma_semaphore, #tpu.memory_space<semaphore_mem>>)
      } else {
      }
      %scan3A_149 = arith.constant 0 : i32
      %scan3A_150 = arith.constant 64 : i32
      %scan3A_151 = arith.addi %scan3A_149, %scan3A_150 : i32
      %scan3A_152 = arith.constant 1 : i32
      scf.for %scan3A_161 = %scan3A_149 to %scan3A_151 step %scan3A_152  : i32 {
        %mul3A_162 = arith.constant 1 : i32
        %mul3A_163 = arith.muli %scan3A_161, %mul3A_162 : i32
        %add3A_164 = arith.constant 0 : i32
        %add3A_165 = arith.addi %add3A_164, %mul3A_163 : i32
        %get3A = arith.index_cast %add3A_165 : i32 to index
        %get3A_166 = arith.constant 0 : index
        %get3A_167 = tpu.vector_load %arg16[%get3A, %get3A_166] {strides = array<i32>} : memref<64x128xf32, #tpu.memory_space<vmem>>, vector<1x16xf32>,
        %get3A_168 = vector.shape_cast %get3A_167 : vector<1x16xf32> to vector<16xf32>
        %get3A_169 = arith.index_cast %add3A_165 : i32 to index
        %get3A_170 = arith.constant 0 : index
        %get3A_171 = tpu.vector_load %arg17[%get3A_169, %get3A_170] {strides = array<i32>} : memref<64x128xf32, #tpu.memory_space<vmem>>, vector<1x16xf32>,
        %get3A_172 = vector.shape_cast %get3A_171 : vector<1x16xf32> to vector<16xf32>
        %mul3A_173 = arith.mulf %get3A_168, %get3A_172 : vector<16xf32>
        %swap3A = arith.index_cast %add3A_165 : i32 to index
        %swap3A_174 = arith.constant 0 : index
        %swap3A_175 = tpu.vector_load %arg16[%swap3A, %swap3A_174] {strides = array<i32>} : memref<64x128xf32, #tpu.memory_space<vmem>>, vector<1x16xf32>,
        %swap3A_176 = vector.shape_cast %swap3A_175 : vector<1x16xf32> to vector<16xf32>
        %swap3A_177 = vector.shape_cast %mul3A_173 : vector<16xf32> to vector<1x16xf32>
        tpu.vector_store %arg16[%swap3A, %swap3A_174], %swap3A_177 {strides = array<i32>} : memref<64x128xf32, #tpu.memory_space<vmem>>, vector<1x16xf32>,
        %get3A_178 = arith.index_cast %add3A_165 : i32 to index
        %get3A_179 = arith.constant 16 : index
        %get3A_180 = tpu.vector_load %arg16[%get3A_178, %get3A_179] {strides = array<i32>} : memref<64x128xf32, #tpu.memory_space<vmem>>, vector<1x16xf32>,
        %get3A_181 = vector.shape_cast %get3A_180 : vector<1x16xf32> to vector<16xf32>
        %get3A_182 = arith.index_cast %add3A_165 : i32 to index
        %get3A_183 = arith.constant 16 : index
        %get3A_184 = tpu.vector_load %arg17[%get3A_182, %get3A_183] {strides = array<i32>} : memref<64x128xf32, #tpu.memory_space<vmem>>, vector<1x16xf32>,
        %get3A_185 = vector.shape_cast %get3A_184 : vector<1x16xf32> to vector<16xf32>
        %mul3A_186 = arith.mulf %get3A_181, %get3A_185 : vector<16xf32>
        %swap3A_187 = arith.index_cast %add3A_165 : i32 to index
        %swap3A_188 = arith.constant 16 : index
        %swap3A_189 = tpu.vector_load %arg16[%swap3A_187, %swap3A_188] {strides = array<i32>} : memref<64x128xf32, #tpu.memory_space<vmem>>, vector<1x16xf32>,
        %swap3A_190 = vector.shape_cast %swap3A_189 : vector<1x16xf32> to vector<16xf32>
        %swap3A_191 = vector.shape_cast %mul3A_186 : vector<16xf32> to vector<1x16xf32>
        tpu.vector_store %arg16[%swap3A_187, %swap3A_188], %swap3A_191 {strides = array<i32>} : memref<64x128xf32, #tpu.memory_space<vmem>>, vector<1x16xf32>,
        %get3A_192 = arith.index_cast %add3A_165 : i32 to index
        %get3A_193 = arith.constant 32 : index
        %get3A_194 = tpu.vector_load %arg16[%get3A_192, %get3A_193] {strides = array<i32>} : memref<64x128xf32, #tpu.memory_space<vmem>>, vector<1x16xf32>,
        %get3A_195 = vector.shape_cast %get3A_194 : vector<1x16xf32> to vector<16xf32>
        %get3A_196 = arith.index_cast %add3A_165 : i32 to index
        %get3A_197 = arith.constant 32 : index
        %get3A_198 = tpu.vector_load %arg17[%get3A_196, %get3A_197] {strides = array<i32>} : memref<64x128xf32, #tpu.memory_space<vmem>>, vector<1x16xf32>,
        %get3A_199 = vector.shape_cast %get3A_198 : vector<1x16xf32> to vector<16xf32>
        %mul3A_200 = arith.mulf %get3A_195, %get3A_199 : vector<16xf32>
        %swap3A_201 = arith.index_cast %add3A_165 : i32 to index
        %swap3A_202 = arith.constant 32 : index
        %swap3A_203 = tpu.vector_load %arg16[%swap3A_201, %swap3A_202] {strides = array<i32>} : memref<64x128xf32, #tpu.memory_space<vmem>>, vector<1x16xf32>,
        %swap3A_204 = vector.shape_cast %swap3A_203 : vector<1x16xf32> to vector<16xf32>
        %swap3A_205 = vector.shape_cast %mul3A_200 : vector<16xf32> to vector<1x16xf32>
        tpu.vector_store %arg16[%swap3A_201, %swap3A_202], %swap3A_205 {strides = array<i32>} : memref<64x128xf32, #tpu.memory_space<vmem>>, vector<1x16xf32>,
        %get3A_206 = arith.index_cast %add3A_165 : i32 to index
        %get3A_207 = arith.constant 48 : index
        %get3A_208 = tpu.vector_load %arg16[%get3A_206, %get3A_207] {strides = array<i32>} : memref<64x128xf32, #tpu.memory_space<vmem>>, vector<1x16xf32>,
        %get3A_209 = vector.shape_cast %get3A_208 : vector<1x16xf32> to vector<16xf32>
        %get3A_210 = arith.index_cast %add3A_165 : i32 to index
        %get3A_211 = arith.constant 48 : index
        %get3A_212 = tpu.vector_load %arg17[%get3A_210, %get3A_211] {strides = array<i32>} : memref<64x128xf32, #tpu.memory_space<vmem>>, vector<1x16xf32>,
        %get3A_213 = vector.shape_cast %get3A_212 : vector<1x16xf32> to vector<16xf32>
        %mul3A_214 = arith.mulf %get3A_209, %get3A_213 : vector<16xf32>
        %swap3A_215 = arith.index_cast %add3A_165 : i32 to index
        %swap3A_216 = arith.constant 48 : index
        %swap3A_217 = tpu.vector_load %arg16[%swap3A_215, %swap3A_216] {strides = array<i32>} : memref<64x128xf32, #tpu.memory_space<vmem>>, vector<1x16xf32>,
        %swap3A_218 = vector.shape_cast %swap3A_217 : vector<1x16xf32> to vector<16xf32>
        %swap3A_219 = vector.shape_cast %mul3A_214 : vector<16xf32> to vector<1x16xf32>
        tpu.vector_store %arg16[%swap3A_215, %swap3A_216], %swap3A_219 {strides = array<i32>} : memref<64x128xf32, #tpu.memory_space<vmem>>, vector<1x16xf32>,
        %get3A_220 = arith.index_cast %add3A_165 : i32 to index
        %get3A_221 = arith.constant 64 : index
        %get3A_222 = tpu.vector_load %arg16[%get3A_220, %get3A_221] {strides = array<i32>} : memref<64x128xf32, #tpu.memory_space<vmem>>, vector<1x16xf32>,
        %get3A_223 = vector.shape_cast %get3A_222 : vector<1x16xf32> to vector<16xf32>
        %get3A_224 = arith.index_cast %add3A_165 : i32 to index
        %get3A_225 = arith.constant 64 : index
        %get3A_226 = tpu.vector_load %arg17[%get3A_224, %get3A_225] {strides = array<i32>} : memref<64x128xf32, #tpu.memory_space<vmem>>, vector<1x16xf32>,
        %get3A_227 = vector.shape_cast %get3A_226 : vector<1x16xf32> to vector<16xf32>
        %mul3A_228 = arith.mulf %get3A_223, %get3A_227 : vector<16xf32>
        %swap3A_229 = arith.index_cast %add3A_165 : i32 to index
        %swap3A_230 = arith.constant 64 : index
        %swap3A_231 = tpu.vector_load %arg16[%swap3A_229, %swap3A_230] {strides = array<i32>} : memref<64x128xf32, #tpu.memory_space<vmem>>, vector<1x16xf32>,
        %swap3A_232 = vector.shape_cast %swap3A_231 : vector<1x16xf32> to vector<16xf32>
        %swap3A_233 = vector.shape_cast %mul3A_228 : vector<16xf32> to vector<1x16xf32>
        tpu.vector_store %arg16[%swap3A_229, %swap3A_230], %swap3A_233 {strides = array<i32>} : memref<64x128xf32, #tpu.memory_space<vmem>>, vector<1x16xf32>,
        %get3A_234 = arith.index_cast %add3A_165 : i32 to index
        %get3A_235 = arith.constant 80 : index
        %get3A_236 = tpu.vector_load %arg16[%get3A_234, %get3A_235] {strides = array<i32>} : memref<64x128xf32, #tpu.memory_space<vmem>>, vector<1x16xf32>,
        %get3A_237 = vector.shape_cast %get3A_236 : vector<1x16xf32> to vector<16xf32>
        %get3A_238 = arith.index_cast %add3A_165 : i32 to index
        %get3A_239 = arith.constant 80 : index
        %get3A_240 = tpu.vector_load %arg17[%get3A_238, %get3A_239] {strides = array<i32>} : memref<64x128xf32, #tpu.memory_space<vmem>>, vector<1x16xf32>,
        %get3A_241 = vector.shape_cast %get3A_240 : vector<1x16xf32> to vector<16xf32>
        %mul3A_242 = arith.mulf %get3A_237, %get3A_241 : vector<16xf32>
        %swap3A_243 = arith.index_cast %add3A_165 : i32 to index
        %swap3A_244 = arith.constant 80 : index
        %swap3A_245 = tpu.vector_load %arg16[%swap3A_243, %swap3A_244] {strides = array<i32>} : memref<64x128xf32, #tpu.memory_space<vmem>>, vector<1x16xf32>,
        %swap3A_246 = vector.shape_cast %swap3A_245 : vector<1x16xf32> to vector<16xf32>
        %swap3A_247 = vector.shape_cast %mul3A_242 : vector<16xf32> to vector<1x16xf32>
        tpu.vector_store %arg16[%swap3A_243, %swap3A_244], %swap3A_247 {strides = array<i32>} : memref<64x128xf32, #tpu.memory_space<vmem>>, vector<1x16xf32>,
        %get3A_248 = arith.index_cast %add3A_165 : i32 to index
        %get3A_249 = arith.constant 96 : index
        %get3A_250 = tpu.vector_load %arg16[%get3A_248, %get3A_249] {strides = array<i32>} : memref<64x128xf32, #tpu.memory_space<vmem>>, vector<1x16xf32>,
        %get3A_251 = vector.shape_cast %get3A_250 : vector<1x16xf32> to vector<16xf32>
        %get3A_252 = arith.index_cast %add3A_165 : i32 to index
        %get3A_253 = arith.constant 96 : index
        %get3A_254 = tpu.vector_load %arg17[%get3A_252, %get3A_253] {strides = array<i32>} : memref<64x128xf32, #tpu.memory_space<vmem>>, vector<1x16xf32>,
        %get3A_255 = vector.shape_cast %get3A_254 : vector<1x16xf32> to vector<16xf32>
        %mul3A_256 = arith.mulf %get3A_251, %get3A_255 : vector<16xf32>
        %swap3A_257 = arith.index_cast %add3A_165 : i32 to index
        %swap3A_258 = arith.constant 96 : index
        %swap3A_259 = tpu.vector_load %arg16[%swap3A_257, %swap3A_258] {strides = array<i32>} : memref<64x128xf32, #tpu.memory_space<vmem>>, vector<1x16xf32>,
        %swap3A_260 = vector.shape_cast %swap3A_259 : vector<1x16xf32> to vector<16xf32>
        %swap3A_261 = vector.shape_cast %mul3A_256 : vector<16xf32> to vector<1x16xf32>
        tpu.vector_store %arg16[%swap3A_257, %swap3A_258], %swap3A_261 {strides = array<i32>} : memref<64x128xf32, #tpu.memory_space<vmem>>, vector<1x16xf32>,
        %get3A_262 = arith.index_cast %add3A_165 : i32 to index
        %get3A_263 = arith.constant 112 : index
        %get3A_264 = tpu.vector_load %arg16[%get3A_262, %get3A_263] {strides = array<i32>} : memref<64x128xf32, #tpu.memory_space<vmem>>, vector<1x16xf32>,
        %get3A_265 = vector.shape_cast %get3A_264 : vector<1x16xf32> to vector<16xf32>
        %get3A_266 = arith.index_cast %add3A_165 : i32 to index
        %get3A_267 = arith.constant 112 : index
        %get3A_268 = tpu.vector_load %arg17[%get3A_266, %get3A_267] {strides = array<i32>} : memref<64x128xf32, #tpu.memory_space<vmem>>, vector<1x16xf32>,
        %get3A_269 = vector.shape_cast %get3A_268 : vector<1x16xf32> to vector<16xf32>
        %mul3A_270 = arith.mulf %get3A_265, %get3A_269 : vector<16xf32>
        %swap3A_271 = arith.index_cast %add3A_165 : i32 to index
        %swap3A_272 = arith.constant 112 : index
        %swap3A_273 = tpu.vector_load %arg16[%swap3A_271, %swap3A_272] {strides = array<i32>} : memref<64x128xf32, #tpu.memory_space<vmem>>, vector<1x16xf32>,
        %swap3A_274 = vector.shape_cast %swap3A_273 : vector<1x16xf32> to vector<16xf32>
        %swap3A_275 = vector.shape_cast %mul3A_270 : vector<16xf32> to vector<1x16xf32>
        tpu.vector_store %arg16[%swap3A_271, %swap3A_272], %swap3A_275 {strides = array<i32>} : memref<64x128xf32, #tpu.memory_space<vmem>>, vector<1x16xf32>,
      }
      %scan3A_153 = arith.constant 64 : i32
      %dma_wait3A_154 = arith.constant 0 : i32
      %dma_wait3A_155 = tpu.memref_slice %arg4[%dma_wait3A_154] : memref<163840xi32, #tpu.memory_space<hbm>> -> memref<64xi32, #tpu.memory_space<hbm>>
      %dma_wait3A_156 = arith.constant 0 : i32
      %dma_wait3A_157 = tpu.memref_slice %arg4[%dma_wait3A_156] : memref<163840xi32, #tpu.memory_space<hbm>> -> memref<64xi32, #tpu.memory_space<hbm>>
      tpu.wait_dma2 semaphore(%arg22 : memref<!tpu.dma_semaphore, #tpu.memory_space<semaphore_mem>>) src(%dma_wait3A_157 : memref<64xi32, #tpu.memory_space<hbm>>) dst(%arg12 : memref<64xi32, #tpu.memory_space<vmem>>)
      %dma_start3A_158 = arith.constant 0 : i32
      %dma_start3A_159 = arith.constant 0 : i32
      %dma_start3A_160 = tpu.memref_slice %arg18[%dma_start3A_158, %dma_start3A_159] : memref<10400x128xf32, #tpu.memory_space<vmem_shared>> -> memref<10400x128xf32, #tpu.memory_space<vmem_shared>>
      tpu.enqueue_indirect_dma source(%arg16 : memref<64x128xf32, #tpu.memory_space<vmem>>) target(%dma_start3A_160 : memref<10400x128xf32, #tpu.memory_space<vmem_shared>>) offsets(%arg12 : memref<64xi32, #tpu.memory_space<vmem>>) semaphore(%arg26 : memref<!tpu.dma_semaphore, #tpu.memory_space<semaphore_mem>>) {add = true}
    }
    %scan3A_62 = arith.constant 80 : i32
    %dma_wait3A_63 = arith.constant 0 : i32
    %dma_wait3A_64 = arith.constant 0 : i32
    %dma_wait3A_65 = tpu.memref_slice %arg18[%dma_wait3A_63, %dma_wait3A_64] : memref<10400x128xf32, #tpu.memory_space<vmem_shared>> -> memref<10400x128xf32, #tpu.memory_space<vmem_shared>>
    tpu.wait_indirect_dma semaphore(%arg26 : memref<!tpu.dma_semaphore, #tpu.memory_space<semaphore_mem>>) src(%arg16 : memref<64x128xf32, #tpu.memory_space<vmem>>) dst(%dma_wait3A_65 : memref<10400x128xf32, #tpu.memory_space<vmem_shared>>)
    %barrier3A_66 = arith.constant 0 : index
    tpu.barrier barrier_id(%barrier3A_66)
    %mul3A_67 = arith.constant 10400 : i32
    %mul3A_68 = arith.muli %arg0, %mul3A_67 : i32
    %mul3A_69 = arith.constant 624 : i32
    %mul3A_70 = arith.muli %arg1, %mul3A_69 : i32
    %add3A_71 = arith.addi %mul3A_68, %mul3A_70 : i32
    %mul3A_72 = arith.constant 624 : i32
    %mul3A_73 = arith.muli %arg1, %mul3A_72 : i32
    %scan3A_74 = arith.constant 0 : i32
    %scan3A_75 = arith.constant 4 : i32
    %scan3A_76 = arith.addi %scan3A_74, %scan3A_75 : i32
    %scan3A_77 = arith.constant 1 : i32
    scf.for %scan3A_88 = %scan3A_74 to %scan3A_76 step %scan3A_77  : i32 {
      %mul3A_89 = arith.constant 1 : i32
      %mul3A_90 = arith.muli %scan3A_88, %mul3A_89 : i32
      %add3A_91 = arith.constant 0 : i32
      %add3A_92 = arith.addi %add3A_91, %mul3A_90 : i32
      %mul3A_93 = arith.constant 128 : i32
      %mul3A_94 = arith.muli %add3A_92, %mul3A_93 : i32
      %add3A_95 = arith.addi %mul3A_73, %mul3A_94 : i32
      %mul3A_96 = arith.constant 128 : i32
      %mul3A_97 = arith.muli %add3A_92, %mul3A_96 : i32
      %add3A_98 = arith.addi %add3A_71, %mul3A_97 : i32
      "tpu.region"() ({
        %run_scoped3A = tpu.sem_alloc : memref<!tpu.dma_semaphore, #tpu.memory_space<semaphore_mem>>
        %dma_start3A_99 = arith.constant 0 : i32
        %dma_start3A_100 = tpu.memref_slice %arg7[%add3A_98, %dma_start3A_99] : memref<20800x128xf32, #tpu.memory_space<hbm>> -> memref<128x128xf32, #tpu.memory_space<hbm>>
        %dma_start3A_101 = arith.constant 0 : i32
        %dma_start3A_102 = tpu.memref_slice %arg18[%add3A_95, %dma_start3A_101] : memref<10400x128xf32, #tpu.memory_space<vmem_shared>> -> memref<128x128xf32, #tpu.memory_space<vmem_shared>>
        tpu.enqueue_dma source(%dma_start3A_102 : memref<128x128xf32, #tpu.memory_space<vmem_shared>>) target(%dma_start3A_100 : memref<128x128xf32, #tpu.memory_space<hbm>>) target_semaphore(%run_scoped3A : memref<!tpu.dma_semaphore, #tpu.memory_space<semaphore_mem>>)
        %dma_wait3A_103 = arith.constant 0 : i32
        %dma_wait3A_104 = tpu.memref_slice %arg7[%add3A_98, %dma_wait3A_103] : memref<20800x128xf32, #tpu.memory_space<hbm>> -> memref<128x128xf32, #tpu.memory_space<hbm>>
        %dma_wait3A_105 = arith.constant 0 : i32
        %dma_wait3A_106 = tpu.memref_slice %arg18[%add3A_95, %dma_wait3A_105] : memref<10400x128xf32, #tpu.memory_space<vmem_shared>> -> memref<128x128xf32, #tpu.memory_space<vmem_shared>>
        tpu.wait_dma2 semaphore(%run_scoped3A : memref<!tpu.dma_semaphore, #tpu.memory_space<semaphore_mem>>) src(%dma_wait3A_106 : memref<128x128xf32, #tpu.memory_space<vmem_shared>>) dst(%dma_wait3A_104 : memref<128x128xf32, #tpu.memory_space<hbm>>)
        tpu.yield
      }) : () -> ()
    }
    %scan3A_78 = arith.constant 4 : i32
    %add3A_79 = arith.constant 512 : i32
    %add3A_80 = arith.addi %mul3A_73, %add3A_79 : i32
    %add3A_81 = arith.constant 512 : i32
    %add3A_82 = arith.addi %add3A_71, %add3A_81 : i32
    "tpu.region"() ({
      %run_scoped3A = tpu.sem_alloc : memref<!tpu.dma_semaphore, #tpu.memory_space<semaphore_mem>>
      %dma_start3A_88 = arith.constant 0 : i32
      %dma_start3A_89 = tpu.memref_slice %arg7[%add3A_82, %dma_start3A_88] : memref<20800x128xf32, #tpu.memory_space<hbm>> -> memref<112x128xf32, #tpu.memory_space<hbm>>
      %dma_start3A_90 = arith.constant 0 : i32
      %dma_start3A_91 = tpu.memref_slice %arg18[%add3A_80, %dma_start3A_90] : memref<10400x128xf32, #tpu.memory_space<vmem_shared>> -> memref<112x128xf32, #tpu.memory_space<vmem_shared>>
      tpu.enqueue_dma source(%dma_start3A_91 : memref<112x128xf32, #tpu.memory_space<vmem_shared>>) target(%dma_start3A_89 : memref<112x128xf32, #tpu.memory_space<hbm>>) target_semaphore(%run_scoped3A : memref<!tpu.dma_semaphore, #tpu.memory_space<semaphore_mem>>)
      %dma_wait3A_92 = arith.constant 0 : i32
      %dma_wait3A_93 = tpu.memref_slice %arg7[%add3A_82, %dma_wait3A_92] : memref<20800x128xf32, #tpu.memory_space<hbm>> -> memref<112x128xf32, #tpu.memory_space<hbm>>
      %dma_wait3A_94 = arith.constant 0 : i32
      %dma_wait3A_95 = tpu.memref_slice %arg18[%add3A_80, %dma_wait3A_94] : memref<10400x128xf32, #tpu.memory_space<vmem_shared>> -> memref<112x128xf32, #tpu.memory_space<vmem_shared>>
      tpu.wait_dma2 semaphore(%run_scoped3A : memref<!tpu.dma_semaphore, #tpu.memory_space<semaphore_mem>>) src(%dma_wait3A_95 : memref<112x128xf32, #tpu.memory_space<vmem_shared>>) dst(%dma_wait3A_93 : memref<112x128xf32, #tpu.memory_space<hbm>>)
      tpu.yield
    }) : () -> ()
    %eq3A_83 = arith.constant 15 : i32
    %eq3A_84 = arith.cmpi eq, %arg1, %eq3A_83 : i32
    %convert_element_type3A_85 = arith.extui %eq3A_84 : i1 to i32
    %cond3A_86 = arith.constant 0 : i32
    %cond3A_87 = arith.cmpi ne, %convert_element_type3A_85, %cond3A_86 : i32
    scf.if %cond3A_87 {
      %mul3A_88 = arith.constant 10400 : i32
      %mul3A_89 = arith.muli %arg0, %mul3A_88 : i32
      %add3A_90 = arith.constant 9984 : i32
      %add3A_91 = arith.addi %mul3A_89, %add3A_90 : i32
      "tpu.region"() ({
        %run_scoped3A = tpu.sem_alloc : memref<!tpu.dma_semaphore, #tpu.memory_space<semaphore_mem>>
        %dma_start3A_92 = arith.constant 0 : i32
        %dma_start3A_93 = tpu.memref_slice %arg7[%add3A_91, %dma_start3A_92] : memref<20800x128xf32, #tpu.memory_space<hbm>> -> memref<16x128xf32, #tpu.memory_space<hbm>>
        %dma_start3A_94 = arith.constant 9984 : i32
        %dma_start3A_95 = arith.constant 0 : i32
        %dma_start3A_96 = tpu.memref_slice %arg18[%dma_start3A_94, %dma_start3A_95] : memref<10400x128xf32, #tpu.memory_space<vmem_shared>> -> memref<16x128xf32, #tpu.memory_space<vmem_shared>>
        tpu.enqueue_dma source(%dma_start3A_96 : memref<16x128xf32, #tpu.memory_space<vmem_shared>>) target(%dma_start3A_93 : memref<16x128xf32, #tpu.memory_space<hbm>>) target_semaphore(%run_scoped3A : memref<!tpu.dma_semaphore, #tpu.memory_space<semaphore_mem>>)
        %dma_wait3A_97 = arith.constant 0 : i32
        %dma_wait3A_98 = tpu.memref_slice %arg7[%add3A_91, %dma_wait3A_97] : memref<20800x128xf32, #tpu.memory_space<hbm>> -> memref<16x128xf32, #tpu.memory_space<hbm>>
        %dma_wait3A_99 = arith.constant 9984 : i32
        %dma_wait3A_100 = arith.constant 0 : i32
        %dma_wait3A_101 = tpu.memref_slice %arg18[%dma_wait3A_99, %dma_wait3A_100] : memref<10400x128xf32, #tpu.memory_space<vmem_shared>> -> memref<16x128xf32, #tpu.memory_space<vmem_shared>>
        tpu.wait_dma2 semaphore(%run_scoped3A : memref<!tpu.dma_semaphore, #tpu.memory_space<semaphore_mem>>) src(%dma_wait3A_101 : memref<16x128xf32, #tpu.memory_space<vmem_shared>>) dst(%dma_wait3A_98 : memref<16x128xf32, #tpu.memory_space<hbm>>)
        tpu.yield
      }) : () -> ()
    } else {
    }
    return
  }
}

#map = affine_map<(d0, d1) -> (0, 0)>
#map1 = affine_map<(d0, d1) -> (0)>
module attributes {stable_mosaic.version = 14 : i64} {
  func.func @k(%arg0: i32, %arg1: i32, %arg2: memref<20000x128xf32, #tpu.memory_space<hbm>>, %arg3: memref<163840xi32, #tpu.memory_space<hbm>>, %arg4: memref<163840xi32, #tpu.memory_space<hbm>>, %arg5: memref<163840xi32, #tpu.memory_space<hbm>>, %arg6: memref<4096x128xf32, #tpu.memory_space<hbm>>, %arg7: memref<20800x128xf32, #tpu.memory_space<hbm>>, %arg8: memref<64xi32, #tpu.memory_space<vmem>>, %arg9: memref<64xi32, #tpu.memory_space<vmem>>, %arg10: memref<64xi32, #tpu.memory_space<vmem>>, %arg11: memref<64xi32, #tpu.memory_space<vmem>>, %arg12: memref<64xi32, #tpu.memory_space<vmem>>, %arg13: memref<64xi32, #tpu.memory_space<vmem>>, %arg14: memref<64x128xf32, #tpu.memory_space<vmem>>, %arg15: memref<64x128xf32, #tpu.memory_space<vmem>>, %arg16: memref<64x128xf32, #tpu.memory_space<vmem>>, %arg17: memref<64x128xf32, #tpu.memory_space<vmem>>, %arg18: memref<10400x128xf32, #tpu.memory_space<vmem_shared>>, %arg19: memref<!tpu.dma_semaphore, #tpu.memory_space<semaphore_mem>>, %arg20: memref<!tpu.dma_semaphore, #tpu.memory_space<semaphore_mem>>, %arg21: memref<!tpu.dma_semaphore, #tpu.memory_space<semaphore_mem>>, %arg22: memref<!tpu.dma_semaphore, #tpu.memory_space<semaphore_mem>>, %arg23: memref<!tpu.dma_semaphore, #tpu.memory_space<semaphore_mem>>, %arg24: memref<!tpu.dma_semaphore, #tpu.memory_space<semaphore_mem>>, %arg25: memref<!tpu.dma_semaphore, #tpu.memory_space<semaphore_mem>>, %arg26: memref<!tpu.dma_semaphore, #tpu.memory_space<semaphore_mem>>) attributes {dimension_semantics = [#tpu.dimension_semantics<core_parallel>, #tpu.dimension_semantics<subcore_parallel>], iteration_bounds = array<i64: 2, 16>, scalar_prefetch = 0 : i64, scratch_operands = 19 : i64, tpu.core_type = #tpu.core_type<sc_vector_subcore>, window_params = [{transform_indices = #map}, {transform_indices = #map1}, {transform_indices = #map1}, {transform_indices = #map1}, {transform_indices = #map}, {transform_indices = #map}]} {
    %broadcast_in_dim3A = arith.constant 0.000000e+00 : f32
    %broadcast_in_dim3A_0 = vector.broadcast %broadcast_in_dim3A : f32 to vector<16xf32>
    %scan3A = arith.constant 0 : i32
    %scan3A_1 = arith.constant 64 : i32
    %scan3A_2 = arith.addi %scan3A, %scan3A_1 : i32
    %scan3A_3 = arith.constant 1 : i32
    scf.for %scan3A_88 = %scan3A to %scan3A_2 step %scan3A_3  : i32 {
      %mul3A_89 = arith.constant 1 : i32
      %mul3A_90 = arith.muli %scan3A_88, %mul3A_89 : i32
      %add3A_91 = arith.constant 0 : i32
      %add3A_92 = arith.addi %add3A_91, %mul3A_90 : i32
      %swap3A = arith.index_cast %add3A_92 : i32 to index
      %swap3A_93 = arith.constant 0 : index
      %swap3A_94 = tpu.vector_load %arg14[%swap3A, %swap3A_93] {strides = array<i32>} : memref<64x128xf32, #tpu.memory_space<vmem>>, vector<1x16xf32>,
      %swap3A_95 = vector.shape_cast %swap3A_94 : vector<1x16xf32> to vector<16xf32>
      %swap3A_96 = vector.shape_cast %broadcast_in_dim3A_0 : vector<16xf32> to vector<1x16xf32>
      tpu.vector_store %arg14[%swap3A, %swap3A_93], %swap3A_96 {strides = array<i32>} : memref<64x128xf32, #tpu.memory_space<vmem>>, vector<1x16xf32>,
      %swap3A_97 = arith.index_cast %add3A_92 : i32 to index
      %swap3A_98 = arith.constant 16 : index
      %swap3A_99 = tpu.vector_load %arg14[%swap3A_97, %swap3A_98] {strides = array<i32>} : memref<64x128xf32, #tpu.memory_space<vmem>>, vector<1x16xf32>,
      %swap3A_100 = vector.shape_cast %swap3A_99 : vector<1x16xf32> to vector<16xf32>
      %swap3A_101 = vector.shape_cast %broadcast_in_dim3A_0 : vector<16xf32> to vector<1x16xf32>
      tpu.vector_store %arg14[%swap3A_97, %swap3A_98], %swap3A_101 {strides = array<i32>} : memref<64x128xf32, #tpu.memory_space<vmem>>, vector<1x16xf32>,
      %swap3A_102 = arith.index_cast %add3A_92 : i32 to index
      %swap3A_103 = arith.constant 32 : index
      %swap3A_104 = tpu.vector_load %arg14[%swap3A_102, %swap3A_103] {strides = array<i32>} : memref<64x128xf32, #tpu.memory_space<vmem>>, vector<1x16xf32>,
      %swap3A_105 = vector.shape_cast %swap3A_104 : vector<1x16xf32> to vector<16xf32>
      %swap3A_106 = vector.shape_cast %broadcast_in_dim3A_0 : vector<16xf32> to vector<1x16xf32>
      tpu.vector_store %arg14[%swap3A_102, %swap3A_103], %swap3A_106 {strides = array<i32>} : memref<64x128xf32, #tpu.memory_space<vmem>>, vector<1x16xf32>,
      %swap3A_107 = arith.index_cast %add3A_92 : i32 to index
      %swap3A_108 = arith.constant 48 : index
      %swap3A_109 = tpu.vector_load %arg14[%swap3A_107, %swap3A_108] {strides = array<i32>} : memref<64x128xf32, #tpu.memory_space<vmem>>, vector<1x16xf32>,
      %swap3A_110 = vector.shape_cast %swap3A_109 : vector<1x16xf32> to vector<16xf32>
      %swap3A_111 = vector.shape_cast %broadcast_in_dim3A_0 : vector<16xf32> to vector<1x16xf32>
      tpu.vector_store %arg14[%swap3A_107, %swap3A_108], %swap3A_111 {strides = array<i32>} : memref<64x128xf32, #tpu.memory_space<vmem>>, vector<1x16xf32>,
      %swap3A_112 = arith.index_cast %add3A_92 : i32 to index
      %swap3A_113 = arith.constant 64 : index
      %swap3A_114 = tpu.vector_load %arg14[%swap3A_112, %swap3A_113] {strides = array<i32>} : memref<64x128xf32, #tpu.memory_space<vmem>>, vector<1x16xf32>,
      %swap3A_115 = vector.shape_cast %swap3A_114 : vector<1x16xf32> to vector<16xf32>
      %swap3A_116 = vector.shape_cast %broadcast_in_dim3A_0 : vector<16xf32> to vector<1x16xf32>
      tpu.vector_store %arg14[%swap3A_112, %swap3A_113], %swap3A_116 {strides = array<i32>} : memref<64x128xf32, #tpu.memory_space<vmem>>, vector<1x16xf32>,
      %swap3A_117 = arith.index_cast %add3A_92 : i32 to index
      %swap3A_118 = arith.constant 80 : index
      %swap3A_119 = tpu.vector_load %arg14[%swap3A_117, %swap3A_118] {strides = array<i32>} : memref<64x128xf32, #tpu.memory_space<vmem>>, vector<1x16xf32>,
      %swap3A_120 = vector.shape_cast %swap3A_119 : vector<1x16xf32> to vector<16xf32>
      %swap3A_121 = vector.shape_cast %broadcast_in_dim3A_0 : vector<16xf32> to vector<1x16xf32>
      tpu.vector_store %arg14[%swap3A_117, %swap3A_118], %swap3A_121 {strides = array<i32>} : memref<64x128xf32, #tpu.memory_space<vmem>>, vector<1x16xf32>,
      %swap3A_122 = arith.index_cast %add3A_92 : i32 to index
      %swap3A_123 = arith.constant 96 : index
      %swap3A_124 = tpu.vector_load %arg14[%swap3A_122, %swap3A_123] {strides = array<i32>} : memref<64x128xf32, #tpu.memory_space<vmem>>, vector<1x16xf32>,
      %swap3A_125 = vector.shape_cast %swap3A_124 : vector<1x16xf32> to vector<16xf32>
      %swap3A_126 = vector.shape_cast %broadcast_in_dim3A_0 : vector<16xf32> to vector<1x16xf32>
      tpu.vector_store %arg14[%swap3A_122, %swap3A_123], %swap3A_126 {strides = array<i32>} : memref<64x128xf32, #tpu.memory_space<vmem>>, vector<1x16xf32>,
      %swap3A_127 = arith.index_cast %add3A_92 : i32 to index
      %swap3A_128 = arith.constant 112 : index
      %swap3A_129 = tpu.vector_load %arg14[%swap3A_127, %swap3A_128] {strides = array<i32>} : memref<64x128xf32, #tpu.memory_space<vmem>>, vector<1x16xf32>,
      %swap3A_130 = vector.shape_cast %swap3A_129 : vector<1x16xf32> to vector<16xf32>
      %swap3A_131 = vector.shape_cast %broadcast_in_dim3A_0 : vector<16xf32> to vector<1x16xf32>
      tpu.vector_store %arg14[%swap3A_127, %swap3A_128], %swap3A_131 {strides = array<i32>} : memref<64x128xf32, #tpu.memory_space<vmem>>, vector<1x16xf32>,
    }
    %scan3A_4 = arith.constant 64 : i32
    %mul3A = arith.constant 648 : i32
    %mul3A_5 = arith.muli %arg1, %mul3A : i32
    %scan3A_6 = arith.constant 0 : i32
    %scan3A_7 = arith.constant 10 : i32
    %scan3A_8 = arith.addi %scan3A_6, %scan3A_7 : i32
    %scan3A_9 = arith.constant 1 : i32
    scf.for %scan3A_88 = %scan3A_6 to %scan3A_8 step %scan3A_9  : i32 {
      %mul3A_89 = arith.constant 1 : i32
      %mul3A_90 = arith.muli %scan3A_88, %mul3A_89 : i32
      %add3A_91 = arith.constant 0 : i32
      %add3A_92 = arith.addi %add3A_91, %mul3A_90 : i32
      %mul3A_93 = arith.constant 64 : i32
      %mul3A_94 = arith.muli %add3A_92, %mul3A_93 : i32
      %add3A_95 = arith.addi %mul3A_5, %mul3A_94 : i32
      "tpu.region"() ({
        %run_scoped3A = tpu.sem_alloc : memref<!tpu.dma_semaphore, #tpu.memory_space<semaphore_mem>>
        %dma_start3A_96 = arith.constant 0 : i32
        %dma_start3A_97 = arith.constant 0 : i32
        %dma_start3A_98 = tpu.memref_slice %arg14[%dma_start3A_96, %dma_start3A_97] : memref<64x128xf32, #tpu.memory_space<vmem>> -> memref<64x128xf32, #tpu.memory_space<vmem>>
        %dma_start3A_99 = arith.constant 0 : i32
        %dma_start3A_100 = tpu.memref_slice %arg18[%add3A_95, %dma_start3A_99] : memref<10400x128xf32, #tpu.memory_space<vmem_shared>> -> memref<64x128xf32, #tpu.memory_space<vmem_shared>>
        %dma_start3A_101 = arith.constant 0 : i32
        %dma_start3A_102 = tpu.memref_slice %arg18[%add3A_95, %dma_start3A_101] : memref<10400x128xf32, #tpu.memory_space<vmem_shared>> -> memref<64x128xf32, #tpu.memory_space<vmem_shared>>
        %dma_start3A_103 = arith.constant 0 : i32
        %dma_start3A_104 = arith.constant 0 : i32
        %dma_start3A_105 = tpu.memref_slice %arg14[%dma_start3A_103, %dma_start3A_104] : memref<64x128xf32, #tpu.memory_space<vmem>> -> memref<64x128xf32, #tpu.memory_space<vmem>>
        tpu.enqueue_dma source(%dma_start3A_105 : memref<64x128xf32, #tpu.memory_space<vmem>>) target(%dma_start3A_102 : memref<64x128xf32, #tpu.memory_space<vmem_shared>>) target_semaphore(%run_scoped3A : memref<!tpu.dma_semaphore, #tpu.memory_space<semaphore_mem>>)
        %dma_wait3A_106 = arith.constant 0 : i32
        %dma_wait3A_107 = arith.constant 0 : i32
        %dma_wait3A_108 = tpu.memref_slice %arg14[%dma_wait3A_106, %dma_wait3A_107] : memref<64x128xf32, #tpu.memory_space<vmem>> -> memref<64x128xf32, #tpu.memory_space<vmem>>
        %dma_wait3A_109 = arith.constant 0 : i32
        %dma_wait3A_110 = tpu.memref_slice %arg18[%add3A_95, %dma_wait3A_109] : memref<10400x128xf32, #tpu.memory_space<vmem_shared>> -> memref<64x128xf32, #tpu.memory_space<vmem_shared>>
        %dma_wait3A_111 = arith.constant 0 : i32
        %dma_wait3A_112 = tpu.memref_slice %arg18[%add3A_95, %dma_wait3A_111] : memref<10400x128xf32, #tpu.memory_space<vmem_shared>> -> memref<64x128xf32, #tpu.memory_space<vmem_shared>>
        %dma_wait3A_113 = arith.constant 0 : i32
        %dma_wait3A_114 = arith.constant 0 : i32
        %dma_wait3A_115 = tpu.memref_slice %arg14[%dma_wait3A_113, %dma_wait3A_114] : memref<64x128xf32, #tpu.memory_space<vmem>> -> memref<64x128xf32, #tpu.memory_space<vmem>>
        tpu.wait_dma2 semaphore(%run_scoped3A : memref<!tpu.dma_semaphore, #tpu.memory_space<semaphore_mem>>) src(%dma_wait3A_115 : memref<64x128xf32, #tpu.memory_space<vmem>>) dst(%dma_wait3A_112 : memref<64x128xf32, #tpu.memory_space<vmem_shared>>)
        tpu.yield
      }) : () -> ()
    }
    %scan3A_10 = arith.constant 10 : i32
    %add3A = arith.constant 648 : i32
    %add3A_11 = arith.addi %mul3A_5, %add3A : i32
    %sub3A = arith.constant 8 : i32
    %sub3A_12 = arith.subi %add3A_11, %sub3A : i32
    "tpu.region"() ({
      %run_scoped3A = tpu.sem_alloc : memref<!tpu.dma_semaphore, #tpu.memory_space<semaphore_mem>>
      %dma_start3A_88 = arith.constant 0 : i32
      %dma_start3A_89 = arith.constant 0 : i32
      %dma_start3A_90 = tpu.memref_slice %arg14[%dma_start3A_88, %dma_start3A_89] : memref<64x128xf32, #tpu.memory_space<vmem>> -> memref<8x128xf32, #tpu.memory_space<vmem>>
      %dma_start3A_91 = arith.constant 0 : i32
      %dma_start3A_92 = tpu.memref_slice %arg18[%sub3A_12, %dma_start3A_91] : memref<10400x128xf32, #tpu.memory_space<vmem_shared>> -> memref<8x128xf32, #tpu.memory_space<vmem_shared>>
      %dma_start3A_93 = arith.constant 0 : i32
      %dma_start3A_94 = tpu.memref_slice %arg18[%sub3A_12, %dma_start3A_93] : memref<10400x128xf32, #tpu.memory_space<vmem_shared>> -> memref<8x128xf32, #tpu.memory_space<vmem_shared>>
      %dma_start3A_95 = arith.constant 0 : i32
      %dma_start3A_96 = arith.constant 0 : i32
      %dma_start3A_97 = tpu.memref_slice %arg14[%dma_start3A_95, %dma_start3A_96] : memref<64x128xf32, #tpu.memory_space<vmem>> -> memref<8x128xf32, #tpu.memory_space<vmem>>
      tpu.enqueue_dma source(%dma_start3A_97 : memref<8x128xf32, #tpu.memory_space<vmem>>) target(%dma_start3A_94 : memref<8x128xf32, #tpu.memory_space<vmem_shared>>) target_semaphore(%run_scoped3A : memref<!tpu.dma_semaphore, #tpu.memory_space<semaphore_mem>>)
      %dma_wait3A_98 = arith.constant 0 : i32
      %dma_wait3A_99 = arith.constant 0 : i32
      %dma_wait3A_100 = tpu.memref_slice %arg14[%dma_wait3A_98, %dma_wait3A_99] : memref<64x128xf32, #tpu.memory_space<vmem>> -> memref<8x128xf32, #tpu.memory_space<vmem>>
      %dma_wait3A_101 = arith.constant 0 : i32
      %dma_wait3A_102 = tpu.memref_slice %arg18[%sub3A_12, %dma_wait3A_101] : memref<10400x128xf32, #tpu.memory_space<vmem_shared>> -> memref<8x128xf32, #tpu.memory_space<vmem_shared>>
      %dma_wait3A_103 = arith.constant 0 : i32
      %dma_wait3A_104 = tpu.memref_slice %arg18[%sub3A_12, %dma_wait3A_103] : memref<10400x128xf32, #tpu.memory_space<vmem_shared>> -> memref<8x128xf32, #tpu.memory_space<vmem_shared>>
      %dma_wait3A_105 = arith.constant 0 : i32
      %dma_wait3A_106 = arith.constant 0 : i32
      %dma_wait3A_107 = tpu.memref_slice %arg14[%dma_wait3A_105, %dma_wait3A_106] : memref<64x128xf32, #tpu.memory_space<vmem>> -> memref<8x128xf32, #tpu.memory_space<vmem>>
      tpu.wait_dma2 semaphore(%run_scoped3A : memref<!tpu.dma_semaphore, #tpu.memory_space<semaphore_mem>>) src(%dma_wait3A_107 : memref<8x128xf32, #tpu.memory_space<vmem>>) dst(%dma_wait3A_104 : memref<8x128xf32, #tpu.memory_space<vmem_shared>>)
      tpu.yield
    }) : () -> ()
    %eq3A = arith.constant 15 : i32
    %eq3A_13 = arith.cmpi eq, %arg1, %eq3A : i32
    %convert_element_type3A = arith.extui %eq3A_13 : i1 to i32
    %cond3A = arith.constant 0 : i32
    %cond3A_14 = arith.cmpi ne, %convert_element_type3A, %cond3A : i32
    scf.if %cond3A_14 {
      "tpu.region"() ({
        %run_scoped3A = tpu.sem_alloc : memref<!tpu.dma_semaphore, #tpu.memory_space<semaphore_mem>>
        %dma_start3A_88 = arith.constant 0 : i32
        %dma_start3A_89 = arith.constant 0 : i32
        %dma_start3A_90 = tpu.memref_slice %arg14[%dma_start3A_88, %dma_start3A_89] : memref<64x128xf32, #tpu.memory_space<vmem>> -> memref<32x128xf32, #tpu.memory_space<vmem>>
        %dma_start3A_91 = arith.constant 10368 : i32
        %dma_start3A_92 = arith.constant 0 : i32
        %dma_start3A_93 = tpu.memref_slice %arg18[%dma_start3A_91, %dma_start3A_92] : memref<10400x128xf32, #tpu.memory_space<vmem_shared>> -> memref<32x128xf32, #tpu.memory_space<vmem_shared>>
        %dma_start3A_94 = arith.constant 10368 : i32
        %dma_start3A_95 = arith.constant 0 : i32
        %dma_start3A_96 = tpu.memref_slice %arg18[%dma_start3A_94, %dma_start3A_95] : memref<10400x128xf32, #tpu.memory_space<vmem_shared>> -> memref<32x128xf32, #tpu.memory_space<vmem_shared>>
        %dma_start3A_97 = arith.constant 0 : i32
        %dma_start3A_98 = arith.constant 0 : i32
        %dma_start3A_99 = tpu.memref_slice %arg14[%dma_start3A_97, %dma_start3A_98] : memref<64x128xf32, #tpu.memory_space<vmem>> -> memref<32x128xf32, #tpu.memory_space<vmem>>
        tpu.enqueue_dma source(%dma_start3A_99 : memref<32x128xf32, #tpu.memory_space<vmem>>) target(%dma_start3A_96 : memref<32x128xf32, #tpu.memory_space<vmem_shared>>) target_semaphore(%run_scoped3A : memref<!tpu.dma_semaphore, #tpu.memory_space<semaphore_mem>>)
        %dma_wait3A_100 = arith.constant 0 : i32
        %dma_wait3A_101 = arith.constant 0 : i32
        %dma_wait3A_102 = tpu.memref_slice %arg14[%dma_wait3A_100, %dma_wait3A_101] : memref<64x128xf32, #tpu.memory_space<vmem>> -> memref<32x128xf32, #tpu.memory_space<vmem>>
        %dma_wait3A_103 = arith.constant 10368 : i32
        %dma_wait3A_104 = arith.constant 0 : i32
        %dma_wait3A_105 = tpu.memref_slice %arg18[%dma_wait3A_103, %dma_wait3A_104] : memref<10400x128xf32, #tpu.memory_space<vmem_shared>> -> memref<32x128xf32, #tpu.memory_space<vmem_shared>>
        %dma_wait3A_106 = arith.constant 10368 : i32
        %dma_wait3A_107 = arith.constant 0 : i32
        %dma_wait3A_108 = tpu.memref_slice %arg18[%dma_wait3A_106, %dma_wait3A_107] : memref<10400x128xf32, #tpu.memory_space<vmem_shared>> -> memref<32x128xf32, #tpu.memory_space<vmem_shared>>
        %dma_wait3A_109 = arith.constant 0 : i32
        %dma_wait3A_110 = arith.constant 0 : i32
        %dma_wait3A_111 = tpu.memref_slice %arg14[%dma_wait3A_109, %dma_wait3A_110] : memref<64x128xf32, #tpu.memory_space<vmem>> -> memref<32x128xf32, #tpu.memory_space<vmem>>
        tpu.wait_dma2 semaphore(%run_scoped3A : memref<!tpu.dma_semaphore, #tpu.memory_space<semaphore_mem>>) src(%dma_wait3A_111 : memref<32x128xf32, #tpu.memory_space<vmem>>) dst(%dma_wait3A_108 : memref<32x128xf32, #tpu.memory_space<vmem_shared>>)
        tpu.yield
      }) : () -> ()
    } else {
    }
    %barrier3A = arith.constant 0 : index
    tpu.barrier barrier_id(%barrier3A)
    %mul3A_15 = arith.constant 10240 : i32
    %mul3A_16 = arith.muli %arg1, %mul3A_15 : i32
    %mul3A_17 = arith.constant 10000 : i32
    %mul3A_18 = arith.muli %arg0, %mul3A_17 : i32
    %mul3A_19 = arith.constant 16 : i32
    %mul3A_20 = arith.muli %arg0, %mul3A_19 : i32
    %add3A_21 = arith.addi %mul3A_20, %arg1 : i32
    %mul3A_22 = arith.constant 128 : i32
    %mul3A_23 = arith.muli %add3A_21, %mul3A_22 : i32
    %add3A_24 = arith.constant 0 : i32
    %add3A_25 = arith.addi %mul3A_16, %add3A_24 : i32
    %dma_start3A = tpu.memref_slice %arg3[%add3A_25] : memref<163840xi32, #tpu.memory_space<hbm>> -> memref<64xi32, #tpu.memory_space<hbm>>
    %dma_start3A_26 = tpu.memref_slice %arg3[%add3A_25] : memref<163840xi32, #tpu.memory_space<hbm>> -> memref<64xi32, #tpu.memory_space<hbm>>
    tpu.enqueue_dma source(%dma_start3A_26 : memref<64xi32, #tpu.memory_space<hbm>>) target(%arg8 : memref<64xi32, #tpu.memory_space<vmem>>) target_semaphore(%arg19 : memref<!tpu.dma_semaphore, #tpu.memory_space<semaphore_mem>>)
    %dma_start3A_27 = tpu.memref_slice %arg5[%add3A_25] : memref<163840xi32, #tpu.memory_space<hbm>> -> memref<64xi32, #tpu.memory_space<hbm>>
    %dma_start3A_28 = tpu.memref_slice %arg5[%add3A_25] : memref<163840xi32, #tpu.memory_space<hbm>> -> memref<64xi32, #tpu.memory_space<hbm>>
    tpu.enqueue_dma source(%dma_start3A_28 : memref<64xi32, #tpu.memory_space<hbm>>) target(%arg10 : memref<64xi32, #tpu.memory_space<vmem>>) target_semaphore(%arg19 : memref<!tpu.dma_semaphore, #tpu.memory_space<semaphore_mem>>)
    %add3A_29 = arith.constant 0 : i32
    %add3A_30 = arith.addi %mul3A_16, %add3A_29 : i32
    %dma_start3A_31 = tpu.memref_slice %arg4[%add3A_30] : memref<163840xi32, #tpu.memory_space<hbm>> -> memref<64xi32, #tpu.memory_space<hbm>>
    %dma_start3A_32 = tpu.memref_slice %arg4[%add3A_30] : memref<163840xi32, #tpu.memory_space<hbm>> -> memref<64xi32, #tpu.memory_space<hbm>>
    tpu.enqueue_dma source(%dma_start3A_32 : memref<64xi32, #tpu.memory_space<hbm>>) target(%arg9 : memref<64xi32, #tpu.memory_space<vmem>>) target_semaphore(%arg21 : memref<!tpu.dma_semaphore, #tpu.memory_space<semaphore_mem>>)
    %dma_wait3A = arith.constant 0 : i32
    %dma_wait3A_33 = tpu.memref_slice %arg3[%dma_wait3A] : memref<163840xi32, #tpu.memory_space<hbm>> -> memref<64xi32, #tpu.memory_space<hbm>>
    %dma_wait3A_34 = arith.constant 0 : i32
    %dma_wait3A_35 = tpu.memref_slice %arg3[%dma_wait3A_34] : memref<163840xi32, #tpu.memory_space<hbm>> -> memref<64xi32, #tpu.memory_space<hbm>>
    tpu.wait_dma2 semaphore(%arg19 : memref<!tpu.dma_semaphore, #tpu.memory_space<semaphore_mem>>) src(%dma_wait3A_35 : memref<64xi32, #tpu.memory_space<hbm>>) dst(%arg8 : memref<64xi32, #tpu.memory_space<vmem>>)
    %dma_wait3A_36 = arith.constant 0 : i32
    %dma_wait3A_37 = tpu.memref_slice %arg5[%dma_wait3A_36] : memref<163840xi32, #tpu.memory_space<hbm>> -> memref<64xi32, #tpu.memory_space<hbm>>
    %dma_wait3A_38 = arith.constant 0 : i32
    %dma_wait3A_39 = tpu.memref_slice %arg5[%dma_wait3A_38] : memref<163840xi32, #tpu.memory_space<hbm>> -> memref<64xi32, #tpu.memory_space<hbm>>
    tpu.wait_dma2 semaphore(%arg19 : memref<!tpu.dma_semaphore, #tpu.memory_space<semaphore_mem>>) src(%dma_wait3A_39 : memref<64xi32, #tpu.memory_space<hbm>>) dst(%arg10 : memref<64xi32, #tpu.memory_space<vmem>>)
    %scan3A_40 = arith.constant 0 : i32
    %scan3A_41 = arith.constant 4 : i32
    %scan3A_42 = arith.addi %scan3A_40, %scan3A_41 : i32
    %scan3A_43 = arith.constant 1 : i32
    scf.for %scan3A_88 = %scan3A_40 to %scan3A_42 step %scan3A_43  : i32 {
      %mul3A_89 = arith.constant 1 : i32
      %mul3A_90 = arith.muli %scan3A_88, %mul3A_89 : i32
      %add3A_91 = arith.constant 0 : i32
      %add3A_92 = arith.addi %add3A_91, %mul3A_90 : i32
      %mul3A_93 = arith.constant 16 : i32
      %mul3A_94 = arith.muli %add3A_92, %mul3A_93 : i32
      %get3A = arith.index_cast %mul3A_94 : i32 to index
      %get3A_95 = tpu.vector_load %arg8[%get3A] {strides = array<i32>} : memref<64xi32, #tpu.memory_space<vmem>>, vector<16xi32>,
      %get3A_96 = vector.shape_cast %get3A_95 : vector<16xi32> to vector<16xi32>
      %add3A_97 = vector.broadcast %mul3A_18 : i32 to vector<16xi32>
      %add3A_98 = arith.addi %get3A_96, %add3A_97 : vector<16xi32>
      %swap3A = arith.index_cast %mul3A_94 : i32 to index
      %swap3A_99 = tpu.vector_load %arg8[%swap3A] {strides = array<i32>} : memref<64xi32, #tpu.memory_space<vmem>>, vector<16xi32>,
      %swap3A_100 = vector.shape_cast %swap3A_99 : vector<16xi32> to vector<16xi32>
      %swap3A_101 = vector.shape_cast %add3A_98 : vector<16xi32> to vector<16xi32>
      tpu.vector_store %arg8[%swap3A], %swap3A_101 {strides = array<i32>} : memref<64xi32, #tpu.memory_space<vmem>>, vector<16xi32>,
      %get3A_102 = arith.index_cast %mul3A_94 : i32 to index
      %get3A_103 = tpu.vector_load %arg10[%get3A_102] {strides = array<i32>} : memref<64xi32, #tpu.memory_space<vmem>>, vector<16xi32>,
      %get3A_104 = vector.shape_cast %get3A_103 : vector<16xi32> to vector<16xi32>
      %add3A_105 = vector.broadcast %mul3A_23 : i32 to vector<16xi32>
      %add3A_106 = arith.addi %get3A_104, %add3A_105 : vector<16xi32>
      %swap3A_107 = arith.index_cast %mul3A_94 : i32 to index
      %swap3A_108 = tpu.vector_load %arg10[%swap3A_107] {strides = array<i32>} : memref<64xi32, #tpu.memory_space<vmem>>, vector<16xi32>,
      %swap3A_109 = vector.shape_cast %swap3A_108 : vector<16xi32> to vector<16xi32>
      %swap3A_110 = vector.shape_cast %add3A_106 : vector<16xi32> to vector<16xi32>
      tpu.vector_store %arg10[%swap3A_107], %swap3A_110 {strides = array<i32>} : memref<64xi32, #tpu.memory_space<vmem>>, vector<16xi32>,
    }
    %scan3A_44 = arith.constant 4 : i32
    %dma_start3A_45 = arith.constant 0 : i32
    %dma_start3A_46 = arith.constant 0 : i32
    %dma_start3A_47 = tpu.memref_slice %arg2[%dma_start3A_45, %dma_start3A_46] : memref<20000x128xf32, #tpu.memory_space<hbm>> -> memref<20000x128xf32, #tpu.memory_space<hbm>>
    tpu.enqueue_indirect_dma source(%dma_start3A_47 : memref<20000x128xf32, #tpu.memory_space<hbm>>) target(%arg14 : memref<64x128xf32, #tpu.memory_space<vmem>>) offsets(%arg8 : memref<64xi32, #tpu.memory_space<vmem>>) semaphore(%arg23 : memref<!tpu.dma_semaphore, #tpu.memory_space<semaphore_mem>>)
    %dma_start3A_48 = arith.constant 0 : i32
    %dma_start3A_49 = arith.constant 0 : i32
    %dma_start3A_50 = tpu.memref_slice %arg6[%dma_start3A_48, %dma_start3A_49] : memref<4096x128xf32, #tpu.memory_space<hbm>> -> memref<4096x128xf32, #tpu.memory_space<hbm>>
    tpu.enqueue_indirect_dma source(%dma_start3A_50 : memref<4096x128xf32, #tpu.memory_space<hbm>>) target(%arg15 : memref<64x128xf32, #tpu.memory_space<vmem>>) offsets(%arg10 : memref<64xi32, #tpu.memory_space<vmem>>) semaphore(%arg23 : memref<!tpu.dma_semaphore, #tpu.memory_space<semaphore_mem>>)
    %add3A_51 = arith.constant 64 : i32
    %add3A_52 = arith.addi %mul3A_16, %add3A_51 : i32
    %dma_start3A_53 = tpu.memref_slice %arg3[%add3A_52] : memref<163840xi32, #tpu.memory_space<hbm>> -> memref<64xi32, #tpu.memory_space<hbm>>
    %dma_start3A_54 = tpu.memref_slice %arg3[%add3A_52] : memref<163840xi32, #tpu.memory_space<hbm>> -> memref<64xi32, #tpu.memory_space<hbm>>
    tpu.enqueue_dma source(%dma_start3A_54 : memref<64xi32, #tpu.memory_space<hbm>>) target(%arg11 : memref<64xi32, #tpu.memory_space<vmem>>) target_semaphore(%arg20 : memref<!tpu.dma_semaphore, #tpu.memory_space<semaphore_mem>>)
    %dma_start3A_55 = tpu.memref_slice %arg5[%add3A_52] : memref<163840xi32, #tpu.memory_space<hbm>> -> memref<64xi32, #tpu.memory_space<hbm>>
    %dma_start3A_56 = tpu.memref_slice %arg5[%add3A_52] : memref<163840xi32, #tpu.memory_space<hbm>> -> memref<64xi32, #tpu.memory_space<hbm>>
    tpu.enqueue_dma source(%dma_start3A_56 : memref<64xi32, #tpu.memory_space<hbm>>) target(%arg13 : memref<64xi32, #tpu.memory_space<vmem>>) target_semaphore(%arg20 : memref<!tpu.dma_semaphore, #tpu.memory_space<semaphore_mem>>)
    %scan3A_57 = arith.constant true
    %scan3A_58 = arith.constant 0 : i32
    %scan3A_59 = arith.constant 80 : i32
    %scan3A_60 = arith.addi %scan3A_58, %scan3A_59 : i32
    %scan3A_61 = arith.constant 1 : i32
    scf.for %scan3A_88 = %scan3A_58 to %scan3A_60 step %scan3A_61  : i32 {
      %mul3A_89 = arith.constant 1 : i32
      %mul3A_90 = arith.muli %scan3A_88, %mul3A_89 : i32
      %add3A_91 = arith.constant 0 : i32
      %add3A_92 = arith.addi %add3A_91, %mul3A_90 : i32
      %lt3A = arith.constant 79 : i32
      %lt3A_93 = arith.cmpi slt, %add3A_92, %lt3A : i32
      %mul3A_94 = arith.constant 2 : i32
      %mul3A_95 = arith.muli %mul3A_94, %add3A_92 : i32
      %gt3A = arith.constant 0 : i32
      %gt3A_96 = arith.cmpi sgt, %add3A_92, %gt3A : i32
      %convert_element_type3A_97 = arith.extui %scan3A_57 : i1 to i32
      %cond3A_98 = arith.constant 0 : i32
      %cond3A_99 = arith.cmpi ne, %convert_element_type3A_97, %cond3A_98 : i32
      scf.if %cond3A_99 {
        %dma_wait3A_161 = arith.constant 0 : i32
        %dma_wait3A_162 = tpu.memref_slice %arg3[%dma_wait3A_161] : memref<163840xi32, #tpu.memory_space<hbm>> -> memref<64xi32, #tpu.memory_space<hbm>>
        %dma_wait3A_163 = arith.constant 0 : i32
        %dma_wait3A_164 = tpu.memref_slice %arg3[%dma_wait3A_163] : memref<163840xi32, #tpu.memory_space<hbm>> -> memref<64xi32, #tpu.memory_space<hbm>>
        tpu.wait_dma2 semaphore(%arg20 : memref<!tpu.dma_semaphore, #tpu.memory_space<semaphore_mem>>) src(%dma_wait3A_164 : memref<64xi32, #tpu.memory_space<hbm>>) dst(%arg11 : memref<64xi32, #tpu.memory_space<vmem>>)
        %dma_wait3A_165 = arith.constant 0 : i32
        %dma_wait3A_166 = tpu.memref_slice %arg5[%dma_wait3A_165] : memref<163840xi32, #tpu.memory_space<hbm>> -> memref<64xi32, #tpu.memory_space<hbm>>
        %dma_wait3A_167 = arith.constant 0 : i32
        %dma_wait3A_168 = tpu.memref_slice %arg5[%dma_wait3A_167] : memref<163840xi32, #tpu.memory_space<hbm>> -> memref<64xi32, #tpu.memory_space<hbm>>
        tpu.wait_dma2 semaphore(%arg20 : memref<!tpu.dma_semaphore, #tpu.memory_space<semaphore_mem>>) src(%dma_wait3A_168 : memref<64xi32, #tpu.memory_space<hbm>>) dst(%arg13 : memref<64xi32, #tpu.memory_space<vmem>>)
        %scan3A_169 = arith.constant 0 : i32
        %scan3A_170 = arith.constant 4 : i32
        %scan3A_171 = arith.addi %scan3A_169, %scan3A_170 : i32
        %scan3A_172 = arith.constant 1 : i32
        scf.for %scan3A_174 = %scan3A_169 to %scan3A_171 step %scan3A_172  : i32 {
          %mul3A_175 = arith.constant 1 : i32
          %mul3A_176 = arith.muli %scan3A_174, %mul3A_175 : i32
          %add3A_177 = arith.constant 0 : i32
          %add3A_178 = arith.addi %add3A_177, %mul3A_176 : i32
          %mul3A_179 = arith.constant 16 : i32
          %mul3A_180 = arith.muli %add3A_178, %mul3A_179 : i32
          %get3A = arith.index_cast %mul3A_180 : i32 to index
          %get3A_181 = tpu.vector_load %arg11[%get3A] {strides = array<i32>} : memref<64xi32, #tpu.memory_space<vmem>>, vector<16xi32>,
          %get3A_182 = vector.shape_cast %get3A_181 : vector<16xi32> to vector<16xi32>
          %add3A_183 = vector.broadcast %mul3A_18 : i32 to vector<16xi32>
          %add3A_184 = arith.addi %get3A_182, %add3A_183 : vector<16xi32>
          %swap3A = arith.index_cast %mul3A_180 : i32 to index
          %swap3A_185 = tpu.vector_load %arg11[%swap3A] {strides = array<i32>} : memref<64xi32, #tpu.memory_space<vmem>>, vector<16xi32>,
          %swap3A_186 = vector.shape_cast %swap3A_185 : vector<16xi32> to vector<16xi32>
          %swap3A_187 = vector.shape_cast %add3A_184 : vector<16xi32> to vector<16xi32>
          tpu.vector_store %arg11[%swap3A], %swap3A_187 {strides = array<i32>} : memref<64xi32, #tpu.memory_space<vmem>>, vector<16xi32>,
          %get3A_188 = arith.index_cast %mul3A_180 : i32 to index
          %get3A_189 = tpu.vector_load %arg13[%get3A_188] {strides = array<i32>} : memref<64xi32, #tpu.memory_space<vmem>>, vector<16xi32>,
          %get3A_190 = vector.shape_cast %get3A_189 : vector<16xi32> to vector<16xi32>
          %add3A_191 = vector.broadcast %mul3A_23 : i32 to vector<16xi32>
          %add3A_192 = arith.addi %get3A_190, %add3A_191 : vector<16xi32>
          %swap3A_193 = arith.index_cast %mul3A_180 : i32 to index
          %swap3A_194 = tpu.vector_load %arg13[%swap3A_193] {strides = array<i32>} : memref<64xi32, #tpu.memory_space<vmem>>, vector<16xi32>,
          %swap3A_195 = vector.shape_cast %swap3A_194 : vector<16xi32> to vector<16xi32>
          %swap3A_196 = vector.shape_cast %add3A_192 : vector<16xi32> to vector<16xi32>
          tpu.vector_store %arg13[%swap3A_193], %swap3A_196 {strides = array<i32>} : memref<64xi32, #tpu.memory_space<vmem>>, vector<16xi32>,
        }
        %scan3A_173 = arith.constant 4 : i32
      } else {
      }
      %convert_element_type3A_100 = arith.extui %gt3A_96 : i1 to i32
      %cond3A_101 = arith.constant 0 : i32
      %cond3A_102 = arith.cmpi ne, %convert_element_type3A_100, %cond3A_101 : i32
      scf.if %cond3A_102 {
        %dma_wait3A_161 = arith.constant 0 : i32
        %dma_wait3A_162 = arith.constant 0 : i32
        %dma_wait3A_163 = tpu.memref_slice %arg18[%dma_wait3A_161, %dma_wait3A_162] : memref<10400x128xf32, #tpu.memory_space<vmem_shared>> -> memref<10400x128xf32, #tpu.memory_space<vmem_shared>>
        tpu.wait_indirect_dma semaphore(%arg26 : memref<!tpu.dma_semaphore, #tpu.memory_space<semaphore_mem>>) src(%arg16 : memref<64x128xf32, #tpu.memory_space<vmem>>) dst(%dma_wait3A_163 : memref<10400x128xf32, #tpu.memory_space<vmem_shared>>)
      } else {
      }
      %convert_element_type3A_103 = arith.extui %scan3A_57 : i1 to i32
      %cond3A_104 = arith.constant 0 : i32
      %cond3A_105 = arith.cmpi ne, %convert_element_type3A_103, %cond3A_104 : i32
      scf.if %cond3A_105 {
        %add3A_161 = arith.constant 1 : i32
        %add3A_162 = arith.addi %mul3A_95, %add3A_161 : i32
        %mul3A_163 = arith.constant 64 : i32
        %mul3A_164 = arith.muli %add3A_162, %mul3A_163 : i32
        %add3A_165 = arith.addi %mul3A_16, %mul3A_164 : i32
        %dma_start3A_166 = tpu.memref_slice %arg4[%add3A_165] : memref<163840xi32, #tpu.memory_space<hbm>> -> memref<64xi32, #tpu.memory_space<hbm>>
        %dma_start3A_167 = tpu.memref_slice %arg4[%add3A_165] : memref<163840xi32, #tpu.memory_space<hbm>> -> memref<64xi32, #tpu.memory_space<hbm>>
        tpu.enqueue_dma source(%dma_start3A_167 : memref<64xi32, #tpu.memory_space<hbm>>) target(%arg12 : memref<64xi32, #tpu.memory_space<vmem>>) target_semaphore(%arg22 : memref<!tpu.dma_semaphore, #tpu.memory_space<semaphore_mem>>)
        %dma_start3A_168 = arith.constant 0 : i32
        %dma_start3A_169 = arith.constant 0 : i32
        %dma_start3A_170 = tpu.memref_slice %arg2[%dma_start3A_168, %dma_start3A_169] : memref<20000x128xf32, #tpu.memory_space<hbm>> -> memref<20000x128xf32, #tpu.memory_space<hbm>>
        tpu.enqueue_indirect_dma source(%dma_start3A_170 : memref<20000x128xf32, #tpu.memory_space<hbm>>) target(%arg16 : memref<64x128xf32, #tpu.memory_space<vmem>>) offsets(%arg11 : memref<64xi32, #tpu.memory_space<vmem>>) semaphore(%arg24 : memref<!tpu.dma_semaphore, #tpu.memory_space<semaphore_mem>>)
        %dma_start3A_171 = arith.constant 0 : i32
        %dma_start3A_172 = arith.constant 0 : i32
        %dma_start3A_173 = tpu.memref_slice %arg6[%dma_start3A_171, %dma_start3A_172] : memref<4096x128xf32, #tpu.memory_space<hbm>> -> memref<4096x128xf32, #tpu.memory_space<hbm>>
        tpu.enqueue_indirect_dma source(%dma_start3A_173 : memref<4096x128xf32, #tpu.memory_space<hbm>>) target(%arg17 : memref<64x128xf32, #tpu.memory_space<vmem>>) offsets(%arg13 : memref<64xi32, #tpu.memory_space<vmem>>) semaphore(%arg24 : memref<!tpu.dma_semaphore, #tpu.memory_space<semaphore_mem>>)
      } else {
      }
      %dma_wait3A_106 = arith.constant 0 : i32
      %dma_wait3A_107 = arith.constant 0 : i32
      %dma_wait3A_108 = tpu.memref_slice %arg2[%dma_wait3A_106, %dma_wait3A_107] : memref<20000x128xf32, #tpu.memory_space<hbm>> -> memref<20000x128xf32, #tpu.memory_space<hbm>>
      tpu.wait_indirect_dma semaphore(%arg23 : memref<!tpu.dma_semaphore, #tpu.memory_space<semaphore_mem>>) src(%dma_wait3A_108 : memref<20000x128xf32, #tpu.memory_space<hbm>>) dst(%arg14 : memref<64x128xf32, #tpu.memory_space<vmem>>)
      %dma_wait3A_109 = arith.constant 0 : i32
      %dma_wait3A_110 = arith.constant 0 : i32
      %dma_wait3A_111 = tpu.memref_slice %arg6[%dma_wait3A_109, %dma_wait3A_110] : memref<4096x128xf32, #tpu.memory_space<hbm>> -> memref<4096x128xf32, #tpu.memory_space<hbm>>
      tpu.wait_indirect_dma semaphore(%arg23 : memref<!tpu.dma_semaphore, #tpu.memory_space<semaphore_mem>>) src(%dma_wait3A_111 : memref<4096x128xf32, #tpu.memory_space<hbm>>) dst(%arg15 : memref<64x128xf32, #tpu.memory_space<vmem>>)
      %convert_element_type3A_112 = arith.extui %lt3A_93 : i1 to i32
      %cond3A_113 = arith.constant 0 : i32
      %cond3A_114 = arith.cmpi ne, %convert_element_type3A_112, %cond3A_113 : i32
      scf.if %cond3A_114 {
        %add3A_161 = arith.constant 2 : i32
        %add3A_162 = arith.addi %mul3A_95, %add3A_161 : i32
        %mul3A_163 = arith.constant 64 : i32
        %mul3A_164 = arith.muli %add3A_162, %mul3A_163 : i32
        %add3A_165 = arith.addi %mul3A_16, %mul3A_164 : i32
        %dma_start3A_166 = tpu.memref_slice %arg3[%add3A_165] : memref<163840xi32, #tpu.memory_space<hbm>> -> memref<64xi32, #tpu.memory_space<hbm>>
        %dma_start3A_167 = tpu.memref_slice %arg3[%add3A_165] : memref<163840xi32, #tpu.memory_space<hbm>> -> memref<64xi32, #tpu.memory_space<hbm>>
        tpu.enqueue_dma source(%dma_start3A_167 : memref<64xi32, #tpu.memory_space<hbm>>) target(%arg8 : memref<64xi32, #tpu.memory_space<vmem>>) target_semaphore(%arg19 : memref<!tpu.dma_semaphore, #tpu.memory_space<semaphore_mem>>)
        %dma_start3A_168 = tpu.memref_slice %arg5[%add3A_165] : memref<163840xi32, #tpu.memory_space<hbm>> -> memref<64xi32, #tpu.memory_space<hbm>>
        %dma_start3A_169 = tpu.memref_slice %arg5[%add3A_165] : memref<163840xi32, #tpu.memory_space<hbm>> -> memref<64xi32, #tpu.memory_space<hbm>>
        tpu.enqueue_dma source(%dma_start3A_169 : memref<64xi32, #tpu.memory_space<hbm>>) target(%arg10 : memref<64xi32, #tpu.memory_space<vmem>>) target_semaphore(%arg19 : memref<!tpu.dma_semaphore, #tpu.memory_space<semaphore_mem>>)
      } else {
      }
      %scan3A_115 = arith.constant 0 : i32
      %scan3A_116 = arith.constant 64 : i32
      %scan3A_117 = arith.addi %scan3A_115, %scan3A_116 : i32
      %scan3A_118 = arith.constant 1 : i32
      scf.for %scan3A_161 = %scan3A_115 to %scan3A_117 step %scan3A_118  : i32 {
        %mul3A_162 = arith.constant 1 : i32
        %mul3A_163 = arith.muli %scan3A_161, %mul3A_162 : i32
        %add3A_164 = arith.constant 0 : i32
        %add3A_165 = arith.addi %add3A_164, %mul3A_163 : i32
        %get3A = arith.index_cast %add3A_165 : i32 to index
        %get3A_166 = arith.constant 0 : index
        %get3A_167 = tpu.vector_load %arg14[%get3A, %get3A_166] {strides = array<i32>} : memref<64x128xf32, #tpu.memory_space<vmem>>, vector<1x16xf32>,
        %get3A_168 = vector.shape_cast %get3A_167 : vector<1x16xf32> to vector<16xf32>
        %get3A_169 = arith.index_cast %add3A_165 : i32 to index
        %get3A_170 = arith.constant 0 : index
        %get3A_171 = tpu.vector_load %arg15[%get3A_169, %get3A_170] {strides = array<i32>} : memref<64x128xf32, #tpu.memory_space<vmem>>, vector<1x16xf32>,
        %get3A_172 = vector.shape_cast %get3A_171 : vector<1x16xf32> to vector<16xf32>
        %mul3A_173 = arith.mulf %get3A_168, %get3A_172 : vector<16xf32>
        %swap3A = arith.index_cast %add3A_165 : i32 to index
        %swap3A_174 = arith.constant 0 : index
        %swap3A_175 = tpu.vector_load %arg14[%swap3A, %swap3A_174] {strides = array<i32>} : memref<64x128xf32, #tpu.memory_space<vmem>>, vector<1x16xf32>,
        %swap3A_176 = vector.shape_cast %swap3A_175 : vector<1x16xf32> to vector<16xf32>
        %swap3A_177 = vector.shape_cast %mul3A_173 : vector<16xf32> to vector<1x16xf32>
        tpu.vector_store %arg14[%swap3A, %swap3A_174], %swap3A_177 {strides = array<i32>} : memref<64x128xf32, #tpu.memory_space<vmem>>, vector<1x16xf32>,
        %get3A_178 = arith.index_cast %add3A_165 : i32 to index
        %get3A_179 = arith.constant 16 : index
        %get3A_180 = tpu.vector_load %arg14[%get3A_178, %get3A_179] {strides = array<i32>} : memref<64x128xf32, #tpu.memory_space<vmem>>, vector<1x16xf32>,
        %get3A_181 = vector.shape_cast %get3A_180 : vector<1x16xf32> to vector<16xf32>
        %get3A_182 = arith.index_cast %add3A_165 : i32 to index
        %get3A_183 = arith.constant 16 : index
        %get3A_184 = tpu.vector_load %arg15[%get3A_182, %get3A_183] {strides = array<i32>} : memref<64x128xf32, #tpu.memory_space<vmem>>, vector<1x16xf32>,
        %get3A_185 = vector.shape_cast %get3A_184 : vector<1x16xf32> to vector<16xf32>
        %mul3A_186 = arith.mulf %get3A_181, %get3A_185 : vector<16xf32>
        %swap3A_187 = arith.index_cast %add3A_165 : i32 to index
        %swap3A_188 = arith.constant 16 : index
        %swap3A_189 = tpu.vector_load %arg14[%swap3A_187, %swap3A_188] {strides = array<i32>} : memref<64x128xf32, #tpu.memory_space<vmem>>, vector<1x16xf32>,
        %swap3A_190 = vector.shape_cast %swap3A_189 : vector<1x16xf32> to vector<16xf32>
        %swap3A_191 = vector.shape_cast %mul3A_186 : vector<16xf32> to vector<1x16xf32>
        tpu.vector_store %arg14[%swap3A_187, %swap3A_188], %swap3A_191 {strides = array<i32>} : memref<64x128xf32, #tpu.memory_space<vmem>>, vector<1x16xf32>,
        %get3A_192 = arith.index_cast %add3A_165 : i32 to index
        %get3A_193 = arith.constant 32 : index
        %get3A_194 = tpu.vector_load %arg14[%get3A_192, %get3A_193] {strides = array<i32>} : memref<64x128xf32, #tpu.memory_space<vmem>>, vector<1x16xf32>,
        %get3A_195 = vector.shape_cast %get3A_194 : vector<1x16xf32> to vector<16xf32>
        %get3A_196 = arith.index_cast %add3A_165 : i32 to index
        %get3A_197 = arith.constant 32 : index
        %get3A_198 = tpu.vector_load %arg15[%get3A_196, %get3A_197] {strides = array<i32>} : memref<64x128xf32, #tpu.memory_space<vmem>>, vector<1x16xf32>,
        %get3A_199 = vector.shape_cast %get3A_198 : vector<1x16xf32> to vector<16xf32>
        %mul3A_200 = arith.mulf %get3A_195, %get3A_199 : vector<16xf32>
        %swap3A_201 = arith.index_cast %add3A_165 : i32 to index
        %swap3A_202 = arith.constant 32 : index
        %swap3A_203 = tpu.vector_load %arg14[%swap3A_201, %swap3A_202] {strides = array<i32>} : memref<64x128xf32, #tpu.memory_space<vmem>>, vector<1x16xf32>,
        %swap3A_204 = vector.shape_cast %swap3A_203 : vector<1x16xf32> to vector<16xf32>
        %swap3A_205 = vector.shape_cast %mul3A_200 : vector<16xf32> to vector<1x16xf32>
        tpu.vector_store %arg14[%swap3A_201, %swap3A_202], %swap3A_205 {strides = array<i32>} : memref<64x128xf32, #tpu.memory_space<vmem>>, vector<1x16xf32>,
        %get3A_206 = arith.index_cast %add3A_165 : i32 to index
        %get3A_207 = arith.constant 48 : index
        %get3A_208 = tpu.vector_load %arg14[%get3A_206, %get3A_207] {strides = array<i32>} : memref<64x128xf32, #tpu.memory_space<vmem>>, vector<1x16xf32>,
        %get3A_209 = vector.shape_cast %get3A_208 : vector<1x16xf32> to vector<16xf32>
        %get3A_210 = arith.index_cast %add3A_165 : i32 to index
        %get3A_211 = arith.constant 48 : index
        %get3A_212 = tpu.vector_load %arg15[%get3A_210, %get3A_211] {strides = array<i32>} : memref<64x128xf32, #tpu.memory_space<vmem>>, vector<1x16xf32>,
        %get3A_213 = vector.shape_cast %get3A_212 : vector<1x16xf32> to vector<16xf32>
        %mul3A_214 = arith.mulf %get3A_209, %get3A_213 : vector<16xf32>
        %swap3A_215 = arith.index_cast %add3A_165 : i32 to index
        %swap3A_216 = arith.constant 48 : index
        %swap3A_217 = tpu.vector_load %arg14[%swap3A_215, %swap3A_216] {strides = array<i32>} : memref<64x128xf32, #tpu.memory_space<vmem>>, vector<1x16xf32>,
        %swap3A_218 = vector.shape_cast %swap3A_217 : vector<1x16xf32> to vector<16xf32>
        %swap3A_219 = vector.shape_cast %mul3A_214 : vector<16xf32> to vector<1x16xf32>
        tpu.vector_store %arg14[%swap3A_215, %swap3A_216], %swap3A_219 {strides = array<i32>} : memref<64x128xf32, #tpu.memory_space<vmem>>, vector<1x16xf32>,
        %get3A_220 = arith.index_cast %add3A_165 : i32 to index
        %get3A_221 = arith.constant 64 : index
        %get3A_222 = tpu.vector_load %arg14[%get3A_220, %get3A_221] {strides = array<i32>} : memref<64x128xf32, #tpu.memory_space<vmem>>, vector<1x16xf32>,
        %get3A_223 = vector.shape_cast %get3A_222 : vector<1x16xf32> to vector<16xf32>
        %get3A_224 = arith.index_cast %add3A_165 : i32 to index
        %get3A_225 = arith.constant 64 : index
        %get3A_226 = tpu.vector_load %arg15[%get3A_224, %get3A_225] {strides = array<i32>} : memref<64x128xf32, #tpu.memory_space<vmem>>, vector<1x16xf32>,
        %get3A_227 = vector.shape_cast %get3A_226 : vector<1x16xf32> to vector<16xf32>
        %mul3A_228 = arith.mulf %get3A_223, %get3A_227 : vector<16xf32>
        %swap3A_229 = arith.index_cast %add3A_165 : i32 to index
        %swap3A_230 = arith.constant 64 : index
        %swap3A_231 = tpu.vector_load %arg14[%swap3A_229, %swap3A_230] {strides = array<i32>} : memref<64x128xf32, #tpu.memory_space<vmem>>, vector<1x16xf32>,
        %swap3A_232 = vector.shape_cast %swap3A_231 : vector<1x16xf32> to vector<16xf32>
        %swap3A_233 = vector.shape_cast %mul3A_228 : vector<16xf32> to vector<1x16xf32>
        tpu.vector_store %arg14[%swap3A_229, %swap3A_230], %swap3A_233 {strides = array<i32>} : memref<64x128xf32, #tpu.memory_space<vmem>>, vector<1x16xf32>,
        %get3A_234 = arith.index_cast %add3A_165 : i32 to index
        %get3A_235 = arith.constant 80 : index
        %get3A_236 = tpu.vector_load %arg14[%get3A_234, %get3A_235] {strides = array<i32>} : memref<64x128xf32, #tpu.memory_space<vmem>>, vector<1x16xf32>,
        %get3A_237 = vector.shape_cast %get3A_236 : vector<1x16xf32> to vector<16xf32>
        %get3A_238 = arith.index_cast %add3A_165 : i32 to index
        %get3A_239 = arith.constant 80 : index
        %get3A_240 = tpu.vector_load %arg15[%get3A_238, %get3A_239] {strides = array<i32>} : memref<64x128xf32, #tpu.memory_space<vmem>>, vector<1x16xf32>,
        %get3A_241 = vector.shape_cast %get3A_240 : vector<1x16xf32> to vector<16xf32>
        %mul3A_242 = arith.mulf %get3A_237, %get3A_241 : vector<16xf32>
        %swap3A_243 = arith.index_cast %add3A_165 : i32 to index
        %swap3A_244 = arith.constant 80 : index
        %swap3A_245 = tpu.vector_load %arg14[%swap3A_243, %swap3A_244] {strides = array<i32>} : memref<64x128xf32, #tpu.memory_space<vmem>>, vector<1x16xf32>,
        %swap3A_246 = vector.shape_cast %swap3A_245 : vector<1x16xf32> to vector<16xf32>
        %swap3A_247 = vector.shape_cast %mul3A_242 : vector<16xf32> to vector<1x16xf32>
        tpu.vector_store %arg14[%swap3A_243, %swap3A_244], %swap3A_247 {strides = array<i32>} : memref<64x128xf32, #tpu.memory_space<vmem>>, vector<1x16xf32>,
        %get3A_248 = arith.index_cast %add3A_165 : i32 to index
        %get3A_249 = arith.constant 96 : index
        %get3A_250 = tpu.vector_load %arg14[%get3A_248, %get3A_249] {strides = array<i32>} : memref<64x128xf32, #tpu.memory_space<vmem>>, vector<1x16xf32>,
        %get3A_251 = vector.shape_cast %get3A_250 : vector<1x16xf32> to vector<16xf32>
        %get3A_252 = arith.index_cast %add3A_165 : i32 to index
        %get3A_253 = arith.constant 96 : index
        %get3A_254 = tpu.vector_load %arg15[%get3A_252, %get3A_253] {strides = array<i32>} : memref<64x128xf32, #tpu.memory_space<vmem>>, vector<1x16xf32>,
        %get3A_255 = vector.shape_cast %get3A_254 : vector<1x16xf32> to vector<16xf32>
        %mul3A_256 = arith.mulf %get3A_251, %get3A_255 : vector<16xf32>
        %swap3A_257 = arith.index_cast %add3A_165 : i32 to index
        %swap3A_258 = arith.constant 96 : index
        %swap3A_259 = tpu.vector_load %arg14[%swap3A_257, %swap3A_258] {strides = array<i32>} : memref<64x128xf32, #tpu.memory_space<vmem>>, vector<1x16xf32>,
        %swap3A_260 = vector.shape_cast %swap3A_259 : vector<1x16xf32> to vector<16xf32>
        %swap3A_261 = vector.shape_cast %mul3A_256 : vector<16xf32> to vector<1x16xf32>
        tpu.vector_store %arg14[%swap3A_257, %swap3A_258], %swap3A_261 {strides = array<i32>} : memref<64x128xf32, #tpu.memory_space<vmem>>, vector<1x16xf32>,
        %get3A_262 = arith.index_cast %add3A_165 : i32 to index
        %get3A_263 = arith.constant 112 : index
        %get3A_264 = tpu.vector_load %arg14[%get3A_262, %get3A_263] {strides = array<i32>} : memref<64x128xf32, #tpu.memory_space<vmem>>, vector<1x16xf32>,
        %get3A_265 = vector.shape_cast %get3A_264 : vector<1x16xf32> to vector<16xf32>
        %get3A_266 = arith.index_cast %add3A_165 : i32 to index
        %get3A_267 = arith.constant 112 : index
        %get3A_268 = tpu.vector_load %arg15[%get3A_266, %get3A_267] {strides = array<i32>} : memref<64x128xf32, #tpu.memory_space<vmem>>, vector<1x16xf32>,
        %get3A_269 = vector.shape_cast %get3A_268 : vector<1x16xf32> to vector<16xf32>
        %mul3A_270 = arith.mulf %get3A_265, %get3A_269 : vector<16xf32>
        %swap3A_271 = arith.index_cast %add3A_165 : i32 to index
        %swap3A_272 = arith.constant 112 : index
        %swap3A_273 = tpu.vector_load %arg14[%swap3A_271, %swap3A_272] {strides = array<i32>} : memref<64x128xf32, #tpu.memory_space<vmem>>, vector<1x16xf32>,
        %swap3A_274 = vector.shape_cast %swap3A_273 : vector<1x16xf32> to vector<16xf32>
        %swap3A_275 = vector.shape_cast %mul3A_270 : vector<16xf32> to vector<1x16xf32>
        tpu.vector_store %arg14[%swap3A_271, %swap3A_272], %swap3A_275 {strides = array<i32>} : memref<64x128xf32, #tpu.memory_space<vmem>>, vector<1x16xf32>,
      }
      %scan3A_119 = arith.constant 64 : i32
      %dma_wait3A_120 = arith.constant 0 : i32
      %dma_wait3A_121 = tpu.memref_slice %arg4[%dma_wait3A_120] : memref<163840xi32, #tpu.memory_space<hbm>> -> memref<64xi32, #tpu.memory_space<hbm>>
      %dma_wait3A_122 = arith.constant 0 : i32
      %dma_wait3A_123 = tpu.memref_slice %arg4[%dma_wait3A_122] : memref<163840xi32, #tpu.memory_space<hbm>> -> memref<64xi32, #tpu.memory_space<hbm>>
      tpu.wait_dma2 semaphore(%arg21 : memref<!tpu.dma_semaphore, #tpu.memory_space<semaphore_mem>>) src(%dma_wait3A_123 : memref<64xi32, #tpu.memory_space<hbm>>) dst(%arg9 : memref<64xi32, #tpu.memory_space<vmem>>)
      %dma_start3A_124 = arith.constant 0 : i32
      %dma_start3A_125 = arith.constant 0 : i32
      %dma_start3A_126 = tpu.memref_slice %arg18[%dma_start3A_124, %dma_start3A_125] : memref<10400x128xf32, #tpu.memory_space<vmem_shared>> -> memref<10400x128xf32, #tpu.memory_space<vmem_shared>>
      tpu.enqueue_indirect_dma source(%arg14 : memref<64x128xf32, #tpu.memory_space<vmem>>) target(%dma_start3A_126 : memref<10400x128xf32, #tpu.memory_space<vmem_shared>>) offsets(%arg9 : memref<64xi32, #tpu.memory_space<vmem>>) semaphore(%arg25 : memref<!tpu.dma_semaphore, #tpu.memory_space<semaphore_mem>>) {add = true}
      %mul3A_127 = arith.constant 2 : i32
      %mul3A_128 = arith.muli %mul3A_127, %add3A_92 : i32
      %add3A_129 = arith.constant 1 : i32
      %add3A_130 = arith.addi %mul3A_128, %add3A_129 : i32
      %convert_element_type3A_131 = arith.extui %lt3A_93 : i1 to i32
      %cond3A_132 = arith.constant 0 : i32
      %cond3A_133 = arith.cmpi ne, %convert_element_type3A_131, %cond3A_132 : i32
      scf.if %cond3A_133 {
        %dma_wait3A_161 = arith.constant 0 : i32
        %dma_wait3A_162 = tpu.memref_slice %arg3[%dma_wait3A_161] : memref<163840xi32, #tpu.memory_space<hbm>> -> memref<64xi32, #tpu.memory_space<hbm>>
        %dma_wait3A_163 = arith.constant 0 : i32
        %dma_wait3A_164 = tpu.memref_slice %arg3[%dma_wait3A_163] : memref<163840xi32, #tpu.memory_space<hbm>> -> memref<64xi32, #tpu.memory_space<hbm>>
        tpu.wait_dma2 semaphore(%arg19 : memref<!tpu.dma_semaphore, #tpu.memory_space<semaphore_mem>>) src(%dma_wait3A_164 : memref<64xi32, #tpu.memory_space<hbm>>) dst(%arg8 : memref<64xi32, #tpu.memory_space<vmem>>)
        %dma_wait3A_165 = arith.constant 0 : i32
        %dma_wait3A_166 = tpu.memref_slice %arg5[%dma_wait3A_165] : memref<163840xi32, #tpu.memory_space<hbm>> -> memref<64xi32, #tpu.memory_space<hbm>>
        %dma_wait3A_167 = arith.constant 0 : i32
        %dma_wait3A_168 = tpu.memref_slice %arg5[%dma_wait3A_167] : memref<163840xi32, #tpu.memory_space<hbm>> -> memref<64xi32, #tpu.memory_space<hbm>>
        tpu.wait_dma2 semaphore(%arg19 : memref<!tpu.dma_semaphore, #tpu.memory_space<semaphore_mem>>) src(%dma_wait3A_168 : memref<64xi32, #tpu.memory_space<hbm>>) dst(%arg10 : memref<64xi32, #tpu.memory_space<vmem>>)
        %scan3A_169 = arith.constant 0 : i32
        %scan3A_170 = arith.constant 4 : i32
        %scan3A_171 = arith.addi %scan3A_169, %scan3A_170 : i32
        %scan3A_172 = arith.constant 1 : i32
        scf.for %scan3A_174 = %scan3A_169 to %scan3A_171 step %scan3A_172  : i32 {
          %mul3A_175 = arith.constant 1 : i32
          %mul3A_176 = arith.muli %scan3A_174, %mul3A_175 : i32
          %add3A_177 = arith.constant 0 : i32
          %add3A_178 = arith.addi %add3A_177, %mul3A_176 : i32
          %mul3A_179 = arith.constant 16 : i32
          %mul3A_180 = arith.muli %add3A_178, %mul3A_179 : i32
          %get3A = arith.index_cast %mul3A_180 : i32 to index
          %get3A_181 = tpu.vector_load %arg8[%get3A] {strides = array<i32>} : memref<64xi32, #tpu.memory_space<vmem>>, vector<16xi32>,
          %get3A_182 = vector.shape_cast %get3A_181 : vector<16xi32> to vector<16xi32>
          %add3A_183 = vector.broadcast %mul3A_18 : i32 to vector<16xi32>
          %add3A_184 = arith.addi %get3A_182, %add3A_183 : vector<16xi32>
          %swap3A = arith.index_cast %mul3A_180 : i32 to index
          %swap3A_185 = tpu.vector_load %arg8[%swap3A] {strides = array<i32>} : memref<64xi32, #tpu.memory_space<vmem>>, vector<16xi32>,
          %swap3A_186 = vector.shape_cast %swap3A_185 : vector<16xi32> to vector<16xi32>
          %swap3A_187 = vector.shape_cast %add3A_184 : vector<16xi32> to vector<16xi32>
          tpu.vector_store %arg8[%swap3A], %swap3A_187 {strides = array<i32>} : memref<64xi32, #tpu.memory_space<vmem>>, vector<16xi32>,
          %get3A_188 = arith.index_cast %mul3A_180 : i32 to index
          %get3A_189 = tpu.vector_load %arg10[%get3A_188] {strides = array<i32>} : memref<64xi32, #tpu.memory_space<vmem>>, vector<16xi32>,
          %get3A_190 = vector.shape_cast %get3A_189 : vector<16xi32> to vector<16xi32>
          %add3A_191 = vector.broadcast %mul3A_23 : i32 to vector<16xi32>
          %add3A_192 = arith.addi %get3A_190, %add3A_191 : vector<16xi32>
          %swap3A_193 = arith.index_cast %mul3A_180 : i32 to index
          %swap3A_194 = tpu.vector_load %arg10[%swap3A_193] {strides = array<i32>} : memref<64xi32, #tpu.memory_space<vmem>>, vector<16xi32>,
          %swap3A_195 = vector.shape_cast %swap3A_194 : vector<16xi32> to vector<16xi32>
          %swap3A_196 = vector.shape_cast %add3A_192 : vector<16xi32> to vector<16xi32>
          tpu.vector_store %arg10[%swap3A_193], %swap3A_196 {strides = array<i32>} : memref<64xi32, #tpu.memory_space<vmem>>, vector<16xi32>,
        }
        %scan3A_173 = arith.constant 4 : i32
      } else {
      }
      %convert_element_type3A_134 = arith.extui %scan3A_57 : i1 to i32
      %cond3A_135 = arith.constant 0 : i32
      %cond3A_136 = arith.cmpi ne, %convert_element_type3A_134, %cond3A_135 : i32
      scf.if %cond3A_136 {
        %dma_wait3A_161 = arith.constant 0 : i32
        %dma_wait3A_162 = arith.constant 0 : i32
        %dma_wait3A_163 = tpu.memref_slice %arg18[%dma_wait3A_161, %dma_wait3A_162] : memref<10400x128xf32, #tpu.memory_space<vmem_shared>> -> memref<10400x128xf32, #tpu.memory_space<vmem_shared>>
        tpu.wait_indirect_dma semaphore(%arg25 : memref<!tpu.dma_semaphore, #tpu.memory_space<semaphore_mem>>) src(%arg14 : memref<64x128xf32, #tpu.memory_space<vmem>>) dst(%dma_wait3A_163 : memref<10400x128xf32, #tpu.memory_space<vmem_shared>>)
      } else {
      }
      %convert_element_type3A_137 = arith.extui %lt3A_93 : i1 to i32
      %cond3A_138 = arith.constant 0 : i32
      %cond3A_139 = arith.cmpi ne, %convert_element_type3A_137, %cond3A_138 : i32
      scf.if %cond3A_139 {
        %add3A_161 = arith.constant 1 : i32
        %add3A_162 = arith.addi %add3A_130, %add3A_161 : i32
        %mul3A_163 = arith.constant 64 : i32
        %mul3A_164 = arith.muli %add3A_162, %mul3A_163 : i32
        %add3A_165 = arith.addi %mul3A_16, %mul3A_164 : i32
        %dma_start3A_166 = tpu.memref_slice %arg4[%add3A_165] : memref<163840xi32, #tpu.memory_space<hbm>> -> memref<64xi32, #tpu.memory_space<hbm>>
        %dma_start3A_167 = tpu.memref_slice %arg4[%add3A_165] : memref<163840xi32, #tpu.memory_space<hbm>> -> memref<64xi32, #tpu.memory_space<hbm>>
        tpu.enqueue_dma source(%dma_start3A_167 : memref<64xi32, #tpu.memory_space<hbm>>) target(%arg9 : memref<64xi32, #tpu.memory_space<vmem>>) target_semaphore(%arg21 : memref<!tpu.dma_semaphore, #tpu.memory_space<semaphore_mem>>)
        %dma_start3A_168 = arith.constant 0 : i32
        %dma_start3A_169 = arith.constant 0 : i32
        %dma_start3A_170 = tpu.memref_slice %arg2[%dma_start3A_168, %dma_start3A_169] : memref<20000x128xf32, #tpu.memory_space<hbm>> -> memref<20000x128xf32, #tpu.memory_space<hbm>>
        tpu.enqueue_indirect_dma source(%dma_start3A_170 : memref<20000x128xf32, #tpu.memory_space<hbm>>) target(%arg14 : memref<64x128xf32, #tpu.memory_space<vmem>>) offsets(%arg8 : memref<64xi32, #tpu.memory_space<vmem>>) semaphore(%arg23 : memref<!tpu.dma_semaphore, #tpu.memory_space<semaphore_mem>>)
        %dma_start3A_171 = arith.constant 0 : i32
        %dma_start3A_172 = arith.constant 0 : i32
        %dma_start3A_173 = tpu.memref_slice %arg6[%dma_start3A_171, %dma_start3A_172] : memref<4096x128xf32, #tpu.memory_space<hbm>> -> memref<4096x128xf32, #tpu.memory_space<hbm>>
        tpu.enqueue_indirect_dma source(%dma_start3A_173 : memref<4096x128xf32, #tpu.memory_space<hbm>>) target(%arg15 : memref<64x128xf32, #tpu.memory_space<vmem>>) offsets(%arg10 : memref<64xi32, #tpu.memory_space<vmem>>) semaphore(%arg23 : memref<!tpu.dma_semaphore, #tpu.memory_space<semaphore_mem>>)
      } else {
      }
      %dma_wait3A_140 = arith.constant 0 : i32
      %dma_wait3A_141 = arith.constant 0 : i32
      %dma_wait3A_142 = tpu.memref_slice %arg2[%dma_wait3A_140, %dma_wait3A_141] : memref<20000x128xf32, #tpu.memory_space<hbm>> -> memref<20000x128xf32, #tpu.memory_space<hbm>>
      tpu.wait_indirect_dma semaphore(%arg24 : memref<!tpu.dma_semaphore, #tpu.memory_space<semaphore_mem>>) src(%dma_wait3A_142 : memref<20000x128xf32, #tpu.memory_space<hbm>>) dst(%arg16 : memref<64x128xf32, #tpu.memory_space<vmem>>)
      %dma_wait3A_143 = arith.constant 0 : i32
      %dma_wait3A_144 = arith.constant 0 : i32
      %dma_wait3A_145 = tpu.memref_slice %arg6[%dma_wait3A_143, %dma_wait3A_144] : memref<4096x128xf32, #tpu.memory_space<hbm>> -> memref<4096x128xf32, #tpu.memory_space<hbm>>
      tpu.wait_indirect_dma semaphore(%arg24 : memref<!tpu.dma_semaphore, #tpu.memory_space<semaphore_mem>>) src(%dma_wait3A_145 : memref<4096x128xf32, #tpu.memory_space<hbm>>) dst(%arg17 : memref<64x128xf32, #tpu.memory_space<vmem>>)
      %convert_element_type3A_146 = arith.extui %lt3A_93 : i1 to i32
      %cond3A_147 = arith.constant 0 : i32
      %cond3A_148 = arith.cmpi ne, %convert_element_type3A_146, %cond3A_147 : i32
      scf.if %cond3A_148 {
        %add3A_161 = arith.constant 2 : i32
        %add3A_162 = arith.addi %add3A_130, %add3A_161 : i32
        %mul3A_163 = arith.constant 64 : i32
        %mul3A_164 = arith.muli %add3A_162, %mul3A_163 : i32
        %add3A_165 = arith.addi %mul3A_16, %mul3A_164 : i32
        %dma_start3A_166 = tpu.memref_slice %arg3[%add3A_165] : memref<163840xi32, #tpu.memory_space<hbm>> -> memref<64xi32, #tpu.memory_space<hbm>>
        %dma_start3A_167 = tpu.memref_slice %arg3[%add3A_165] : memref<163840xi32, #tpu.memory_space<hbm>> -> memref<64xi32, #tpu.memory_space<hbm>>
        tpu.enqueue_dma source(%dma_start3A_167 : memref<64xi32, #tpu.memory_space<hbm>>) target(%arg11 : memref<64xi32, #tpu.memory_space<vmem>>) target_semaphore(%arg20 : memref<!tpu.dma_semaphore, #tpu.memory_space<semaphore_mem>>)
        %dma_start3A_168 = tpu.memref_slice %arg5[%add3A_165] : memref<163840xi32, #tpu.memory_space<hbm>> -> memref<64xi32, #tpu.memory_space<hbm>>
        %dma_start3A_169 = tpu.memref_slice %arg5[%add3A_165] : memref<163840xi32, #tpu.memory_space<hbm>> -> memref<64xi32, #tpu.memory_space<hbm>>
        tpu.enqueue_dma source(%dma_start3A_169 : memref<64xi32, #tpu.memory_space<hbm>>) target(%arg13 : memref<64xi32, #tpu.memory_space<vmem>>) target_semaphore(%arg20 : memref<!tpu.dma_semaphore, #tpu.memory_space<semaphore_mem>>)
      } else {
      }
      %scan3A_149 = arith.constant 0 : i32
      %scan3A_150 = arith.constant 64 : i32
      %scan3A_151 = arith.addi %scan3A_149, %scan3A_150 : i32
      %scan3A_152 = arith.constant 1 : i32
      scf.for %scan3A_161 = %scan3A_149 to %scan3A_151 step %scan3A_152  : i32 {
        %mul3A_162 = arith.constant 1 : i32
        %mul3A_163 = arith.muli %scan3A_161, %mul3A_162 : i32
        %add3A_164 = arith.constant 0 : i32
        %add3A_165 = arith.addi %add3A_164, %mul3A_163 : i32
        %get3A = arith.index_cast %add3A_165 : i32 to index
        %get3A_166 = arith.constant 0 : index
        %get3A_167 = tpu.vector_load %arg16[%get3A, %get3A_166] {strides = array<i32>} : memref<64x128xf32, #tpu.memory_space<vmem>>, vector<1x16xf32>,
        %get3A_168 = vector.shape_cast %get3A_167 : vector<1x16xf32> to vector<16xf32>
        %get3A_169 = arith.index_cast %add3A_165 : i32 to index
        %get3A_170 = arith.constant 0 : index
        %get3A_171 = tpu.vector_load %arg17[%get3A_169, %get3A_170] {strides = array<i32>} : memref<64x128xf32, #tpu.memory_space<vmem>>, vector<1x16xf32>,
        %get3A_172 = vector.shape_cast %get3A_171 : vector<1x16xf32> to vector<16xf32>
        %mul3A_173 = arith.mulf %get3A_168, %get3A_172 : vector<16xf32>
        %swap3A = arith.index_cast %add3A_165 : i32 to index
        %swap3A_174 = arith.constant 0 : index
        %swap3A_175 = tpu.vector_load %arg16[%swap3A, %swap3A_174] {strides = array<i32>} : memref<64x128xf32, #tpu.memory_space<vmem>>, vector<1x16xf32>,
        %swap3A_176 = vector.shape_cast %swap3A_175 : vector<1x16xf32> to vector<16xf32>
        %swap3A_177 = vector.shape_cast %mul3A_173 : vector<16xf32> to vector<1x16xf32>
        tpu.vector_store %arg16[%swap3A, %swap3A_174], %swap3A_177 {strides = array<i32>} : memref<64x128xf32, #tpu.memory_space<vmem>>, vector<1x16xf32>,
        %get3A_178 = arith.index_cast %add3A_165 : i32 to index
        %get3A_179 = arith.constant 16 : index
        %get3A_180 = tpu.vector_load %arg16[%get3A_178, %get3A_179] {strides = array<i32>} : memref<64x128xf32, #tpu.memory_space<vmem>>, vector<1x16xf32>,
        %get3A_181 = vector.shape_cast %get3A_180 : vector<1x16xf32> to vector<16xf32>
        %get3A_182 = arith.index_cast %add3A_165 : i32 to index
        %get3A_183 = arith.constant 16 : index
        %get3A_184 = tpu.vector_load %arg17[%get3A_182, %get3A_183] {strides = array<i32>} : memref<64x128xf32, #tpu.memory_space<vmem>>, vector<1x16xf32>,
        %get3A_185 = vector.shape_cast %get3A_184 : vector<1x16xf32> to vector<16xf32>
        %mul3A_186 = arith.mulf %get3A_181, %get3A_185 : vector<16xf32>
        %swap3A_187 = arith.index_cast %add3A_165 : i32 to index
        %swap3A_188 = arith.constant 16 : index
        %swap3A_189 = tpu.vector_load %arg16[%swap3A_187, %swap3A_188] {strides = array<i32>} : memref<64x128xf32, #tpu.memory_space<vmem>>, vector<1x16xf32>,
        %swap3A_190 = vector.shape_cast %swap3A_189 : vector<1x16xf32> to vector<16xf32>
        %swap3A_191 = vector.shape_cast %mul3A_186 : vector<16xf32> to vector<1x16xf32>
        tpu.vector_store %arg16[%swap3A_187, %swap3A_188], %swap3A_191 {strides = array<i32>} : memref<64x128xf32, #tpu.memory_space<vmem>>, vector<1x16xf32>,
        %get3A_192 = arith.index_cast %add3A_165 : i32 to index
        %get3A_193 = arith.constant 32 : index
        %get3A_194 = tpu.vector_load %arg16[%get3A_192, %get3A_193] {strides = array<i32>} : memref<64x128xf32, #tpu.memory_space<vmem>>, vector<1x16xf32>,
        %get3A_195 = vector.shape_cast %get3A_194 : vector<1x16xf32> to vector<16xf32>
        %get3A_196 = arith.index_cast %add3A_165 : i32 to index
        %get3A_197 = arith.constant 32 : index
        %get3A_198 = tpu.vector_load %arg17[%get3A_196, %get3A_197] {strides = array<i32>} : memref<64x128xf32, #tpu.memory_space<vmem>>, vector<1x16xf32>,
        %get3A_199 = vector.shape_cast %get3A_198 : vector<1x16xf32> to vector<16xf32>
        %mul3A_200 = arith.mulf %get3A_195, %get3A_199 : vector<16xf32>
        %swap3A_201 = arith.index_cast %add3A_165 : i32 to index
        %swap3A_202 = arith.constant 32 : index
        %swap3A_203 = tpu.vector_load %arg16[%swap3A_201, %swap3A_202] {strides = array<i32>} : memref<64x128xf32, #tpu.memory_space<vmem>>, vector<1x16xf32>,
        %swap3A_204 = vector.shape_cast %swap3A_203 : vector<1x16xf32> to vector<16xf32>
        %swap3A_205 = vector.shape_cast %mul3A_200 : vector<16xf32> to vector<1x16xf32>
        tpu.vector_store %arg16[%swap3A_201, %swap3A_202], %swap3A_205 {strides = array<i32>} : memref<64x128xf32, #tpu.memory_space<vmem>>, vector<1x16xf32>,
        %get3A_206 = arith.index_cast %add3A_165 : i32 to index
        %get3A_207 = arith.constant 48 : index
        %get3A_208 = tpu.vector_load %arg16[%get3A_206, %get3A_207] {strides = array<i32>} : memref<64x128xf32, #tpu.memory_space<vmem>>, vector<1x16xf32>,
        %get3A_209 = vector.shape_cast %get3A_208 : vector<1x16xf32> to vector<16xf32>
        %get3A_210 = arith.index_cast %add3A_165 : i32 to index
        %get3A_211 = arith.constant 48 : index
        %get3A_212 = tpu.vector_load %arg17[%get3A_210, %get3A_211] {strides = array<i32>} : memref<64x128xf32, #tpu.memory_space<vmem>>, vector<1x16xf32>,
        %get3A_213 = vector.shape_cast %get3A_212 : vector<1x16xf32> to vector<16xf32>
        %mul3A_214 = arith.mulf %get3A_209, %get3A_213 : vector<16xf32>
        %swap3A_215 = arith.index_cast %add3A_165 : i32 to index
        %swap3A_216 = arith.constant 48 : index
        %swap3A_217 = tpu.vector_load %arg16[%swap3A_215, %swap3A_216] {strides = array<i32>} : memref<64x128xf32, #tpu.memory_space<vmem>>, vector<1x16xf32>,
        %swap3A_218 = vector.shape_cast %swap3A_217 : vector<1x16xf32> to vector<16xf32>
        %swap3A_219 = vector.shape_cast %mul3A_214 : vector<16xf32> to vector<1x16xf32>
        tpu.vector_store %arg16[%swap3A_215, %swap3A_216], %swap3A_219 {strides = array<i32>} : memref<64x128xf32, #tpu.memory_space<vmem>>, vector<1x16xf32>,
        %get3A_220 = arith.index_cast %add3A_165 : i32 to index
        %get3A_221 = arith.constant 64 : index
        %get3A_222 = tpu.vector_load %arg16[%get3A_220, %get3A_221] {strides = array<i32>} : memref<64x128xf32, #tpu.memory_space<vmem>>, vector<1x16xf32>,
        %get3A_223 = vector.shape_cast %get3A_222 : vector<1x16xf32> to vector<16xf32>
        %get3A_224 = arith.index_cast %add3A_165 : i32 to index
        %get3A_225 = arith.constant 64 : index
        %get3A_226 = tpu.vector_load %arg17[%get3A_224, %get3A_225] {strides = array<i32>} : memref<64x128xf32, #tpu.memory_space<vmem>>, vector<1x16xf32>,
        %get3A_227 = vector.shape_cast %get3A_226 : vector<1x16xf32> to vector<16xf32>
        %mul3A_228 = arith.mulf %get3A_223, %get3A_227 : vector<16xf32>
        %swap3A_229 = arith.index_cast %add3A_165 : i32 to index
        %swap3A_230 = arith.constant 64 : index
        %swap3A_231 = tpu.vector_load %arg16[%swap3A_229, %swap3A_230] {strides = array<i32>} : memref<64x128xf32, #tpu.memory_space<vmem>>, vector<1x16xf32>,
        %swap3A_232 = vector.shape_cast %swap3A_231 : vector<1x16xf32> to vector<16xf32>
        %swap3A_233 = vector.shape_cast %mul3A_228 : vector<16xf32> to vector<1x16xf32>
        tpu.vector_store %arg16[%swap3A_229, %swap3A_230], %swap3A_233 {strides = array<i32>} : memref<64x128xf32, #tpu.memory_space<vmem>>, vector<1x16xf32>,
        %get3A_234 = arith.index_cast %add3A_165 : i32 to index
        %get3A_235 = arith.constant 80 : index
        %get3A_236 = tpu.vector_load %arg16[%get3A_234, %get3A_235] {strides = array<i32>} : memref<64x128xf32, #tpu.memory_space<vmem>>, vector<1x16xf32>,
        %get3A_237 = vector.shape_cast %get3A_236 : vector<1x16xf32> to vector<16xf32>
        %get3A_238 = arith.index_cast %add3A_165 : i32 to index
        %get3A_239 = arith.constant 80 : index
        %get3A_240 = tpu.vector_load %arg17[%get3A_238, %get3A_239] {strides = array<i32>} : memref<64x128xf32, #tpu.memory_space<vmem>>, vector<1x16xf32>,
        %get3A_241 = vector.shape_cast %get3A_240 : vector<1x16xf32> to vector<16xf32>
        %mul3A_242 = arith.mulf %get3A_237, %get3A_241 : vector<16xf32>
        %swap3A_243 = arith.index_cast %add3A_165 : i32 to index
        %swap3A_244 = arith.constant 80 : index
        %swap3A_245 = tpu.vector_load %arg16[%swap3A_243, %swap3A_244] {strides = array<i32>} : memref<64x128xf32, #tpu.memory_space<vmem>>, vector<1x16xf32>,
        %swap3A_246 = vector.shape_cast %swap3A_245 : vector<1x16xf32> to vector<16xf32>
        %swap3A_247 = vector.shape_cast %mul3A_242 : vector<16xf32> to vector<1x16xf32>
        tpu.vector_store %arg16[%swap3A_243, %swap3A_244], %swap3A_247 {strides = array<i32>} : memref<64x128xf32, #tpu.memory_space<vmem>>, vector<1x16xf32>,
        %get3A_248 = arith.index_cast %add3A_165 : i32 to index
        %get3A_249 = arith.constant 96 : index
        %get3A_250 = tpu.vector_load %arg16[%get3A_248, %get3A_249] {strides = array<i32>} : memref<64x128xf32, #tpu.memory_space<vmem>>, vector<1x16xf32>,
        %get3A_251 = vector.shape_cast %get3A_250 : vector<1x16xf32> to vector<16xf32>
        %get3A_252 = arith.index_cast %add3A_165 : i32 to index
        %get3A_253 = arith.constant 96 : index
        %get3A_254 = tpu.vector_load %arg17[%get3A_252, %get3A_253] {strides = array<i32>} : memref<64x128xf32, #tpu.memory_space<vmem>>, vector<1x16xf32>,
        %get3A_255 = vector.shape_cast %get3A_254 : vector<1x16xf32> to vector<16xf32>
        %mul3A_256 = arith.mulf %get3A_251, %get3A_255 : vector<16xf32>
        %swap3A_257 = arith.index_cast %add3A_165 : i32 to index
        %swap3A_258 = arith.constant 96 : index
        %swap3A_259 = tpu.vector_load %arg16[%swap3A_257, %swap3A_258] {strides = array<i32>} : memref<64x128xf32, #tpu.memory_space<vmem>>, vector<1x16xf32>,
        %swap3A_260 = vector.shape_cast %swap3A_259 : vector<1x16xf32> to vector<16xf32>
        %swap3A_261 = vector.shape_cast %mul3A_256 : vector<16xf32> to vector<1x16xf32>
        tpu.vector_store %arg16[%swap3A_257, %swap3A_258], %swap3A_261 {strides = array<i32>} : memref<64x128xf32, #tpu.memory_space<vmem>>, vector<1x16xf32>,
        %get3A_262 = arith.index_cast %add3A_165 : i32 to index
        %get3A_263 = arith.constant 112 : index
        %get3A_264 = tpu.vector_load %arg16[%get3A_262, %get3A_263] {strides = array<i32>} : memref<64x128xf32, #tpu.memory_space<vmem>>, vector<1x16xf32>,
        %get3A_265 = vector.shape_cast %get3A_264 : vector<1x16xf32> to vector<16xf32>
        %get3A_266 = arith.index_cast %add3A_165 : i32 to index
        %get3A_267 = arith.constant 112 : index
        %get3A_268 = tpu.vector_load %arg17[%get3A_266, %get3A_267] {strides = array<i32>} : memref<64x128xf32, #tpu.memory_space<vmem>>, vector<1x16xf32>,
        %get3A_269 = vector.shape_cast %get3A_268 : vector<1x16xf32> to vector<16xf32>
        %mul3A_270 = arith.mulf %get3A_265, %get3A_269 : vector<16xf32>
        %swap3A_271 = arith.index_cast %add3A_165 : i32 to index
        %swap3A_272 = arith.constant 112 : index
        %swap3A_273 = tpu.vector_load %arg16[%swap3A_271, %swap3A_272] {strides = array<i32>} : memref<64x128xf32, #tpu.memory_space<vmem>>, vector<1x16xf32>,
        %swap3A_274 = vector.shape_cast %swap3A_273 : vector<1x16xf32> to vector<16xf32>
        %swap3A_275 = vector.shape_cast %mul3A_270 : vector<16xf32> to vector<1x16xf32>
        tpu.vector_store %arg16[%swap3A_271, %swap3A_272], %swap3A_275 {strides = array<i32>} : memref<64x128xf32, #tpu.memory_space<vmem>>, vector<1x16xf32>,
      }
      %scan3A_153 = arith.constant 64 : i32
      %dma_wait3A_154 = arith.constant 0 : i32
      %dma_wait3A_155 = tpu.memref_slice %arg4[%dma_wait3A_154] : memref<163840xi32, #tpu.memory_space<hbm>> -> memref<64xi32, #tpu.memory_space<hbm>>
      %dma_wait3A_156 = arith.constant 0 : i32
      %dma_wait3A_157 = tpu.memref_slice %arg4[%dma_wait3A_156] : memref<163840xi32, #tpu.memory_space<hbm>> -> memref<64xi32, #tpu.memory_space<hbm>>
      tpu.wait_dma2 semaphore(%arg22 : memref<!tpu.dma_semaphore, #tpu.memory_space<semaphore_mem>>) src(%dma_wait3A_157 : memref<64xi32, #tpu.memory_space<hbm>>) dst(%arg12 : memref<64xi32, #tpu.memory_space<vmem>>)
      %dma_start3A_158 = arith.constant 0 : i32
      %dma_start3A_159 = arith.constant 0 : i32
      %dma_start3A_160 = tpu.memref_slice %arg18[%dma_start3A_158, %dma_start3A_159] : memref<10400x128xf32, #tpu.memory_space<vmem_shared>> -> memref<10400x128xf32, #tpu.memory_space<vmem_shared>>
      tpu.enqueue_indirect_dma source(%arg16 : memref<64x128xf32, #tpu.memory_space<vmem>>) target(%dma_start3A_160 : memref<10400x128xf32, #tpu.memory_space<vmem_shared>>) offsets(%arg12 : memref<64xi32, #tpu.memory_space<vmem>>) semaphore(%arg26 : memref<!tpu.dma_semaphore, #tpu.memory_space<semaphore_mem>>) {add = true}
    }
    %scan3A_62 = arith.constant 80 : i32
    %dma_wait3A_63 = arith.constant 0 : i32
    %dma_wait3A_64 = arith.constant 0 : i32
    %dma_wait3A_65 = tpu.memref_slice %arg18[%dma_wait3A_63, %dma_wait3A_64] : memref<10400x128xf32, #tpu.memory_space<vmem_shared>> -> memref<10400x128xf32, #tpu.memory_space<vmem_shared>>
    tpu.wait_indirect_dma semaphore(%arg26 : memref<!tpu.dma_semaphore, #tpu.memory_space<semaphore_mem>>) src(%arg16 : memref<64x128xf32, #tpu.memory_space<vmem>>) dst(%dma_wait3A_65 : memref<10400x128xf32, #tpu.memory_space<vmem_shared>>)
    %barrier3A_66 = arith.constant 0 : index
    tpu.barrier barrier_id(%barrier3A_66)
    %mul3A_67 = arith.constant 10400 : i32
    %mul3A_68 = arith.muli %arg0, %mul3A_67 : i32
    %mul3A_69 = arith.constant 624 : i32
    %mul3A_70 = arith.muli %arg1, %mul3A_69 : i32
    %add3A_71 = arith.addi %mul3A_68, %mul3A_70 : i32
    %mul3A_72 = arith.constant 624 : i32
    %mul3A_73 = arith.muli %arg1, %mul3A_72 : i32
    %scan3A_74 = arith.constant 0 : i32
    %scan3A_75 = arith.constant 4 : i32
    %scan3A_76 = arith.addi %scan3A_74, %scan3A_75 : i32
    %scan3A_77 = arith.constant 1 : i32
    scf.for %scan3A_88 = %scan3A_74 to %scan3A_76 step %scan3A_77  : i32 {
      %mul3A_89 = arith.constant 1 : i32
      %mul3A_90 = arith.muli %scan3A_88, %mul3A_89 : i32
      %add3A_91 = arith.constant 0 : i32
      %add3A_92 = arith.addi %add3A_91, %mul3A_90 : i32
      %mul3A_93 = arith.constant 128 : i32
      %mul3A_94 = arith.muli %add3A_92, %mul3A_93 : i32
      %add3A_95 = arith.addi %mul3A_73, %mul3A_94 : i32
      %mul3A_96 = arith.constant 128 : i32
      %mul3A_97 = arith.muli %add3A_92, %mul3A_96 : i32
      %add3A_98 = arith.addi %add3A_71, %mul3A_97 : i32
      "tpu.region"() ({
        %run_scoped3A = tpu.sem_alloc : memref<!tpu.dma_semaphore, #tpu.memory_space<semaphore_mem>>
        %dma_start3A_99 = arith.constant 0 : i32
        %dma_start3A_100 = tpu.memref_slice %arg7[%add3A_98, %dma_start3A_99] : memref<20800x128xf32, #tpu.memory_space<hbm>> -> memref<128x128xf32, #tpu.memory_space<hbm>>
        %dma_start3A_101 = arith.constant 0 : i32
        %dma_start3A_102 = tpu.memref_slice %arg18[%add3A_95, %dma_start3A_101] : memref<10400x128xf32, #tpu.memory_space<vmem_shared>> -> memref<128x128xf32, #tpu.memory_space<vmem_shared>>
        tpu.enqueue_dma source(%dma_start3A_102 : memref<128x128xf32, #tpu.memory_space<vmem_shared>>) target(%dma_start3A_100 : memref<128x128xf32, #tpu.memory_space<hbm>>) target_semaphore(%run_scoped3A : memref<!tpu.dma_semaphore, #tpu.memory_space<semaphore_mem>>)
        %dma_wait3A_103 = arith.constant 0 : i32
        %dma_wait3A_104 = tpu.memref_slice %arg7[%add3A_98, %dma_wait3A_103] : memref<20800x128xf32, #tpu.memory_space<hbm>> -> memref<128x128xf32, #tpu.memory_space<hbm>>
        %dma_wait3A_105 = arith.constant 0 : i32
        %dma_wait3A_106 = tpu.memref_slice %arg18[%add3A_95, %dma_wait3A_105] : memref<10400x128xf32, #tpu.memory_space<vmem_shared>> -> memref<128x128xf32, #tpu.memory_space<vmem_shared>>
        tpu.wait_dma2 semaphore(%run_scoped3A : memref<!tpu.dma_semaphore, #tpu.memory_space<semaphore_mem>>) src(%dma_wait3A_106 : memref<128x128xf32, #tpu.memory_space<vmem_shared>>) dst(%dma_wait3A_104 : memref<128x128xf32, #tpu.memory_space<hbm>>)
        tpu.yield
      }) : () -> ()
    }
    %scan3A_78 = arith.constant 4 : i32
    %add3A_79 = arith.constant 512 : i32
    %add3A_80 = arith.addi %mul3A_73, %add3A_79 : i32
    %add3A_81 = arith.constant 512 : i32
    %add3A_82 = arith.addi %add3A_71, %add3A_81 : i32
    "tpu.region"() ({
      %run_scoped3A = tpu.sem_alloc : memref<!tpu.dma_semaphore, #tpu.memory_space<semaphore_mem>>
      %dma_start3A_88 = arith.constant 0 : i32
      %dma_start3A_89 = tpu.memref_slice %arg7[%add3A_82, %dma_start3A_88] : memref<20800x128xf32, #tpu.memory_space<hbm>> -> memref<112x128xf32, #tpu.memory_space<hbm>>
      %dma_start3A_90 = arith.constant 0 : i32
      %dma_start3A_91 = tpu.memref_slice %arg18[%add3A_80, %dma_start3A_90] : memref<10400x128xf32, #tpu.memory_space<vmem_shared>> -> memref<112x128xf32, #tpu.memory_space<vmem_shared>>
      tpu.enqueue_dma source(%dma_start3A_91 : memref<112x128xf32, #tpu.memory_space<vmem_shared>>) target(%dma_start3A_89 : memref<112x128xf32, #tpu.memory_space<hbm>>) target_semaphore(%run_scoped3A : memref<!tpu.dma_semaphore, #tpu.memory_space<semaphore_mem>>)
      %dma_wait3A_92 = arith.constant 0 : i32
      %dma_wait3A_93 = tpu.memref_slice %arg7[%add3A_82, %dma_wait3A_92] : memref<20800x128xf32, #tpu.memory_space<hbm>> -> memref<112x128xf32, #tpu.memory_space<hbm>>
      %dma_wait3A_94 = arith.constant 0 : i32
      %dma_wait3A_95 = tpu.memref_slice %arg18[%add3A_80, %dma_wait3A_94] : memref<10400x128xf32, #tpu.memory_space<vmem_shared>> -> memref<112x128xf32, #tpu.memory_space<vmem_shared>>
      tpu.wait_dma2 semaphore(%run_scoped3A : memref<!tpu.dma_semaphore, #tpu.memory_space<semaphore_mem>>) src(%dma_wait3A_95 : memref<112x128xf32, #tpu.memory_space<vmem_shared>>) dst(%dma_wait3A_93 : memref<112x128xf32, #tpu.memory_space<hbm>>)
      tpu.yield
    }) : () -> ()
    %eq3A_83 = arith.constant 15 : i32
    %eq3A_84 = arith.cmpi eq, %arg1, %eq3A_83 : i32
    %convert_element_type3A_85 = arith.extui %eq3A_84 : i1 to i32
    %cond3A_86 = arith.constant 0 : i32
    %cond3A_87 = arith.cmpi ne, %convert_element_type3A_85, %cond3A_86 : i32
    scf.if %cond3A_87 {
      %mul3A_88 = arith.constant 10400 : i32
      %mul3A_89 = arith.muli %arg0, %mul3A_88 : i32
      %add3A_90 = arith.constant 9984 : i32
      %add3A_91 = arith.addi %mul3A_89, %add3A_90 : i32
      "tpu.region"() ({
        %run_scoped3A = tpu.sem_alloc : memref<!tpu.dma_semaphore, #tpu.memory_space<semaphore_mem>>
        %dma_start3A_92 = arith.constant 0 : i32
        %dma_start3A_93 = tpu.memref_slice %arg7[%add3A_91, %dma_start3A_92] : memref<20800x128xf32, #tpu.memory_space<hbm>> -> memref<16x128xf32, #tpu.memory_space<hbm>>
        %dma_start3A_94 = arith.constant 9984 : i32
        %dma_start3A_95 = arith.constant 0 : i32
        %dma_start3A_96 = tpu.memref_slice %arg18[%dma_start3A_94, %dma_start3A_95] : memref<10400x128xf32, #tpu.memory_space<vmem_shared>> -> memref<16x128xf32, #tpu.memory_space<vmem_shared>>
        tpu.enqueue_dma source(%dma_start3A_96 : memref<16x128xf32, #tpu.memory_space<vmem_shared>>) target(%dma_start3A_93 : memref<16x128xf32, #tpu.memory_space<hbm>>) target_semaphore(%run_scoped3A : memref<!tpu.dma_semaphore, #tpu.memory_space<semaphore_mem>>)
        %dma_wait3A_97 = arith.constant 0 : i32
        %dma_wait3A_98 = tpu.memref_slice %arg7[%add3A_91, %dma_wait3A_97] : memref<20800x128xf32, #tpu.memory_space<hbm>> -> memref<16x128xf32, #tpu.memory_space<hbm>>
        %dma_wait3A_99 = arith.constant 9984 : i32
        %dma_wait3A_100 = arith.constant 0 : i32
        %dma_wait3A_101 = tpu.memref_slice %arg18[%dma_wait3A_99, %dma_wait3A_100] : memref<10400x128xf32, #tpu.memory_space<vmem_shared>> -> memref<16x128xf32, #tpu.memory_space<vmem_shared>>
        tpu.wait_dma2 semaphore(%run_scoped3A : memref<!tpu.dma_semaphore, #tpu.memory_space<semaphore_mem>>) src(%dma_wait3A_101 : memref<16x128xf32, #tpu.memory_space<vmem_shared>>) dst(%dma_wait3A_98 : memref<16x128xf32, #tpu.memory_space<hbm>>)
        tpu.yield
      }) : () -> ()
    } else {
    }
    return
  }
}

#map = affine_map<(d0, d1) -> (0, 0)>
#map1 = affine_map<(d0, d1) -> (0)>
module attributes {stable_mosaic.version = 14 : i64} {
  func.func @k(%arg0: i32, %arg1: i32, %arg2: memref<1920x128xf32, #tpu.memory_space<hbm>>, %arg3: memref<98304xi32, #tpu.memory_space<hbm>>, %arg4: memref<98304xi32, #tpu.memory_space<hbm>>, %arg5: memref<20000x128xf32, #tpu.memory_space<hbm>>, %arg6: memref<128xi32, #tpu.memory_space<vmem>>, %arg7: memref<128xi32, #tpu.memory_space<vmem>>, %arg8: memref<128xi32, #tpu.memory_space<vmem>>, %arg9: memref<128x128xf32, #tpu.memory_space<vmem>>, %arg10: memref<10400x128xf32, #tpu.memory_space<vmem_shared>>) attributes {dimension_semantics = [#tpu.dimension_semantics<core_parallel>, #tpu.dimension_semantics<subcore_parallel>], iteration_bounds = array<i64: 2, 16>, scalar_prefetch = 0 : i64, scratch_operands = 5 : i64, tpu.core_type = #tpu.core_type<sc_vector_subcore>, window_params = [{transform_indices = #map}, {transform_indices = #map1}, {transform_indices = #map1}, {transform_indices = #map}]} {
    %broadcast_in_dim3A = arith.constant 0.000000e+00 : f32
    %broadcast_in_dim3A_0 = vector.broadcast %broadcast_in_dim3A : f32 to vector<16xf32>
    %scan3A = arith.constant 0 : i32
    %scan3A_1 = arith.constant 128 : i32
    %scan3A_2 = arith.addi %scan3A, %scan3A_1 : i32
    %scan3A_3 = arith.constant 1 : i32
    scf.for %scan3A_46 = %scan3A to %scan3A_2 step %scan3A_3  : i32 {
      %mul3A_47 = arith.constant 1 : i32
      %mul3A_48 = arith.muli %scan3A_46, %mul3A_47 : i32
      %add3A_49 = arith.constant 0 : i32
      %add3A_50 = arith.addi %add3A_49, %mul3A_48 : i32
      %swap3A = arith.index_cast %add3A_50 : i32 to index
      %swap3A_51 = arith.constant 0 : index
      %swap3A_52 = tpu.vector_load %arg9[%swap3A, %swap3A_51] {strides = array<i32>} : memref<128x128xf32, #tpu.memory_space<vmem>>, vector<1x16xf32>,
      %swap3A_53 = vector.shape_cast %swap3A_52 : vector<1x16xf32> to vector<16xf32>
      %swap3A_54 = vector.shape_cast %broadcast_in_dim3A_0 : vector<16xf32> to vector<1x16xf32>
      tpu.vector_store %arg9[%swap3A, %swap3A_51], %swap3A_54 {strides = array<i32>} : memref<128x128xf32, #tpu.memory_space<vmem>>, vector<1x16xf32>,
      %swap3A_55 = arith.index_cast %add3A_50 : i32 to index
      %swap3A_56 = arith.constant 16 : index
      %swap3A_57 = tpu.vector_load %arg9[%swap3A_55, %swap3A_56] {strides = array<i32>} : memref<128x128xf32, #tpu.memory_space<vmem>>, vector<1x16xf32>,
      %swap3A_58 = vector.shape_cast %swap3A_57 : vector<1x16xf32> to vector<16xf32>
      %swap3A_59 = vector.shape_cast %broadcast_in_dim3A_0 : vector<16xf32> to vector<1x16xf32>
      tpu.vector_store %arg9[%swap3A_55, %swap3A_56], %swap3A_59 {strides = array<i32>} : memref<128x128xf32, #tpu.memory_space<vmem>>, vector<1x16xf32>,
      %swap3A_60 = arith.index_cast %add3A_50 : i32 to index
      %swap3A_61 = arith.constant 32 : index
      %swap3A_62 = tpu.vector_load %arg9[%swap3A_60, %swap3A_61] {strides = array<i32>} : memref<128x128xf32, #tpu.memory_space<vmem>>, vector<1x16xf32>,
      %swap3A_63 = vector.shape_cast %swap3A_62 : vector<1x16xf32> to vector<16xf32>
      %swap3A_64 = vector.shape_cast %broadcast_in_dim3A_0 : vector<16xf32> to vector<1x16xf32>
      tpu.vector_store %arg9[%swap3A_60, %swap3A_61], %swap3A_64 {strides = array<i32>} : memref<128x128xf32, #tpu.memory_space<vmem>>, vector<1x16xf32>,
      %swap3A_65 = arith.index_cast %add3A_50 : i32 to index
      %swap3A_66 = arith.constant 48 : index
      %swap3A_67 = tpu.vector_load %arg9[%swap3A_65, %swap3A_66] {strides = array<i32>} : memref<128x128xf32, #tpu.memory_space<vmem>>, vector<1x16xf32>,
      %swap3A_68 = vector.shape_cast %swap3A_67 : vector<1x16xf32> to vector<16xf32>
      %swap3A_69 = vector.shape_cast %broadcast_in_dim3A_0 : vector<16xf32> to vector<1x16xf32>
      tpu.vector_store %arg9[%swap3A_65, %swap3A_66], %swap3A_69 {strides = array<i32>} : memref<128x128xf32, #tpu.memory_space<vmem>>, vector<1x16xf32>,
      %swap3A_70 = arith.index_cast %add3A_50 : i32 to index
      %swap3A_71 = arith.constant 64 : index
      %swap3A_72 = tpu.vector_load %arg9[%swap3A_70, %swap3A_71] {strides = array<i32>} : memref<128x128xf32, #tpu.memory_space<vmem>>, vector<1x16xf32>,
      %swap3A_73 = vector.shape_cast %swap3A_72 : vector<1x16xf32> to vector<16xf32>
      %swap3A_74 = vector.shape_cast %broadcast_in_dim3A_0 : vector<16xf32> to vector<1x16xf32>
      tpu.vector_store %arg9[%swap3A_70, %swap3A_71], %swap3A_74 {strides = array<i32>} : memref<128x128xf32, #tpu.memory_space<vmem>>, vector<1x16xf32>,
      %swap3A_75 = arith.index_cast %add3A_50 : i32 to index
      %swap3A_76 = arith.constant 80 : index
      %swap3A_77 = tpu.vector_load %arg9[%swap3A_75, %swap3A_76] {strides = array<i32>} : memref<128x128xf32, #tpu.memory_space<vmem>>, vector<1x16xf32>,
      %swap3A_78 = vector.shape_cast %swap3A_77 : vector<1x16xf32> to vector<16xf32>
      %swap3A_79 = vector.shape_cast %broadcast_in_dim3A_0 : vector<16xf32> to vector<1x16xf32>
      tpu.vector_store %arg9[%swap3A_75, %swap3A_76], %swap3A_79 {strides = array<i32>} : memref<128x128xf32, #tpu.memory_space<vmem>>, vector<1x16xf32>,
      %swap3A_80 = arith.index_cast %add3A_50 : i32 to index
      %swap3A_81 = arith.constant 96 : index
      %swap3A_82 = tpu.vector_load %arg9[%swap3A_80, %swap3A_81] {strides = array<i32>} : memref<128x128xf32, #tpu.memory_space<vmem>>, vector<1x16xf32>,
      %swap3A_83 = vector.shape_cast %swap3A_82 : vector<1x16xf32> to vector<16xf32>
      %swap3A_84 = vector.shape_cast %broadcast_in_dim3A_0 : vector<16xf32> to vector<1x16xf32>
      tpu.vector_store %arg9[%swap3A_80, %swap3A_81], %swap3A_84 {strides = array<i32>} : memref<128x128xf32, #tpu.memory_space<vmem>>, vector<1x16xf32>,
      %swap3A_85 = arith.index_cast %add3A_50 : i32 to index
      %swap3A_86 = arith.constant 112 : index
      %swap3A_87 = tpu.vector_load %arg9[%swap3A_85, %swap3A_86] {strides = array<i32>} : memref<128x128xf32, #tpu.memory_space<vmem>>, vector<1x16xf32>,
      %swap3A_88 = vector.shape_cast %swap3A_87 : vector<1x16xf32> to vector<16xf32>
      %swap3A_89 = vector.shape_cast %broadcast_in_dim3A_0 : vector<16xf32> to vector<1x16xf32>
      tpu.vector_store %arg9[%swap3A_85, %swap3A_86], %swap3A_89 {strides = array<i32>} : memref<128x128xf32, #tpu.memory_space<vmem>>, vector<1x16xf32>,
    }
    %scan3A_4 = arith.constant 128 : i32
    %mul3A = arith.constant 648 : i32
    %mul3A_5 = arith.muli %arg1, %mul3A : i32
    %scan3A_6 = arith.constant 0 : i32
    %scan3A_7 = arith.constant 5 : i32
    %scan3A_8 = arith.addi %scan3A_6, %scan3A_7 : i32
    %scan3A_9 = arith.constant 1 : i32
    scf.for %scan3A_46 = %scan3A_6 to %scan3A_8 step %scan3A_9  : i32 {
      %mul3A_47 = arith.constant 1 : i32
      %mul3A_48 = arith.muli %scan3A_46, %mul3A_47 : i32
      %add3A_49 = arith.constant 0 : i32
      %add3A_50 = arith.addi %add3A_49, %mul3A_48 : i32
      %mul3A_51 = arith.constant 128 : i32
      %mul3A_52 = arith.muli %add3A_50, %mul3A_51 : i32
      %add3A_53 = arith.addi %mul3A_5, %mul3A_52 : i32
      "tpu.region"() ({
        %run_scoped3A = tpu.sem_alloc : memref<!tpu.dma_semaphore, #tpu.memory_space<semaphore_mem>>
        %dma_start3A = arith.constant 0 : i32
        %dma_start3A_54 = arith.constant 0 : i32
        %dma_start3A_55 = tpu.memref_slice %arg9[%dma_start3A, %dma_start3A_54] : memref<128x128xf32, #tpu.memory_space<vmem>> -> memref<128x128xf32, #tpu.memory_space<vmem>>
        %dma_start3A_56 = arith.constant 0 : i32
        %dma_start3A_57 = tpu.memref_slice %arg10[%add3A_53, %dma_start3A_56] : memref<10400x128xf32, #tpu.memory_space<vmem_shared>> -> memref<128x128xf32, #tpu.memory_space<vmem_shared>>
        %dma_start3A_58 = arith.constant 0 : i32
        %dma_start3A_59 = tpu.memref_slice %arg10[%add3A_53, %dma_start3A_58] : memref<10400x128xf32, #tpu.memory_space<vmem_shared>> -> memref<128x128xf32, #tpu.memory_space<vmem_shared>>
        %dma_start3A_60 = arith.constant 0 : i32
        %dma_start3A_61 = arith.constant 0 : i32
        %dma_start3A_62 = tpu.memref_slice %arg9[%dma_start3A_60, %dma_start3A_61] : memref<128x128xf32, #tpu.memory_space<vmem>> -> memref<128x128xf32, #tpu.memory_space<vmem>>
        tpu.enqueue_dma source(%dma_start3A_62 : memref<128x128xf32, #tpu.memory_space<vmem>>) target(%dma_start3A_59 : memref<128x128xf32, #tpu.memory_space<vmem_shared>>) target_semaphore(%run_scoped3A : memref<!tpu.dma_semaphore, #tpu.memory_space<semaphore_mem>>)
        %dma_wait3A = arith.constant 0 : i32
        %dma_wait3A_63 = arith.constant 0 : i32
        %dma_wait3A_64 = tpu.memref_slice %arg9[%dma_wait3A, %dma_wait3A_63] : memref<128x128xf32, #tpu.memory_space<vmem>> -> memref<128x128xf32, #tpu.memory_space<vmem>>
        %dma_wait3A_65 = arith.constant 0 : i32
        %dma_wait3A_66 = tpu.memref_slice %arg10[%add3A_53, %dma_wait3A_65] : memref<10400x128xf32, #tpu.memory_space<vmem_shared>> -> memref<128x128xf32, #tpu.memory_space<vmem_shared>>
        %dma_wait3A_67 = arith.constant 0 : i32
        %dma_wait3A_68 = tpu.memref_slice %arg10[%add3A_53, %dma_wait3A_67] : memref<10400x128xf32, #tpu.memory_space<vmem_shared>> -> memref<128x128xf32, #tpu.memory_space<vmem_shared>>
        %dma_wait3A_69 = arith.constant 0 : i32
        %dma_wait3A_70 = arith.constant 0 : i32
        %dma_wait3A_71 = tpu.memref_slice %arg9[%dma_wait3A_69, %dma_wait3A_70] : memref<128x128xf32, #tpu.memory_space<vmem>> -> memref<128x128xf32, #tpu.memory_space<vmem>>
        tpu.wait_dma2 semaphore(%run_scoped3A : memref<!tpu.dma_semaphore, #tpu.memory_space<semaphore_mem>>) src(%dma_wait3A_71 : memref<128x128xf32, #tpu.memory_space<vmem>>) dst(%dma_wait3A_68 : memref<128x128xf32, #tpu.memory_space<vmem_shared>>)
        tpu.yield
      }) : () -> ()
    }
    %scan3A_10 = arith.constant 5 : i32
    %add3A = arith.constant 648 : i32
    %add3A_11 = arith.addi %mul3A_5, %add3A : i32
    %sub3A = arith.constant 8 : i32
    %sub3A_12 = arith.subi %add3A_11, %sub3A : i32
    "tpu.region"() ({
      %run_scoped3A = tpu.sem_alloc : memref<!tpu.dma_semaphore, #tpu.memory_space<semaphore_mem>>
      %dma_start3A = arith.constant 0 : i32
      %dma_start3A_46 = arith.constant 0 : i32
      %dma_start3A_47 = tpu.memref_slice %arg9[%dma_start3A, %dma_start3A_46] : memref<128x128xf32, #tpu.memory_space<vmem>> -> memref<8x128xf32, #tpu.memory_space<vmem>>
      %dma_start3A_48 = arith.constant 0 : i32
      %dma_start3A_49 = tpu.memref_slice %arg10[%sub3A_12, %dma_start3A_48] : memref<10400x128xf32, #tpu.memory_space<vmem_shared>> -> memref<8x128xf32, #tpu.memory_space<vmem_shared>>
      %dma_start3A_50 = arith.constant 0 : i32
      %dma_start3A_51 = tpu.memref_slice %arg10[%sub3A_12, %dma_start3A_50] : memref<10400x128xf32, #tpu.memory_space<vmem_shared>> -> memref<8x128xf32, #tpu.memory_space<vmem_shared>>
      %dma_start3A_52 = arith.constant 0 : i32
      %dma_start3A_53 = arith.constant 0 : i32
      %dma_start3A_54 = tpu.memref_slice %arg9[%dma_start3A_52, %dma_start3A_53] : memref<128x128xf32, #tpu.memory_space<vmem>> -> memref<8x128xf32, #tpu.memory_space<vmem>>
      tpu.enqueue_dma source(%dma_start3A_54 : memref<8x128xf32, #tpu.memory_space<vmem>>) target(%dma_start3A_51 : memref<8x128xf32, #tpu.memory_space<vmem_shared>>) target_semaphore(%run_scoped3A : memref<!tpu.dma_semaphore, #tpu.memory_space<semaphore_mem>>)
      %dma_wait3A = arith.constant 0 : i32
      %dma_wait3A_55 = arith.constant 0 : i32
      %dma_wait3A_56 = tpu.memref_slice %arg9[%dma_wait3A, %dma_wait3A_55] : memref<128x128xf32, #tpu.memory_space<vmem>> -> memref<8x128xf32, #tpu.memory_space<vmem>>
      %dma_wait3A_57 = arith.constant 0 : i32
      %dma_wait3A_58 = tpu.memref_slice %arg10[%sub3A_12, %dma_wait3A_57] : memref<10400x128xf32, #tpu.memory_space<vmem_shared>> -> memref<8x128xf32, #tpu.memory_space<vmem_shared>>
      %dma_wait3A_59 = arith.constant 0 : i32
      %dma_wait3A_60 = tpu.memref_slice %arg10[%sub3A_12, %dma_wait3A_59] : memref<10400x128xf32, #tpu.memory_space<vmem_shared>> -> memref<8x128xf32, #tpu.memory_space<vmem_shared>>
      %dma_wait3A_61 = arith.constant 0 : i32
      %dma_wait3A_62 = arith.constant 0 : i32
      %dma_wait3A_63 = tpu.memref_slice %arg9[%dma_wait3A_61, %dma_wait3A_62] : memref<128x128xf32, #tpu.memory_space<vmem>> -> memref<8x128xf32, #tpu.memory_space<vmem>>
      tpu.wait_dma2 semaphore(%run_scoped3A : memref<!tpu.dma_semaphore, #tpu.memory_space<semaphore_mem>>) src(%dma_wait3A_63 : memref<8x128xf32, #tpu.memory_space<vmem>>) dst(%dma_wait3A_60 : memref<8x128xf32, #tpu.memory_space<vmem_shared>>)
      tpu.yield
    }) : () -> ()
    %eq3A = arith.constant 15 : i32
    %eq3A_13 = arith.cmpi eq, %arg1, %eq3A : i32
    %convert_element_type3A = arith.extui %eq3A_13 : i1 to i32
    %cond3A = arith.constant 0 : i32
    %cond3A_14 = arith.cmpi ne, %convert_element_type3A, %cond3A : i32
    scf.if %cond3A_14 {
      "tpu.region"() ({
        %run_scoped3A = tpu.sem_alloc : memref<!tpu.dma_semaphore, #tpu.memory_space<semaphore_mem>>
        %dma_start3A = arith.constant 0 : i32
        %dma_start3A_46 = arith.constant 0 : i32
        %dma_start3A_47 = tpu.memref_slice %arg9[%dma_start3A, %dma_start3A_46] : memref<128x128xf32, #tpu.memory_space<vmem>> -> memref<32x128xf32, #tpu.memory_space<vmem>>
        %dma_start3A_48 = arith.constant 10368 : i32
        %dma_start3A_49 = arith.constant 0 : i32
        %dma_start3A_50 = tpu.memref_slice %arg10[%dma_start3A_48, %dma_start3A_49] : memref<10400x128xf32, #tpu.memory_space<vmem_shared>> -> memref<32x128xf32, #tpu.memory_space<vmem_shared>>
        %dma_start3A_51 = arith.constant 10368 : i32
        %dma_start3A_52 = arith.constant 0 : i32
        %dma_start3A_53 = tpu.memref_slice %arg10[%dma_start3A_51, %dma_start3A_52] : memref<10400x128xf32, #tpu.memory_space<vmem_shared>> -> memref<32x128xf32, #tpu.memory_space<vmem_shared>>
        %dma_start3A_54 = arith.constant 0 : i32
        %dma_start3A_55 = arith.constant 0 : i32
        %dma_start3A_56 = tpu.memref_slice %arg9[%dma_start3A_54, %dma_start3A_55] : memref<128x128xf32, #tpu.memory_space<vmem>> -> memref<32x128xf32, #tpu.memory_space<vmem>>
        tpu.enqueue_dma source(%dma_start3A_56 : memref<32x128xf32, #tpu.memory_space<vmem>>) target(%dma_start3A_53 : memref<32x128xf32, #tpu.memory_space<vmem_shared>>) target_semaphore(%run_scoped3A : memref<!tpu.dma_semaphore, #tpu.memory_space<semaphore_mem>>)
        %dma_wait3A = arith.constant 0 : i32
        %dma_wait3A_57 = arith.constant 0 : i32
        %dma_wait3A_58 = tpu.memref_slice %arg9[%dma_wait3A, %dma_wait3A_57] : memref<128x128xf32, #tpu.memory_space<vmem>> -> memref<32x128xf32, #tpu.memory_space<vmem>>
        %dma_wait3A_59 = arith.constant 10368 : i32
        %dma_wait3A_60 = arith.constant 0 : i32
        %dma_wait3A_61 = tpu.memref_slice %arg10[%dma_wait3A_59, %dma_wait3A_60] : memref<10400x128xf32, #tpu.memory_space<vmem_shared>> -> memref<32x128xf32, #tpu.memory_space<vmem_shared>>
        %dma_wait3A_62 = arith.constant 10368 : i32
        %dma_wait3A_63 = arith.constant 0 : i32
        %dma_wait3A_64 = tpu.memref_slice %arg10[%dma_wait3A_62, %dma_wait3A_63] : memref<10400x128xf32, #tpu.memory_space<vmem_shared>> -> memref<32x128xf32, #tpu.memory_space<vmem_shared>>
        %dma_wait3A_65 = arith.constant 0 : i32
        %dma_wait3A_66 = arith.constant 0 : i32
        %dma_wait3A_67 = tpu.memref_slice %arg9[%dma_wait3A_65, %dma_wait3A_66] : memref<128x128xf32, #tpu.memory_space<vmem>> -> memref<32x128xf32, #tpu.memory_space<vmem>>
        tpu.wait_dma2 semaphore(%run_scoped3A : memref<!tpu.dma_semaphore, #tpu.memory_space<semaphore_mem>>) src(%dma_wait3A_67 : memref<32x128xf32, #tpu.memory_space<vmem>>) dst(%dma_wait3A_64 : memref<32x128xf32, #tpu.memory_space<vmem_shared>>)
        tpu.yield
      }) : () -> ()
    } else {
    }
    %barrier3A = arith.constant 0 : index
    tpu.barrier barrier_id(%barrier3A)
    %mul3A_15 = arith.constant 6144 : i32
    %mul3A_16 = arith.muli %arg1, %mul3A_15 : i32
    %mul3A_17 = arith.constant 960 : i32
    %mul3A_18 = arith.muli %arg0, %mul3A_17 : i32
    %scan3A_19 = arith.constant 0 : i32
    %scan3A_20 = arith.constant 48 : i32
    %scan3A_21 = arith.addi %scan3A_19, %scan3A_20 : i32
    %scan3A_22 = arith.constant 1 : i32
    scf.for %scan3A_46 = %scan3A_19 to %scan3A_21 step %scan3A_22  : i32 {
      %mul3A_47 = arith.constant 1 : i32
      %mul3A_48 = arith.muli %scan3A_46, %mul3A_47 : i32
      %add3A_49 = arith.constant 0 : i32
      %add3A_50 = arith.addi %add3A_49, %mul3A_48 : i32
      %mul3A_51 = arith.constant 128 : i32
      %mul3A_52 = arith.muli %add3A_50, %mul3A_51 : i32
      %add3A_53 = arith.addi %mul3A_16, %mul3A_52 : i32
      "tpu.region"() ({
        %run_scoped3A = tpu.sem_alloc : memref<!tpu.dma_semaphore, #tpu.memory_space<semaphore_mem>>
        %dma_start3A = tpu.memref_slice %arg3[%add3A_53] : memref<98304xi32, #tpu.memory_space<hbm>> -> memref<128xi32, #tpu.memory_space<hbm>>
        %dma_start3A_59 = tpu.memref_slice %arg3[%add3A_53] : memref<98304xi32, #tpu.memory_space<hbm>> -> memref<128xi32, #tpu.memory_space<hbm>>
        tpu.enqueue_dma source(%dma_start3A_59 : memref<128xi32, #tpu.memory_space<hbm>>) target(%arg6 : memref<128xi32, #tpu.memory_space<vmem>>) target_semaphore(%run_scoped3A : memref<!tpu.dma_semaphore, #tpu.memory_space<semaphore_mem>>)
        %dma_wait3A = tpu.memref_slice %arg3[%add3A_53] : memref<98304xi32, #tpu.memory_space<hbm>> -> memref<128xi32, #tpu.memory_space<hbm>>
        %dma_wait3A_60 = tpu.memref_slice %arg3[%add3A_53] : memref<98304xi32, #tpu.memory_space<hbm>> -> memref<128xi32, #tpu.memory_space<hbm>>
        tpu.wait_dma2 semaphore(%run_scoped3A : memref<!tpu.dma_semaphore, #tpu.memory_space<semaphore_mem>>) src(%dma_wait3A_60 : memref<128xi32, #tpu.memory_space<hbm>>) dst(%arg6 : memref<128xi32, #tpu.memory_space<vmem>>)
        tpu.yield
      }) : () -> ()
      "tpu.region"() ({
        %run_scoped3A = tpu.sem_alloc : memref<!tpu.dma_semaphore, #tpu.memory_space<semaphore_mem>>
        %dma_start3A = tpu.memref_slice %arg4[%add3A_53] : memref<98304xi32, #tpu.memory_space<hbm>> -> memref<128xi32, #tpu.memory_space<hbm>>
        %dma_start3A_59 = tpu.memref_slice %arg4[%add3A_53] : memref<98304xi32, #tpu.memory_space<hbm>> -> memref<128xi32, #tpu.memory_space<hbm>>
        tpu.enqueue_dma source(%dma_start3A_59 : memref<128xi32, #tpu.memory_space<hbm>>) target(%arg8 : memref<128xi32, #tpu.memory_space<vmem>>) target_semaphore(%run_scoped3A : memref<!tpu.dma_semaphore, #tpu.memory_space<semaphore_mem>>)
        %dma_wait3A = tpu.memref_slice %arg4[%add3A_53] : memref<98304xi32, #tpu.memory_space<hbm>> -> memref<128xi32, #tpu.memory_space<hbm>>
        %dma_wait3A_60 = tpu.memref_slice %arg4[%add3A_53] : memref<98304xi32, #tpu.memory_space<hbm>> -> memref<128xi32, #tpu.memory_space<hbm>>
        tpu.wait_dma2 semaphore(%run_scoped3A : memref<!tpu.dma_semaphore, #tpu.memory_space<semaphore_mem>>) src(%dma_wait3A_60 : memref<128xi32, #tpu.memory_space<hbm>>) dst(%arg8 : memref<128xi32, #tpu.memory_space<vmem>>)
        tpu.yield
      }) : () -> ()
      %scan3A_54 = arith.constant 0 : i32
      %scan3A_55 = arith.constant 8 : i32
      %scan3A_56 = arith.addi %scan3A_54, %scan3A_55 : i32
      %scan3A_57 = arith.constant 1 : i32
      scf.for %scan3A_59 = %scan3A_54 to %scan3A_56 step %scan3A_57  : i32 {
        %mul3A_60 = arith.constant 1 : i32
        %mul3A_61 = arith.muli %scan3A_59, %mul3A_60 : i32
        %add3A_62 = arith.constant 0 : i32
        %add3A_63 = arith.addi %add3A_62, %mul3A_61 : i32
        %mul3A_64 = arith.constant 16 : i32
        %mul3A_65 = arith.muli %add3A_63, %mul3A_64 : i32
        %get3A = arith.index_cast %mul3A_65 : i32 to index
        %get3A_66 = tpu.vector_load %arg6[%get3A] {strides = array<i32>} : memref<128xi32, #tpu.memory_space<vmem>>, vector<16xi32>,
        %get3A_67 = vector.shape_cast %get3A_66 : vector<16xi32> to vector<16xi32>
        %add3A_68 = vector.broadcast %mul3A_18 : i32 to vector<16xi32>
        %add3A_69 = arith.addi %get3A_67, %add3A_68 : vector<16xi32>
        %swap3A = arith.index_cast %mul3A_65 : i32 to index
        %swap3A_70 = tpu.vector_load %arg7[%swap3A] {strides = array<i32>} : memref<128xi32, #tpu.memory_space<vmem>>, vector<16xi32>,
        %swap3A_71 = vector.shape_cast %swap3A_70 : vector<16xi32> to vector<16xi32>
        %swap3A_72 = vector.shape_cast %add3A_69 : vector<16xi32> to vector<16xi32>
        tpu.vector_store %arg7[%swap3A], %swap3A_72 {strides = array<i32>} : memref<128xi32, #tpu.memory_space<vmem>>, vector<16xi32>,
      }
      %scan3A_58 = arith.constant 8 : i32
      "tpu.region"() ({
        %run_scoped3A = tpu.sem_alloc : memref<!tpu.dma_semaphore, #tpu.memory_space<semaphore_mem>>
        %dma_start3A = arith.constant 0 : i32
        %dma_start3A_59 = arith.constant 0 : i32
        %dma_start3A_60 = tpu.memref_slice %arg2[%dma_start3A, %dma_start3A_59] : memref<1920x128xf32, #tpu.memory_space<hbm>> -> memref<1920x128xf32, #tpu.memory_space<hbm>>
        tpu.enqueue_indirect_dma source(%dma_start3A_60 : memref<1920x128xf32, #tpu.memory_space<hbm>>) target(%arg9 : memref<128x128xf32, #tpu.memory_space<vmem>>) offsets(%arg7 : memref<128xi32, #tpu.memory_space<vmem>>) semaphore(%run_scoped3A : memref<!tpu.dma_semaphore, #tpu.memory_space<semaphore_mem>>)
        %dma_wait3A = arith.constant 0 : i32
        %dma_wait3A_61 = arith.constant 0 : i32
        %dma_wait3A_62 = tpu.memref_slice %arg2[%dma_wait3A, %dma_wait3A_61] : memref<1920x128xf32, #tpu.memory_space<hbm>> -> memref<1920x128xf32, #tpu.memory_space<hbm>>
        tpu.wait_indirect_dma semaphore(%run_scoped3A : memref<!tpu.dma_semaphore, #tpu.memory_space<semaphore_mem>>) src(%dma_wait3A_62 : memref<1920x128xf32, #tpu.memory_space<hbm>>) dst(%arg9 : memref<128x128xf32, #tpu.memory_space<vmem>>)
        tpu.yield
      }) : () -> ()
      "tpu.region"() ({
        %run_scoped3A = tpu.sem_alloc : memref<!tpu.dma_semaphore, #tpu.memory_space<semaphore_mem>>
        %dma_start3A = arith.constant 0 : i32
        %dma_start3A_59 = arith.constant 0 : i32
        %dma_start3A_60 = tpu.memref_slice %arg10[%dma_start3A, %dma_start3A_59] : memref<10400x128xf32, #tpu.memory_space<vmem_shared>> -> memref<10400x128xf32, #tpu.memory_space<vmem_shared>>
        tpu.enqueue_indirect_dma source(%arg9 : memref<128x128xf32, #tpu.memory_space<vmem>>) target(%dma_start3A_60 : memref<10400x128xf32, #tpu.memory_space<vmem_shared>>) offsets(%arg8 : memref<128xi32, #tpu.memory_space<vmem>>) semaphore(%run_scoped3A : memref<!tpu.dma_semaphore, #tpu.memory_space<semaphore_mem>>) {add = true}
        %dma_wait3A = arith.constant 0 : i32
        %dma_wait3A_61 = arith.constant 0 : i32
        %dma_wait3A_62 = tpu.memref_slice %arg10[%dma_wait3A, %dma_wait3A_61] : memref<10400x128xf32, #tpu.memory_space<vmem_shared>> -> memref<10400x128xf32, #tpu.memory_space<vmem_shared>>
        tpu.wait_indirect_dma semaphore(%run_scoped3A : memref<!tpu.dma_semaphore, #tpu.memory_space<semaphore_mem>>) src(%arg9 : memref<128x128xf32, #tpu.memory_space<vmem>>) dst(%dma_wait3A_62 : memref<10400x128xf32, #tpu.memory_space<vmem_shared>>)
        tpu.yield
      }) : () -> ()
    }
    %scan3A_23 = arith.constant 48 : i32
    %barrier3A_24 = arith.constant 0 : index
    tpu.barrier barrier_id(%barrier3A_24)
    %mul3A_25 = arith.constant 10000 : i32
    %mul3A_26 = arith.muli %arg0, %mul3A_25 : i32
    %mul3A_27 = arith.constant 624 : i32
    %mul3A_28 = arith.muli %arg1, %mul3A_27 : i32
    %add3A_29 = arith.addi %mul3A_26, %mul3A_28 : i32
    %mul3A_30 = arith.constant 624 : i32
    %mul3A_31 = arith.muli %arg1, %mul3A_30 : i32
    %scan3A_32 = arith.constant 0 : i32
    %scan3A_33 = arith.constant 4 : i32
    %scan3A_34 = arith.addi %scan3A_32, %scan3A_33 : i32
    %scan3A_35 = arith.constant 1 : i32
    scf.for %scan3A_46 = %scan3A_32 to %scan3A_34 step %scan3A_35  : i32 {
      %mul3A_47 = arith.constant 1 : i32
      %mul3A_48 = arith.muli %scan3A_46, %mul3A_47 : i32
      %add3A_49 = arith.constant 0 : i32
      %add3A_50 = arith.addi %add3A_49, %mul3A_48 : i32
      %mul3A_51 = arith.constant 128 : i32
      %mul3A_52 = arith.muli %add3A_50, %mul3A_51 : i32
      %add3A_53 = arith.addi %mul3A_31, %mul3A_52 : i32
      %mul3A_54 = arith.constant 128 : i32
      %mul3A_55 = arith.muli %add3A_50, %mul3A_54 : i32
      %add3A_56 = arith.addi %add3A_29, %mul3A_55 : i32
      "tpu.region"() ({
        %run_scoped3A = tpu.sem_alloc : memref<!tpu.dma_semaphore, #tpu.memory_space<semaphore_mem>>
        %dma_start3A = arith.constant 0 : i32
        %dma_start3A_57 = tpu.memref_slice %arg5[%add3A_56, %dma_start3A] : memref<20000x128xf32, #tpu.memory_space<hbm>> -> memref<128x128xf32, #tpu.memory_space<hbm>>
        %dma_start3A_58 = arith.constant 0 : i32
        %dma_start3A_59 = tpu.memref_slice %arg10[%add3A_53, %dma_start3A_58] : memref<10400x128xf32, #tpu.memory_space<vmem_shared>> -> memref<128x128xf32, #tpu.memory_space<vmem_shared>>
        tpu.enqueue_dma source(%dma_start3A_59 : memref<128x128xf32, #tpu.memory_space<vmem_shared>>) target(%dma_start3A_57 : memref<128x128xf32, #tpu.memory_space<hbm>>) target_semaphore(%run_scoped3A : memref<!tpu.dma_semaphore, #tpu.memory_space<semaphore_mem>>)
        %dma_wait3A = arith.constant 0 : i32
        %dma_wait3A_60 = tpu.memref_slice %arg5[%add3A_56, %dma_wait3A] : memref<20000x128xf32, #tpu.memory_space<hbm>> -> memref<128x128xf32, #tpu.memory_space<hbm>>
        %dma_wait3A_61 = arith.constant 0 : i32
        %dma_wait3A_62 = tpu.memref_slice %arg10[%add3A_53, %dma_wait3A_61] : memref<10400x128xf32, #tpu.memory_space<vmem_shared>> -> memref<128x128xf32, #tpu.memory_space<vmem_shared>>
        tpu.wait_dma2 semaphore(%run_scoped3A : memref<!tpu.dma_semaphore, #tpu.memory_space<semaphore_mem>>) src(%dma_wait3A_62 : memref<128x128xf32, #tpu.memory_space<vmem_shared>>) dst(%dma_wait3A_60 : memref<128x128xf32, #tpu.memory_space<hbm>>)
        tpu.yield
      }) : () -> ()
    }
    %scan3A_36 = arith.constant 4 : i32
    %add3A_37 = arith.constant 512 : i32
    %add3A_38 = arith.addi %mul3A_31, %add3A_37 : i32
    %add3A_39 = arith.constant 512 : i32
    %add3A_40 = arith.addi %add3A_29, %add3A_39 : i32
    "tpu.region"() ({
      %run_scoped3A = tpu.sem_alloc : memref<!tpu.dma_semaphore, #tpu.memory_space<semaphore_mem>>
      %dma_start3A = arith.constant 0 : i32
      %dma_start3A_46 = tpu.memref_slice %arg5[%add3A_40, %dma_start3A] : memref<20000x128xf32, #tpu.memory_space<hbm>> -> memref<112x128xf32, #tpu.memory_space<hbm>>
      %dma_start3A_47 = arith.constant 0 : i32
      %dma_start3A_48 = tpu.memref_slice %arg10[%add3A_38, %dma_start3A_47] : memref<10400x128xf32, #tpu.memory_space<vmem_shared>> -> memref<112x128xf32, #tpu.memory_space<vmem_shared>>
      tpu.enqueue_dma source(%dma_start3A_48 : memref<112x128xf32, #tpu.memory_space<vmem_shared>>) target(%dma_start3A_46 : memref<112x128xf32, #tpu.memory_space<hbm>>) target_semaphore(%run_scoped3A : memref<!tpu.dma_semaphore, #tpu.memory_space<semaphore_mem>>)
      %dma_wait3A = arith.constant 0 : i32
      %dma_wait3A_49 = tpu.memref_slice %arg5[%add3A_40, %dma_wait3A] : memref<20000x128xf32, #tpu.memory_space<hbm>> -> memref<112x128xf32, #tpu.memory_space<hbm>>
      %dma_wait3A_50 = arith.constant 0 : i32
      %dma_wait3A_51 = tpu.memref_slice %arg10[%add3A_38, %dma_wait3A_50] : memref<10400x128xf32, #tpu.memory_space<vmem_shared>> -> memref<112x128xf32, #tpu.memory_space<vmem_shared>>
      tpu.wait_dma2 semaphore(%run_scoped3A : memref<!tpu.dma_semaphore, #tpu.memory_space<semaphore_mem>>) src(%dma_wait3A_51 : memref<112x128xf32, #tpu.memory_space<vmem_shared>>) dst(%dma_wait3A_49 : memref<112x128xf32, #tpu.memory_space<hbm>>)
      tpu.yield
    }) : () -> ()
    %eq3A_41 = arith.constant 15 : i32
    %eq3A_42 = arith.cmpi eq, %arg1, %eq3A_41 : i32
    %convert_element_type3A_43 = arith.extui %eq3A_42 : i1 to i32
    %cond3A_44 = arith.constant 0 : i32
    %cond3A_45 = arith.cmpi ne, %convert_element_type3A_43, %cond3A_44 : i32
    scf.if %cond3A_45 {
      %mul3A_46 = arith.constant 10000 : i32
      %mul3A_47 = arith.muli %arg0, %mul3A_46 : i32
      %add3A_48 = arith.constant 9984 : i32
      %add3A_49 = arith.addi %mul3A_47, %add3A_48 : i32
      "tpu.region"() ({
        %run_scoped3A = tpu.sem_alloc : memref<!tpu.dma_semaphore, #tpu.memory_space<semaphore_mem>>
        %dma_start3A = arith.constant 0 : i32
        %dma_start3A_50 = tpu.memref_slice %arg5[%add3A_49, %dma_start3A] : memref<20000x128xf32, #tpu.memory_space<hbm>> -> memref<16x128xf32, #tpu.memory_space<hbm>>
        %dma_start3A_51 = arith.constant 9984 : i32
        %dma_start3A_52 = arith.constant 0 : i32
        %dma_start3A_53 = tpu.memref_slice %arg10[%dma_start3A_51, %dma_start3A_52] : memref<10400x128xf32, #tpu.memory_space<vmem_shared>> -> memref<16x128xf32, #tpu.memory_space<vmem_shared>>
        tpu.enqueue_dma source(%dma_start3A_53 : memref<16x128xf32, #tpu.memory_space<vmem_shared>>) target(%dma_start3A_50 : memref<16x128xf32, #tpu.memory_space<hbm>>) target_semaphore(%run_scoped3A : memref<!tpu.dma_semaphore, #tpu.memory_space<semaphore_mem>>)
        %dma_wait3A = arith.constant 0 : i32
        %dma_wait3A_54 = tpu.memref_slice %arg5[%add3A_49, %dma_wait3A] : memref<20000x128xf32, #tpu.memory_space<hbm>> -> memref<16x128xf32, #tpu.memory_space<hbm>>
        %dma_wait3A_55 = arith.constant 9984 : i32
        %dma_wait3A_56 = arith.constant 0 : i32
        %dma_wait3A_57 = tpu.memref_slice %arg10[%dma_wait3A_55, %dma_wait3A_56] : memref<10400x128xf32, #tpu.memory_space<vmem_shared>> -> memref<16x128xf32, #tpu.memory_space<vmem_shared>>
        tpu.wait_dma2 semaphore(%run_scoped3A : memref<!tpu.dma_semaphore, #tpu.memory_space<semaphore_mem>>) src(%dma_wait3A_57 : memref<16x128xf32, #tpu.memory_space<vmem_shared>>) dst(%dma_wait3A_54 : memref<16x128xf32, #tpu.memory_space<hbm>>)
        tpu.yield
      }) : () -> ()
    } else {
    }
    return
  }
}

#map = affine_map<(d0, d1) -> (0, 0)>
#map1 = affine_map<(d0, d1) -> (0)>
module attributes {stable_mosaic.version = 14 : i64} {
  func.func @k(%arg0: i32, %arg1: i32, %arg2: memref<20000x128xf32, #tpu.memory_space<hbm>>, %arg3: memref<163840xi32, #tpu.memory_space<hbm>>, %arg4: memref<163840xi32, #tpu.memory_space<hbm>>, %arg5: memref<163840xi32, #tpu.memory_space<hbm>>, %arg6: memref<4096x128xf32, #tpu.memory_space<hbm>>, %arg7: memref<20800x128xf32, #tpu.memory_space<hbm>>, %arg8: memref<64xi32, #tpu.memory_space<vmem>>, %arg9: memref<64xi32, #tpu.memory_space<vmem>>, %arg10: memref<64xi32, #tpu.memory_space<vmem>>, %arg11: memref<64xi32, #tpu.memory_space<vmem>>, %arg12: memref<64xi32, #tpu.memory_space<vmem>>, %arg13: memref<64xi32, #tpu.memory_space<vmem>>, %arg14: memref<64x128xf32, #tpu.memory_space<vmem>>, %arg15: memref<64x128xf32, #tpu.memory_space<vmem>>, %arg16: memref<64x128xf32, #tpu.memory_space<vmem>>, %arg17: memref<64x128xf32, #tpu.memory_space<vmem>>, %arg18: memref<10400x128xf32, #tpu.memory_space<vmem_shared>>, %arg19: memref<!tpu.dma_semaphore, #tpu.memory_space<semaphore_mem>>, %arg20: memref<!tpu.dma_semaphore, #tpu.memory_space<semaphore_mem>>, %arg21: memref<!tpu.dma_semaphore, #tpu.memory_space<semaphore_mem>>, %arg22: memref<!tpu.dma_semaphore, #tpu.memory_space<semaphore_mem>>, %arg23: memref<!tpu.dma_semaphore, #tpu.memory_space<semaphore_mem>>, %arg24: memref<!tpu.dma_semaphore, #tpu.memory_space<semaphore_mem>>, %arg25: memref<!tpu.dma_semaphore, #tpu.memory_space<semaphore_mem>>, %arg26: memref<!tpu.dma_semaphore, #tpu.memory_space<semaphore_mem>>) attributes {dimension_semantics = [#tpu.dimension_semantics<core_parallel>, #tpu.dimension_semantics<subcore_parallel>], iteration_bounds = array<i64: 2, 16>, scalar_prefetch = 0 : i64, scratch_operands = 19 : i64, tpu.core_type = #tpu.core_type<sc_vector_subcore>, window_params = [{transform_indices = #map}, {transform_indices = #map1}, {transform_indices = #map1}, {transform_indices = #map1}, {transform_indices = #map}, {transform_indices = #map}]} {
    %broadcast_in_dim3A = arith.constant 0.000000e+00 : f32
    %broadcast_in_dim3A_0 = vector.broadcast %broadcast_in_dim3A : f32 to vector<16xf32>
    %scan3A = arith.constant 0 : i32
    %scan3A_1 = arith.constant 64 : i32
    %scan3A_2 = arith.addi %scan3A, %scan3A_1 : i32
    %scan3A_3 = arith.constant 1 : i32
    scf.for %scan3A_88 = %scan3A to %scan3A_2 step %scan3A_3  : i32 {
      %mul3A_89 = arith.constant 1 : i32
      %mul3A_90 = arith.muli %scan3A_88, %mul3A_89 : i32
      %add3A_91 = arith.constant 0 : i32
      %add3A_92 = arith.addi %add3A_91, %mul3A_90 : i32
      %swap3A = arith.index_cast %add3A_92 : i32 to index
      %swap3A_93 = arith.constant 0 : index
      %swap3A_94 = tpu.vector_load %arg14[%swap3A, %swap3A_93] {strides = array<i32>} : memref<64x128xf32, #tpu.memory_space<vmem>>, vector<1x16xf32>,
      %swap3A_95 = vector.shape_cast %swap3A_94 : vector<1x16xf32> to vector<16xf32>
      %swap3A_96 = vector.shape_cast %broadcast_in_dim3A_0 : vector<16xf32> to vector<1x16xf32>
      tpu.vector_store %arg14[%swap3A, %swap3A_93], %swap3A_96 {strides = array<i32>} : memref<64x128xf32, #tpu.memory_space<vmem>>, vector<1x16xf32>,
      %swap3A_97 = arith.index_cast %add3A_92 : i32 to index
      %swap3A_98 = arith.constant 16 : index
      %swap3A_99 = tpu.vector_load %arg14[%swap3A_97, %swap3A_98] {strides = array<i32>} : memref<64x128xf32, #tpu.memory_space<vmem>>, vector<1x16xf32>,
      %swap3A_100 = vector.shape_cast %swap3A_99 : vector<1x16xf32> to vector<16xf32>
      %swap3A_101 = vector.shape_cast %broadcast_in_dim3A_0 : vector<16xf32> to vector<1x16xf32>
      tpu.vector_store %arg14[%swap3A_97, %swap3A_98], %swap3A_101 {strides = array<i32>} : memref<64x128xf32, #tpu.memory_space<vmem>>, vector<1x16xf32>,
      %swap3A_102 = arith.index_cast %add3A_92 : i32 to index
      %swap3A_103 = arith.constant 32 : index
      %swap3A_104 = tpu.vector_load %arg14[%swap3A_102, %swap3A_103] {strides = array<i32>} : memref<64x128xf32, #tpu.memory_space<vmem>>, vector<1x16xf32>,
      %swap3A_105 = vector.shape_cast %swap3A_104 : vector<1x16xf32> to vector<16xf32>
      %swap3A_106 = vector.shape_cast %broadcast_in_dim3A_0 : vector<16xf32> to vector<1x16xf32>
      tpu.vector_store %arg14[%swap3A_102, %swap3A_103], %swap3A_106 {strides = array<i32>} : memref<64x128xf32, #tpu.memory_space<vmem>>, vector<1x16xf32>,
      %swap3A_107 = arith.index_cast %add3A_92 : i32 to index
      %swap3A_108 = arith.constant 48 : index
      %swap3A_109 = tpu.vector_load %arg14[%swap3A_107, %swap3A_108] {strides = array<i32>} : memref<64x128xf32, #tpu.memory_space<vmem>>, vector<1x16xf32>,
      %swap3A_110 = vector.shape_cast %swap3A_109 : vector<1x16xf32> to vector<16xf32>
      %swap3A_111 = vector.shape_cast %broadcast_in_dim3A_0 : vector<16xf32> to vector<1x16xf32>
      tpu.vector_store %arg14[%swap3A_107, %swap3A_108], %swap3A_111 {strides = array<i32>} : memref<64x128xf32, #tpu.memory_space<vmem>>, vector<1x16xf32>,
      %swap3A_112 = arith.index_cast %add3A_92 : i32 to index
      %swap3A_113 = arith.constant 64 : index
      %swap3A_114 = tpu.vector_load %arg14[%swap3A_112, %swap3A_113] {strides = array<i32>} : memref<64x128xf32, #tpu.memory_space<vmem>>, vector<1x16xf32>,
      %swap3A_115 = vector.shape_cast %swap3A_114 : vector<1x16xf32> to vector<16xf32>
      %swap3A_116 = vector.shape_cast %broadcast_in_dim3A_0 : vector<16xf32> to vector<1x16xf32>
      tpu.vector_store %arg14[%swap3A_112, %swap3A_113], %swap3A_116 {strides = array<i32>} : memref<64x128xf32, #tpu.memory_space<vmem>>, vector<1x16xf32>,
      %swap3A_117 = arith.index_cast %add3A_92 : i32 to index
      %swap3A_118 = arith.constant 80 : index
      %swap3A_119 = tpu.vector_load %arg14[%swap3A_117, %swap3A_118] {strides = array<i32>} : memref<64x128xf32, #tpu.memory_space<vmem>>, vector<1x16xf32>,
      %swap3A_120 = vector.shape_cast %swap3A_119 : vector<1x16xf32> to vector<16xf32>
      %swap3A_121 = vector.shape_cast %broadcast_in_dim3A_0 : vector<16xf32> to vector<1x16xf32>
      tpu.vector_store %arg14[%swap3A_117, %swap3A_118], %swap3A_121 {strides = array<i32>} : memref<64x128xf32, #tpu.memory_space<vmem>>, vector<1x16xf32>,
      %swap3A_122 = arith.index_cast %add3A_92 : i32 to index
      %swap3A_123 = arith.constant 96 : index
      %swap3A_124 = tpu.vector_load %arg14[%swap3A_122, %swap3A_123] {strides = array<i32>} : memref<64x128xf32, #tpu.memory_space<vmem>>, vector<1x16xf32>,
      %swap3A_125 = vector.shape_cast %swap3A_124 : vector<1x16xf32> to vector<16xf32>
      %swap3A_126 = vector.shape_cast %broadcast_in_dim3A_0 : vector<16xf32> to vector<1x16xf32>
      tpu.vector_store %arg14[%swap3A_122, %swap3A_123], %swap3A_126 {strides = array<i32>} : memref<64x128xf32, #tpu.memory_space<vmem>>, vector<1x16xf32>,
      %swap3A_127 = arith.index_cast %add3A_92 : i32 to index
      %swap3A_128 = arith.constant 112 : index
      %swap3A_129 = tpu.vector_load %arg14[%swap3A_127, %swap3A_128] {strides = array<i32>} : memref<64x128xf32, #tpu.memory_space<vmem>>, vector<1x16xf32>,
      %swap3A_130 = vector.shape_cast %swap3A_129 : vector<1x16xf32> to vector<16xf32>
      %swap3A_131 = vector.shape_cast %broadcast_in_dim3A_0 : vector<16xf32> to vector<1x16xf32>
      tpu.vector_store %arg14[%swap3A_127, %swap3A_128], %swap3A_131 {strides = array<i32>} : memref<64x128xf32, #tpu.memory_space<vmem>>, vector<1x16xf32>,
    }
    %scan3A_4 = arith.constant 64 : i32
    %mul3A = arith.constant 648 : i32
    %mul3A_5 = arith.muli %arg1, %mul3A : i32
    %scan3A_6 = arith.constant 0 : i32
    %scan3A_7 = arith.constant 10 : i32
    %scan3A_8 = arith.addi %scan3A_6, %scan3A_7 : i32
    %scan3A_9 = arith.constant 1 : i32
    scf.for %scan3A_88 = %scan3A_6 to %scan3A_8 step %scan3A_9  : i32 {
      %mul3A_89 = arith.constant 1 : i32
      %mul3A_90 = arith.muli %scan3A_88, %mul3A_89 : i32
      %add3A_91 = arith.constant 0 : i32
      %add3A_92 = arith.addi %add3A_91, %mul3A_90 : i32
      %mul3A_93 = arith.constant 64 : i32
      %mul3A_94 = arith.muli %add3A_92, %mul3A_93 : i32
      %add3A_95 = arith.addi %mul3A_5, %mul3A_94 : i32
      "tpu.region"() ({
        %run_scoped3A = tpu.sem_alloc : memref<!tpu.dma_semaphore, #tpu.memory_space<semaphore_mem>>
        %dma_start3A_96 = arith.constant 0 : i32
        %dma_start3A_97 = arith.constant 0 : i32
        %dma_start3A_98 = tpu.memref_slice %arg14[%dma_start3A_96, %dma_start3A_97] : memref<64x128xf32, #tpu.memory_space<vmem>> -> memref<64x128xf32, #tpu.memory_space<vmem>>
        %dma_start3A_99 = arith.constant 0 : i32
        %dma_start3A_100 = tpu.memref_slice %arg18[%add3A_95, %dma_start3A_99] : memref<10400x128xf32, #tpu.memory_space<vmem_shared>> -> memref<64x128xf32, #tpu.memory_space<vmem_shared>>
        %dma_start3A_101 = arith.constant 0 : i32
        %dma_start3A_102 = tpu.memref_slice %arg18[%add3A_95, %dma_start3A_101] : memref<10400x128xf32, #tpu.memory_space<vmem_shared>> -> memref<64x128xf32, #tpu.memory_space<vmem_shared>>
        %dma_start3A_103 = arith.constant 0 : i32
        %dma_start3A_104 = arith.constant 0 : i32
        %dma_start3A_105 = tpu.memref_slice %arg14[%dma_start3A_103, %dma_start3A_104] : memref<64x128xf32, #tpu.memory_space<vmem>> -> memref<64x128xf32, #tpu.memory_space<vmem>>
        tpu.enqueue_dma source(%dma_start3A_105 : memref<64x128xf32, #tpu.memory_space<vmem>>) target(%dma_start3A_102 : memref<64x128xf32, #tpu.memory_space<vmem_shared>>) target_semaphore(%run_scoped3A : memref<!tpu.dma_semaphore, #tpu.memory_space<semaphore_mem>>)
        %dma_wait3A_106 = arith.constant 0 : i32
        %dma_wait3A_107 = arith.constant 0 : i32
        %dma_wait3A_108 = tpu.memref_slice %arg14[%dma_wait3A_106, %dma_wait3A_107] : memref<64x128xf32, #tpu.memory_space<vmem>> -> memref<64x128xf32, #tpu.memory_space<vmem>>
        %dma_wait3A_109 = arith.constant 0 : i32
        %dma_wait3A_110 = tpu.memref_slice %arg18[%add3A_95, %dma_wait3A_109] : memref<10400x128xf32, #tpu.memory_space<vmem_shared>> -> memref<64x128xf32, #tpu.memory_space<vmem_shared>>
        %dma_wait3A_111 = arith.constant 0 : i32
        %dma_wait3A_112 = tpu.memref_slice %arg18[%add3A_95, %dma_wait3A_111] : memref<10400x128xf32, #tpu.memory_space<vmem_shared>> -> memref<64x128xf32, #tpu.memory_space<vmem_shared>>
        %dma_wait3A_113 = arith.constant 0 : i32
        %dma_wait3A_114 = arith.constant 0 : i32
        %dma_wait3A_115 = tpu.memref_slice %arg14[%dma_wait3A_113, %dma_wait3A_114] : memref<64x128xf32, #tpu.memory_space<vmem>> -> memref<64x128xf32, #tpu.memory_space<vmem>>
        tpu.wait_dma2 semaphore(%run_scoped3A : memref<!tpu.dma_semaphore, #tpu.memory_space<semaphore_mem>>) src(%dma_wait3A_115 : memref<64x128xf32, #tpu.memory_space<vmem>>) dst(%dma_wait3A_112 : memref<64x128xf32, #tpu.memory_space<vmem_shared>>)
        tpu.yield
      }) : () -> ()
    }
    %scan3A_10 = arith.constant 10 : i32
    %add3A = arith.constant 648 : i32
    %add3A_11 = arith.addi %mul3A_5, %add3A : i32
    %sub3A = arith.constant 8 : i32
    %sub3A_12 = arith.subi %add3A_11, %sub3A : i32
    "tpu.region"() ({
      %run_scoped3A = tpu.sem_alloc : memref<!tpu.dma_semaphore, #tpu.memory_space<semaphore_mem>>
      %dma_start3A_88 = arith.constant 0 : i32
      %dma_start3A_89 = arith.constant 0 : i32
      %dma_start3A_90 = tpu.memref_slice %arg14[%dma_start3A_88, %dma_start3A_89] : memref<64x128xf32, #tpu.memory_space<vmem>> -> memref<8x128xf32, #tpu.memory_space<vmem>>
      %dma_start3A_91 = arith.constant 0 : i32
      %dma_start3A_92 = tpu.memref_slice %arg18[%sub3A_12, %dma_start3A_91] : memref<10400x128xf32, #tpu.memory_space<vmem_shared>> -> memref<8x128xf32, #tpu.memory_space<vmem_shared>>
      %dma_start3A_93 = arith.constant 0 : i32
      %dma_start3A_94 = tpu.memref_slice %arg18[%sub3A_12, %dma_start3A_93] : memref<10400x128xf32, #tpu.memory_space<vmem_shared>> -> memref<8x128xf32, #tpu.memory_space<vmem_shared>>
      %dma_start3A_95 = arith.constant 0 : i32
      %dma_start3A_96 = arith.constant 0 : i32
      %dma_start3A_97 = tpu.memref_slice %arg14[%dma_start3A_95, %dma_start3A_96] : memref<64x128xf32, #tpu.memory_space<vmem>> -> memref<8x128xf32, #tpu.memory_space<vmem>>
      tpu.enqueue_dma source(%dma_start3A_97 : memref<8x128xf32, #tpu.memory_space<vmem>>) target(%dma_start3A_94 : memref<8x128xf32, #tpu.memory_space<vmem_shared>>) target_semaphore(%run_scoped3A : memref<!tpu.dma_semaphore, #tpu.memory_space<semaphore_mem>>)
      %dma_wait3A_98 = arith.constant 0 : i32
      %dma_wait3A_99 = arith.constant 0 : i32
      %dma_wait3A_100 = tpu.memref_slice %arg14[%dma_wait3A_98, %dma_wait3A_99] : memref<64x128xf32, #tpu.memory_space<vmem>> -> memref<8x128xf32, #tpu.memory_space<vmem>>
      %dma_wait3A_101 = arith.constant 0 : i32
      %dma_wait3A_102 = tpu.memref_slice %arg18[%sub3A_12, %dma_wait3A_101] : memref<10400x128xf32, #tpu.memory_space<vmem_shared>> -> memref<8x128xf32, #tpu.memory_space<vmem_shared>>
      %dma_wait3A_103 = arith.constant 0 : i32
      %dma_wait3A_104 = tpu.memref_slice %arg18[%sub3A_12, %dma_wait3A_103] : memref<10400x128xf32, #tpu.memory_space<vmem_shared>> -> memref<8x128xf32, #tpu.memory_space<vmem_shared>>
      %dma_wait3A_105 = arith.constant 0 : i32
      %dma_wait3A_106 = arith.constant 0 : i32
      %dma_wait3A_107 = tpu.memref_slice %arg14[%dma_wait3A_105, %dma_wait3A_106] : memref<64x128xf32, #tpu.memory_space<vmem>> -> memref<8x128xf32, #tpu.memory_space<vmem>>
      tpu.wait_dma2 semaphore(%run_scoped3A : memref<!tpu.dma_semaphore, #tpu.memory_space<semaphore_mem>>) src(%dma_wait3A_107 : memref<8x128xf32, #tpu.memory_space<vmem>>) dst(%dma_wait3A_104 : memref<8x128xf32, #tpu.memory_space<vmem_shared>>)
      tpu.yield
    }) : () -> ()
    %eq3A = arith.constant 15 : i32
    %eq3A_13 = arith.cmpi eq, %arg1, %eq3A : i32
    %convert_element_type3A = arith.extui %eq3A_13 : i1 to i32
    %cond3A = arith.constant 0 : i32
    %cond3A_14 = arith.cmpi ne, %convert_element_type3A, %cond3A : i32
    scf.if %cond3A_14 {
      "tpu.region"() ({
        %run_scoped3A = tpu.sem_alloc : memref<!tpu.dma_semaphore, #tpu.memory_space<semaphore_mem>>
        %dma_start3A_88 = arith.constant 0 : i32
        %dma_start3A_89 = arith.constant 0 : i32
        %dma_start3A_90 = tpu.memref_slice %arg14[%dma_start3A_88, %dma_start3A_89] : memref<64x128xf32, #tpu.memory_space<vmem>> -> memref<32x128xf32, #tpu.memory_space<vmem>>
        %dma_start3A_91 = arith.constant 10368 : i32
        %dma_start3A_92 = arith.constant 0 : i32
        %dma_start3A_93 = tpu.memref_slice %arg18[%dma_start3A_91, %dma_start3A_92] : memref<10400x128xf32, #tpu.memory_space<vmem_shared>> -> memref<32x128xf32, #tpu.memory_space<vmem_shared>>
        %dma_start3A_94 = arith.constant 10368 : i32
        %dma_start3A_95 = arith.constant 0 : i32
        %dma_start3A_96 = tpu.memref_slice %arg18[%dma_start3A_94, %dma_start3A_95] : memref<10400x128xf32, #tpu.memory_space<vmem_shared>> -> memref<32x128xf32, #tpu.memory_space<vmem_shared>>
        %dma_start3A_97 = arith.constant 0 : i32
        %dma_start3A_98 = arith.constant 0 : i32
        %dma_start3A_99 = tpu.memref_slice %arg14[%dma_start3A_97, %dma_start3A_98] : memref<64x128xf32, #tpu.memory_space<vmem>> -> memref<32x128xf32, #tpu.memory_space<vmem>>
        tpu.enqueue_dma source(%dma_start3A_99 : memref<32x128xf32, #tpu.memory_space<vmem>>) target(%dma_start3A_96 : memref<32x128xf32, #tpu.memory_space<vmem_shared>>) target_semaphore(%run_scoped3A : memref<!tpu.dma_semaphore, #tpu.memory_space<semaphore_mem>>)
        %dma_wait3A_100 = arith.constant 0 : i32
        %dma_wait3A_101 = arith.constant 0 : i32
        %dma_wait3A_102 = tpu.memref_slice %arg14[%dma_wait3A_100, %dma_wait3A_101] : memref<64x128xf32, #tpu.memory_space<vmem>> -> memref<32x128xf32, #tpu.memory_space<vmem>>
        %dma_wait3A_103 = arith.constant 10368 : i32
        %dma_wait3A_104 = arith.constant 0 : i32
        %dma_wait3A_105 = tpu.memref_slice %arg18[%dma_wait3A_103, %dma_wait3A_104] : memref<10400x128xf32, #tpu.memory_space<vmem_shared>> -> memref<32x128xf32, #tpu.memory_space<vmem_shared>>
        %dma_wait3A_106 = arith.constant 10368 : i32
        %dma_wait3A_107 = arith.constant 0 : i32
        %dma_wait3A_108 = tpu.memref_slice %arg18[%dma_wait3A_106, %dma_wait3A_107] : memref<10400x128xf32, #tpu.memory_space<vmem_shared>> -> memref<32x128xf32, #tpu.memory_space<vmem_shared>>
        %dma_wait3A_109 = arith.constant 0 : i32
        %dma_wait3A_110 = arith.constant 0 : i32
        %dma_wait3A_111 = tpu.memref_slice %arg14[%dma_wait3A_109, %dma_wait3A_110] : memref<64x128xf32, #tpu.memory_space<vmem>> -> memref<32x128xf32, #tpu.memory_space<vmem>>
        tpu.wait_dma2 semaphore(%run_scoped3A : memref<!tpu.dma_semaphore, #tpu.memory_space<semaphore_mem>>) src(%dma_wait3A_111 : memref<32x128xf32, #tpu.memory_space<vmem>>) dst(%dma_wait3A_108 : memref<32x128xf32, #tpu.memory_space<vmem_shared>>)
        tpu.yield
      }) : () -> ()
    } else {
    }
    %barrier3A = arith.constant 0 : index
    tpu.barrier barrier_id(%barrier3A)
    %mul3A_15 = arith.constant 10240 : i32
    %mul3A_16 = arith.muli %arg1, %mul3A_15 : i32
    %mul3A_17 = arith.constant 10000 : i32
    %mul3A_18 = arith.muli %arg0, %mul3A_17 : i32
    %mul3A_19 = arith.constant 16 : i32
    %mul3A_20 = arith.muli %arg0, %mul3A_19 : i32
    %add3A_21 = arith.addi %mul3A_20, %arg1 : i32
    %mul3A_22 = arith.constant 128 : i32
    %mul3A_23 = arith.muli %add3A_21, %mul3A_22 : i32
    %add3A_24 = arith.constant 0 : i32
    %add3A_25 = arith.addi %mul3A_16, %add3A_24 : i32
    %dma_start3A = tpu.memref_slice %arg3[%add3A_25] : memref<163840xi32, #tpu.memory_space<hbm>> -> memref<64xi32, #tpu.memory_space<hbm>>
    %dma_start3A_26 = tpu.memref_slice %arg3[%add3A_25] : memref<163840xi32, #tpu.memory_space<hbm>> -> memref<64xi32, #tpu.memory_space<hbm>>
    tpu.enqueue_dma source(%dma_start3A_26 : memref<64xi32, #tpu.memory_space<hbm>>) target(%arg8 : memref<64xi32, #tpu.memory_space<vmem>>) target_semaphore(%arg19 : memref<!tpu.dma_semaphore, #tpu.memory_space<semaphore_mem>>)
    %dma_start3A_27 = tpu.memref_slice %arg5[%add3A_25] : memref<163840xi32, #tpu.memory_space<hbm>> -> memref<64xi32, #tpu.memory_space<hbm>>
    %dma_start3A_28 = tpu.memref_slice %arg5[%add3A_25] : memref<163840xi32, #tpu.memory_space<hbm>> -> memref<64xi32, #tpu.memory_space<hbm>>
    tpu.enqueue_dma source(%dma_start3A_28 : memref<64xi32, #tpu.memory_space<hbm>>) target(%arg10 : memref<64xi32, #tpu.memory_space<vmem>>) target_semaphore(%arg19 : memref<!tpu.dma_semaphore, #tpu.memory_space<semaphore_mem>>)
    %add3A_29 = arith.constant 0 : i32
    %add3A_30 = arith.addi %mul3A_16, %add3A_29 : i32
    %dma_start3A_31 = tpu.memref_slice %arg4[%add3A_30] : memref<163840xi32, #tpu.memory_space<hbm>> -> memref<64xi32, #tpu.memory_space<hbm>>
    %dma_start3A_32 = tpu.memref_slice %arg4[%add3A_30] : memref<163840xi32, #tpu.memory_space<hbm>> -> memref<64xi32, #tpu.memory_space<hbm>>
    tpu.enqueue_dma source(%dma_start3A_32 : memref<64xi32, #tpu.memory_space<hbm>>) target(%arg9 : memref<64xi32, #tpu.memory_space<vmem>>) target_semaphore(%arg21 : memref<!tpu.dma_semaphore, #tpu.memory_space<semaphore_mem>>)
    %dma_wait3A = arith.constant 0 : i32
    %dma_wait3A_33 = tpu.memref_slice %arg3[%dma_wait3A] : memref<163840xi32, #tpu.memory_space<hbm>> -> memref<64xi32, #tpu.memory_space<hbm>>
    %dma_wait3A_34 = arith.constant 0 : i32
    %dma_wait3A_35 = tpu.memref_slice %arg3[%dma_wait3A_34] : memref<163840xi32, #tpu.memory_space<hbm>> -> memref<64xi32, #tpu.memory_space<hbm>>
    tpu.wait_dma2 semaphore(%arg19 : memref<!tpu.dma_semaphore, #tpu.memory_space<semaphore_mem>>) src(%dma_wait3A_35 : memref<64xi32, #tpu.memory_space<hbm>>) dst(%arg8 : memref<64xi32, #tpu.memory_space<vmem>>)
    %dma_wait3A_36 = arith.constant 0 : i32
    %dma_wait3A_37 = tpu.memref_slice %arg5[%dma_wait3A_36] : memref<163840xi32, #tpu.memory_space<hbm>> -> memref<64xi32, #tpu.memory_space<hbm>>
    %dma_wait3A_38 = arith.constant 0 : i32
    %dma_wait3A_39 = tpu.memref_slice %arg5[%dma_wait3A_38] : memref<163840xi32, #tpu.memory_space<hbm>> -> memref<64xi32, #tpu.memory_space<hbm>>
    tpu.wait_dma2 semaphore(%arg19 : memref<!tpu.dma_semaphore, #tpu.memory_space<semaphore_mem>>) src(%dma_wait3A_39 : memref<64xi32, #tpu.memory_space<hbm>>) dst(%arg10 : memref<64xi32, #tpu.memory_space<vmem>>)
    %scan3A_40 = arith.constant 0 : i32
    %scan3A_41 = arith.constant 4 : i32
    %scan3A_42 = arith.addi %scan3A_40, %scan3A_41 : i32
    %scan3A_43 = arith.constant 1 : i32
    scf.for %scan3A_88 = %scan3A_40 to %scan3A_42 step %scan3A_43  : i32 {
      %mul3A_89 = arith.constant 1 : i32
      %mul3A_90 = arith.muli %scan3A_88, %mul3A_89 : i32
      %add3A_91 = arith.constant 0 : i32
      %add3A_92 = arith.addi %add3A_91, %mul3A_90 : i32
      %mul3A_93 = arith.constant 16 : i32
      %mul3A_94 = arith.muli %add3A_92, %mul3A_93 : i32
      %get3A = arith.index_cast %mul3A_94 : i32 to index
      %get3A_95 = tpu.vector_load %arg8[%get3A] {strides = array<i32>} : memref<64xi32, #tpu.memory_space<vmem>>, vector<16xi32>,
      %get3A_96 = vector.shape_cast %get3A_95 : vector<16xi32> to vector<16xi32>
      %add3A_97 = vector.broadcast %mul3A_18 : i32 to vector<16xi32>
      %add3A_98 = arith.addi %get3A_96, %add3A_97 : vector<16xi32>
      %swap3A = arith.index_cast %mul3A_94 : i32 to index
      %swap3A_99 = tpu.vector_load %arg8[%swap3A] {strides = array<i32>} : memref<64xi32, #tpu.memory_space<vmem>>, vector<16xi32>,
      %swap3A_100 = vector.shape_cast %swap3A_99 : vector<16xi32> to vector<16xi32>
      %swap3A_101 = vector.shape_cast %add3A_98 : vector<16xi32> to vector<16xi32>
      tpu.vector_store %arg8[%swap3A], %swap3A_101 {strides = array<i32>} : memref<64xi32, #tpu.memory_space<vmem>>, vector<16xi32>,
      %get3A_102 = arith.index_cast %mul3A_94 : i32 to index
      %get3A_103 = tpu.vector_load %arg10[%get3A_102] {strides = array<i32>} : memref<64xi32, #tpu.memory_space<vmem>>, vector<16xi32>,
      %get3A_104 = vector.shape_cast %get3A_103 : vector<16xi32> to vector<16xi32>
      %add3A_105 = vector.broadcast %mul3A_23 : i32 to vector<16xi32>
      %add3A_106 = arith.addi %get3A_104, %add3A_105 : vector<16xi32>
      %swap3A_107 = arith.index_cast %mul3A_94 : i32 to index
      %swap3A_108 = tpu.vector_load %arg10[%swap3A_107] {strides = array<i32>} : memref<64xi32, #tpu.memory_space<vmem>>, vector<16xi32>,
      %swap3A_109 = vector.shape_cast %swap3A_108 : vector<16xi32> to vector<16xi32>
      %swap3A_110 = vector.shape_cast %add3A_106 : vector<16xi32> to vector<16xi32>
      tpu.vector_store %arg10[%swap3A_107], %swap3A_110 {strides = array<i32>} : memref<64xi32, #tpu.memory_space<vmem>>, vector<16xi32>,
    }
    %scan3A_44 = arith.constant 4 : i32
    %dma_start3A_45 = arith.constant 0 : i32
    %dma_start3A_46 = arith.constant 0 : i32
    %dma_start3A_47 = tpu.memref_slice %arg2[%dma_start3A_45, %dma_start3A_46] : memref<20000x128xf32, #tpu.memory_space<hbm>> -> memref<20000x128xf32, #tpu.memory_space<hbm>>
    tpu.enqueue_indirect_dma source(%dma_start3A_47 : memref<20000x128xf32, #tpu.memory_space<hbm>>) target(%arg14 : memref<64x128xf32, #tpu.memory_space<vmem>>) offsets(%arg8 : memref<64xi32, #tpu.memory_space<vmem>>) semaphore(%arg23 : memref<!tpu.dma_semaphore, #tpu.memory_space<semaphore_mem>>)
    %dma_start3A_48 = arith.constant 0 : i32
    %dma_start3A_49 = arith.constant 0 : i32
    %dma_start3A_50 = tpu.memref_slice %arg6[%dma_start3A_48, %dma_start3A_49] : memref<4096x128xf32, #tpu.memory_space<hbm>> -> memref<4096x128xf32, #tpu.memory_space<hbm>>
    tpu.enqueue_indirect_dma source(%dma_start3A_50 : memref<4096x128xf32, #tpu.memory_space<hbm>>) target(%arg15 : memref<64x128xf32, #tpu.memory_space<vmem>>) offsets(%arg10 : memref<64xi32, #tpu.memory_space<vmem>>) semaphore(%arg23 : memref<!tpu.dma_semaphore, #tpu.memory_space<semaphore_mem>>)
    %add3A_51 = arith.constant 64 : i32
    %add3A_52 = arith.addi %mul3A_16, %add3A_51 : i32
    %dma_start3A_53 = tpu.memref_slice %arg3[%add3A_52] : memref<163840xi32, #tpu.memory_space<hbm>> -> memref<64xi32, #tpu.memory_space<hbm>>
    %dma_start3A_54 = tpu.memref_slice %arg3[%add3A_52] : memref<163840xi32, #tpu.memory_space<hbm>> -> memref<64xi32, #tpu.memory_space<hbm>>
    tpu.enqueue_dma source(%dma_start3A_54 : memref<64xi32, #tpu.memory_space<hbm>>) target(%arg11 : memref<64xi32, #tpu.memory_space<vmem>>) target_semaphore(%arg20 : memref<!tpu.dma_semaphore, #tpu.memory_space<semaphore_mem>>)
    %dma_start3A_55 = tpu.memref_slice %arg5[%add3A_52] : memref<163840xi32, #tpu.memory_space<hbm>> -> memref<64xi32, #tpu.memory_space<hbm>>
    %dma_start3A_56 = tpu.memref_slice %arg5[%add3A_52] : memref<163840xi32, #tpu.memory_space<hbm>> -> memref<64xi32, #tpu.memory_space<hbm>>
    tpu.enqueue_dma source(%dma_start3A_56 : memref<64xi32, #tpu.memory_space<hbm>>) target(%arg13 : memref<64xi32, #tpu.memory_space<vmem>>) target_semaphore(%arg20 : memref<!tpu.dma_semaphore, #tpu.memory_space<semaphore_mem>>)
    %scan3A_57 = arith.constant true
    %scan3A_58 = arith.constant 0 : i32
    %scan3A_59 = arith.constant 80 : i32
    %scan3A_60 = arith.addi %scan3A_58, %scan3A_59 : i32
    %scan3A_61 = arith.constant 1 : i32
    scf.for %scan3A_88 = %scan3A_58 to %scan3A_60 step %scan3A_61  : i32 {
      %mul3A_89 = arith.constant 1 : i32
      %mul3A_90 = arith.muli %scan3A_88, %mul3A_89 : i32
      %add3A_91 = arith.constant 0 : i32
      %add3A_92 = arith.addi %add3A_91, %mul3A_90 : i32
      %lt3A = arith.constant 79 : i32
      %lt3A_93 = arith.cmpi slt, %add3A_92, %lt3A : i32
      %mul3A_94 = arith.constant 2 : i32
      %mul3A_95 = arith.muli %mul3A_94, %add3A_92 : i32
      %gt3A = arith.constant 0 : i32
      %gt3A_96 = arith.cmpi sgt, %add3A_92, %gt3A : i32
      %convert_element_type3A_97 = arith.extui %scan3A_57 : i1 to i32
      %cond3A_98 = arith.constant 0 : i32
      %cond3A_99 = arith.cmpi ne, %convert_element_type3A_97, %cond3A_98 : i32
      scf.if %cond3A_99 {
        %dma_wait3A_161 = arith.constant 0 : i32
        %dma_wait3A_162 = tpu.memref_slice %arg3[%dma_wait3A_161] : memref<163840xi32, #tpu.memory_space<hbm>> -> memref<64xi32, #tpu.memory_space<hbm>>
        %dma_wait3A_163 = arith.constant 0 : i32
        %dma_wait3A_164 = tpu.memref_slice %arg3[%dma_wait3A_163] : memref<163840xi32, #tpu.memory_space<hbm>> -> memref<64xi32, #tpu.memory_space<hbm>>
        tpu.wait_dma2 semaphore(%arg20 : memref<!tpu.dma_semaphore, #tpu.memory_space<semaphore_mem>>) src(%dma_wait3A_164 : memref<64xi32, #tpu.memory_space<hbm>>) dst(%arg11 : memref<64xi32, #tpu.memory_space<vmem>>)
        %dma_wait3A_165 = arith.constant 0 : i32
        %dma_wait3A_166 = tpu.memref_slice %arg5[%dma_wait3A_165] : memref<163840xi32, #tpu.memory_space<hbm>> -> memref<64xi32, #tpu.memory_space<hbm>>
        %dma_wait3A_167 = arith.constant 0 : i32
        %dma_wait3A_168 = tpu.memref_slice %arg5[%dma_wait3A_167] : memref<163840xi32, #tpu.memory_space<hbm>> -> memref<64xi32, #tpu.memory_space<hbm>>
        tpu.wait_dma2 semaphore(%arg20 : memref<!tpu.dma_semaphore, #tpu.memory_space<semaphore_mem>>) src(%dma_wait3A_168 : memref<64xi32, #tpu.memory_space<hbm>>) dst(%arg13 : memref<64xi32, #tpu.memory_space<vmem>>)
        %scan3A_169 = arith.constant 0 : i32
        %scan3A_170 = arith.constant 4 : i32
        %scan3A_171 = arith.addi %scan3A_169, %scan3A_170 : i32
        %scan3A_172 = arith.constant 1 : i32
        scf.for %scan3A_174 = %scan3A_169 to %scan3A_171 step %scan3A_172  : i32 {
          %mul3A_175 = arith.constant 1 : i32
          %mul3A_176 = arith.muli %scan3A_174, %mul3A_175 : i32
          %add3A_177 = arith.constant 0 : i32
          %add3A_178 = arith.addi %add3A_177, %mul3A_176 : i32
          %mul3A_179 = arith.constant 16 : i32
          %mul3A_180 = arith.muli %add3A_178, %mul3A_179 : i32
          %get3A = arith.index_cast %mul3A_180 : i32 to index
          %get3A_181 = tpu.vector_load %arg11[%get3A] {strides = array<i32>} : memref<64xi32, #tpu.memory_space<vmem>>, vector<16xi32>,
          %get3A_182 = vector.shape_cast %get3A_181 : vector<16xi32> to vector<16xi32>
          %add3A_183 = vector.broadcast %mul3A_18 : i32 to vector<16xi32>
          %add3A_184 = arith.addi %get3A_182, %add3A_183 : vector<16xi32>
          %swap3A = arith.index_cast %mul3A_180 : i32 to index
          %swap3A_185 = tpu.vector_load %arg11[%swap3A] {strides = array<i32>} : memref<64xi32, #tpu.memory_space<vmem>>, vector<16xi32>,
          %swap3A_186 = vector.shape_cast %swap3A_185 : vector<16xi32> to vector<16xi32>
          %swap3A_187 = vector.shape_cast %add3A_184 : vector<16xi32> to vector<16xi32>
          tpu.vector_store %arg11[%swap3A], %swap3A_187 {strides = array<i32>} : memref<64xi32, #tpu.memory_space<vmem>>, vector<16xi32>,
          %get3A_188 = arith.index_cast %mul3A_180 : i32 to index
          %get3A_189 = tpu.vector_load %arg13[%get3A_188] {strides = array<i32>} : memref<64xi32, #tpu.memory_space<vmem>>, vector<16xi32>,
          %get3A_190 = vector.shape_cast %get3A_189 : vector<16xi32> to vector<16xi32>
          %add3A_191 = vector.broadcast %mul3A_23 : i32 to vector<16xi32>
          %add3A_192 = arith.addi %get3A_190, %add3A_191 : vector<16xi32>
          %swap3A_193 = arith.index_cast %mul3A_180 : i32 to index
          %swap3A_194 = tpu.vector_load %arg13[%swap3A_193] {strides = array<i32>} : memref<64xi32, #tpu.memory_space<vmem>>, vector<16xi32>,
          %swap3A_195 = vector.shape_cast %swap3A_194 : vector<16xi32> to vector<16xi32>
          %swap3A_196 = vector.shape_cast %add3A_192 : vector<16xi32> to vector<16xi32>
          tpu.vector_store %arg13[%swap3A_193], %swap3A_196 {strides = array<i32>} : memref<64xi32, #tpu.memory_space<vmem>>, vector<16xi32>,
        }
        %scan3A_173 = arith.constant 4 : i32
      } else {
      }
      %convert_element_type3A_100 = arith.extui %gt3A_96 : i1 to i32
      %cond3A_101 = arith.constant 0 : i32
      %cond3A_102 = arith.cmpi ne, %convert_element_type3A_100, %cond3A_101 : i32
      scf.if %cond3A_102 {
        %dma_wait3A_161 = arith.constant 0 : i32
        %dma_wait3A_162 = arith.constant 0 : i32
        %dma_wait3A_163 = tpu.memref_slice %arg18[%dma_wait3A_161, %dma_wait3A_162] : memref<10400x128xf32, #tpu.memory_space<vmem_shared>> -> memref<10400x128xf32, #tpu.memory_space<vmem_shared>>
        tpu.wait_indirect_dma semaphore(%arg26 : memref<!tpu.dma_semaphore, #tpu.memory_space<semaphore_mem>>) src(%arg16 : memref<64x128xf32, #tpu.memory_space<vmem>>) dst(%dma_wait3A_163 : memref<10400x128xf32, #tpu.memory_space<vmem_shared>>)
      } else {
      }
      %convert_element_type3A_103 = arith.extui %scan3A_57 : i1 to i32
      %cond3A_104 = arith.constant 0 : i32
      %cond3A_105 = arith.cmpi ne, %convert_element_type3A_103, %cond3A_104 : i32
      scf.if %cond3A_105 {
        %add3A_161 = arith.constant 1 : i32
        %add3A_162 = arith.addi %mul3A_95, %add3A_161 : i32
        %mul3A_163 = arith.constant 64 : i32
        %mul3A_164 = arith.muli %add3A_162, %mul3A_163 : i32
        %add3A_165 = arith.addi %mul3A_16, %mul3A_164 : i32
        %dma_start3A_166 = tpu.memref_slice %arg4[%add3A_165] : memref<163840xi32, #tpu.memory_space<hbm>> -> memref<64xi32, #tpu.memory_space<hbm>>
        %dma_start3A_167 = tpu.memref_slice %arg4[%add3A_165] : memref<163840xi32, #tpu.memory_space<hbm>> -> memref<64xi32, #tpu.memory_space<hbm>>
        tpu.enqueue_dma source(%dma_start3A_167 : memref<64xi32, #tpu.memory_space<hbm>>) target(%arg12 : memref<64xi32, #tpu.memory_space<vmem>>) target_semaphore(%arg22 : memref<!tpu.dma_semaphore, #tpu.memory_space<semaphore_mem>>)
        %dma_start3A_168 = arith.constant 0 : i32
        %dma_start3A_169 = arith.constant 0 : i32
        %dma_start3A_170 = tpu.memref_slice %arg2[%dma_start3A_168, %dma_start3A_169] : memref<20000x128xf32, #tpu.memory_space<hbm>> -> memref<20000x128xf32, #tpu.memory_space<hbm>>
        tpu.enqueue_indirect_dma source(%dma_start3A_170 : memref<20000x128xf32, #tpu.memory_space<hbm>>) target(%arg16 : memref<64x128xf32, #tpu.memory_space<vmem>>) offsets(%arg11 : memref<64xi32, #tpu.memory_space<vmem>>) semaphore(%arg24 : memref<!tpu.dma_semaphore, #tpu.memory_space<semaphore_mem>>)
        %dma_start3A_171 = arith.constant 0 : i32
        %dma_start3A_172 = arith.constant 0 : i32
        %dma_start3A_173 = tpu.memref_slice %arg6[%dma_start3A_171, %dma_start3A_172] : memref<4096x128xf32, #tpu.memory_space<hbm>> -> memref<4096x128xf32, #tpu.memory_space<hbm>>
        tpu.enqueue_indirect_dma source(%dma_start3A_173 : memref<4096x128xf32, #tpu.memory_space<hbm>>) target(%arg17 : memref<64x128xf32, #tpu.memory_space<vmem>>) offsets(%arg13 : memref<64xi32, #tpu.memory_space<vmem>>) semaphore(%arg24 : memref<!tpu.dma_semaphore, #tpu.memory_space<semaphore_mem>>)
      } else {
      }
      %dma_wait3A_106 = arith.constant 0 : i32
      %dma_wait3A_107 = arith.constant 0 : i32
      %dma_wait3A_108 = tpu.memref_slice %arg2[%dma_wait3A_106, %dma_wait3A_107] : memref<20000x128xf32, #tpu.memory_space<hbm>> -> memref<20000x128xf32, #tpu.memory_space<hbm>>
      tpu.wait_indirect_dma semaphore(%arg23 : memref<!tpu.dma_semaphore, #tpu.memory_space<semaphore_mem>>) src(%dma_wait3A_108 : memref<20000x128xf32, #tpu.memory_space<hbm>>) dst(%arg14 : memref<64x128xf32, #tpu.memory_space<vmem>>)
      %dma_wait3A_109 = arith.constant 0 : i32
      %dma_wait3A_110 = arith.constant 0 : i32
      %dma_wait3A_111 = tpu.memref_slice %arg6[%dma_wait3A_109, %dma_wait3A_110] : memref<4096x128xf32, #tpu.memory_space<hbm>> -> memref<4096x128xf32, #tpu.memory_space<hbm>>
      tpu.wait_indirect_dma semaphore(%arg23 : memref<!tpu.dma_semaphore, #tpu.memory_space<semaphore_mem>>) src(%dma_wait3A_111 : memref<4096x128xf32, #tpu.memory_space<hbm>>) dst(%arg15 : memref<64x128xf32, #tpu.memory_space<vmem>>)
      %convert_element_type3A_112 = arith.extui %lt3A_93 : i1 to i32
      %cond3A_113 = arith.constant 0 : i32
      %cond3A_114 = arith.cmpi ne, %convert_element_type3A_112, %cond3A_113 : i32
      scf.if %cond3A_114 {
        %add3A_161 = arith.constant 2 : i32
        %add3A_162 = arith.addi %mul3A_95, %add3A_161 : i32
        %mul3A_163 = arith.constant 64 : i32
        %mul3A_164 = arith.muli %add3A_162, %mul3A_163 : i32
        %add3A_165 = arith.addi %mul3A_16, %mul3A_164 : i32
        %dma_start3A_166 = tpu.memref_slice %arg3[%add3A_165] : memref<163840xi32, #tpu.memory_space<hbm>> -> memref<64xi32, #tpu.memory_space<hbm>>
        %dma_start3A_167 = tpu.memref_slice %arg3[%add3A_165] : memref<163840xi32, #tpu.memory_space<hbm>> -> memref<64xi32, #tpu.memory_space<hbm>>
        tpu.enqueue_dma source(%dma_start3A_167 : memref<64xi32, #tpu.memory_space<hbm>>) target(%arg8 : memref<64xi32, #tpu.memory_space<vmem>>) target_semaphore(%arg19 : memref<!tpu.dma_semaphore, #tpu.memory_space<semaphore_mem>>)
        %dma_start3A_168 = tpu.memref_slice %arg5[%add3A_165] : memref<163840xi32, #tpu.memory_space<hbm>> -> memref<64xi32, #tpu.memory_space<hbm>>
        %dma_start3A_169 = tpu.memref_slice %arg5[%add3A_165] : memref<163840xi32, #tpu.memory_space<hbm>> -> memref<64xi32, #tpu.memory_space<hbm>>
        tpu.enqueue_dma source(%dma_start3A_169 : memref<64xi32, #tpu.memory_space<hbm>>) target(%arg10 : memref<64xi32, #tpu.memory_space<vmem>>) target_semaphore(%arg19 : memref<!tpu.dma_semaphore, #tpu.memory_space<semaphore_mem>>)
      } else {
      }
      %scan3A_115 = arith.constant 0 : i32
      %scan3A_116 = arith.constant 64 : i32
      %scan3A_117 = arith.addi %scan3A_115, %scan3A_116 : i32
      %scan3A_118 = arith.constant 1 : i32
      scf.for %scan3A_161 = %scan3A_115 to %scan3A_117 step %scan3A_118  : i32 {
        %mul3A_162 = arith.constant 1 : i32
        %mul3A_163 = arith.muli %scan3A_161, %mul3A_162 : i32
        %add3A_164 = arith.constant 0 : i32
        %add3A_165 = arith.addi %add3A_164, %mul3A_163 : i32
        %get3A = arith.index_cast %add3A_165 : i32 to index
        %get3A_166 = arith.constant 0 : index
        %get3A_167 = tpu.vector_load %arg14[%get3A, %get3A_166] {strides = array<i32>} : memref<64x128xf32, #tpu.memory_space<vmem>>, vector<1x16xf32>,
        %get3A_168 = vector.shape_cast %get3A_167 : vector<1x16xf32> to vector<16xf32>
        %get3A_169 = arith.index_cast %add3A_165 : i32 to index
        %get3A_170 = arith.constant 0 : index
        %get3A_171 = tpu.vector_load %arg15[%get3A_169, %get3A_170] {strides = array<i32>} : memref<64x128xf32, #tpu.memory_space<vmem>>, vector<1x16xf32>,
        %get3A_172 = vector.shape_cast %get3A_171 : vector<1x16xf32> to vector<16xf32>
        %mul3A_173 = arith.mulf %get3A_168, %get3A_172 : vector<16xf32>
        %swap3A = arith.index_cast %add3A_165 : i32 to index
        %swap3A_174 = arith.constant 0 : index
        %swap3A_175 = tpu.vector_load %arg14[%swap3A, %swap3A_174] {strides = array<i32>} : memref<64x128xf32, #tpu.memory_space<vmem>>, vector<1x16xf32>,
        %swap3A_176 = vector.shape_cast %swap3A_175 : vector<1x16xf32> to vector<16xf32>
        %swap3A_177 = vector.shape_cast %mul3A_173 : vector<16xf32> to vector<1x16xf32>
        tpu.vector_store %arg14[%swap3A, %swap3A_174], %swap3A_177 {strides = array<i32>} : memref<64x128xf32, #tpu.memory_space<vmem>>, vector<1x16xf32>,
        %get3A_178 = arith.index_cast %add3A_165 : i32 to index
        %get3A_179 = arith.constant 16 : index
        %get3A_180 = tpu.vector_load %arg14[%get3A_178, %get3A_179] {strides = array<i32>} : memref<64x128xf32, #tpu.memory_space<vmem>>, vector<1x16xf32>,
        %get3A_181 = vector.shape_cast %get3A_180 : vector<1x16xf32> to vector<16xf32>
        %get3A_182 = arith.index_cast %add3A_165 : i32 to index
        %get3A_183 = arith.constant 16 : index
        %get3A_184 = tpu.vector_load %arg15[%get3A_182, %get3A_183] {strides = array<i32>} : memref<64x128xf32, #tpu.memory_space<vmem>>, vector<1x16xf32>,
        %get3A_185 = vector.shape_cast %get3A_184 : vector<1x16xf32> to vector<16xf32>
        %mul3A_186 = arith.mulf %get3A_181, %get3A_185 : vector<16xf32>
        %swap3A_187 = arith.index_cast %add3A_165 : i32 to index
        %swap3A_188 = arith.constant 16 : index
        %swap3A_189 = tpu.vector_load %arg14[%swap3A_187, %swap3A_188] {strides = array<i32>} : memref<64x128xf32, #tpu.memory_space<vmem>>, vector<1x16xf32>,
        %swap3A_190 = vector.shape_cast %swap3A_189 : vector<1x16xf32> to vector<16xf32>
        %swap3A_191 = vector.shape_cast %mul3A_186 : vector<16xf32> to vector<1x16xf32>
        tpu.vector_store %arg14[%swap3A_187, %swap3A_188], %swap3A_191 {strides = array<i32>} : memref<64x128xf32, #tpu.memory_space<vmem>>, vector<1x16xf32>,
        %get3A_192 = arith.index_cast %add3A_165 : i32 to index
        %get3A_193 = arith.constant 32 : index
        %get3A_194 = tpu.vector_load %arg14[%get3A_192, %get3A_193] {strides = array<i32>} : memref<64x128xf32, #tpu.memory_space<vmem>>, vector<1x16xf32>,
        %get3A_195 = vector.shape_cast %get3A_194 : vector<1x16xf32> to vector<16xf32>
        %get3A_196 = arith.index_cast %add3A_165 : i32 to index
        %get3A_197 = arith.constant 32 : index
        %get3A_198 = tpu.vector_load %arg15[%get3A_196, %get3A_197] {strides = array<i32>} : memref<64x128xf32, #tpu.memory_space<vmem>>, vector<1x16xf32>,
        %get3A_199 = vector.shape_cast %get3A_198 : vector<1x16xf32> to vector<16xf32>
        %mul3A_200 = arith.mulf %get3A_195, %get3A_199 : vector<16xf32>
        %swap3A_201 = arith.index_cast %add3A_165 : i32 to index
        %swap3A_202 = arith.constant 32 : index
        %swap3A_203 = tpu.vector_load %arg14[%swap3A_201, %swap3A_202] {strides = array<i32>} : memref<64x128xf32, #tpu.memory_space<vmem>>, vector<1x16xf32>,
        %swap3A_204 = vector.shape_cast %swap3A_203 : vector<1x16xf32> to vector<16xf32>
        %swap3A_205 = vector.shape_cast %mul3A_200 : vector<16xf32> to vector<1x16xf32>
        tpu.vector_store %arg14[%swap3A_201, %swap3A_202], %swap3A_205 {strides = array<i32>} : memref<64x128xf32, #tpu.memory_space<vmem>>, vector<1x16xf32>,
        %get3A_206 = arith.index_cast %add3A_165 : i32 to index
        %get3A_207 = arith.constant 48 : index
        %get3A_208 = tpu.vector_load %arg14[%get3A_206, %get3A_207] {strides = array<i32>} : memref<64x128xf32, #tpu.memory_space<vmem>>, vector<1x16xf32>,
        %get3A_209 = vector.shape_cast %get3A_208 : vector<1x16xf32> to vector<16xf32>
        %get3A_210 = arith.index_cast %add3A_165 : i32 to index
        %get3A_211 = arith.constant 48 : index
        %get3A_212 = tpu.vector_load %arg15[%get3A_210, %get3A_211] {strides = array<i32>} : memref<64x128xf32, #tpu.memory_space<vmem>>, vector<1x16xf32>,
        %get3A_213 = vector.shape_cast %get3A_212 : vector<1x16xf32> to vector<16xf32>
        %mul3A_214 = arith.mulf %get3A_209, %get3A_213 : vector<16xf32>
        %swap3A_215 = arith.index_cast %add3A_165 : i32 to index
        %swap3A_216 = arith.constant 48 : index
        %swap3A_217 = tpu.vector_load %arg14[%swap3A_215, %swap3A_216] {strides = array<i32>} : memref<64x128xf32, #tpu.memory_space<vmem>>, vector<1x16xf32>,
        %swap3A_218 = vector.shape_cast %swap3A_217 : vector<1x16xf32> to vector<16xf32>
        %swap3A_219 = vector.shape_cast %mul3A_214 : vector<16xf32> to vector<1x16xf32>
        tpu.vector_store %arg14[%swap3A_215, %swap3A_216], %swap3A_219 {strides = array<i32>} : memref<64x128xf32, #tpu.memory_space<vmem>>, vector<1x16xf32>,
        %get3A_220 = arith.index_cast %add3A_165 : i32 to index
        %get3A_221 = arith.constant 64 : index
        %get3A_222 = tpu.vector_load %arg14[%get3A_220, %get3A_221] {strides = array<i32>} : memref<64x128xf32, #tpu.memory_space<vmem>>, vector<1x16xf32>,
        %get3A_223 = vector.shape_cast %get3A_222 : vector<1x16xf32> to vector<16xf32>
        %get3A_224 = arith.index_cast %add3A_165 : i32 to index
        %get3A_225 = arith.constant 64 : index
        %get3A_226 = tpu.vector_load %arg15[%get3A_224, %get3A_225] {strides = array<i32>} : memref<64x128xf32, #tpu.memory_space<vmem>>, vector<1x16xf32>,
        %get3A_227 = vector.shape_cast %get3A_226 : vector<1x16xf32> to vector<16xf32>
        %mul3A_228 = arith.mulf %get3A_223, %get3A_227 : vector<16xf32>
        %swap3A_229 = arith.index_cast %add3A_165 : i32 to index
        %swap3A_230 = arith.constant 64 : index
        %swap3A_231 = tpu.vector_load %arg14[%swap3A_229, %swap3A_230] {strides = array<i32>} : memref<64x128xf32, #tpu.memory_space<vmem>>, vector<1x16xf32>,
        %swap3A_232 = vector.shape_cast %swap3A_231 : vector<1x16xf32> to vector<16xf32>
        %swap3A_233 = vector.shape_cast %mul3A_228 : vector<16xf32> to vector<1x16xf32>
        tpu.vector_store %arg14[%swap3A_229, %swap3A_230], %swap3A_233 {strides = array<i32>} : memref<64x128xf32, #tpu.memory_space<vmem>>, vector<1x16xf32>,
        %get3A_234 = arith.index_cast %add3A_165 : i32 to index
        %get3A_235 = arith.constant 80 : index
        %get3A_236 = tpu.vector_load %arg14[%get3A_234, %get3A_235] {strides = array<i32>} : memref<64x128xf32, #tpu.memory_space<vmem>>, vector<1x16xf32>,
        %get3A_237 = vector.shape_cast %get3A_236 : vector<1x16xf32> to vector<16xf32>
        %get3A_238 = arith.index_cast %add3A_165 : i32 to index
        %get3A_239 = arith.constant 80 : index
        %get3A_240 = tpu.vector_load %arg15[%get3A_238, %get3A_239] {strides = array<i32>} : memref<64x128xf32, #tpu.memory_space<vmem>>, vector<1x16xf32>,
        %get3A_241 = vector.shape_cast %get3A_240 : vector<1x16xf32> to vector<16xf32>
        %mul3A_242 = arith.mulf %get3A_237, %get3A_241 : vector<16xf32>
        %swap3A_243 = arith.index_cast %add3A_165 : i32 to index
        %swap3A_244 = arith.constant 80 : index
        %swap3A_245 = tpu.vector_load %arg14[%swap3A_243, %swap3A_244] {strides = array<i32>} : memref<64x128xf32, #tpu.memory_space<vmem>>, vector<1x16xf32>,
        %swap3A_246 = vector.shape_cast %swap3A_245 : vector<1x16xf32> to vector<16xf32>
        %swap3A_247 = vector.shape_cast %mul3A_242 : vector<16xf32> to vector<1x16xf32>
        tpu.vector_store %arg14[%swap3A_243, %swap3A_244], %swap3A_247 {strides = array<i32>} : memref<64x128xf32, #tpu.memory_space<vmem>>, vector<1x16xf32>,
        %get3A_248 = arith.index_cast %add3A_165 : i32 to index
        %get3A_249 = arith.constant 96 : index
        %get3A_250 = tpu.vector_load %arg14[%get3A_248, %get3A_249] {strides = array<i32>} : memref<64x128xf32, #tpu.memory_space<vmem>>, vector<1x16xf32>,
        %get3A_251 = vector.shape_cast %get3A_250 : vector<1x16xf32> to vector<16xf32>
        %get3A_252 = arith.index_cast %add3A_165 : i32 to index
        %get3A_253 = arith.constant 96 : index
        %get3A_254 = tpu.vector_load %arg15[%get3A_252, %get3A_253] {strides = array<i32>} : memref<64x128xf32, #tpu.memory_space<vmem>>, vector<1x16xf32>,
        %get3A_255 = vector.shape_cast %get3A_254 : vector<1x16xf32> to vector<16xf32>
        %mul3A_256 = arith.mulf %get3A_251, %get3A_255 : vector<16xf32>
        %swap3A_257 = arith.index_cast %add3A_165 : i32 to index
        %swap3A_258 = arith.constant 96 : index
        %swap3A_259 = tpu.vector_load %arg14[%swap3A_257, %swap3A_258] {strides = array<i32>} : memref<64x128xf32, #tpu.memory_space<vmem>>, vector<1x16xf32>,
        %swap3A_260 = vector.shape_cast %swap3A_259 : vector<1x16xf32> to vector<16xf32>
        %swap3A_261 = vector.shape_cast %mul3A_256 : vector<16xf32> to vector<1x16xf32>
        tpu.vector_store %arg14[%swap3A_257, %swap3A_258], %swap3A_261 {strides = array<i32>} : memref<64x128xf32, #tpu.memory_space<vmem>>, vector<1x16xf32>,
        %get3A_262 = arith.index_cast %add3A_165 : i32 to index
        %get3A_263 = arith.constant 112 : index
        %get3A_264 = tpu.vector_load %arg14[%get3A_262, %get3A_263] {strides = array<i32>} : memref<64x128xf32, #tpu.memory_space<vmem>>, vector<1x16xf32>,
        %get3A_265 = vector.shape_cast %get3A_264 : vector<1x16xf32> to vector<16xf32>
        %get3A_266 = arith.index_cast %add3A_165 : i32 to index
        %get3A_267 = arith.constant 112 : index
        %get3A_268 = tpu.vector_load %arg15[%get3A_266, %get3A_267] {strides = array<i32>} : memref<64x128xf32, #tpu.memory_space<vmem>>, vector<1x16xf32>,
        %get3A_269 = vector.shape_cast %get3A_268 : vector<1x16xf32> to vector<16xf32>
        %mul3A_270 = arith.mulf %get3A_265, %get3A_269 : vector<16xf32>
        %swap3A_271 = arith.index_cast %add3A_165 : i32 to index
        %swap3A_272 = arith.constant 112 : index
        %swap3A_273 = tpu.vector_load %arg14[%swap3A_271, %swap3A_272] {strides = array<i32>} : memref<64x128xf32, #tpu.memory_space<vmem>>, vector<1x16xf32>,
        %swap3A_274 = vector.shape_cast %swap3A_273 : vector<1x16xf32> to vector<16xf32>
        %swap3A_275 = vector.shape_cast %mul3A_270 : vector<16xf32> to vector<1x16xf32>
        tpu.vector_store %arg14[%swap3A_271, %swap3A_272], %swap3A_275 {strides = array<i32>} : memref<64x128xf32, #tpu.memory_space<vmem>>, vector<1x16xf32>,
      }
      %scan3A_119 = arith.constant 64 : i32
      %dma_wait3A_120 = arith.constant 0 : i32
      %dma_wait3A_121 = tpu.memref_slice %arg4[%dma_wait3A_120] : memref<163840xi32, #tpu.memory_space<hbm>> -> memref<64xi32, #tpu.memory_space<hbm>>
      %dma_wait3A_122 = arith.constant 0 : i32
      %dma_wait3A_123 = tpu.memref_slice %arg4[%dma_wait3A_122] : memref<163840xi32, #tpu.memory_space<hbm>> -> memref<64xi32, #tpu.memory_space<hbm>>
      tpu.wait_dma2 semaphore(%arg21 : memref<!tpu.dma_semaphore, #tpu.memory_space<semaphore_mem>>) src(%dma_wait3A_123 : memref<64xi32, #tpu.memory_space<hbm>>) dst(%arg9 : memref<64xi32, #tpu.memory_space<vmem>>)
      %dma_start3A_124 = arith.constant 0 : i32
      %dma_start3A_125 = arith.constant 0 : i32
      %dma_start3A_126 = tpu.memref_slice %arg18[%dma_start3A_124, %dma_start3A_125] : memref<10400x128xf32, #tpu.memory_space<vmem_shared>> -> memref<10400x128xf32, #tpu.memory_space<vmem_shared>>
      tpu.enqueue_indirect_dma source(%arg14 : memref<64x128xf32, #tpu.memory_space<vmem>>) target(%dma_start3A_126 : memref<10400x128xf32, #tpu.memory_space<vmem_shared>>) offsets(%arg9 : memref<64xi32, #tpu.memory_space<vmem>>) semaphore(%arg25 : memref<!tpu.dma_semaphore, #tpu.memory_space<semaphore_mem>>) {add = true}
      %mul3A_127 = arith.constant 2 : i32
      %mul3A_128 = arith.muli %mul3A_127, %add3A_92 : i32
      %add3A_129 = arith.constant 1 : i32
      %add3A_130 = arith.addi %mul3A_128, %add3A_129 : i32
      %convert_element_type3A_131 = arith.extui %lt3A_93 : i1 to i32
      %cond3A_132 = arith.constant 0 : i32
      %cond3A_133 = arith.cmpi ne, %convert_element_type3A_131, %cond3A_132 : i32
      scf.if %cond3A_133 {
        %dma_wait3A_161 = arith.constant 0 : i32
        %dma_wait3A_162 = tpu.memref_slice %arg3[%dma_wait3A_161] : memref<163840xi32, #tpu.memory_space<hbm>> -> memref<64xi32, #tpu.memory_space<hbm>>
        %dma_wait3A_163 = arith.constant 0 : i32
        %dma_wait3A_164 = tpu.memref_slice %arg3[%dma_wait3A_163] : memref<163840xi32, #tpu.memory_space<hbm>> -> memref<64xi32, #tpu.memory_space<hbm>>
        tpu.wait_dma2 semaphore(%arg19 : memref<!tpu.dma_semaphore, #tpu.memory_space<semaphore_mem>>) src(%dma_wait3A_164 : memref<64xi32, #tpu.memory_space<hbm>>) dst(%arg8 : memref<64xi32, #tpu.memory_space<vmem>>)
        %dma_wait3A_165 = arith.constant 0 : i32
        %dma_wait3A_166 = tpu.memref_slice %arg5[%dma_wait3A_165] : memref<163840xi32, #tpu.memory_space<hbm>> -> memref<64xi32, #tpu.memory_space<hbm>>
        %dma_wait3A_167 = arith.constant 0 : i32
        %dma_wait3A_168 = tpu.memref_slice %arg5[%dma_wait3A_167] : memref<163840xi32, #tpu.memory_space<hbm>> -> memref<64xi32, #tpu.memory_space<hbm>>
        tpu.wait_dma2 semaphore(%arg19 : memref<!tpu.dma_semaphore, #tpu.memory_space<semaphore_mem>>) src(%dma_wait3A_168 : memref<64xi32, #tpu.memory_space<hbm>>) dst(%arg10 : memref<64xi32, #tpu.memory_space<vmem>>)
        %scan3A_169 = arith.constant 0 : i32
        %scan3A_170 = arith.constant 4 : i32
        %scan3A_171 = arith.addi %scan3A_169, %scan3A_170 : i32
        %scan3A_172 = arith.constant 1 : i32
        scf.for %scan3A_174 = %scan3A_169 to %scan3A_171 step %scan3A_172  : i32 {
          %mul3A_175 = arith.constant 1 : i32
          %mul3A_176 = arith.muli %scan3A_174, %mul3A_175 : i32
          %add3A_177 = arith.constant 0 : i32
          %add3A_178 = arith.addi %add3A_177, %mul3A_176 : i32
          %mul3A_179 = arith.constant 16 : i32
          %mul3A_180 = arith.muli %add3A_178, %mul3A_179 : i32
          %get3A = arith.index_cast %mul3A_180 : i32 to index
          %get3A_181 = tpu.vector_load %arg8[%get3A] {strides = array<i32>} : memref<64xi32, #tpu.memory_space<vmem>>, vector<16xi32>,
          %get3A_182 = vector.shape_cast %get3A_181 : vector<16xi32> to vector<16xi32>
          %add3A_183 = vector.broadcast %mul3A_18 : i32 to vector<16xi32>
          %add3A_184 = arith.addi %get3A_182, %add3A_183 : vector<16xi32>
          %swap3A = arith.index_cast %mul3A_180 : i32 to index
          %swap3A_185 = tpu.vector_load %arg8[%swap3A] {strides = array<i32>} : memref<64xi32, #tpu.memory_space<vmem>>, vector<16xi32>,
          %swap3A_186 = vector.shape_cast %swap3A_185 : vector<16xi32> to vector<16xi32>
          %swap3A_187 = vector.shape_cast %add3A_184 : vector<16xi32> to vector<16xi32>
          tpu.vector_store %arg8[%swap3A], %swap3A_187 {strides = array<i32>} : memref<64xi32, #tpu.memory_space<vmem>>, vector<16xi32>,
          %get3A_188 = arith.index_cast %mul3A_180 : i32 to index
          %get3A_189 = tpu.vector_load %arg10[%get3A_188] {strides = array<i32>} : memref<64xi32, #tpu.memory_space<vmem>>, vector<16xi32>,
          %get3A_190 = vector.shape_cast %get3A_189 : vector<16xi32> to vector<16xi32>
          %add3A_191 = vector.broadcast %mul3A_23 : i32 to vector<16xi32>
          %add3A_192 = arith.addi %get3A_190, %add3A_191 : vector<16xi32>
          %swap3A_193 = arith.index_cast %mul3A_180 : i32 to index
          %swap3A_194 = tpu.vector_load %arg10[%swap3A_193] {strides = array<i32>} : memref<64xi32, #tpu.memory_space<vmem>>, vector<16xi32>,
          %swap3A_195 = vector.shape_cast %swap3A_194 : vector<16xi32> to vector<16xi32>
          %swap3A_196 = vector.shape_cast %add3A_192 : vector<16xi32> to vector<16xi32>
          tpu.vector_store %arg10[%swap3A_193], %swap3A_196 {strides = array<i32>} : memref<64xi32, #tpu.memory_space<vmem>>, vector<16xi32>,
        }
        %scan3A_173 = arith.constant 4 : i32
      } else {
      }
      %convert_element_type3A_134 = arith.extui %scan3A_57 : i1 to i32
      %cond3A_135 = arith.constant 0 : i32
      %cond3A_136 = arith.cmpi ne, %convert_element_type3A_134, %cond3A_135 : i32
      scf.if %cond3A_136 {
        %dma_wait3A_161 = arith.constant 0 : i32
        %dma_wait3A_162 = arith.constant 0 : i32
        %dma_wait3A_163 = tpu.memref_slice %arg18[%dma_wait3A_161, %dma_wait3A_162] : memref<10400x128xf32, #tpu.memory_space<vmem_shared>> -> memref<10400x128xf32, #tpu.memory_space<vmem_shared>>
        tpu.wait_indirect_dma semaphore(%arg25 : memref<!tpu.dma_semaphore, #tpu.memory_space<semaphore_mem>>) src(%arg14 : memref<64x128xf32, #tpu.memory_space<vmem>>) dst(%dma_wait3A_163 : memref<10400x128xf32, #tpu.memory_space<vmem_shared>>)
      } else {
      }
      %convert_element_type3A_137 = arith.extui %lt3A_93 : i1 to i32
      %cond3A_138 = arith.constant 0 : i32
      %cond3A_139 = arith.cmpi ne, %convert_element_type3A_137, %cond3A_138 : i32
      scf.if %cond3A_139 {
        %add3A_161 = arith.constant 1 : i32
        %add3A_162 = arith.addi %add3A_130, %add3A_161 : i32
        %mul3A_163 = arith.constant 64 : i32
        %mul3A_164 = arith.muli %add3A_162, %mul3A_163 : i32
        %add3A_165 = arith.addi %mul3A_16, %mul3A_164 : i32
        %dma_start3A_166 = tpu.memref_slice %arg4[%add3A_165] : memref<163840xi32, #tpu.memory_space<hbm>> -> memref<64xi32, #tpu.memory_space<hbm>>
        %dma_start3A_167 = tpu.memref_slice %arg4[%add3A_165] : memref<163840xi32, #tpu.memory_space<hbm>> -> memref<64xi32, #tpu.memory_space<hbm>>
        tpu.enqueue_dma source(%dma_start3A_167 : memref<64xi32, #tpu.memory_space<hbm>>) target(%arg9 : memref<64xi32, #tpu.memory_space<vmem>>) target_semaphore(%arg21 : memref<!tpu.dma_semaphore, #tpu.memory_space<semaphore_mem>>)
        %dma_start3A_168 = arith.constant 0 : i32
        %dma_start3A_169 = arith.constant 0 : i32
        %dma_start3A_170 = tpu.memref_slice %arg2[%dma_start3A_168, %dma_start3A_169] : memref<20000x128xf32, #tpu.memory_space<hbm>> -> memref<20000x128xf32, #tpu.memory_space<hbm>>
        tpu.enqueue_indirect_dma source(%dma_start3A_170 : memref<20000x128xf32, #tpu.memory_space<hbm>>) target(%arg14 : memref<64x128xf32, #tpu.memory_space<vmem>>) offsets(%arg8 : memref<64xi32, #tpu.memory_space<vmem>>) semaphore(%arg23 : memref<!tpu.dma_semaphore, #tpu.memory_space<semaphore_mem>>)
        %dma_start3A_171 = arith.constant 0 : i32
        %dma_start3A_172 = arith.constant 0 : i32
        %dma_start3A_173 = tpu.memref_slice %arg6[%dma_start3A_171, %dma_start3A_172] : memref<4096x128xf32, #tpu.memory_space<hbm>> -> memref<4096x128xf32, #tpu.memory_space<hbm>>
        tpu.enqueue_indirect_dma source(%dma_start3A_173 : memref<4096x128xf32, #tpu.memory_space<hbm>>) target(%arg15 : memref<64x128xf32, #tpu.memory_space<vmem>>) offsets(%arg10 : memref<64xi32, #tpu.memory_space<vmem>>) semaphore(%arg23 : memref<!tpu.dma_semaphore, #tpu.memory_space<semaphore_mem>>)
      } else {
      }
      %dma_wait3A_140 = arith.constant 0 : i32
      %dma_wait3A_141 = arith.constant 0 : i32
      %dma_wait3A_142 = tpu.memref_slice %arg2[%dma_wait3A_140, %dma_wait3A_141] : memref<20000x128xf32, #tpu.memory_space<hbm>> -> memref<20000x128xf32, #tpu.memory_space<hbm>>
      tpu.wait_indirect_dma semaphore(%arg24 : memref<!tpu.dma_semaphore, #tpu.memory_space<semaphore_mem>>) src(%dma_wait3A_142 : memref<20000x128xf32, #tpu.memory_space<hbm>>) dst(%arg16 : memref<64x128xf32, #tpu.memory_space<vmem>>)
      %dma_wait3A_143 = arith.constant 0 : i32
      %dma_wait3A_144 = arith.constant 0 : i32
      %dma_wait3A_145 = tpu.memref_slice %arg6[%dma_wait3A_143, %dma_wait3A_144] : memref<4096x128xf32, #tpu.memory_space<hbm>> -> memref<4096x128xf32, #tpu.memory_space<hbm>>
      tpu.wait_indirect_dma semaphore(%arg24 : memref<!tpu.dma_semaphore, #tpu.memory_space<semaphore_mem>>) src(%dma_wait3A_145 : memref<4096x128xf32, #tpu.memory_space<hbm>>) dst(%arg17 : memref<64x128xf32, #tpu.memory_space<vmem>>)
      %convert_element_type3A_146 = arith.extui %lt3A_93 : i1 to i32
      %cond3A_147 = arith.constant 0 : i32
      %cond3A_148 = arith.cmpi ne, %convert_element_type3A_146, %cond3A_147 : i32
      scf.if %cond3A_148 {
        %add3A_161 = arith.constant 2 : i32
        %add3A_162 = arith.addi %add3A_130, %add3A_161 : i32
        %mul3A_163 = arith.constant 64 : i32
        %mul3A_164 = arith.muli %add3A_162, %mul3A_163 : i32
        %add3A_165 = arith.addi %mul3A_16, %mul3A_164 : i32
        %dma_start3A_166 = tpu.memref_slice %arg3[%add3A_165] : memref<163840xi32, #tpu.memory_space<hbm>> -> memref<64xi32, #tpu.memory_space<hbm>>
        %dma_start3A_167 = tpu.memref_slice %arg3[%add3A_165] : memref<163840xi32, #tpu.memory_space<hbm>> -> memref<64xi32, #tpu.memory_space<hbm>>
        tpu.enqueue_dma source(%dma_start3A_167 : memref<64xi32, #tpu.memory_space<hbm>>) target(%arg11 : memref<64xi32, #tpu.memory_space<vmem>>) target_semaphore(%arg20 : memref<!tpu.dma_semaphore, #tpu.memory_space<semaphore_mem>>)
        %dma_start3A_168 = tpu.memref_slice %arg5[%add3A_165] : memref<163840xi32, #tpu.memory_space<hbm>> -> memref<64xi32, #tpu.memory_space<hbm>>
        %dma_start3A_169 = tpu.memref_slice %arg5[%add3A_165] : memref<163840xi32, #tpu.memory_space<hbm>> -> memref<64xi32, #tpu.memory_space<hbm>>
        tpu.enqueue_dma source(%dma_start3A_169 : memref<64xi32, #tpu.memory_space<hbm>>) target(%arg13 : memref<64xi32, #tpu.memory_space<vmem>>) target_semaphore(%arg20 : memref<!tpu.dma_semaphore, #tpu.memory_space<semaphore_mem>>)
      } else {
      }
      %scan3A_149 = arith.constant 0 : i32
      %scan3A_150 = arith.constant 64 : i32
      %scan3A_151 = arith.addi %scan3A_149, %scan3A_150 : i32
      %scan3A_152 = arith.constant 1 : i32
      scf.for %scan3A_161 = %scan3A_149 to %scan3A_151 step %scan3A_152  : i32 {
        %mul3A_162 = arith.constant 1 : i32
        %mul3A_163 = arith.muli %scan3A_161, %mul3A_162 : i32
        %add3A_164 = arith.constant 0 : i32
        %add3A_165 = arith.addi %add3A_164, %mul3A_163 : i32
        %get3A = arith.index_cast %add3A_165 : i32 to index
        %get3A_166 = arith.constant 0 : index
        %get3A_167 = tpu.vector_load %arg16[%get3A, %get3A_166] {strides = array<i32>} : memref<64x128xf32, #tpu.memory_space<vmem>>, vector<1x16xf32>,
        %get3A_168 = vector.shape_cast %get3A_167 : vector<1x16xf32> to vector<16xf32>
        %get3A_169 = arith.index_cast %add3A_165 : i32 to index
        %get3A_170 = arith.constant 0 : index
        %get3A_171 = tpu.vector_load %arg17[%get3A_169, %get3A_170] {strides = array<i32>} : memref<64x128xf32, #tpu.memory_space<vmem>>, vector<1x16xf32>,
        %get3A_172 = vector.shape_cast %get3A_171 : vector<1x16xf32> to vector<16xf32>
        %mul3A_173 = arith.mulf %get3A_168, %get3A_172 : vector<16xf32>
        %swap3A = arith.index_cast %add3A_165 : i32 to index
        %swap3A_174 = arith.constant 0 : index
        %swap3A_175 = tpu.vector_load %arg16[%swap3A, %swap3A_174] {strides = array<i32>} : memref<64x128xf32, #tpu.memory_space<vmem>>, vector<1x16xf32>,
        %swap3A_176 = vector.shape_cast %swap3A_175 : vector<1x16xf32> to vector<16xf32>
        %swap3A_177 = vector.shape_cast %mul3A_173 : vector<16xf32> to vector<1x16xf32>
        tpu.vector_store %arg16[%swap3A, %swap3A_174], %swap3A_177 {strides = array<i32>} : memref<64x128xf32, #tpu.memory_space<vmem>>, vector<1x16xf32>,
        %get3A_178 = arith.index_cast %add3A_165 : i32 to index
        %get3A_179 = arith.constant 16 : index
        %get3A_180 = tpu.vector_load %arg16[%get3A_178, %get3A_179] {strides = array<i32>} : memref<64x128xf32, #tpu.memory_space<vmem>>, vector<1x16xf32>,
        %get3A_181 = vector.shape_cast %get3A_180 : vector<1x16xf32> to vector<16xf32>
        %get3A_182 = arith.index_cast %add3A_165 : i32 to index
        %get3A_183 = arith.constant 16 : index
        %get3A_184 = tpu.vector_load %arg17[%get3A_182, %get3A_183] {strides = array<i32>} : memref<64x128xf32, #tpu.memory_space<vmem>>, vector<1x16xf32>,
        %get3A_185 = vector.shape_cast %get3A_184 : vector<1x16xf32> to vector<16xf32>
        %mul3A_186 = arith.mulf %get3A_181, %get3A_185 : vector<16xf32>
        %swap3A_187 = arith.index_cast %add3A_165 : i32 to index
        %swap3A_188 = arith.constant 16 : index
        %swap3A_189 = tpu.vector_load %arg16[%swap3A_187, %swap3A_188] {strides = array<i32>} : memref<64x128xf32, #tpu.memory_space<vmem>>, vector<1x16xf32>,
        %swap3A_190 = vector.shape_cast %swap3A_189 : vector<1x16xf32> to vector<16xf32>
        %swap3A_191 = vector.shape_cast %mul3A_186 : vector<16xf32> to vector<1x16xf32>
        tpu.vector_store %arg16[%swap3A_187, %swap3A_188], %swap3A_191 {strides = array<i32>} : memref<64x128xf32, #tpu.memory_space<vmem>>, vector<1x16xf32>,
        %get3A_192 = arith.index_cast %add3A_165 : i32 to index
        %get3A_193 = arith.constant 32 : index
        %get3A_194 = tpu.vector_load %arg16[%get3A_192, %get3A_193] {strides = array<i32>} : memref<64x128xf32, #tpu.memory_space<vmem>>, vector<1x16xf32>,
        %get3A_195 = vector.shape_cast %get3A_194 : vector<1x16xf32> to vector<16xf32>
        %get3A_196 = arith.index_cast %add3A_165 : i32 to index
        %get3A_197 = arith.constant 32 : index
        %get3A_198 = tpu.vector_load %arg17[%get3A_196, %get3A_197] {strides = array<i32>} : memref<64x128xf32, #tpu.memory_space<vmem>>, vector<1x16xf32>,
        %get3A_199 = vector.shape_cast %get3A_198 : vector<1x16xf32> to vector<16xf32>
        %mul3A_200 = arith.mulf %get3A_195, %get3A_199 : vector<16xf32>
        %swap3A_201 = arith.index_cast %add3A_165 : i32 to index
        %swap3A_202 = arith.constant 32 : index
        %swap3A_203 = tpu.vector_load %arg16[%swap3A_201, %swap3A_202] {strides = array<i32>} : memref<64x128xf32, #tpu.memory_space<vmem>>, vector<1x16xf32>,
        %swap3A_204 = vector.shape_cast %swap3A_203 : vector<1x16xf32> to vector<16xf32>
        %swap3A_205 = vector.shape_cast %mul3A_200 : vector<16xf32> to vector<1x16xf32>
        tpu.vector_store %arg16[%swap3A_201, %swap3A_202], %swap3A_205 {strides = array<i32>} : memref<64x128xf32, #tpu.memory_space<vmem>>, vector<1x16xf32>,
        %get3A_206 = arith.index_cast %add3A_165 : i32 to index
        %get3A_207 = arith.constant 48 : index
        %get3A_208 = tpu.vector_load %arg16[%get3A_206, %get3A_207] {strides = array<i32>} : memref<64x128xf32, #tpu.memory_space<vmem>>, vector<1x16xf32>,
        %get3A_209 = vector.shape_cast %get3A_208 : vector<1x16xf32> to vector<16xf32>
        %get3A_210 = arith.index_cast %add3A_165 : i32 to index
        %get3A_211 = arith.constant 48 : index
        %get3A_212 = tpu.vector_load %arg17[%get3A_210, %get3A_211] {strides = array<i32>} : memref<64x128xf32, #tpu.memory_space<vmem>>, vector<1x16xf32>,
        %get3A_213 = vector.shape_cast %get3A_212 : vector<1x16xf32> to vector<16xf32>
        %mul3A_214 = arith.mulf %get3A_209, %get3A_213 : vector<16xf32>
        %swap3A_215 = arith.index_cast %add3A_165 : i32 to index
        %swap3A_216 = arith.constant 48 : index
        %swap3A_217 = tpu.vector_load %arg16[%swap3A_215, %swap3A_216] {strides = array<i32>} : memref<64x128xf32, #tpu.memory_space<vmem>>, vector<1x16xf32>,
        %swap3A_218 = vector.shape_cast %swap3A_217 : vector<1x16xf32> to vector<16xf32>
        %swap3A_219 = vector.shape_cast %mul3A_214 : vector<16xf32> to vector<1x16xf32>
        tpu.vector_store %arg16[%swap3A_215, %swap3A_216], %swap3A_219 {strides = array<i32>} : memref<64x128xf32, #tpu.memory_space<vmem>>, vector<1x16xf32>,
        %get3A_220 = arith.index_cast %add3A_165 : i32 to index
        %get3A_221 = arith.constant 64 : index
        %get3A_222 = tpu.vector_load %arg16[%get3A_220, %get3A_221] {strides = array<i32>} : memref<64x128xf32, #tpu.memory_space<vmem>>, vector<1x16xf32>,
        %get3A_223 = vector.shape_cast %get3A_222 : vector<1x16xf32> to vector<16xf32>
        %get3A_224 = arith.index_cast %add3A_165 : i32 to index
        %get3A_225 = arith.constant 64 : index
        %get3A_226 = tpu.vector_load %arg17[%get3A_224, %get3A_225] {strides = array<i32>} : memref<64x128xf32, #tpu.memory_space<vmem>>, vector<1x16xf32>,
        %get3A_227 = vector.shape_cast %get3A_226 : vector<1x16xf32> to vector<16xf32>
        %mul3A_228 = arith.mulf %get3A_223, %get3A_227 : vector<16xf32>
        %swap3A_229 = arith.index_cast %add3A_165 : i32 to index
        %swap3A_230 = arith.constant 64 : index
        %swap3A_231 = tpu.vector_load %arg16[%swap3A_229, %swap3A_230] {strides = array<i32>} : memref<64x128xf32, #tpu.memory_space<vmem>>, vector<1x16xf32>,
        %swap3A_232 = vector.shape_cast %swap3A_231 : vector<1x16xf32> to vector<16xf32>
        %swap3A_233 = vector.shape_cast %mul3A_228 : vector<16xf32> to vector<1x16xf32>
        tpu.vector_store %arg16[%swap3A_229, %swap3A_230], %swap3A_233 {strides = array<i32>} : memref<64x128xf32, #tpu.memory_space<vmem>>, vector<1x16xf32>,
        %get3A_234 = arith.index_cast %add3A_165 : i32 to index
        %get3A_235 = arith.constant 80 : index
        %get3A_236 = tpu.vector_load %arg16[%get3A_234, %get3A_235] {strides = array<i32>} : memref<64x128xf32, #tpu.memory_space<vmem>>, vector<1x16xf32>,
        %get3A_237 = vector.shape_cast %get3A_236 : vector<1x16xf32> to vector<16xf32>
        %get3A_238 = arith.index_cast %add3A_165 : i32 to index
        %get3A_239 = arith.constant 80 : index
        %get3A_240 = tpu.vector_load %arg17[%get3A_238, %get3A_239] {strides = array<i32>} : memref<64x128xf32, #tpu.memory_space<vmem>>, vector<1x16xf32>,
        %get3A_241 = vector.shape_cast %get3A_240 : vector<1x16xf32> to vector<16xf32>
        %mul3A_242 = arith.mulf %get3A_237, %get3A_241 : vector<16xf32>
        %swap3A_243 = arith.index_cast %add3A_165 : i32 to index
        %swap3A_244 = arith.constant 80 : index
        %swap3A_245 = tpu.vector_load %arg16[%swap3A_243, %swap3A_244] {strides = array<i32>} : memref<64x128xf32, #tpu.memory_space<vmem>>, vector<1x16xf32>,
        %swap3A_246 = vector.shape_cast %swap3A_245 : vector<1x16xf32> to vector<16xf32>
        %swap3A_247 = vector.shape_cast %mul3A_242 : vector<16xf32> to vector<1x16xf32>
        tpu.vector_store %arg16[%swap3A_243, %swap3A_244], %swap3A_247 {strides = array<i32>} : memref<64x128xf32, #tpu.memory_space<vmem>>, vector<1x16xf32>,
        %get3A_248 = arith.index_cast %add3A_165 : i32 to index
        %get3A_249 = arith.constant 96 : index
        %get3A_250 = tpu.vector_load %arg16[%get3A_248, %get3A_249] {strides = array<i32>} : memref<64x128xf32, #tpu.memory_space<vmem>>, vector<1x16xf32>,
        %get3A_251 = vector.shape_cast %get3A_250 : vector<1x16xf32> to vector<16xf32>
        %get3A_252 = arith.index_cast %add3A_165 : i32 to index
        %get3A_253 = arith.constant 96 : index
        %get3A_254 = tpu.vector_load %arg17[%get3A_252, %get3A_253] {strides = array<i32>} : memref<64x128xf32, #tpu.memory_space<vmem>>, vector<1x16xf32>,
        %get3A_255 = vector.shape_cast %get3A_254 : vector<1x16xf32> to vector<16xf32>
        %mul3A_256 = arith.mulf %get3A_251, %get3A_255 : vector<16xf32>
        %swap3A_257 = arith.index_cast %add3A_165 : i32 to index
        %swap3A_258 = arith.constant 96 : index
        %swap3A_259 = tpu.vector_load %arg16[%swap3A_257, %swap3A_258] {strides = array<i32>} : memref<64x128xf32, #tpu.memory_space<vmem>>, vector<1x16xf32>,
        %swap3A_260 = vector.shape_cast %swap3A_259 : vector<1x16xf32> to vector<16xf32>
        %swap3A_261 = vector.shape_cast %mul3A_256 : vector<16xf32> to vector<1x16xf32>
        tpu.vector_store %arg16[%swap3A_257, %swap3A_258], %swap3A_261 {strides = array<i32>} : memref<64x128xf32, #tpu.memory_space<vmem>>, vector<1x16xf32>,
        %get3A_262 = arith.index_cast %add3A_165 : i32 to index
        %get3A_263 = arith.constant 112 : index
        %get3A_264 = tpu.vector_load %arg16[%get3A_262, %get3A_263] {strides = array<i32>} : memref<64x128xf32, #tpu.memory_space<vmem>>, vector<1x16xf32>,
        %get3A_265 = vector.shape_cast %get3A_264 : vector<1x16xf32> to vector<16xf32>
        %get3A_266 = arith.index_cast %add3A_165 : i32 to index
        %get3A_267 = arith.constant 112 : index
        %get3A_268 = tpu.vector_load %arg17[%get3A_266, %get3A_267] {strides = array<i32>} : memref<64x128xf32, #tpu.memory_space<vmem>>, vector<1x16xf32>,
        %get3A_269 = vector.shape_cast %get3A_268 : vector<1x16xf32> to vector<16xf32>
        %mul3A_270 = arith.mulf %get3A_265, %get3A_269 : vector<16xf32>
        %swap3A_271 = arith.index_cast %add3A_165 : i32 to index
        %swap3A_272 = arith.constant 112 : index
        %swap3A_273 = tpu.vector_load %arg16[%swap3A_271, %swap3A_272] {strides = array<i32>} : memref<64x128xf32, #tpu.memory_space<vmem>>, vector<1x16xf32>,
        %swap3A_274 = vector.shape_cast %swap3A_273 : vector<1x16xf32> to vector<16xf32>
        %swap3A_275 = vector.shape_cast %mul3A_270 : vector<16xf32> to vector<1x16xf32>
        tpu.vector_store %arg16[%swap3A_271, %swap3A_272], %swap3A_275 {strides = array<i32>} : memref<64x128xf32, #tpu.memory_space<vmem>>, vector<1x16xf32>,
      }
      %scan3A_153 = arith.constant 64 : i32
      %dma_wait3A_154 = arith.constant 0 : i32
      %dma_wait3A_155 = tpu.memref_slice %arg4[%dma_wait3A_154] : memref<163840xi32, #tpu.memory_space<hbm>> -> memref<64xi32, #tpu.memory_space<hbm>>
      %dma_wait3A_156 = arith.constant 0 : i32
      %dma_wait3A_157 = tpu.memref_slice %arg4[%dma_wait3A_156] : memref<163840xi32, #tpu.memory_space<hbm>> -> memref<64xi32, #tpu.memory_space<hbm>>
      tpu.wait_dma2 semaphore(%arg22 : memref<!tpu.dma_semaphore, #tpu.memory_space<semaphore_mem>>) src(%dma_wait3A_157 : memref<64xi32, #tpu.memory_space<hbm>>) dst(%arg12 : memref<64xi32, #tpu.memory_space<vmem>>)
      %dma_start3A_158 = arith.constant 0 : i32
      %dma_start3A_159 = arith.constant 0 : i32
      %dma_start3A_160 = tpu.memref_slice %arg18[%dma_start3A_158, %dma_start3A_159] : memref<10400x128xf32, #tpu.memory_space<vmem_shared>> -> memref<10400x128xf32, #tpu.memory_space<vmem_shared>>
      tpu.enqueue_indirect_dma source(%arg16 : memref<64x128xf32, #tpu.memory_space<vmem>>) target(%dma_start3A_160 : memref<10400x128xf32, #tpu.memory_space<vmem_shared>>) offsets(%arg12 : memref<64xi32, #tpu.memory_space<vmem>>) semaphore(%arg26 : memref<!tpu.dma_semaphore, #tpu.memory_space<semaphore_mem>>) {add = true}
    }
    %scan3A_62 = arith.constant 80 : i32
    %dma_wait3A_63 = arith.constant 0 : i32
    %dma_wait3A_64 = arith.constant 0 : i32
    %dma_wait3A_65 = tpu.memref_slice %arg18[%dma_wait3A_63, %dma_wait3A_64] : memref<10400x128xf32, #tpu.memory_space<vmem_shared>> -> memref<10400x128xf32, #tpu.memory_space<vmem_shared>>
    tpu.wait_indirect_dma semaphore(%arg26 : memref<!tpu.dma_semaphore, #tpu.memory_space<semaphore_mem>>) src(%arg16 : memref<64x128xf32, #tpu.memory_space<vmem>>) dst(%dma_wait3A_65 : memref<10400x128xf32, #tpu.memory_space<vmem_shared>>)
    %barrier3A_66 = arith.constant 0 : index
    tpu.barrier barrier_id(%barrier3A_66)
    %mul3A_67 = arith.constant 10400 : i32
    %mul3A_68 = arith.muli %arg0, %mul3A_67 : i32
    %mul3A_69 = arith.constant 624 : i32
    %mul3A_70 = arith.muli %arg1, %mul3A_69 : i32
    %add3A_71 = arith.addi %mul3A_68, %mul3A_70 : i32
    %mul3A_72 = arith.constant 624 : i32
    %mul3A_73 = arith.muli %arg1, %mul3A_72 : i32
    %scan3A_74 = arith.constant 0 : i32
    %scan3A_75 = arith.constant 4 : i32
    %scan3A_76 = arith.addi %scan3A_74, %scan3A_75 : i32
    %scan3A_77 = arith.constant 1 : i32
    scf.for %scan3A_88 = %scan3A_74 to %scan3A_76 step %scan3A_77  : i32 {
      %mul3A_89 = arith.constant 1 : i32
      %mul3A_90 = arith.muli %scan3A_88, %mul3A_89 : i32
      %add3A_91 = arith.constant 0 : i32
      %add3A_92 = arith.addi %add3A_91, %mul3A_90 : i32
      %mul3A_93 = arith.constant 128 : i32
      %mul3A_94 = arith.muli %add3A_92, %mul3A_93 : i32
      %add3A_95 = arith.addi %mul3A_73, %mul3A_94 : i32
      %mul3A_96 = arith.constant 128 : i32
      %mul3A_97 = arith.muli %add3A_92, %mul3A_96 : i32
      %add3A_98 = arith.addi %add3A_71, %mul3A_97 : i32
      "tpu.region"() ({
        %run_scoped3A = tpu.sem_alloc : memref<!tpu.dma_semaphore, #tpu.memory_space<semaphore_mem>>
        %dma_start3A_99 = arith.constant 0 : i32
        %dma_start3A_100 = tpu.memref_slice %arg7[%add3A_98, %dma_start3A_99] : memref<20800x128xf32, #tpu.memory_space<hbm>> -> memref<128x128xf32, #tpu.memory_space<hbm>>
        %dma_start3A_101 = arith.constant 0 : i32
        %dma_start3A_102 = tpu.memref_slice %arg18[%add3A_95, %dma_start3A_101] : memref<10400x128xf32, #tpu.memory_space<vmem_shared>> -> memref<128x128xf32, #tpu.memory_space<vmem_shared>>
        tpu.enqueue_dma source(%dma_start3A_102 : memref<128x128xf32, #tpu.memory_space<vmem_shared>>) target(%dma_start3A_100 : memref<128x128xf32, #tpu.memory_space<hbm>>) target_semaphore(%run_scoped3A : memref<!tpu.dma_semaphore, #tpu.memory_space<semaphore_mem>>)
        %dma_wait3A_103 = arith.constant 0 : i32
        %dma_wait3A_104 = tpu.memref_slice %arg7[%add3A_98, %dma_wait3A_103] : memref<20800x128xf32, #tpu.memory_space<hbm>> -> memref<128x128xf32, #tpu.memory_space<hbm>>
        %dma_wait3A_105 = arith.constant 0 : i32
        %dma_wait3A_106 = tpu.memref_slice %arg18[%add3A_95, %dma_wait3A_105] : memref<10400x128xf32, #tpu.memory_space<vmem_shared>> -> memref<128x128xf32, #tpu.memory_space<vmem_shared>>
        tpu.wait_dma2 semaphore(%run_scoped3A : memref<!tpu.dma_semaphore, #tpu.memory_space<semaphore_mem>>) src(%dma_wait3A_106 : memref<128x128xf32, #tpu.memory_space<vmem_shared>>) dst(%dma_wait3A_104 : memref<128x128xf32, #tpu.memory_space<hbm>>)
        tpu.yield
      }) : () -> ()
    }
    %scan3A_78 = arith.constant 4 : i32
    %add3A_79 = arith.constant 512 : i32
    %add3A_80 = arith.addi %mul3A_73, %add3A_79 : i32
    %add3A_81 = arith.constant 512 : i32
    %add3A_82 = arith.addi %add3A_71, %add3A_81 : i32
    "tpu.region"() ({
      %run_scoped3A = tpu.sem_alloc : memref<!tpu.dma_semaphore, #tpu.memory_space<semaphore_mem>>
      %dma_start3A_88 = arith.constant 0 : i32
      %dma_start3A_89 = tpu.memref_slice %arg7[%add3A_82, %dma_start3A_88] : memref<20800x128xf32, #tpu.memory_space<hbm>> -> memref<112x128xf32, #tpu.memory_space<hbm>>
      %dma_start3A_90 = arith.constant 0 : i32
      %dma_start3A_91 = tpu.memref_slice %arg18[%add3A_80, %dma_start3A_90] : memref<10400x128xf32, #tpu.memory_space<vmem_shared>> -> memref<112x128xf32, #tpu.memory_space<vmem_shared>>
      tpu.enqueue_dma source(%dma_start3A_91 : memref<112x128xf32, #tpu.memory_space<vmem_shared>>) target(%dma_start3A_89 : memref<112x128xf32, #tpu.memory_space<hbm>>) target_semaphore(%run_scoped3A : memref<!tpu.dma_semaphore, #tpu.memory_space<semaphore_mem>>)
      %dma_wait3A_92 = arith.constant 0 : i32
      %dma_wait3A_93 = tpu.memref_slice %arg7[%add3A_82, %dma_wait3A_92] : memref<20800x128xf32, #tpu.memory_space<hbm>> -> memref<112x128xf32, #tpu.memory_space<hbm>>
      %dma_wait3A_94 = arith.constant 0 : i32
      %dma_wait3A_95 = tpu.memref_slice %arg18[%add3A_80, %dma_wait3A_94] : memref<10400x128xf32, #tpu.memory_space<vmem_shared>> -> memref<112x128xf32, #tpu.memory_space<vmem_shared>>
      tpu.wait_dma2 semaphore(%run_scoped3A : memref<!tpu.dma_semaphore, #tpu.memory_space<semaphore_mem>>) src(%dma_wait3A_95 : memref<112x128xf32, #tpu.memory_space<vmem_shared>>) dst(%dma_wait3A_93 : memref<112x128xf32, #tpu.memory_space<hbm>>)
      tpu.yield
    }) : () -> ()
    %eq3A_83 = arith.constant 15 : i32
    %eq3A_84 = arith.cmpi eq, %arg1, %eq3A_83 : i32
    %convert_element_type3A_85 = arith.extui %eq3A_84 : i1 to i32
    %cond3A_86 = arith.constant 0 : i32
    %cond3A_87 = arith.cmpi ne, %convert_element_type3A_85, %cond3A_86 : i32
    scf.if %cond3A_87 {
      %mul3A_88 = arith.constant 10400 : i32
      %mul3A_89 = arith.muli %arg0, %mul3A_88 : i32
      %add3A_90 = arith.constant 9984 : i32
      %add3A_91 = arith.addi %mul3A_89, %add3A_90 : i32
      "tpu.region"() ({
        %run_scoped3A = tpu.sem_alloc : memref<!tpu.dma_semaphore, #tpu.memory_space<semaphore_mem>>
        %dma_start3A_92 = arith.constant 0 : i32
        %dma_start3A_93 = tpu.memref_slice %arg7[%add3A_91, %dma_start3A_92] : memref<20800x128xf32, #tpu.memory_space<hbm>> -> memref<16x128xf32, #tpu.memory_space<hbm>>
        %dma_start3A_94 = arith.constant 9984 : i32
        %dma_start3A_95 = arith.constant 0 : i32
        %dma_start3A_96 = tpu.memref_slice %arg18[%dma_start3A_94, %dma_start3A_95] : memref<10400x128xf32, #tpu.memory_space<vmem_shared>> -> memref<16x128xf32, #tpu.memory_space<vmem_shared>>
        tpu.enqueue_dma source(%dma_start3A_96 : memref<16x128xf32, #tpu.memory_space<vmem_shared>>) target(%dma_start3A_93 : memref<16x128xf32, #tpu.memory_space<hbm>>) target_semaphore(%run_scoped3A : memref<!tpu.dma_semaphore, #tpu.memory_space<semaphore_mem>>)
        %dma_wait3A_97 = arith.constant 0 : i32
        %dma_wait3A_98 = tpu.memref_slice %arg7[%add3A_91, %dma_wait3A_97] : memref<20800x128xf32, #tpu.memory_space<hbm>> -> memref<16x128xf32, #tpu.memory_space<hbm>>
        %dma_wait3A_99 = arith.constant 9984 : i32
        %dma_wait3A_100 = arith.constant 0 : i32
        %dma_wait3A_101 = tpu.memref_slice %arg18[%dma_wait3A_99, %dma_wait3A_100] : memref<10400x128xf32, #tpu.memory_space<vmem_shared>> -> memref<16x128xf32, #tpu.memory_space<vmem_shared>>
        tpu.wait_dma2 semaphore(%run_scoped3A : memref<!tpu.dma_semaphore, #tpu.memory_space<semaphore_mem>>) src(%dma_wait3A_101 : memref<16x128xf32, #tpu.memory_space<vmem_shared>>) dst(%dma_wait3A_98 : memref<16x128xf32, #tpu.memory_space<hbm>>)
        tpu.yield
      }) : () -> ()
    } else {
    }
    return
  }
}

module attributes {stable_mosaic.version = 14 : i64} {
  func.func @body(%arg0: i32, %arg1: memref<400x128xf32, #tpu.memory_space<vmem>>, %arg2: memref<400x128xf32, #tpu.memory_space<vmem>>, %arg3: memref<256x256xf32, #tpu.memory_space<vmem>>, %arg4: memref<1x256xf32, #tpu.memory_space<vmem>>, %arg5: memref<2x400x128xf32, #tpu.memory_space<vmem>>) attributes {dimension_semantics = [#tpu.dimension_semantics<arbitrary>], iteration_bounds = array<i64: 25>, scalar_prefetch = 0 : i64, scratch_operands = 0 : i64, tpu.core_type = #tpu.core_type<tc>, window_params = [{transform_indices = @transform_0, window_bounds = array<i64: 400, 128>}, {transform_indices = @transform_1, window_bounds = array<i64: 400, 128>}, {pipeline_mode = #tpu.pipeline_mode<synchronous>, transform_indices = @transform_2, window_bounds = array<i64: 256, 256>}, {pipeline_mode = #tpu.pipeline_mode<synchronous>, transform_indices = @transform_3, window_bounds = array<i64: 1, 256>}, {transform_indices = @transform_4, window_bounds = array<i64: 2, 400, 128>}]} {
    %get3A = arith.constant 0 : index
    %get3A_0 = arith.constant 0 : index
    %get3A_1 = vector.load %arg1[%get3A, %get3A_0] : memref<400x128xf32, #tpu.memory_space<vmem>>, vector<400x128xf32>
    %get3A_2 = arith.constant 0 : index
    %get3A_3 = arith.constant 0 : index
    %get3A_4 = vector.load %arg2[%get3A_2, %get3A_3] : memref<400x128xf32, #tpu.memory_space<vmem>>, vector<400x128xf32>
    %get3A_5 = arith.constant 0 : index
    %get3A_6 = arith.constant 0 : index
    %get3A_7 = vector.load %arg3[%get3A_5, %get3A_6] : memref<256x256xf32, #tpu.memory_space<vmem>>, vector<128x256xf32>
    %dot_general3A = arith.constant dense<0.000000e+00> : vector<400x256xf32>
    %dot_general3A_8 = tpu.matmul %get3A_1, %get3A_7, %dot_general3A {dimension_numbers = #tpu.dot_dimension_numbers<[1], [0], [0], [1], [0, 0, 1, 1], [], []>, transpose_lhs_hint = false} : vector<400x128xf32>, vector<128x256xf32>, vector<400x256xf32> -> vector<400x256xf32>
    %get3A_9 = arith.constant 128 : index
    %get3A_10 = arith.constant 0 : index
    %get3A_11 = vector.load %arg3[%get3A_9, %get3A_10] : memref<256x256xf32, #tpu.memory_space<vmem>>, vector<128x256xf32>
    %dot_general3A_12 = arith.constant dense<0.000000e+00> : vector<400x256xf32>
    %dot_general3A_13 = tpu.matmul %get3A_4, %get3A_11, %dot_general3A_12 {dimension_numbers = #tpu.dot_dimension_numbers<[1], [0], [0], [1], [0, 0, 1, 1], [], []>, transpose_lhs_hint = false} : vector<400x128xf32>, vector<128x256xf32>, vector<400x256xf32> -> vector<400x256xf32>
    %add3A = arith.addf %dot_general3A_8, %dot_general3A_13 : vector<400x256xf32>
    %get3A_14 = arith.constant 0 : index
    %get3A_15 = arith.constant 0 : index
    %get3A_16 = vector.load %arg4[%get3A_14, %get3A_15] : memref<1x256xf32, #tpu.memory_space<vmem>>, vector<1x256xf32>
    %add3A_17 = vector.broadcast %get3A_16 : vector<1x256xf32> to vector<400x256xf32>
    %add3A_18 = arith.addf %add3A, %add3A_17 : vector<400x256xf32>
    %max3A = arith.constant 0.000000e+00 : f32
    %max3A_19 = vector.broadcast %max3A : f32 to vector<400x256xf32>
    %max3A_20 = arith.maximumf %add3A_18, %max3A_19 : vector<400x256xf32>
    %slice3A = vector.extract_strided_slice %max3A_20 {offsets = [0, 0], sizes = [400, 128], strides = [1, 1]} : vector<400x256xf32> to vector<400x128xf32>
    %swap3A = arith.constant 0 : index
    %swap3A_21 = arith.constant 0 : index
    %swap3A_22 = arith.constant 0 : index
    %swap3A_23 = vector.load %arg5[%swap3A, %swap3A_21, %swap3A_22] : memref<2x400x128xf32, #tpu.memory_space<vmem>>, vector<1x400x128xf32>
    %swap3A_24 = vector.shape_cast %swap3A_23 : vector<1x400x128xf32> to vector<400x128xf32>
    %swap3A_25 = vector.shape_cast %slice3A : vector<400x128xf32> to vector<1x400x128xf32>
    tpu.vector_store %arg5[%swap3A, %swap3A_21, %swap3A_22], %swap3A_25 {strides = array<i32>} : memref<2x400x128xf32, #tpu.memory_space<vmem>>, vector<1x400x128xf32>,
    %slice3A_26 = vector.extract_strided_slice %max3A_20 {offsets = [0, 128], sizes = [400, 128], strides = [1, 1]} : vector<400x256xf32> to vector<400x128xf32>
    %swap3A_27 = arith.constant 1 : index
    %swap3A_28 = arith.constant 0 : index
    %swap3A_29 = arith.constant 0 : index
    %swap3A_30 = vector.load %arg5[%swap3A_27, %swap3A_28, %swap3A_29] : memref<2x400x128xf32, #tpu.memory_space<vmem>>, vector<1x400x128xf32>
    %swap3A_31 = vector.shape_cast %swap3A_30 : vector<1x400x128xf32> to vector<400x128xf32>
    %swap3A_32 = vector.shape_cast %slice3A_26 : vector<400x128xf32> to vector<1x400x128xf32>
    tpu.vector_store %arg5[%swap3A_27, %swap3A_28, %swap3A_29], %swap3A_32 {strides = array<i32>} : memref<2x400x128xf32, #tpu.memory_space<vmem>>, vector<1x400x128xf32>,
    return
  }
  func.func @transform_0(%arg0: i32) -> (i32, i32) {
    %c0_i32 = arith.constant 0 : i32
    %c0_i32_0 = arith.constant 0 : i32
    return %arg0, %c0_i32 : i32, i32
  }
  func.func @transform_1(%arg0: i32) -> (i32, i32) {
    %add3A = arith.constant 26 : i32
    %add3A_0 = arith.addi %arg0, %add3A : i32
    %c0_i32 = arith.constant 0 : i32
    %c0_i32_1 = arith.constant 0 : i32
    return %add3A_0, %c0_i32 : i32, i32
  }
  func.func @transform_2(%arg0: i32) -> (i32, i32) {
    %c0_i32 = arith.constant 0 : i32
    %c0_i32_0 = arith.constant 0 : i32
    %c0_i32_1 = arith.constant 0 : i32
    return %c0_i32, %c0_i32_0 : i32, i32
  }
  func.func @transform_3(%arg0: i32) -> (i32, i32) {
    %c0_i32 = arith.constant 0 : i32
    %c0_i32_0 = arith.constant 0 : i32
    %c0_i32_1 = arith.constant 0 : i32
    return %c0_i32, %c0_i32_0 : i32, i32
  }
  func.func @transform_4(%arg0: i32) -> (i32, i32, i32) {
    %c0_i32 = arith.constant 0 : i32
    %c0_i32_0 = arith.constant 0 : i32
    %c0_i32_1 = arith.constant 0 : i32
    return %c0_i32, %arg0, %c0_i32_0 : i32, i32, i32
  }
}

module attributes {stable_mosaic.version = 14 : i64} {
  func.func @body(%arg0: i32, %arg1: memref<400x128xf32, #tpu.memory_space<vmem>>, %arg2: memref<400x128xf32, #tpu.memory_space<vmem>>, %arg3: memref<256x256xf32, #tpu.memory_space<vmem>>, %arg4: memref<1x256xf32, #tpu.memory_space<vmem>>, %arg5: memref<1x256xf32, #tpu.memory_space<vmem>>, %arg6: memref<8x256xf32, #tpu.memory_space<vmem>>) attributes {dimension_semantics = [#tpu.dimension_semantics<arbitrary>], iteration_bounds = array<i64: 25>, scalar_prefetch = 0 : i64, scratch_operands = 0 : i64, tpu.core_type = #tpu.core_type<tc>, window_params = [{transform_indices = @transform_0, window_bounds = array<i64: 400, 128>}, {transform_indices = @transform_1, window_bounds = array<i64: 400, 128>}, {pipeline_mode = #tpu.pipeline_mode<synchronous>, transform_indices = @transform_2, window_bounds = array<i64: 256, 256>}, {pipeline_mode = #tpu.pipeline_mode<synchronous>, transform_indices = @transform_3, window_bounds = array<i64: 1, 256>}, {pipeline_mode = #tpu.pipeline_mode<synchronous>, transform_indices = @transform_4, window_bounds = array<i64: 1, 256>}, {pipeline_mode = #tpu.pipeline_mode<synchronous>, transform_indices = @transform_5, window_bounds = array<i64: 8, 256>}]} {
    %get3A = arith.constant 0 : index
    %get3A_0 = arith.constant 0 : index
    %get3A_1 = vector.load %arg1[%get3A, %get3A_0] : memref<400x128xf32, #tpu.memory_space<vmem>>, vector<400x128xf32>
    %get3A_2 = arith.constant 0 : index
    %get3A_3 = arith.constant 0 : index
    %get3A_4 = vector.load %arg2[%get3A_2, %get3A_3] : memref<400x128xf32, #tpu.memory_space<vmem>>, vector<400x128xf32>
    %get3A_5 = arith.constant 0 : index
    %get3A_6 = arith.constant 0 : index
    %get3A_7 = vector.load %arg3[%get3A_5, %get3A_6] : memref<256x256xf32, #tpu.memory_space<vmem>>, vector<128x256xf32>
    %dot_general3A = arith.constant dense<0.000000e+00> : vector<400x256xf32>
    %dot_general3A_8 = tpu.matmul %get3A_1, %get3A_7, %dot_general3A {dimension_numbers = #tpu.dot_dimension_numbers<[1], [0], [0], [1], [0, 0, 1, 1], [], []>, transpose_lhs_hint = false} : vector<400x128xf32>, vector<128x256xf32>, vector<400x256xf32> -> vector<400x256xf32>
    %get3A_9 = arith.constant 128 : index
    %get3A_10 = arith.constant 0 : index
    %get3A_11 = vector.load %arg3[%get3A_9, %get3A_10] : memref<256x256xf32, #tpu.memory_space<vmem>>, vector<128x256xf32>
    %dot_general3A_12 = arith.constant dense<0.000000e+00> : vector<400x256xf32>
    %dot_general3A_13 = tpu.matmul %get3A_4, %get3A_11, %dot_general3A_12 {dimension_numbers = #tpu.dot_dimension_numbers<[1], [0], [0], [1], [0, 0, 1, 1], [], []>, transpose_lhs_hint = false} : vector<400x128xf32>, vector<128x256xf32>, vector<400x256xf32> -> vector<400x256xf32>
    %add3A = arith.addf %dot_general3A_8, %dot_general3A_13 : vector<400x256xf32>
    %get3A_14 = arith.constant 0 : index
    %get3A_15 = arith.constant 0 : index
    %get3A_16 = vector.load %arg4[%get3A_14, %get3A_15] : memref<1x256xf32, #tpu.memory_space<vmem>>, vector<1x256xf32>
    %add3A_17 = vector.broadcast %get3A_16 : vector<1x256xf32> to vector<400x256xf32>
    %add3A_18 = arith.addf %add3A, %add3A_17 : vector<400x256xf32>
    %max3A = arith.constant 0.000000e+00 : f32
    %max3A_19 = vector.broadcast %max3A : f32 to vector<400x256xf32>
    %max3A_20 = arith.maximumf %add3A_18, %max3A_19 : vector<400x256xf32>
    %get3A_21 = arith.constant 0 : index
    %get3A_22 = arith.constant 0 : index
    %get3A_23 = vector.load %arg5[%get3A_21, %get3A_22] : memref<1x256xf32, #tpu.memory_space<vmem>>, vector<1x256xf32>
    %mul3A = vector.broadcast %get3A_23 : vector<1x256xf32> to vector<400x256xf32>
    %mul3A_24 = arith.mulf %max3A_20, %mul3A : vector<400x256xf32>
    %slice3A = vector.extract_strided_slice %mul3A_24 {offsets = [0, 0], sizes = [8, 256], strides = [1, 1]} : vector<400x256xf32> to vector<8x256xf32>
    %slice3A_25 = vector.extract_strided_slice %mul3A_24 {offsets = [8, 0], sizes = [8, 256], strides = [1, 1]} : vector<400x256xf32> to vector<8x256xf32>
    %add3A_26 = arith.addf %slice3A, %slice3A_25 : vector<8x256xf32>
    %slice3A_27 = vector.extract_strided_slice %mul3A_24 {offsets = [16, 0], sizes = [8, 256], strides = [1, 1]} : vector<400x256xf32> to vector<8x256xf32>
    %add3A_28 = arith.addf %add3A_26, %slice3A_27 : vector<8x256xf32>
    %slice3A_29 = vector.extract_strided_slice %mul3A_24 {offsets = [24, 0], sizes = [8, 256], strides = [1, 1]} : vector<400x256xf32> to vector<8x256xf32>
    %add3A_30 = arith.addf %add3A_28, %slice3A_29 : vector<8x256xf32>
    %slice3A_31 = vector.extract_strided_slice %mul3A_24 {offsets = [32, 0], sizes = [8, 256], strides = [1, 1]} : vector<400x256xf32> to vector<8x256xf32>
    %add3A_32 = arith.addf %add3A_30, %slice3A_31 : vector<8x256xf32>
    %slice3A_33 = vector.extract_strided_slice %mul3A_24 {offsets = [40, 0], sizes = [8, 256], strides = [1, 1]} : vector<400x256xf32> to vector<8x256xf32>
    %add3A_34 = arith.addf %add3A_32, %slice3A_33 : vector<8x256xf32>
    %slice3A_35 = vector.extract_strided_slice %mul3A_24 {offsets = [48, 0], sizes = [8, 256], strides = [1, 1]} : vector<400x256xf32> to vector<8x256xf32>
    %add3A_36 = arith.addf %add3A_34, %slice3A_35 : vector<8x256xf32>
    %slice3A_37 = vector.extract_strided_slice %mul3A_24 {offsets = [56, 0], sizes = [8, 256], strides = [1, 1]} : vector<400x256xf32> to vector<8x256xf32>
    %add3A_38 = arith.addf %add3A_36, %slice3A_37 : vector<8x256xf32>
    %slice3A_39 = vector.extract_strided_slice %mul3A_24 {offsets = [64, 0], sizes = [8, 256], strides = [1, 1]} : vector<400x256xf32> to vector<8x256xf32>
    %add3A_40 = arith.addf %add3A_38, %slice3A_39 : vector<8x256xf32>
    %slice3A_41 = vector.extract_strided_slice %mul3A_24 {offsets = [72, 0], sizes = [8, 256], strides = [1, 1]} : vector<400x256xf32> to vector<8x256xf32>
    %add3A_42 = arith.addf %add3A_40, %slice3A_41 : vector<8x256xf32>
    %slice3A_43 = vector.extract_strided_slice %mul3A_24 {offsets = [80, 0], sizes = [8, 256], strides = [1, 1]} : vector<400x256xf32> to vector<8x256xf32>
    %add3A_44 = arith.addf %add3A_42, %slice3A_43 : vector<8x256xf32>
    %slice3A_45 = vector.extract_strided_slice %mul3A_24 {offsets = [88, 0], sizes = [8, 256], strides = [1, 1]} : vector<400x256xf32> to vector<8x256xf32>
    %add3A_46 = arith.addf %add3A_44, %slice3A_45 : vector<8x256xf32>
    %slice3A_47 = vector.extract_strided_slice %mul3A_24 {offsets = [96, 0], sizes = [8, 256], strides = [1, 1]} : vector<400x256xf32> to vector<8x256xf32>
    %add3A_48 = arith.addf %add3A_46, %slice3A_47 : vector<8x256xf32>
    %slice3A_49 = vector.extract_strided_slice %mul3A_24 {offsets = [104, 0], sizes = [8, 256], strides = [1, 1]} : vector<400x256xf32> to vector<8x256xf32>
    %add3A_50 = arith.addf %add3A_48, %slice3A_49 : vector<8x256xf32>
    %slice3A_51 = vector.extract_strided_slice %mul3A_24 {offsets = [112, 0], sizes = [8, 256], strides = [1, 1]} : vector<400x256xf32> to vector<8x256xf32>
    %add3A_52 = arith.addf %add3A_50, %slice3A_51 : vector<8x256xf32>
    %slice3A_53 = vector.extract_strided_slice %mul3A_24 {offsets = [120, 0], sizes = [8, 256], strides = [1, 1]} : vector<400x256xf32> to vector<8x256xf32>
    %add3A_54 = arith.addf %add3A_52, %slice3A_53 : vector<8x256xf32>
    %slice3A_55 = vector.extract_strided_slice %mul3A_24 {offsets = [128, 0], sizes = [8, 256], strides = [1, 1]} : vector<400x256xf32> to vector<8x256xf32>
    %add3A_56 = arith.addf %add3A_54, %slice3A_55 : vector<8x256xf32>
    %slice3A_57 = vector.extract_strided_slice %mul3A_24 {offsets = [136, 0], sizes = [8, 256], strides = [1, 1]} : vector<400x256xf32> to vector<8x256xf32>
    %add3A_58 = arith.addf %add3A_56, %slice3A_57 : vector<8x256xf32>
    %slice3A_59 = vector.extract_strided_slice %mul3A_24 {offsets = [144, 0], sizes = [8, 256], strides = [1, 1]} : vector<400x256xf32> to vector<8x256xf32>
    %add3A_60 = arith.addf %add3A_58, %slice3A_59 : vector<8x256xf32>
    %slice3A_61 = vector.extract_strided_slice %mul3A_24 {offsets = [152, 0], sizes = [8, 256], strides = [1, 1]} : vector<400x256xf32> to vector<8x256xf32>
    %add3A_62 = arith.addf %add3A_60, %slice3A_61 : vector<8x256xf32>
    %slice3A_63 = vector.extract_strided_slice %mul3A_24 {offsets = [160, 0], sizes = [8, 256], strides = [1, 1]} : vector<400x256xf32> to vector<8x256xf32>
    %add3A_64 = arith.addf %add3A_62, %slice3A_63 : vector<8x256xf32>
    %slice3A_65 = vector.extract_strided_slice %mul3A_24 {offsets = [168, 0], sizes = [8, 256], strides = [1, 1]} : vector<400x256xf32> to vector<8x256xf32>
    %add3A_66 = arith.addf %add3A_64, %slice3A_65 : vector<8x256xf32>
    %slice3A_67 = vector.extract_strided_slice %mul3A_24 {offsets = [176, 0], sizes = [8, 256], strides = [1, 1]} : vector<400x256xf32> to vector<8x256xf32>
    %add3A_68 = arith.addf %add3A_66, %slice3A_67 : vector<8x256xf32>
    %slice3A_69 = vector.extract_strided_slice %mul3A_24 {offsets = [184, 0], sizes = [8, 256], strides = [1, 1]} : vector<400x256xf32> to vector<8x256xf32>
    %add3A_70 = arith.addf %add3A_68, %slice3A_69 : vector<8x256xf32>
    %slice3A_71 = vector.extract_strided_slice %mul3A_24 {offsets = [192, 0], sizes = [8, 256], strides = [1, 1]} : vector<400x256xf32> to vector<8x256xf32>
    %add3A_72 = arith.addf %add3A_70, %slice3A_71 : vector<8x256xf32>
    %slice3A_73 = vector.extract_strided_slice %mul3A_24 {offsets = [200, 0], sizes = [8, 256], strides = [1, 1]} : vector<400x256xf32> to vector<8x256xf32>
    %add3A_74 = arith.addf %add3A_72, %slice3A_73 : vector<8x256xf32>
    %slice3A_75 = vector.extract_strided_slice %mul3A_24 {offsets = [208, 0], sizes = [8, 256], strides = [1, 1]} : vector<400x256xf32> to vector<8x256xf32>
    %add3A_76 = arith.addf %add3A_74, %slice3A_75 : vector<8x256xf32>
    %slice3A_77 = vector.extract_strided_slice %mul3A_24 {offsets = [216, 0], sizes = [8, 256], strides = [1, 1]} : vector<400x256xf32> to vector<8x256xf32>
    %add3A_78 = arith.addf %add3A_76, %slice3A_77 : vector<8x256xf32>
    %slice3A_79 = vector.extract_strided_slice %mul3A_24 {offsets = [224, 0], sizes = [8, 256], strides = [1, 1]} : vector<400x256xf32> to vector<8x256xf32>
    %add3A_80 = arith.addf %add3A_78, %slice3A_79 : vector<8x256xf32>
    %slice3A_81 = vector.extract_strided_slice %mul3A_24 {offsets = [232, 0], sizes = [8, 256], strides = [1, 1]} : vector<400x256xf32> to vector<8x256xf32>
    %add3A_82 = arith.addf %add3A_80, %slice3A_81 : vector<8x256xf32>
    %slice3A_83 = vector.extract_strided_slice %mul3A_24 {offsets = [240, 0], sizes = [8, 256], strides = [1, 1]} : vector<400x256xf32> to vector<8x256xf32>
    %add3A_84 = arith.addf %add3A_82, %slice3A_83 : vector<8x256xf32>
    %slice3A_85 = vector.extract_strided_slice %mul3A_24 {offsets = [248, 0], sizes = [8, 256], strides = [1, 1]} : vector<400x256xf32> to vector<8x256xf32>
    %add3A_86 = arith.addf %add3A_84, %slice3A_85 : vector<8x256xf32>
    %slice3A_87 = vector.extract_strided_slice %mul3A_24 {offsets = [256, 0], sizes = [8, 256], strides = [1, 1]} : vector<400x256xf32> to vector<8x256xf32>
    %add3A_88 = arith.addf %add3A_86, %slice3A_87 : vector<8x256xf32>
    %slice3A_89 = vector.extract_strided_slice %mul3A_24 {offsets = [264, 0], sizes = [8, 256], strides = [1, 1]} : vector<400x256xf32> to vector<8x256xf32>
    %add3A_90 = arith.addf %add3A_88, %slice3A_89 : vector<8x256xf32>
    %slice3A_91 = vector.extract_strided_slice %mul3A_24 {offsets = [272, 0], sizes = [8, 256], strides = [1, 1]} : vector<400x256xf32> to vector<8x256xf32>
    %add3A_92 = arith.addf %add3A_90, %slice3A_91 : vector<8x256xf32>
    %slice3A_93 = vector.extract_strided_slice %mul3A_24 {offsets = [280, 0], sizes = [8, 256], strides = [1, 1]} : vector<400x256xf32> to vector<8x256xf32>
    %add3A_94 = arith.addf %add3A_92, %slice3A_93 : vector<8x256xf32>
    %slice3A_95 = vector.extract_strided_slice %mul3A_24 {offsets = [288, 0], sizes = [8, 256], strides = [1, 1]} : vector<400x256xf32> to vector<8x256xf32>
    %add3A_96 = arith.addf %add3A_94, %slice3A_95 : vector<8x256xf32>
    %slice3A_97 = vector.extract_strided_slice %mul3A_24 {offsets = [296, 0], sizes = [8, 256], strides = [1, 1]} : vector<400x256xf32> to vector<8x256xf32>
    %add3A_98 = arith.addf %add3A_96, %slice3A_97 : vector<8x256xf32>
    %slice3A_99 = vector.extract_strided_slice %mul3A_24 {offsets = [304, 0], sizes = [8, 256], strides = [1, 1]} : vector<400x256xf32> to vector<8x256xf32>
    %add3A_100 = arith.addf %add3A_98, %slice3A_99 : vector<8x256xf32>
    %slice3A_101 = vector.extract_strided_slice %mul3A_24 {offsets = [312, 0], sizes = [8, 256], strides = [1, 1]} : vector<400x256xf32> to vector<8x256xf32>
    %add3A_102 = arith.addf %add3A_100, %slice3A_101 : vector<8x256xf32>
    %slice3A_103 = vector.extract_strided_slice %mul3A_24 {offsets = [320, 0], sizes = [8, 256], strides = [1, 1]} : vector<400x256xf32> to vector<8x256xf32>
    %add3A_104 = arith.addf %add3A_102, %slice3A_103 : vector<8x256xf32>
    %slice3A_105 = vector.extract_strided_slice %mul3A_24 {offsets = [328, 0], sizes = [8, 256], strides = [1, 1]} : vector<400x256xf32> to vector<8x256xf32>
    %add3A_106 = arith.addf %add3A_104, %slice3A_105 : vector<8x256xf32>
    %slice3A_107 = vector.extract_strided_slice %mul3A_24 {offsets = [336, 0], sizes = [8, 256], strides = [1, 1]} : vector<400x256xf32> to vector<8x256xf32>
    %add3A_108 = arith.addf %add3A_106, %slice3A_107 : vector<8x256xf32>
    %slice3A_109 = vector.extract_strided_slice %mul3A_24 {offsets = [344, 0], sizes = [8, 256], strides = [1, 1]} : vector<400x256xf32> to vector<8x256xf32>
    %add3A_110 = arith.addf %add3A_108, %slice3A_109 : vector<8x256xf32>
    %slice3A_111 = vector.extract_strided_slice %mul3A_24 {offsets = [352, 0], sizes = [8, 256], strides = [1, 1]} : vector<400x256xf32> to vector<8x256xf32>
    %add3A_112 = arith.addf %add3A_110, %slice3A_111 : vector<8x256xf32>
    %slice3A_113 = vector.extract_strided_slice %mul3A_24 {offsets = [360, 0], sizes = [8, 256], strides = [1, 1]} : vector<400x256xf32> to vector<8x256xf32>
    %add3A_114 = arith.addf %add3A_112, %slice3A_113 : vector<8x256xf32>
    %slice3A_115 = vector.extract_strided_slice %mul3A_24 {offsets = [368, 0], sizes = [8, 256], strides = [1, 1]} : vector<400x256xf32> to vector<8x256xf32>
    %add3A_116 = arith.addf %add3A_114, %slice3A_115 : vector<8x256xf32>
    %slice3A_117 = vector.extract_strided_slice %mul3A_24 {offsets = [376, 0], sizes = [8, 256], strides = [1, 1]} : vector<400x256xf32> to vector<8x256xf32>
    %add3A_118 = arith.addf %add3A_116, %slice3A_117 : vector<8x256xf32>
    %slice3A_119 = vector.extract_strided_slice %mul3A_24 {offsets = [384, 0], sizes = [8, 256], strides = [1, 1]} : vector<400x256xf32> to vector<8x256xf32>
    %add3A_120 = arith.addf %add3A_118, %slice3A_119 : vector<8x256xf32>
    %slice3A_121 = vector.extract_strided_slice %mul3A_24 {offsets = [392, 0], sizes = [8, 256], strides = [1, 1]} : vector<400x256xf32> to vector<8x256xf32>
    %add3A_122 = arith.addf %add3A_120, %slice3A_121 : vector<8x256xf32>
    %eq3A = arith.constant 0 : i32
    %eq3A_123 = arith.cmpi eq, %arg0, %eq3A : i32
    %convert_element_type3A = arith.extui %eq3A_123 : i1 to i32
    %cond3A = arith.constant 0 : i32
    %cond3A_124 = arith.cmpi ne, %convert_element_type3A, %cond3A : i32
    scf.if %cond3A_124 {
      %broadcast_in_dim3A = arith.constant 0.000000e+00 : f32
      %broadcast_in_dim3A_131 = vector.broadcast %broadcast_in_dim3A : f32 to vector<8x256xf32>
      %swap3A_132 = arith.constant 0 : index
      %swap3A_133 = arith.constant 0 : index
      %swap3A_134 = vector.load %arg6[%swap3A_132, %swap3A_133] : memref<8x256xf32, #tpu.memory_space<vmem>>, vector<8x256xf32>
      tpu.vector_store %arg6[%swap3A_132, %swap3A_133], %broadcast_in_dim3A_131 {strides = array<i32>} : memref<8x256xf32, #tpu.memory_space<vmem>>, vector<8x256xf32>,
    } else {
    }
    %get3A_125 = arith.constant 0 : index
    %get3A_126 = arith.constant 0 : index
    %get3A_127 = vector.load %arg6[%get3A_125, %get3A_126] : memref<8x256xf32, #tpu.memory_space<vmem>>, vector<8x256xf32>
    %add3A_128 = arith.addf %get3A_127, %add3A_122 : vector<8x256xf32>
    %swap3A = arith.constant 0 : index
    %swap3A_129 = arith.constant 0 : index
    %swap3A_130 = vector.load %arg6[%swap3A, %swap3A_129] : memref<8x256xf32, #tpu.memory_space<vmem>>, vector<8x256xf32>
    tpu.vector_store %arg6[%swap3A, %swap3A_129], %add3A_128 {strides = array<i32>} : memref<8x256xf32, #tpu.memory_space<vmem>>, vector<8x256xf32>,
    return
  }
  func.func @transform_0(%arg0: i32) -> (i32, i32) {
    %c0_i32 = arith.constant 0 : i32
    %c0_i32_0 = arith.constant 0 : i32
    return %arg0, %c0_i32 : i32, i32
  }
  func.func @transform_1(%arg0: i32) -> (i32, i32) {
    %add3A = arith.constant 26 : i32
    %add3A_0 = arith.addi %arg0, %add3A : i32
    %c0_i32 = arith.constant 0 : i32
    %c0_i32_1 = arith.constant 0 : i32
    return %add3A_0, %c0_i32 : i32, i32
  }
  func.func @transform_2(%arg0: i32) -> (i32, i32) {
    %c0_i32 = arith.constant 0 : i32
    %c0_i32_0 = arith.constant 0 : i32
    %c0_i32_1 = arith.constant 0 : i32
    return %c0_i32, %c0_i32_0 : i32, i32
  }
  func.func @transform_3(%arg0: i32) -> (i32, i32) {
    %c0_i32 = arith.constant 0 : i32
    %c0_i32_0 = arith.constant 0 : i32
    %c0_i32_1 = arith.constant 0 : i32
    return %c0_i32, %c0_i32_0 : i32, i32
  }
  func.func @transform_4(%arg0: i32) -> (i32, i32) {
    %c0_i32 = arith.constant 0 : i32
    %c0_i32_0 = arith.constant 0 : i32
    %c0_i32_1 = arith.constant 0 : i32
    return %c0_i32, %c0_i32_0 : i32, i32
  }
  func.func @transform_5(%arg0: i32) -> (i32, i32) {
    %c0_i32 = arith.constant 0 : i32
    %c0_i32_0 = arith.constant 0 : i32
    %c0_i32_1 = arith.constant 0 : i32
    return %c0_i32, %c0_i32_0 : i32, i32
  }
}

</mosaic_0001>

<sc_bundles>
// kernel: kernel.12.cloned.1.call-start
scs
__scs_entry_jumppad:
0x0: {  	(pc) =	sbr.rel $0x88, $3  }
0x1: {  	(tag) =	ssettag $0x0;
	lr =	simm.s32 $0x1  }
0x2: {  	[smem:$0x3F98] =	sst lr;
	_ =	strace $0xD0000000  }
0x3: {  	_ = 	snop  }
0x4: {  	_ = 	snop  }
0x5: {  	_ = 	snop  }
0x6: {  	_ = 	snop  }
0x7: {  	_ = 	snop  }
__scs_overlays_trampoline_lowered:
0x8: {  	[smem:$0x3FA7] =	sst s0  }
0x9: {  	[smem:$0x3FA8] =	sst s1  }
0xa: {  	[smem:$0x3FA9] =	sst s2  }
0xb: {  	[smem:$0x3FAA] =	sst s3  }
0xc: {  	[smem:$0x3FAB] =	sst s4  }
0xd: {  	[smem:$0x3FAC] =	sst s5  }
0xe: {  	[smem:$0x3FAD] =	sst s6  }
0xf: {  	[smem:$0x3FAE] =	sst s7  }
0x10: {  	[smem:$0x3FAF] =	sst s8  }
0x11: {  	[smem:$0x3FB0] =	sst s9;
	s0 =	simm.s32 @!p0 $0x0  }
0x12: {  	s1 =	sld [smem:$0x3F96];
	s0 =	simm.s32 @p0 $0x1  }
0x13: {  	[smem:$0x3FB1] =	sst s0;
	s0 =	simm.s32 @!p1 $0x0  }
0x14: {  	s2 =	sld [smem:$0x3F95];
	s0 =	simm.s32 @p1 $0x1  }
0x15: {  	[smem:$0x3FB2] =	sst s0;
	s0 =	simm.s32 @!p2 $0x0  }
0x16: {  	s3 =	sld [smem:$0x3FDB];
	s0 =	simm.s32 @p2 $0x1  }
0x17: {  	s4 =	simm.s32 $0x1BF5;
	[smem:$0x3FB4] =	sst s0  }
0x18: {  	s0 =	sld [smem:$0x3F97];
	_ =	swait.ge [sflag:s4], $0x0  }
0x19: {  	s7 =	sld [smem:$0x3F98]  }
0x1a: {  	s8 =	sadd.s32 $0xFFFFE003, lr  }
0x1b: {  	s9 =	sadd.s32 $0xFFFFFEF7, lr;
	s5 =	simm.s32 $0xFFFFFFFF;
	p2 =	slt.u32 s8, $0xFFFFF086  }
0x1c: {  	p1 =	slt.u32 s9, $0xF7A;
	s5 =	simm.s32 @!p2 $0x0  }
0x1d: {  	s5 =	simm.s32 @p1 $0x1;
	p0 =	seq.s32 s7, s2  }
0x1e: {  	s7 =	smul.u32 @!p0 $0xF7A, s2;
	p2 =	seq.s32 @!p0 s5, $0x0  }
0x1f: {  	s9 =	smul.u32 $0xF7A, s1;
	s8 =	simm.s32 @!p0 $0x1BF5;
	p2 =	por !p2, p0  }
0x20: {  	[sflag:s8] =	ssyncset.s32 @!p0 $0xFFFFF086;
	s6 =	sadd.s32 @!p0 s3, s7;
	s7 =	simm.s32 @!p0 $0x108  }
0x21: {  	s3 =	sadd.s32 s3, s9;
	s6 =	sadd.s32 @!p0 $0x88, s6;
	s7 =	simm.s32 @p2 $0x1082  }
0x22: {  	[simem:s7], [sflag:s8] =	dma.local @!p0 [hbm:s6], $0xF7A  }
0x23: {  	s9 =	sor.u32 $0xD0000000, s2;
	s6 =	simm.s32 $0x108;
	_ =	swait.ge @!p0 [sflag:s8], $0x0  }
0x24: {  	s3 =	sadd.s32 $0x88, s3;
	s6 =	simm.s32 @!p1 $0x1082;
	[sflag:s4] =	ssyncset.s32 $0xFFFFF086  }
0x25: {  	[simem:s6], [sflag:s4] =	dma.local [hbm:s3], $0xF7A  }
0x26: {  	[smem:$0x3F98] =	sst s1;
	(tag) =	ssettag s2;
	_ =	strace s9  }
0x27: {  	s1 =	sld [smem:$0x3FA8]  }
0x28: {  	s2 =	sld [smem:$0x3FA9]  }
0x29: {  	s4 =	sld [smem:$0x3FAB]  }
0x2a: {  	p0 =	seq.s32 s5, $0x0;
	s5 =	sld [smem:$0x3FAC]  }
0x2b: {  	s6 =	sld [smem:$0x3FAD]  }
0x2c: {  	s7 =	sld [smem:$0x3FAE]  }
0x2d: {  	s3 =	simm.s32 $0x108;
	s8 =	sld [smem:$0x3FAF]  }
0x2e: {  	s3 =	simm.s32 @!p0 $0x1082;
	s9 =	sld [smem:$0x3FB0]  }
0x2f: {  	lr =	sadd.s32 s0, s3;
	s0 =	sld [smem:$0x3FA7]  }
0x30: {  	s3 =	sld [smem:$0x3FAA]  }
0x31: {  	[smem:$0x3FB3] =	sst s10  }
0x32: {  	s10 =	sld [smem:$0x3FB1];
	_ =	sdelay $0x3  }
0x33: {  	p0 =	seq.s32 s10, $0x1;
	s10 =	sld [smem:$0x3FB3];
	_ =	sdelay $0x3  }
0x34: {  	[smem:$0x3FB3] =	sst s10  }
0x35: {  	s10 =	sld [smem:$0x3FB2];
	_ =	sdelay $0x3  }
0x36: {  	p1 =	seq.s32 s10, $0x1;
	s10 =	sld [smem:$0x3FB3];
	_ =	sdelay $0x3  }
0x37: {  	[smem:$0x3FB3] =	sst s10  }
0x38: {  	s10 =	sld [smem:$0x3FB4]  }
0x39: {  	_ = 	snop;
	(pc) =	sbr.ind lr, $3  }
0x3a: {  	_ = 	snop  }
0x3b: {  	_ = 	snop  }
0x3c: {  	p2 =	seq.s32 s10, $0x1;
	s10 =	sld [smem:$0x3FB3]  }
0x3d: {  	_ =	shalt  }
0x3e: {  	_ =	shalt  }
0x3f: {  	_ =	shalt  }
0x40: {  	_ =	shalt  }
0x41: {  	_ =	shalt  }
0x42: {  	_ =	shalt  }
0x43: {  	_ =	shalt  }
0x44: {  	_ =	shalt  }
0x45: {  	_ =	shalt  }
0x46: {  	_ =	shalt  }
0x47: {  	_ =	shalt  }
0x48: {  	_ =	shalt  }
0x49: {  	_ =	shalt  }
0x4a: {  	_ =	shalt  }
0x4b: {  	_ =	shalt  }
0x4c: {  	_ =	shalt  }
0x4d: {  	_ =	shalt  }
0x4e: {  	_ =	shalt  }
0x4f: {  	_ =	shalt  }
0x50: {  	_ =	shalt  }
0x51: {  	_ =	shalt  }
0x52: {  	_ =	shalt  }
0x53: {  	_ =	shalt  }
0x54: {  	_ =	shalt  }
0x55: {  	_ =	shalt  }
0x56: {  	_ =	shalt  }
0x57: {  	_ =	shalt  }
0x58: {  	_ =	shalt  }
0x59: {  	_ =	shalt  }
0x5a: {  	_ =	shalt  }
0x5b: {  	_ =	shalt  }
0x5c: {  	_ =	shalt  }
0x5d: {  	_ =	shalt  }
0x5e: {  	_ =	shalt  }
0x5f: {  	_ =	shalt  }
0x60: {  	_ =	shalt  }
0x61: {  	_ =	shalt  }
0x62: {  	_ =	shalt  }
0x63: {  	_ =	shalt  }
0x64: {  	_ =	shalt  }
0x65: {  	_ =	shalt  }
0x66: {  	_ =	shalt  }
0x67: {  	_ =	shalt  }
0x68: {  	_ =	shalt  }
0x69: {  	_ =	shalt  }
0x6a: {  	_ =	shalt  }
0x6b: {  	_ =	shalt  }
0x6c: {  	_ =	shalt  }
0x6d: {  	_ =	shalt  }
0x6e: {  	_ =	shalt  }
0x6f: {  	_ =	shalt  }
0x70: {  	_ =	shalt  }
0x71: {  	_ =	shalt  }
0x72: {  	_ =	shalt  }
0x73: {  	_ =	shalt  }
0x74: {  	_ =	shalt  }
0x75: {  	_ =	shalt  }
0x76: {  	_ =	shalt  }
0x77: {  	_ =	shalt  }
0x78: {  	_ =	shalt  }
0x79: {  	_ =	shalt  }
0x7a: {  	_ =	shalt  }
0x7b: {  	_ =	shalt  }
0x7c: {  	_ =	shalt  }
0x7d: {  	_ =	shalt  }
0x7e: {  	_ =	shalt  }
0x7f: {  	_ =	shalt  }
0x80: {  	_ =	shalt  }
0x81: {  	_ =	shalt  }
0x82: {  	_ =	shalt  }
0x83: {  	_ =	shalt  }
0x84: {  	_ =	shalt  }
0x85: {  	_ =	shalt  }
0x86: {  	_ =	shalt  }
0x87: {  	_ =	shalt  }
.Lfunc_end0:
.L_simem_size_0:
called_computation.1_lowered:
.L_overlay_start_0:
0x88: {  	s2 =	sld [smem:$0x3FD9]  }
0x89: {  	s3 =	sld [smem:$0x3FFE];
	_ =	sdelay $0x1  }
0x8a: {  	s1 =	srdreg.scid  }
0x8b: {  	s0 =	sand.u32 $0x1, s1  }
0x8c: {  	s16 =	sshll.u32 s0, $0xA;
	s2 =	sadd.s32 s3, s2  }
0x8d: {  	s2 =	sadd.s32 s2, s16  }
0x8e: {  	[smem:$0x3FBF] =	sst s2  }
0x8f: {  	_ = 	snop  }
0x90: {  	(tm) =	ssettm $0x1  }
0x91: {  	s17 =	sld [smem:$0x3FFB];
	_ =	sdelay $0x3  }
0x92: {  	_ =	strace s17  }
0x93: {  	s2 =	sld [smem:$0x3FFC];
	_ =	sdelay $0x3  }
0x94: {  	_ =	strace s2  }
0x95: {  	s2 =	sld [smem:$0x3FFD];
	_ =	sdelay $0x3  }
0x96: {  	_ =	strace s2  }
0x97: {  	_ =	strace $0x8FFFFFFF  }
0x98: {  	s18 =	sld [smem:$0x3FDB];
	_ =	sdelay $0x1  }
0x99: {  	s19 =	simm.s32 $_scs_section_size  }
0x9a: {  	s4 =	simm.s32 $_size__tile_overlayer_lowered;
	s5 =	simm.s32 $_tile_overlayer_lowered  }
0x9b: {  	s22 =	simm.s32 $0x1BFF;
	s21 =	sshll.u32 s5, $0x1;
	s2 =	sadd.s32 s19, s18  }
0x9c: {  	s6 =	simm.s32 $0x0;
	s20 =	sshll.u32 s4, $0x1;
	s4 =	sadd.s32 s21, s2  }
0x9d: {  	[timem:s6], [sflag:s22] =	dma.local [hbm:s4], s20  }
0x9e: {  	_ =	swait.ge [sflag:s22], s20  }
0x9f: {  	s3 =	ssub.s32 $0x0, s20;
	[sflag:s22] =	ssyncset.done $0x0  }
0xa0: {  	[sflag:s22] =	ssyncadd.s32 s3;
	_ =	sdelay $0x1  }
0xa1: {  	s23 =	simm.s32 $0x1B8B  }
0xa2: {  	_ =	swait.ge [sflag:s23], $0x1  }
0xa3: {  	[sflag:s23] =	ssyncset.done $0x0  }
0xa4: {  	s25 =	simm.s32 $0x1B8E;
	s24 =	sld [smem:$0x3FFE];
	[sflag:s23] =	ssyncadd.s32 $0xFFFFFFFF  }
0xa5: {  	s26 =	simm.s32 $execute0_lowered;
	[smem:$0x3FD2] =	sst s25  }
0xa6: {  	s4 =	sshll.u32 s26, $0x1;
	_ =	strace $0x80000049;
	[dreg:$0x1] =	wrdreg $0xFFFFFFFF  }
0xa7: {  	s28 =	simm.s32 $_size_execute0_lowered;
	s2 =	sadd.s32 s2, s4;
	[dreg:$0x0] =	wrdreg $0x0  }
0xa8: {  	s4 =	sshll.u32 s28, $0x1;
	[dreg:$0x2] =	wrdreg s2  }
0xa9: {  	[dreg:$0x3] =	wrdreg s4  }
0xaa: {  	[dreg:$0x4] =	wrdreg $0xC0  }
0xab: {  	_ =	task [dreg:s6], $0x5FFFF  }
0xac: {  	[dreg:$0x1] =	wrdreg $0xFFFFFFFF  }
0xad: {  	[dreg:$0x0] =	wrdreg $0x60  }
0xae: {  	[dreg:$0x2] =	wrdreg s24  }
0xaf: {  	[dreg:$0x3] =	wrdreg $0x83000  }
0xb0: {  	[dreg:$0x4] =	wrdreg $0x9  }
0xb1: {  	_ =	task.clear_ibuf [dreg:s6], $0x5FFFF;
	_ =	strace $0x90000049  }
0xb2: {  	s29 =	simm.s32 $0x9;
	_ =	strace $0x8000004B  }
0xb3: {  	_ =	swait.ge [sflag:s29], $0x1  }
0xb4: {  	[sflag:s29] =	ssyncadd.s32 $0xFFFFFFFF  }
0xb5: {  	_ =	strace $0x9000004B  }
0xb6: {  	_ =	sfence  }
0xb7: {  	s30 =	sld [smem:$0x0];
	_ =	sdelay $0x2  }
0xb8: {  	s31 =	sshll.u32 s1, $0xD;
	s1 =	sshrl.u32 s1, $0x2  }
0xb9: {  	s3 =	sand.u32 $0x4000, s31;
	s1 =	sadd.s32 s1, s30  }
0xba: {  	s0 =	sor.u32 s3, s0;
	s1 =	sshll.u32 s1, $0x11  }
0xbb: {  	s0 =	sor.u32 s1, s0  }
0xbc: {  	s0 =	sadd.s32 $0x8F2B, s0  }
0xbd: {  	[sflag:s0] =	ssyncadd.remote.s32 $0x1  }
0xbe: {  	_ =	sfence.sel $0xFFFF  }
0xbf: {  	[dreg:$0x0] =	wrdreg $0xFFFFFFFF;
	(pc) =	sbr.abs _section_cstart, $3  }
0xc0: {  	[dreg:$0x1] =	wrdreg $0xFFFFFFFF  }
0xc1: {  	_ =	task.clear_ibuf [dreg:s6], $0x2FFFF;
	_ =	strace $0x9FFFFFFF  }
0xc2: {  	(tm) =	ssettm $0x7FFFFFFF  }
0xc3: {  	_ =	shalt  }
tec
execute0_lowered:
.L_overlay_start_1:
0x0: {  	(tag) =	ssettag $0x1  }
0x1: {  	s0 =	rddreg [dreg:$0x0]  }
0x2: {  	s1 =	rddreg [dreg:$0x1]  }
0x3: {  	s2 =	simm.s32 $0x0;
	s3 =	srdreg.scid;
	s20 =	stileid.u32  }
0x4: {  	s28 =	simm.s32 $0x80;
	s30 =	simm.s32 $0x40;
	s31 =	simm.s32 $0x180  }
0x5: {  	[smem:$0x7FF] =	sst s2;
	s4 =	sadd.s32 $0xFC00, s0;
	s5 =	sadd.s32 $0x62E00, s0  }
0x6: {  	s6 =	sadd.s32 $0x67E00, s0;
	s3 =	sand.u32 $0x1, s3;
	s9 =	smul.u32 $0x51000, s20  }
0x7: {  	s7 =	sadd.s32 $0x5DE00, s0;
	s8 =	sadd.s32 $0x6CE00, s0;
	s17 =	smul.u32 $0x2800, s20  }
0x8: {  	s0 =	sadd.s32 $0x7CE00, s0;
	s13 =	sshll.u32 s20, $0x7;
	s24 =	smul.u32 $0x270, s20  }
0x9: {  	p0 =	sne.s32 s20, $0xF;
	_ =	strace $0x8000004A;
	s10 =	ssub.s32 $0x2, s3  }
0xa: {  	s12 =	sshll.u32 s3, $0xB;
	s22 =	smul.u32 $0x28A0, s3;
	s19 =	sshrl.u32 s17, $0x3  }
0xb: {  	s11 =	sshrl.u32 s10, $0x1;
	s9 =	sshrl.u32 s9, $0x2;
	s14 =	sadd.s32 s5, s19  }
0xc: {  	s18 =	sor.u32 s13, s12;
	s23 =	sadd.s32 s7, s19;
	[dreg:$0x4] =	wrdreg s14  }
0xd: {  	s16 =	sor.u32 $0x80, s17;
	s15 =	sadd.s32 s6, s19;
	[dreg:$0x5] =	wrdreg s23  }
0xe: {  	s21 =	sadd.s32 s9, s1;
	s12 =	sor.u32 $0x8, s19;
	[dreg:$0x6] =	wrdreg s15  }
0xf: {  	s10 =	ssub.s32 s10, s11;
	s25 =	sadd.s32 s5, s12;
	[dreg:$0x3] =	wrdreg s21  }
0x10: {  	s9 =	smul.u32 $0x2710, s3;
	s12 =	sadd.s32 s7, s12;
	[dreg:$0x7] =	wrdreg s25  }
0x11: {  	s26 =	sadd.s32 s24, s22;
	s14 =	smax.u32 s10, $0x1;
	[dreg:$0x8] =	wrdreg s12  }
0x12: {  	s11 =	sshll.u32 s26, $0x4;
	s26 =	sadd.s32 $0x14000, s21;
	[dreg:$0xc] =	wrdreg s14  }
0x13: {  	s19 =	smul.u32 $0x4E000, s20;
	s10 =	sadd.s32 $0x2000, s21;
	[dreg:$0x12] =	wrdreg s26  }
0x14: {  	s3 =	smul.u32 $0x145000, s3;
	s20 =	sadd.s32 $0xC000, s21;
	[dreg:$0x15] =	wrdreg s10  }
0x15: {  	s29 =	sshrl.u32 s19, $0x2;
	s14 =	sadd.s32 $0x8000, s21;
	[dreg:$0x1a] =	wrdreg s20  }
0x16: {  	s3 =	sshrl.u32 s3, $0x3;
	s11 =	sadd.s32 s0, s11;
	[dreg:$0x18] =	wrdreg s14  }
0x17: {  	s12 =	sadd.s32 s29, s1;
	s3 =	sadd.s32 s0, s3;
	[dreg:$0xa] =	wrdreg s11  }
0x18: {  	s29 =	sadd.s32 $0x144000, s1;
	s26 =	sadd.s32 $0x1000, s11;
	[dreg:$0x9] =	wrdreg s12  }
0x19: {  	s13 =	sadd.s32 $0x27000, s3;
	s19 =	sadd.s32 $0x4000, s12;
	[dreg:$0x13] =	wrdreg s29  }
0x1a: {  	s22 =	sadd.s32 $0x8000, s12;
	s24 =	sadd.s32 $0xC000, s12;
	[dreg:$0x1f] =	wrdreg s26  }
0x1b: {  	s25 =	sadd.s32 $0x10000, s12;
	s12 =	sadd.s32 $0x4000, s21;
	[dreg:$0xb] =	wrdreg s13  }
0x1c: {  	s15 =	sor.u32 $0x40, s17;
	s29 =	sadd.s32 $0x1800, s11;
	[dreg:$0x16] =	wrdreg s12  }
0x1d: {  	s17 =	sor.u32 $0xC0, s17;
	s0 =	sshrl.u32 s19, $0x3;
	[smem:$0x7FD] =	sst s29  }
0x1e: {  	s10 =	simm.s32 $0x200;
	s23 =	sshrl.u32 s22, $0x3;
	[dreg:$0xd] =	wrdreg s0  }
0x1f: {  	s20 =	simm.s32 $0x4;
	s13 =	sadd.s32 $0x6000, s21;
	[dreg:$0xe] =	wrdreg s23  }
0x20: {  	s14 =	simm.s32 $0x6;
	s19 =	sadd.s32 $0xA000, s21;
	[dreg:$0x17] =	wrdreg s13  }
0x21: {  	s3 =	sadd.s32 $0x138000, s1;
	s22 =	sadd.s32 $0xE000, s21;
	[dreg:$0x19] =	wrdreg s19  }
0x22: {  	s26 =	simm.s32 $0x3;
	s0 =	sshrl.u32 s24, $0x3;
	[dreg:$0x1b] =	wrdreg s22  }
0x23: {  	s12 =	simm.s32 $0x6300;
	s23 =	sadd.s32 $0x10000, s21;
	[dreg:$0xf] =	wrdreg s0  }
0x24: {  	s24 =	sadd.s32 $0x12000, s21;
	s13 =	simm.s32 $0x5;
	[dreg:$0x1c] =	wrdreg s23  }
0x25: {  	s22 =	simm.s32 $0x0;
	s0 =	sshrl.u32 s25, $0x3;
	[dreg:$0x1d] =	wrdreg s24  }
0x26: {  	s25 =	sadd.s32 $0x800, s11;
	s24 =	simm.s32 $0x300;
	[dreg:$0x10] =	wrdreg s0  }
0x27: {  	s0 =	sshrl.u32 @!p0 s3, $0x3;
	s3 =	sadd.s32 $0x2000, s11;
	[dreg:$0x1e] =	wrdreg s25  }
0x28: {  	s25 =	simm.s32 $0x9;
	s11 =	simm.s32 $0x4300;
	[dreg:$0x11] =	wrdreg s0  }
0x29: {  	v2 =	vimm.f32 $0.0e+00;
	v1 =	vmov s18;
	v0 =	vmov s9;
	[dreg:$0x14] =	wrdreg s3;
	s0 =	simm.s32 $0x280;
	s3 =	simm.s32 $0x2  }
.LBB2_1:
0x2a: {  	s9 =	simm.s32 $0x0;
	s18 =	simm.s32 $0x200  }
.LBB2_2:
0x2b: {  	p1 =	sne.s32 s18, $0x7E00;
	[tilespmem:s9+$0x370] =	vst v2  }
0x2c: {  	[tilespmem:s9+$0x300] =	vst v2  }
0x2d: {  	[tilespmem:s9+$0x310] =	vst v2  }
.Ltmp0:
0x2e: {  	[tilespmem:s9+$0x320] =	vst v2;
	(pc) =	sbr.rel @p1 .LBB2_2-.Ltmp0, $4  }
0x2f: {  	[tilespmem:s9+$0x330] =	vst v2  }
0x30: {  	[tilespmem:s9+$0x340] =	vst v2  }
0x31: {  	[tilespmem:s9+$0x350] =	vst v2  }
0x32: {  	[tilespmem:s9+$0x360] =	vst v2;
	s9 =	sshra.s32 s18, $0x2;
	s18 =	sadd.s32 $0x200, s18  }
0x33: {  	[tilespmem:s9+$0x370] =	vst v2  }
0x34: {  	[tilespmem:s9+$0x300] =	vst v2  }
0x35: {  	[tilespmem:s9+$0x310] =	vst v2  }
0x36: {  	[tilespmem:s9+$0x320] =	vst v2  }
0x37: {  	[tilespmem:s9+$0x330] =	vst v2  }
0x38: {  	[tilespmem:s9+$0x340] =	vst v2  }
0x39: {  	[tilespmem:s9+$0x350] =	vst v2  }
0x3a: {  	[tilespmem:s9+$0x360] =	vst v2;
	s29 =	rddreg [dreg:$0x3]  }
0x3b: {  	[spmem:s29] =	stream.linear.scatter [tilespmem:s24], [sflag:$0x9], $0x2000, $0x38;
	[tilespmem:$0x1C800] =	vst v63  }
0x3c: {  	_ =	swait.ge [sflag:s25], $0x2000  }
0x3d: {  	[sflag:s25] =	ssyncset.done $0x0  }
0x3e: {  	s18 =	rddreg [dreg:$0x15];
	[sflag:s25] =	ssyncadd.s32 $0xFFFFE000  }
0x3f: {  	[spmem:s18] =	stream.linear.scatter [tilespmem:s24], [sflag:$0x9], $0x2000, $0x38;
	[tilespmem:$0x1C800] =	vst v63  }
0x40: {  	_ =	swait.ge [sflag:s25], $0x2000  }
0x41: {  	[sflag:s25] =	ssyncset.done $0x0  }
0x42: {  	s19 =	rddreg [dreg:$0x16];
	[sflag:s25] =	ssyncadd.s32 $0xFFFFE000  }
0x43: {  	[spmem:s19] =	stream.linear.scatter [tilespmem:s24], [sflag:$0x9], $0x2000, $0x38;
	[tilespmem:$0x1C800] =	vst v63  }
0x44: {  	_ =	swait.ge [sflag:s25], $0x2000  }
0x45: {  	[sflag:s25] =	ssyncset.done $0x0  }
0x46: {  	s21 =	rddreg [dreg:$0x17];
	[sflag:s25] =	ssyncadd.s32 $0xFFFFE000  }
0x47: {  	[spmem:s21] =	stream.linear.scatter [tilespmem:s24], [sflag:$0x9], $0x2000, $0x38;
	[tilespmem:$0x1C800] =	vst v63  }
0x48: {  	_ =	swait.ge [sflag:s25], $0x2000  }
0x49: {  	[sflag:s25] =	ssyncset.done $0x0  }
0x4a: {  	s23 =	rddreg [dreg:$0x18];
	[sflag:s25] =	ssyncadd.s32 $0xFFFFE000  }
0x4b: {  	[spmem:s23] =	stream.linear.scatter [tilespmem:s24], [sflag:$0x9], $0x2000, $0x38;
	[tilespmem:$0x1C800] =	vst v63  }
0x4c: {  	_ =	swait.ge [sflag:s25], $0x2000  }
0x4d: {  	[sflag:s25] =	ssyncset.done $0x0  }
0x4e: {  	s29 =	rddreg [dreg:$0x19];
	[sflag:s25] =	ssyncadd.s32 $0xFFFFE000  }
0x4f: {  	[spmem:s29] =	stream.linear.scatter [tilespmem:s24], [sflag:$0x9], $0x2000, $0x38;
	[tilespmem:$0x1C800] =	vst v63  }
0x50: {  	_ =	swait.ge [sflag:s25], $0x2000  }
0x51: {  	[sflag:s25] =	ssyncset.done $0x0  }
0x52: {  	s18 =	rddreg [dreg:$0x1a];
	[sflag:s25] =	ssyncadd.s32 $0xFFFFE000  }
0x53: {  	[spmem:s18] =	stream.linear.scatter [tilespmem:s24], [sflag:$0x9], $0x2000, $0x38;
	[tilespmem:$0x1C800] =	vst v63  }
0x54: {  	_ =	swait.ge [sflag:s25], $0x2000  }
0x55: {  	[sflag:s25] =	ssyncset.done $0x0  }
0x56: {  	s19 =	rddreg [dreg:$0x1b];
	[sflag:s25] =	ssyncadd.s32 $0xFFFFE000  }
0x57: {  	[spmem:s19] =	stream.linear.scatter [tilespmem:s24], [sflag:$0x9], $0x2000, $0x38;
	[tilespmem:$0x1C800] =	vst v63  }
0x58: {  	_ =	swait.ge [sflag:s25], $0x2000  }
0x59: {  	[sflag:s25] =	ssyncset.done $0x0  }
0x5a: {  	s21 =	rddreg [dreg:$0x1c];
	[sflag:s25] =	ssyncadd.s32 $0xFFFFE000  }
0x5b: {  	[spmem:s21] =	stream.linear.scatter [tilespmem:s24], [sflag:$0x9], $0x2000, $0x38;
	[tilespmem:$0x1C800] =	vst v63  }
0x5c: {  	_ =	swait.ge [sflag:s25], $0x2000  }
0x5d: {  	[sflag:s25] =	ssyncset.done $0x0  }
0x5e: {  	s23 =	rddreg [dreg:$0x1d];
	[sflag:s25] =	ssyncadd.s32 $0xFFFFE000  }
0x5f: {  	[spmem:s23] =	stream.linear.scatter [tilespmem:s24], [sflag:$0x9], $0x2000, $0x38;
	[tilespmem:$0x1C800] =	vst v63  }
0x60: {  	_ =	swait.ge [sflag:s25], $0x2000  }
0x61: {  	[sflag:s25] =	ssyncset.done $0x0  }
0x62: {  	s29 =	rddreg [dreg:$0x12];
	[sflag:s25] =	ssyncadd.s32 $0xFFFFE000  }
0x63: {  	[spmem:s29] =	stream.linear.scatter [tilespmem:s24], [sflag:$0x9], $0x400, $0x38;
	[tilespmem:$0x1C800] =	vst v63  }
0x64: {  	_ =	swait.ge [sflag:s25], $0x400  }
0x65: {  	[sflag:s25] =	ssyncset.done $0x0  }
0x66: {  	s9 =	simm.s32 @!p0 $0x300;
	s18 =	rddreg [dreg:$0x13];
	[sflag:s25] =	ssyncadd.s32 $0xFFFFFC00  }
0x67: {  	[spmem:s18] =	stream.linear.scatter @!p0 [tilespmem:s9], [sflag:$0x9], $0x1000, $0x38;
	[tilespmem:$0x1C800] =	vst v63  }
0x68: {  	s9 =	simm.s32 @!p0 $0x9  }
0x69: {  	_ =	swait.ge @!p0 [sflag:s9], $0x1000  }
0x6a: {  	[sflag:s9] =	ssyncset.done @!p0 $0x0  }
0x6b: {  	[sflag:s9] =	ssyncadd.s32 @!p0 $0xFFFFF000  }
0x6c: {  	[bflag:$0x0] =	sbarrier.arrive $0xFFFF  }
0x6d: {  	s23 =	simm.s32 $0x0;
	s18 =	rddreg [dreg:$0x4]  }
0x6e: {  	[tilespmem:s23], [sflag:$0x1] =	stream.linear.gather [hbm4b:s18+s23], $0x40, $0x38;
	[tilespmem:$0x1C800] =	vst v63  }
0x6f: {  	s19 =	rddreg [dreg:$0x5];
	s18 =	simm.s32 $0x100  }
0x70: {  	[tilespmem:s18], [sflag:$0x1] =	stream.linear.gather [hbm4b:s19+s23], $0x40, $0x38;
	[tilespmem:$0x1C800] =	vst v63  }
0x71: {  	s29 =	simm.s32 $0x1;
	s21 =	rddreg [dreg:$0x6]  }
0x72: {  	[tilespmem:s28], [sflag:$0x3] =	stream.linear.gather [hbm4b:s21+s23], $0x40, $0x38;
	[tilespmem:$0x1C800] =	vst v63  }
0x73: {  	_ =	swait.ge [sflag:s29], $0x40  }
0x74: {  	[sflag:s29] =	ssyncset.done $0x0  }
0x75: {  	[sflag:s29] =	ssyncadd.s32 $0xFFFFFFC0  }
0x76: {  	_ =	swait.ge [sflag:s29], $0x40  }
0x77: {  	[sflag:s29] =	ssyncset.done $0x0  }
0x78: {  	[sflag:s29] =	ssyncadd.s32 $0xFFFFFFC0  }
0x79: {  	v3 =	vld [tilespmem:$0x0]  }
0x7a: {  	v4 =	vld [tilespmem:$0x100]  }
0x7b: {  	v5 =	vld [tilespmem:$0x10]  }
0x7c: {  	v6 =	vld [tilespmem:$0x110]  }
0x7d: {  	v7 =	vld [tilespmem:$0x20]  }
0x7e: {  	v8 =	vld [tilespmem:$0x120];
	v3 =	vadd.s32 v0, v3  }
0x7f: {  	v62 =	vld [tilespmem:$0x30];
	[tilespmem:$0x0] =	vst v3;
	v3 =	vadd.s32 v1, v4  }
0x80: {  	v63 =	vld [tilespmem:$0x130];
	[tilespmem:$0x100] =	vst v3;
	v3 =	vadd.s32 v0, v5  }
0x81: {  	[tilespmem:$0x10] =	vst v3;
	v3 =	vadd.s32 v1, v6  }
0x82: {  	[tilespmem:$0x110] =	vst v3;
	v3 =	vadd.s32 v0, v7  }
0x83: {  	[tilespmem:$0x20] =	vst v3;
	v3 =	vadd.s32 v1, v8  }
0x84: {  	[tilespmem:$0x120] =	vst v3;
	v3 =	vadd.s32 v0, v62  }
0x85: {  	[tilespmem:$0x30] =	vst v3;
	v3 =	vadd.s32 v1, v63  }
0x86: {  	[tilespmem:$0x130] =	vst v3  }
0x87: {  	[tilespmem:s24], [sflag:$0x5] =	stream.indirect.gather [hbm4b:s4+s30], $0x80, s23, s30, $0xb8;
	[tilespmem:$0x1C800] =	vst v63  }
0x88: {  	s19 =	simm.s32 $0x2300  }
0x89: {  	[tilespmem:s19], [sflag:$0x5] =	stream.indirect.gather [hbm4b:s8+s30], $0x80, s18, s30, $0xb8;
	[tilespmem:$0x1C800] =	vst v63  }
0x8a: {  	s21 =	rddreg [dreg:$0x7]  }
0x8b: {  	[tilespmem:s31], [sflag:$0x2] =	stream.linear.gather [hbm4b:s21+s23], $0x40, $0x38;
	[tilespmem:$0x1C800] =	vst v63  }
0x8c: {  	s29 =	rddreg [dreg:$0x8]  }
0x8d: {  	[tilespmem:s0], [sflag:$0x2] =	stream.linear.gather [hbm4b:s29+s23], $0x40, $0x38;
	[tilespmem:$0x1C800] =	vst v63  }
.LBB2_4:
0x8e: {  	_ =	swait.ge [sflag:s3], $0x40  }
0x8f: {  	[sflag:s3] =	ssyncset.done $0x0  }
0x90: {  	[sflag:s3] =	ssyncadd.s32 $0xFFFFFFC0  }
0x91: {  	_ =	swait.ge [sflag:s3], $0x40  }
0x92: {  	[sflag:s3] =	ssyncset.done $0x0  }
0x93: {  	[sflag:s3] =	ssyncadd.s32 $0xFFFFFFC0  }
0x94: {  	v3 =	vld [tilespmem:$0x180]  }
0x95: {  	v4 =	vld [tilespmem:$0x280]  }
0x96: {  	v5 =	vld [tilespmem:$0x190]  }
0x97: {  	v6 =	vld [tilespmem:$0x290]  }
0x98: {  	v7 =	vld [tilespmem:$0x1A0]  }
0x99: {  	v8 =	vld [tilespmem:$0x2A0];
	v3 =	vadd.s32 v0, v3  }
0x9a: {  	[tilespmem:$0x180] =	vst v3;
	v3 =	vadd.s32 v1, v4;
	v4 =	vld [tilespmem:$0x1B0]  }
0x9b: {  	[tilespmem:$0x280] =	vst v3;
	v3 =	vadd.s32 v0, v5;
	v5 =	vld [tilespmem:$0x2B0]  }
0x9c: {  	[tilespmem:$0x190] =	vst v3;
	v3 =	vadd.s32 v1, v6  }
0x9d: {  	[tilespmem:$0x290] =	vst v3;
	v3 =	vadd.s32 v0, v7  }
0x9e: {  	[tilespmem:$0x1A0] =	vst v3;
	v3 =	vadd.s32 v1, v8  }
0x9f: {  	[tilespmem:$0x2A0] =	vst v3;
	v3 =	vadd.s32 v0, v4  }
0xa0: {  	p1 =	seq.s32 s23, $0x0;
	[tilespmem:$0x1B0] =	vst v3;
	v3 =	vadd.s32 v1, v5  }
0xa1: {  	s18 =	sshll.u32 s23, $0x7;
	s9 =	simm.s32 @!p1 $0x8;
	[tilespmem:$0x2B0] =	vst v3  }
0xa2: {  	s19 =	sadd.s32 s18, s15;
	_ =	swait.ge @!p1 [sflag:s9], $0x2000  }
0xa3: {  	s19 =	sshrl.u32 s19, $0x3;
	[sflag:s9] =	ssyncset.done @!p1 $0x0  }
0xa4: {  	s29 =	sadd.s32 s6, s19;
	[sflag:s9] =	ssyncadd.s32 @!p1 $0xFFFFE000  }
0xa5: {  	[tilespmem:s10], [sflag:$0x4] =	stream.linear.gather [hbm4b:s29+s2], $0x40, $0x38;
	[tilespmem:$0x1C800] =	vst v63  }
0xa6: {  	_ = 	snop  }
0xa7: {  	[tilespmem:s11], [sflag:$0x6] =	stream.indirect.gather [hbm4b:s4+s30], $0x80, s31, s30, $0xb8;
	[tilespmem:$0x1C800] =	vst v63  }
0xa8: {  	_ = 	snop  }
0xa9: {  	[tilespmem:s12], [sflag:$0x6] =	stream.indirect.gather [hbm4b:s8+s30], $0x80, s0, s30, $0xb8;
	[tilespmem:$0x1C800] =	vst v63  }
0xaa: {  	_ =	swait.ge [sflag:s13], $0x2000  }
0xab: {  	[sflag:s13] =	ssyncset.done $0x0  }
0xac: {  	p1 =	seq.s32 s23, $0x4F;
	[sflag:s13] =	ssyncadd.s32 $0xFFFFE000  }
0xad: {  	s9 =	sadd.s32 @!p1 s18, s16;
	_ =	swait.ge [sflag:s13], $0x2000  }
0xae: {  	s19 =	sshrl.u32 @!p1 s9, $0x3;
	[sflag:s13] =	ssyncset.done $0x0  }
0xaf: {  	s21 =	simm.s32 @!p1 $0x0;
	s9 =	sadd.s32 @!p1 s5, s19;
	[sflag:s13] =	ssyncadd.s32 $0xFFFFE000  }
0xb0: {  	[tilespmem:s21], [sflag:$0x1] =	stream.linear.gather @!p1 [hbm4b:s9+s21], $0x40, $0x38;
	[tilespmem:$0x1C800] =	vst v63  }
0xb1: {  	s29 =	simm.s32 @!p1 $0x100;
	s9 =	sadd.s32 @!p1 s7, s19  }
0xb2: {  	[tilespmem:s29], [sflag:$0x1] =	stream.linear.gather @!p1 [hbm4b:s9+s21], $0x40, $0x38;
	[tilespmem:$0x1C800] =	vst v63  }
0xb3: {  	s9 =	simm.s32 $0x0  }
0xb4: {  	v10 =	vld [tilespmem:s9+$0x2300]  }
0xb5: {  	v14 =	vld [tilespmem:s9+$0x2310]  }
0xb6: {  	v8 =	vld [tilespmem:s9+$0x2320]  }
0xb7: {  	v7 =	vld [tilespmem:s9+$0x2330]  }
0xb8: {  	v6 =	vld [tilespmem:s9+$0x2340]  }
0xb9: {  	v5 =	vld [tilespmem:s9+$0x2350]  }
0xba: {  	v4 =	vld [tilespmem:s9+$0x2360]  }
0xbb: {  	v3 =	vld [tilespmem:s9+$0x2370]  }
0xbc: {  	v15 =	vld [tilespmem:s9+$0x300]  }
0xbd: {  	v16 =	vld [tilespmem:s9+$0x310]  }
0xbe: {  	v13 =	vld [tilespmem:s9+$0x320]  }
0xbf: {  	v12 =	vld [tilespmem:s9+$0x330]  }
0xc0: {  	v11 =	vld [tilespmem:s9+$0x340]  }
0xc1: {  	v9 =	vld [tilespmem:s9+$0x350];
	v15 =	vmul.f32 v10, v15  }
0xc2: {  	s21 =	simm.s32 $0x200;
	v14 =	vmul.f32 v14, v16;
	v10 =	vld [tilespmem:s9+$0x360]  }
.LBB2_5:
0xc3: {  	s29 =	sshra.s32 s21, $0x2;
	p2 =	sne.s32 s21, $0x7E00;
	[tilespmem:s9+$0x300] =	vst v15;
	v8 =	vmul.f32 v8, v13;
	v13 =	vld [tilespmem:s9+$0x370]  }
0xc4: {  	v15 =	vld [tilespmem:s29+$0x2300];
	[tilespmem:s9+$0x310] =	vst v14;
	v7 =	vmul.f32 v7, v12  }
0xc5: {  	v14 =	vld [tilespmem:s29+$0x2310];
	[tilespmem:s9+$0x320] =	vst v8;
	v6 =	vmul.f32 v6, v11  }
0xc6: {  	v8 =	vld [tilespmem:s29+$0x2320];
	[tilespmem:s9+$0x330] =	vst v7;
	v5 =	vmul.f32 v5, v9  }
0xc7: {  	v7 =	vld [tilespmem:s29+$0x2330];
	[tilespmem:s9+$0x340] =	vst v6;
	v4 =	vmul.f32 v4, v10  }
0xc8: {  	v6 =	vld [tilespmem:s29+$0x2340];
	[tilespmem:s9+$0x350] =	vst v5;
	v3 =	vmul.f32 v3, v13  }
0xc9: {  	v5 =	vld [tilespmem:s29+$0x2350];
	[tilespmem:s9+$0x360] =	vst v4  }
0xca: {  	v4 =	vld [tilespmem:s29+$0x2360];
	[tilespmem:s9+$0x370] =	vst v3;
	s9 =	smov.u32 s29  }
0xcb: {  	v3 =	vld [tilespmem:s9+$0x2370]  }
0xcc: {  	v9 =	vld [tilespmem:s9+$0x300]  }
0xcd: {  	v10 =	vld [tilespmem:s9+$0x310]  }
.Ltmp1:
0xce: {  	v13 =	vld [tilespmem:s9+$0x320];
	(pc) =	sbr.rel @p2 .LBB2_5-.Ltmp1, $4  }
0xcf: {  	v12 =	vld [tilespmem:s9+$0x330]  }
0xd0: {  	v11 =	vld [tilespmem:s9+$0x340]  }
0xd1: {  	v15 =	vmul.f32 v15, v9;
	v9 =	vld [tilespmem:s9+$0x350]  }
0xd2: {  	s21 =	sadd.s32 $0x200, s21;
	v14 =	vmul.f32 v14, v10;
	v10 =	vld [tilespmem:s9+$0x360]  }
0xd3: {  	[tilespmem:s9+$0x300] =	vst v15;
	v8 =	vmul.f32 v8, v13;
	v13 =	vld [tilespmem:s9+$0x370]  }
0xd4: {  	[tilespmem:s9+$0x310] =	vst v14;
	v7 =	vmul.f32 v7, v12  }
0xd5: {  	[tilespmem:s9+$0x320] =	vst v8;
	v6 =	vmul.f32 v6, v11  }
0xd6: {  	[tilespmem:s9+$0x330] =	vst v7;
	v5 =	vmul.f32 v5, v9  }
0xd7: {  	[tilespmem:s9+$0x340] =	vst v6;
	v4 =	vmul.f32 v4, v10  }
0xd8: {  	[tilespmem:s9+$0x350] =	vst v5;
	v3 =	vmul.f32 v3, v13  }
0xd9: {  	[tilespmem:s9+$0x360] =	vst v4  }
0xda: {  	[tilespmem:s9+$0x370] =	vst v3  }
0xdb: {  	_ =	swait.ge [sflag:s26], $0x40  }
0xdc: {  	[sflag:s26] =	ssyncset.done $0x0  }
0xdd: {  	s9 =	simm.s32 @p1 $0x7;
	[sflag:s26] =	ssyncadd.s32 $0xFFFFFFC0  }
0xde: {  	[spmem:s1] =	stream.indirect.scatter.add.f32 [tilespmem:s24], [sflag:$0x7], $0x80, s28, s30, $0xb8;
	[tilespmem:$0x1C800] =	vst v63  }
0xdf: {  	_ =	swait.ge @p1 [sflag:s9], $0x2000  }
0xe0: {  	[sflag:s9] =	ssyncset.done @p1 $0x0  }
0xe1: {  	[sflag:s9] =	ssyncadd.s32 @p1 $0xFFFFE000;
	s9 =	simm.s32 @!p1 $0x1  }
0xe2: {  	_ =	swait.ge @!p1 [sflag:s9], $0x40  }
0xe3: {  	[sflag:s9] =	ssyncset.done @!p1 $0x0  }
0xe4: {  	[sflag:s9] =	ssyncadd.s32 @!p1 $0xFFFFFFC0  }
0xe5: {  	_ =	swait.ge @!p1 [sflag:s9], $0x40  }
0xe6: {  	[sflag:s9] =	ssyncset.done @!p1 $0x0  }
0xe7: {  	[sflag:s9] =	ssyncadd.s32 @!p1 $0xFFFFFFC0  }
0xe8: {  	v3 =	vld @!p1 [tilespmem:$0x0]  }
0xe9: {  	v4 =	vld @!p1 [tilespmem:$0x100]  }
0xea: {  	v5 =	vld @!p1 [tilespmem:$0x10]  }
0xeb: {  	v6 =	vld @!p1 [tilespmem:$0x110]  }
0xec: {  	v7 =	vld @!p1 [tilespmem:$0x20]  }
0xed: {  	v8 =	vld @!p1 [tilespmem:$0x120];
	v3 =	vadd.s32 @!p1 v0, v3  }
0xee: {  	[tilespmem:$0x0] =	vst @!p1 v3;
	v3 =	vadd.s32 @!p1 v1, v4;
	v4 =	vld @!p1 [tilespmem:$0x30]  }
0xef: {  	[tilespmem:$0x100] =	vst @!p1 v3;
	v3 =	vadd.s32 @!p1 v0, v5;
	v5 =	vld @!p1 [tilespmem:$0x130]  }
0xf0: {  	[tilespmem:$0x10] =	vst @!p1 v3;
	v3 =	vadd.s32 @!p1 v1, v6  }
0xf1: {  	[tilespmem:$0x110] =	vst @!p1 v3;
	v3 =	vadd.s32 @!p1 v0, v7  }
0xf2: {  	[tilespmem:$0x20] =	vst @!p1 v3;
	v3 =	vadd.s32 @!p1 v1, v8  }
0xf3: {  	[tilespmem:$0x120] =	vst @!p1 v3;
	v3 =	vadd.s32 @!p1 v0, v4  }
0xf4: {  	[tilespmem:$0x30] =	vst @!p1 v3;
	v3 =	vadd.s32 @!p1 v1, v5  }
0xf5: {  	s9 =	simm.s32 @!p1 $0x7;
	[tilespmem:$0x130] =	vst @!p1 v3  }
0xf6: {  	_ =	swait.ge @!p1 [sflag:s9], $0x2000  }
0xf7: {  	s21 =	simm.s32 @!p1 $0x80;
	[sflag:s9] =	ssyncset.done @!p1 $0x0  }
0xf8: {  	[sflag:s9] =	ssyncadd.s32 @!p1 $0xFFFFE000;
	s9 =	sadd.s32 @!p1 s6, s19;
	s19 =	simm.s32 @!p1 $0x0  }
0xf9: {  	[tilespmem:s21], [sflag:$0x3] =	stream.linear.gather @!p1 [hbm4b:s9+s19], $0x40, $0x38;
	[tilespmem:$0x1C800] =	vst v63  }
0xfa: {  	s9 =	simm.s32 @!p1 $0x40;
	s21 =	simm.s32 @!p1 $0x300  }
0xfb: {  	[tilespmem:s21], [sflag:$0x5] =	stream.indirect.gather @!p1 [hbm4b:s4+s9], $0x80, s19, s9, $0xb8;
	[tilespmem:$0x1C800] =	vst v63  }
0xfc: {  	s29 =	simm.s32 @!p1 $0x2300;
	s21 =	simm.s32 @!p1 $0x100  }
0xfd: {  	[tilespmem:s29], [sflag:$0x5] =	stream.indirect.gather @!p1 [hbm4b:s8+s9], $0x80, s21, s9, $0xb8;
	[tilespmem:$0x1C800] =	vst v63  }
0xfe: {  	_ =	swait.ge [sflag:s14], $0x2000  }
0xff: {  	[sflag:s14] =	ssyncset.done $0x0  }
0x100: {  	[sflag:s14] =	ssyncadd.s32 $0xFFFFE000  }
0x101: {  	s9 =	sadd.s32 @!p1 s18, s17;
	_ =	swait.ge [sflag:s14], $0x2000  }
0x102: {  	s9 =	sshrl.u32 @!p1 s9, $0x3;
	[sflag:s14] =	ssyncset.done $0x0  }
0x103: {  	s21 =	simm.s32 @!p1 $0x180;
	s18 =	sadd.s32 @!p1 s5, s9;
	[sflag:s14] =	ssyncadd.s32 $0xFFFFE000  }
0x104: {  	[tilespmem:s21], [sflag:$0x2] =	stream.linear.gather @!p1 [hbm4b:s18+s19], $0x40, $0x38;
	[tilespmem:$0x1C800] =	vst v63  }
0x105: {  	s9 =	sadd.s32 @!p1 s7, s9;
	s18 =	simm.s32 @!p1 $0x280  }
0x106: {  	[tilespmem:s18], [sflag:$0x2] =	stream.linear.gather @!p1 [hbm4b:s9+s19], $0x40, $0x38;
	[tilespmem:$0x1C800] =	vst v63  }
0x107: {  	s9 =	simm.s32 $0x0  }
0x108: {  	v10 =	vld [tilespmem:s9+$0x6300]  }
0x109: {  	v14 =	vld [tilespmem:s9+$0x6310]  }
0x10a: {  	v8 =	vld [tilespmem:s9+$0x6320]  }
0x10b: {  	v7 =	vld [tilespmem:s9+$0x6330]  }
0x10c: {  	v6 =	vld [tilespmem:s9+$0x6340]  }
0x10d: {  	v5 =	vld [tilespmem:s9+$0x6350]  }
0x10e: {  	v4 =	vld [tilespmem:s9+$0x6360]  }
0x10f: {  	v3 =	vld [tilespmem:s9+$0x6370]  }
0x110: {  	v15 =	vld [tilespmem:s9+$0x4300]  }
0x111: {  	v16 =	vld [tilespmem:s9+$0x4310]  }
0x112: {  	v13 =	vld [tilespmem:s9+$0x4320]  }
0x113: {  	v12 =	vld [tilespmem:s9+$0x4330]  }
0x114: {  	v11 =	vld [tilespmem:s9+$0x4340]  }
0x115: {  	v9 =	vld [tilespmem:s9+$0x4350];
	v15 =	vmul.f32 v10, v15  }
0x116: {  	s18 =	simm.s32 $0x200;
	v14 =	vmul.f32 v14, v16;
	v10 =	vld [tilespmem:s9+$0x4360]  }
.LBB2_7:
0x117: {  	s19 =	sshra.s32 s18, $0x2;
	p1 =	sne.s32 s18, $0x7E00;
	[tilespmem:s9+$0x4300] =	vst v15;
	v8 =	vmul.f32 v8, v13;
	v13 =	vld [tilespmem:s9+$0x4370]  }
0x118: {  	v15 =	vld [tilespmem:s19+$0x6300];
	[tilespmem:s9+$0x4310] =	vst v14;
	v7 =	vmul.f32 v7, v12  }
0x119: {  	v14 =	vld [tilespmem:s19+$0x6310];
	[tilespmem:s9+$0x4320] =	vst v8;
	v6 =	vmul.f32 v6, v11  }
0x11a: {  	v8 =	vld [tilespmem:s19+$0x6320];
	[tilespmem:s9+$0x4330] =	vst v7;
	v5 =	vmul.f32 v5, v9  }
0x11b: {  	v7 =	vld [tilespmem:s19+$0x6330];
	[tilespmem:s9+$0x4340] =	vst v6;
	v4 =	vmul.f32 v4, v10  }
0x11c: {  	v6 =	vld [tilespmem:s19+$0x6340];
	[tilespmem:s9+$0x4350] =	vst v5;
	v3 =	vmul.f32 v3, v13  }
0x11d: {  	v5 =	vld [tilespmem:s19+$0x6350];
	[tilespmem:s9+$0x4360] =	vst v4  }
0x11e: {  	v4 =	vld [tilespmem:s19+$0x6360];
	[tilespmem:s9+$0x4370] =	vst v3;
	s9 =	smov.u32 s19  }
0x11f: {  	v3 =	vld [tilespmem:s9+$0x6370]  }
0x120: {  	v9 =	vld [tilespmem:s9+$0x4300]  }
0x121: {  	v10 =	vld [tilespmem:s9+$0x4310]  }
.Ltmp2:
0x122: {  	v13 =	vld [tilespmem:s9+$0x4320];
	(pc) =	sbr.rel @p1 .LBB2_7-.Ltmp2, $4  }
0x123: {  	v12 =	vld [tilespmem:s9+$0x4330]  }
0x124: {  	v11 =	vld [tilespmem:s9+$0x4340]  }
0x125: {  	v15 =	vmul.f32 v15, v9;
	v9 =	vld [tilespmem:s9+$0x4350]  }
0x126: {  	s18 =	sadd.s32 $0x200, s18;
	v14 =	vmul.f32 v14, v10;
	v10 =	vld [tilespmem:s9+$0x4360]  }
0x127: {  	[tilespmem:s9+$0x4300] =	vst v15;
	v8 =	vmul.f32 v8, v13;
	v63 =	vld [tilespmem:s9+$0x4370]  }
0x128: {  	[tilespmem:s9+$0x4310] =	vst v14;
	v7 =	vmul.f32 v7, v12  }
0x129: {  	[tilespmem:s9+$0x4320] =	vst v8;
	v6 =	vmul.f32 v6, v11  }
0x12a: {  	[tilespmem:s9+$0x4330] =	vst v7;
	v5 =	vmul.f32 v5, v9  }
0x12b: {  	[tilespmem:s9+$0x4340] =	vst v6;
	v4 =	vmul.f32 v4, v10  }
0x12c: {  	s23 =	sadd.s32 $0x1, s23;
	[tilespmem:s9+$0x4350] =	vst v5;
	v3 =	vmul.f32 v3, v63  }
0x12d: {  	p1 =	sne.s32 s23, $0x50;
	[tilespmem:s9+$0x4360] =	vst v4  }
.Ltmp3:
0x12e: {  	[tilespmem:s9+$0x4370] =	vst v3;
	(pc) =	sbr.rel @p1 .LBB2_4-.Ltmp3, $4  }
0x12f: {  	_ =	swait.ge [sflag:s20], $0x40  }
0x130: {  	[sflag:s20] =	ssyncset.done $0x0  }
0x131: {  	[sflag:s20] =	ssyncadd.s32 $0xFFFFFFC0  }
0x132: {  	[spmem:s1] =	stream.indirect.scatter.add.f32 [tilespmem:s11], [sflag:$0x8], $0x80, s10, s30, $0xb8;
	[tilespmem:$0x1C800] =	vst v63  }
0x133: {  	s9 =	simm.s32 $0x8  }
0x134: {  	_ =	swait.ge [sflag:s9], $0x2000  }
0x135: {  	[sflag:s9] =	ssyncset.done $0x0  }
0x136: {  	[sflag:s9] =	ssyncadd.s32 $0xFFFFE000  }
0x137: {  	s21 =	stileid.u32;
	[bflag:$0x0] =	sbarrier.arrive $0xFFFF  }
0x138: {  	s9 =	sshll.u32 s21, $0x6;
	s18 =	rddreg [dreg:$0x9]  }
0x139: {  	s9 =	sor.u32 $0x1C09, s9;
	s19 =	rddreg [dreg:$0xa];
	s18 =	sshrl.u32 s18, $0x3  }
0x13a: {  	[hbm:s19], [sflag:s9] =	dma.local [spmem:s18], $0x800  }
0x13b: {  	_ =	swait.ge [sflag:s25], $0x800  }
0x13c: {  	[sflag:s25] =	ssyncset.done $0x0;
	s23 =	rddreg [dreg:$0xd]  }
0x13d: {  	s29 =	rddreg [dreg:$0x1e];
	[sflag:s25] =	ssyncadd.s32 $0xFFFFF800  }
0x13e: {  	[hbm:s29], [sflag:s9] =	dma.local [spmem:s23], $0x800  }
0x13f: {  	_ =	swait.ge [sflag:s25], $0x800  }
0x140: {  	[sflag:s25] =	ssyncset.done $0x0;
	s19 =	rddreg [dreg:$0xe]  }
0x141: {  	s21 =	rddreg [dreg:$0x1f];
	[sflag:s25] =	ssyncadd.s32 $0xFFFFF800  }
0x142: {  	[hbm:s21], [sflag:s9] =	dma.local [spmem:s19], $0x800  }
0x143: {  	_ =	swait.ge [sflag:s25], $0x800  }
0x144: {  	s29 =	sld [smem:$0x7FD]  }
0x145: {  	[sflag:s25] =	ssyncset.done $0x0  }
0x146: {  	s23 =	rddreg [dreg:$0xf];
	[sflag:s25] =	ssyncadd.s32 $0xFFFFF800  }
0x147: {  	[hbm:s29], [sflag:s9] =	dma.local [spmem:s23], $0x800  }
0x148: {  	_ =	swait.ge [sflag:s25], $0x800  }
0x149: {  	[sflag:s25] =	ssyncset.done $0x0;
	s21 =	rddreg [dreg:$0x10]  }
0x14a: {  	s23 =	rddreg [dreg:$0x14];
	[sflag:s25] =	ssyncadd.s32 $0xFFFFF800  }
0x14b: {  	[hbm:s23], [sflag:s9] =	dma.local [spmem:s21], $0x700  }
0x14c: {  	_ =	swait.ge [sflag:s25], $0x700  }
0x14d: {  	[sflag:s25] =	ssyncset.done $0x0;
	s18 =	rddreg [dreg:$0xb]  }
0x14e: {  	s19 =	rddreg [dreg:$0x11];
	[sflag:s25] =	ssyncadd.s32 $0xFFFFF900  }
0x14f: {  	[hbm:s18], [sflag:s9] =	dma.local @!p0 [spmem:s19], $0x100  }
0x150: {  	s9 =	simm.s32 @!p0 $0x9  }
0x151: {  	_ =	swait.ge @!p0 [sflag:s9], $0x100  }
0x152: {  	s22 =	sadd.s32 $0x1, s22;
	s29 =	rddreg [dreg:$0xc]  }
0x153: {  	p1 =	sne.s32 s22, s29  }
.Ltmp4:
0x154: {  	_ = 	snop;
	(pc) =	sbr.rel @p1 .LBB2_1-.Ltmp4, $3  }
0x155: {  	_ =	sdelay $0x1  }
0x156: {  	[sflag:s9] =	ssyncset.done @!p0 $0x0  }
0x157: {  	[sflag:s9] =	ssyncadd.s32 @!p0 $0xFFFFFF00  }
0x158: {  	_ =	sfence.sel $0x180000  }
0x159: {  	[bflag:$0x0] =	sbarrier.arrive $0xFFFF  }
0x15a: {  	_ =	strace $0x9000004A  }
0x15b: {  	s0 =	stileid.u32;
	[bflag:$0x2] =	sbarrier.arrive $0xFFFF  }
0x15c: {  	p0 =	sne.s32 s0, $0x0;
	s0 =	rddreg [dreg:$0x2]  }
0x15d: {  	s0 =	sadd.s32 @!p0 $0x100000, s0  }
0x15e: {  	[sflag:s0] =	ssyncadd.tile.s32 @!p0 $0x1;
	_ =	shalt  }
.Lfunc_end2:
_tile_overlayer_lowered:
.L_overlay_start_2:
0x15f: {  	(tag) =	ssettag $0x2  }
0x160: {  	s0 =	rddreg [dreg:$0x0];
	s2 =	stileid.u32  }
0x161: {  	s1 =	rddreg [dreg:$0x1];
	p0 =	sne.s32 s2, $0x0  }
0x162: {  	s3 =	rddreg [dreg:$0x2];
	[bflag:$0x3] =	sbarrier.arrive $0xFFFF;
	s2 =	simm.s32 @!p0 $0x1C09  }
0x163: {  	[timem:s3], [sflag:s2] =	dma.local @!p0 [hbm:s0], s1  }
0x164: {  	s0 =	simm.s32 @!p0 $0x9  }
0x165: {  	_ =	swait.ge @!p0 [sflag:s0], s1  }
0x166: {  	s1 =	ssub.s32 @!p0 $0x0, s1;
	[sflag:s0] =	ssyncset.done @!p0 $0x0  }
0x167: {  	[sflag:s0] =	ssyncadd.s32 @!p0 s1  }
0x168: {  	[bflag:$0x3] =	sbarrier.arrive $0xFFFF  }
0x169: {  	_ =	shalt  }

// kernel: kernel.15.cloned.1.call-start
scs
__scs_entry_jumppad:
0x0: {  	(pc) =	sbr.rel $0x88, $3  }
0x1: {  	(tag) =	ssettag $0x0;
	lr =	simm.s32 $0x1  }
0x2: {  	[smem:$0x3F98] =	sst lr;
	_ =	strace $0xD0000000  }
0x3: {  	_ = 	snop  }
0x4: {  	_ = 	snop  }
0x5: {  	_ = 	snop  }
0x6: {  	_ = 	snop  }
0x7: {  	_ = 	snop  }
__scs_overlays_trampoline_lowered:
0x8: {  	[smem:$0x3FA7] =	sst s0  }
0x9: {  	[smem:$0x3FA8] =	sst s1  }
0xa: {  	[smem:$0x3FA9] =	sst s2  }
0xb: {  	[smem:$0x3FAA] =	sst s3  }
0xc: {  	[smem:$0x3FAB] =	sst s4  }
0xd: {  	[smem:$0x3FAC] =	sst s5  }
0xe: {  	[smem:$0x3FAD] =	sst s6  }
0xf: {  	[smem:$0x3FAE] =	sst s7  }
0x10: {  	[smem:$0x3FAF] =	sst s8  }
0x11: {  	[smem:$0x3FB0] =	sst s9;
	s0 =	simm.s32 @!p0 $0x0  }
0x12: {  	s1 =	sld [smem:$0x3F96];
	s0 =	simm.s32 @p0 $0x1  }
0x13: {  	[smem:$0x3FB1] =	sst s0;
	s0 =	simm.s32 @!p1 $0x0  }
0x14: {  	s2 =	sld [smem:$0x3F95];
	s0 =	simm.s32 @p1 $0x1  }
0x15: {  	[smem:$0x3FB2] =	sst s0;
	s0 =	simm.s32 @!p2 $0x0  }
0x16: {  	s3 =	sld [smem:$0x3FDB];
	s0 =	simm.s32 @p2 $0x1  }
0x17: {  	s4 =	simm.s32 $0x1BF5;
	[smem:$0x3FB4] =	sst s0  }
0x18: {  	s0 =	sld [smem:$0x3F97];
	_ =	swait.ge [sflag:s4], $0x0  }
0x19: {  	s7 =	sld [smem:$0x3F98]  }
0x1a: {  	s8 =	sadd.s32 $0xFFFFE003, lr  }
0x1b: {  	s9 =	sadd.s32 $0xFFFFFEF7, lr;
	s5 =	simm.s32 $0xFFFFFFFF;
	p2 =	slt.u32 s8, $0xFFFFF086  }
0x1c: {  	p1 =	slt.u32 s9, $0xF7A;
	s5 =	simm.s32 @!p2 $0x0  }
0x1d: {  	s5 =	simm.s32 @p1 $0x1;
	p0 =	seq.s32 s7, s2  }
0x1e: {  	s7 =	smul.u32 @!p0 $0xF7A, s2;
	p2 =	seq.s32 @!p0 s5, $0x0  }
0x1f: {  	s9 =	smul.u32 $0xF7A, s1;
	s8 =	simm.s32 @!p0 $0x1BF5;
	p2 =	por !p2, p0  }
0x20: {  	[sflag:s8] =	ssyncset.s32 @!p0 $0xFFFFF086;
	s6 =	sadd.s32 @!p0 s3, s7;
	s7 =	simm.s32 @!p0 $0x108  }
0x21: {  	s3 =	sadd.s32 s3, s9;
	s6 =	sadd.s32 @!p0 $0x88, s6;
	s7 =	simm.s32 @p2 $0x1082  }
0x22: {  	[simem:s7], [sflag:s8] =	dma.local @!p0 [hbm:s6], $0xF7A  }
0x23: {  	s9 =	sor.u32 $0xD0000000, s2;
	s6 =	simm.s32 $0x108;
	_ =	swait.ge @!p0 [sflag:s8], $0x0  }
0x24: {  	s3 =	sadd.s32 $0x88, s3;
	s6 =	simm.s32 @!p1 $0x1082;
	[sflag:s4] =	ssyncset.s32 $0xFFFFF086  }
0x25: {  	[simem:s6], [sflag:s4] =	dma.local [hbm:s3], $0xF7A  }
0x26: {  	[smem:$0x3F98] =	sst s1;
	(tag) =	ssettag s2;
	_ =	strace s9  }
0x27: {  	s1 =	sld [smem:$0x3FA8]  }
0x28: {  	s2 =	sld [smem:$0x3FA9]  }
0x29: {  	s4 =	sld [smem:$0x3FAB]  }
0x2a: {  	p0 =	seq.s32 s5, $0x0;
	s5 =	sld [smem:$0x3FAC]  }
0x2b: {  	s6 =	sld [smem:$0x3FAD]  }
0x2c: {  	s7 =	sld [smem:$0x3FAE]  }
0x2d: {  	s3 =	simm.s32 $0x108;
	s8 =	sld [smem:$0x3FAF]  }
0x2e: {  	s3 =	simm.s32 @!p0 $0x1082;
	s9 =	sld [smem:$0x3FB0]  }
0x2f: {  	lr =	sadd.s32 s0, s3;
	s0 =	sld [smem:$0x3FA7]  }
0x30: {  	s3 =	sld [smem:$0x3FAA]  }
0x31: {  	[smem:$0x3FB3] =	sst s10  }
0x32: {  	s10 =	sld [smem:$0x3FB1];
	_ =	sdelay $0x3  }
0x33: {  	p0 =	seq.s32 s10, $0x1;
	s10 =	sld [smem:$0x3FB3];
	_ =	sdelay $0x3  }
0x34: {  	[smem:$0x3FB3] =	sst s10  }
0x35: {  	s10 =	sld [smem:$0x3FB2];
	_ =	sdelay $0x3  }
0x36: {  	p1 =	seq.s32 s10, $0x1;
	s10 =	sld [smem:$0x3FB3];
	_ =	sdelay $0x3  }
0x37: {  	[smem:$0x3FB3] =	sst s10  }
0x38: {  	s10 =	sld [smem:$0x3FB4]  }
0x39: {  	_ = 	snop;
	(pc) =	sbr.ind lr, $3  }
0x3a: {  	_ = 	snop  }
0x3b: {  	_ = 	snop  }
0x3c: {  	p2 =	seq.s32 s10, $0x1;
	s10 =	sld [smem:$0x3FB3]  }
0x3d: {  	_ =	shalt  }
0x3e: {  	_ =	shalt  }
0x3f: {  	_ =	shalt  }
0x40: {  	_ =	shalt  }
0x41: {  	_ =	shalt  }
0x42: {  	_ =	shalt  }
0x43: {  	_ =	shalt  }
0x44: {  	_ =	shalt  }
0x45: {  	_ =	shalt  }
0x46: {  	_ =	shalt  }
0x47: {  	_ =	shalt  }
0x48: {  	_ =	shalt  }
0x49: {  	_ =	shalt  }
0x4a: {  	_ =	shalt  }
0x4b: {  	_ =	shalt  }
0x4c: {  	_ =	shalt  }
0x4d: {  	_ =	shalt  }
0x4e: {  	_ =	shalt  }
0x4f: {  	_ =	shalt  }
0x50: {  	_ =	shalt  }
0x51: {  	_ =	shalt  }
0x52: {  	_ =	shalt  }
0x53: {  	_ =	shalt  }
0x54: {  	_ =	shalt  }
0x55: {  	_ =	shalt  }
0x56: {  	_ =	shalt  }
0x57: {  	_ =	shalt  }
0x58: {  	_ =	shalt  }
0x59: {  	_ =	shalt  }
0x5a: {  	_ =	shalt  }
0x5b: {  	_ =	shalt  }
0x5c: {  	_ =	shalt  }
0x5d: {  	_ =	shalt  }
0x5e: {  	_ =	shalt  }
0x5f: {  	_ =	shalt  }
0x60: {  	_ =	shalt  }
0x61: {  	_ =	shalt  }
0x62: {  	_ =	shalt  }
0x63: {  	_ =	shalt  }
0x64: {  	_ =	shalt  }
0x65: {  	_ =	shalt  }
0x66: {  	_ =	shalt  }
0x67: {  	_ =	shalt  }
0x68: {  	_ =	shalt  }
0x69: {  	_ =	shalt  }
0x6a: {  	_ =	shalt  }
0x6b: {  	_ =	shalt  }
0x6c: {  	_ =	shalt  }
0x6d: {  	_ =	shalt  }
0x6e: {  	_ =	shalt  }
0x6f: {  	_ =	shalt  }
0x70: {  	_ =	shalt  }
0x71: {  	_ =	shalt  }
0x72: {  	_ =	shalt  }
0x73: {  	_ =	shalt  }
0x74: {  	_ =	shalt  }
0x75: {  	_ =	shalt  }
0x76: {  	_ =	shalt  }
0x77: {  	_ =	shalt  }
0x78: {  	_ =	shalt  }
0x79: {  	_ =	shalt  }
0x7a: {  	_ =	shalt  }
0x7b: {  	_ =	shalt  }
0x7c: {  	_ =	shalt  }
0x7d: {  	_ =	shalt  }
0x7e: {  	_ =	shalt  }
0x7f: {  	_ =	shalt  }
0x80: {  	_ =	shalt  }
0x81: {  	_ =	shalt  }
0x82: {  	_ =	shalt  }
0x83: {  	_ =	shalt  }
0x84: {  	_ =	shalt  }
0x85: {  	_ =	shalt  }
0x86: {  	_ =	shalt  }
0x87: {  	_ =	shalt  }
.Lfunc_end0:
.L_simem_size_0:
called_computation.2_lowered:
.L_overlay_start_0:
0x88: {  	s2 =	sld [smem:$0x3FD9]  }
0x89: {  	s3 =	sld [smem:$0x3FFE];
	_ =	sdelay $0x1  }
0x8a: {  	s1 =	srdreg.scid  }
0x8b: {  	s0 =	sand.u32 $0x1, s1  }
0x8c: {  	s16 =	sshll.u32 s0, $0xA;
	s2 =	sadd.s32 s3, s2  }
0x8d: {  	s2 =	sadd.s32 s2, s16  }
0x8e: {  	[smem:$0x3FBF] =	sst s2  }
0x8f: {  	_ = 	snop  }
0x90: {  	(tm) =	ssettm $0x1  }
0x91: {  	s17 =	sld [smem:$0x3FFB];
	_ =	sdelay $0x3  }
0x92: {  	_ =	strace s17  }
0x93: {  	s2 =	sld [smem:$0x3FFC];
	_ =	sdelay $0x3  }
0x94: {  	_ =	strace s2  }
0x95: {  	s2 =	sld [smem:$0x3FFD];
	_ =	sdelay $0x3  }
0x96: {  	_ =	strace s2  }
0x97: {  	_ =	strace $0x8FFFFFFF  }
0x98: {  	s18 =	sld [smem:$0x3FDB];
	_ =	sdelay $0x1  }
0x99: {  	s19 =	simm.s32 $_scs_section_size  }
0x9a: {  	s4 =	simm.s32 $_size__tile_overlayer_lowered;
	s5 =	simm.s32 $_tile_overlayer_lowered  }
0x9b: {  	s22 =	simm.s32 $0x1BFF;
	s21 =	sshll.u32 s5, $0x1;
	s2 =	sadd.s32 s19, s18  }
0x9c: {  	s6 =	simm.s32 $0x0;
	s20 =	sshll.u32 s4, $0x1;
	s4 =	sadd.s32 s21, s2  }
0x9d: {  	[timem:s6], [sflag:s22] =	dma.local [hbm:s4], s20  }
0x9e: {  	_ =	swait.ge [sflag:s22], s20  }
0x9f: {  	s3 =	ssub.s32 $0x0, s20;
	[sflag:s22] =	ssyncset.done $0x0  }
0xa0: {  	[sflag:s22] =	ssyncadd.s32 s3;
	_ =	sdelay $0x1  }
0xa1: {  	s23 =	simm.s32 $0x1B8B  }
0xa2: {  	_ =	swait.ge [sflag:s23], $0x1  }
0xa3: {  	[sflag:s23] =	ssyncset.done $0x0  }
0xa4: {  	s25 =	simm.s32 $0x1B8E;
	s24 =	sld [smem:$0x3FFE];
	[sflag:s23] =	ssyncadd.s32 $0xFFFFFFFF  }
0xa5: {  	s26 =	simm.s32 $execute0_lowered;
	[smem:$0x3FD2] =	sst s25  }
0xa6: {  	s4 =	sshll.u32 s26, $0x1;
	_ =	strace $0x8000004C;
	[dreg:$0x1] =	wrdreg $0xFFFFFFFF  }
0xa7: {  	s28 =	simm.s32 $_size_execute0_lowered;
	s2 =	sadd.s32 s2, s4;
	[dreg:$0x0] =	wrdreg $0x0  }
0xa8: {  	s4 =	sshll.u32 s28, $0x1;
	[dreg:$0x2] =	wrdreg s2  }
0xa9: {  	[dreg:$0x3] =	wrdreg s4  }
0xaa: {  	[dreg:$0x4] =	wrdreg $0xC0  }
0xab: {  	_ =	task [dreg:s6], $0x5FFFF  }
0xac: {  	[dreg:$0x1] =	wrdreg $0xFFFFFFFF  }
0xad: {  	[dreg:$0x0] =	wrdreg $0x60  }
0xae: {  	[dreg:$0x2] =	wrdreg s24  }
0xaf: {  	[dreg:$0x3] =	wrdreg $0x83000  }
0xb0: {  	[dreg:$0x4] =	wrdreg $0x9  }
0xb1: {  	_ =	task.clear_ibuf [dreg:s6], $0x5FFFF;
	_ =	strace $0x9000004C  }
0xb2: {  	s29 =	simm.s32 $0x9;
	_ =	strace $0x8000004E  }
0xb3: {  	_ =	swait.ge [sflag:s29], $0x1  }
0xb4: {  	[sflag:s29] =	ssyncadd.s32 $0xFFFFFFFF  }
0xb5: {  	_ =	strace $0x9000004E  }
0xb6: {  	_ =	sfence  }
0xb7: {  	s30 =	sld [smem:$0x0];
	_ =	sdelay $0x2  }
0xb8: {  	s31 =	sshll.u32 s1, $0xD;
	s1 =	sshrl.u32 s1, $0x2  }
0xb9: {  	s3 =	sand.u32 $0x4000, s31;
	s1 =	sadd.s32 s1, s30  }
0xba: {  	s0 =	sor.u32 s3, s0;
	s1 =	sshll.u32 s1, $0x11  }
0xbb: {  	s0 =	sor.u32 s1, s0  }
0xbc: {  	s0 =	sadd.s32 $0x8F2B, s0  }
0xbd: {  	[sflag:s0] =	ssyncadd.remote.s32 $0x1  }
0xbe: {  	_ =	sfence.sel $0xFFFF  }
0xbf: {  	[dreg:$0x0] =	wrdreg $0xFFFFFFFF;
	(pc) =	sbr.abs _section_cstart, $3  }
0xc0: {  	[dreg:$0x1] =	wrdreg $0xFFFFFFFF  }
0xc1: {  	_ =	task.clear_ibuf [dreg:s6], $0x2FFFF;
	_ =	strace $0x9FFFFFFF  }
0xc2: {  	(tm) =	ssettm $0x7FFFFFFF  }
0xc3: {  	_ =	shalt  }
tec
execute0_lowered:
.L_overlay_start_1:
0x0: {  	(tag) =	ssettag $0x1  }
0x1: {  	s0 =	rddreg [dreg:$0x0]  }
0x2: {  	s1 =	rddreg [dreg:$0x1]  }
0x3: {  	s2 =	simm.s32 $0x0;
	s3 =	srdreg.scid;
	s20 =	stileid.u32  }
0x4: {  	s28 =	simm.s32 $0x80;
	s30 =	simm.s32 $0x40;
	s31 =	simm.s32 $0x180  }
0x5: {  	[smem:$0x7FF] =	sst s2;
	s4 =	sadd.s32 $0x2400, s0;
	s5 =	sadd.s32 $0x62E00, s0  }
0x6: {  	s6 =	sadd.s32 $0x67E00, s0;
	s3 =	sand.u32 $0x1, s3;
	s9 =	smul.u32 $0x51000, s20  }
0x7: {  	s7 =	sadd.s32 $0x5DE00, s0;
	s8 =	sadd.s32 $0xCE200, s0;
	s17 =	smul.u32 $0x2800, s20  }
0x8: {  	s0 =	sadd.s32 $0x6CE00, s0;
	s13 =	sshll.u32 s20, $0x7;
	s24 =	smul.u32 $0x270, s20  }
0x9: {  	p0 =	sne.s32 s20, $0xF;
	_ =	strace $0x8000004D;
	s10 =	ssub.s32 $0x2, s3  }
0xa: {  	s12 =	sshll.u32 s3, $0xB;
	s22 =	smul.u32 $0x28A0, s3;
	s19 =	sshrl.u32 s17, $0x3  }
0xb: {  	s11 =	sshrl.u32 s10, $0x1;
	s9 =	sshrl.u32 s9, $0x2;
	s14 =	sadd.s32 s5, s19  }
0xc: {  	s18 =	sor.u32 s13, s12;
	s23 =	sadd.s32 s7, s19;
	[dreg:$0x4] =	wrdreg s14  }
0xd: {  	s16 =	sor.u32 $0x80, s17;
	s15 =	sadd.s32 s6, s19;
	[dreg:$0x5] =	wrdreg s23  }
0xe: {  	s21 =	sadd.s32 s9, s1;
	s12 =	sor.u32 $0x8, s19;
	[dreg:$0x6] =	wrdreg s15  }
0xf: {  	s10 =	ssub.s32 s10, s11;
	s25 =	sadd.s32 s5, s12;
	[dreg:$0x3] =	wrdreg s21  }
0x10: {  	s9 =	smul.u32 $0x2710, s3;
	s12 =	sadd.s32 s7, s12;
	[dreg:$0x7] =	wrdreg s25  }
0x11: {  	s26 =	sadd.s32 s24, s22;
	s14 =	smax.u32 s10, $0x1;
	[dreg:$0x8] =	wrdreg s12  }
0x12: {  	s11 =	sshll.u32 s26, $0x4;
	s26 =	sadd.s32 $0x14000, s21;
	[dreg:$0xc] =	wrdreg s14  }
0x13: {  	s19 =	smul.u32 $0x4E000, s20;
	s10 =	sadd.s32 $0x2000, s21;
	[dreg:$0x12] =	wrdreg s26  }
0x14: {  	s3 =	smul.u32 $0x145000, s3;
	s20 =	sadd.s32 $0xC000, s21;
	[dreg:$0x15] =	wrdreg s10  }
0x15: {  	s29 =	sshrl.u32 s19, $0x2;
	s14 =	sadd.s32 $0x8000, s21;
	[dreg:$0x1a] =	wrdreg s20  }
0x16: {  	s3 =	sshrl.u32 s3, $0x3;
	s11 =	sadd.s32 s0, s11;
	[dreg:$0x18] =	wrdreg s14  }
0x17: {  	s12 =	sadd.s32 s29, s1;
	s3 =	sadd.s32 s0, s3;
	[dreg:$0xa] =	wrdreg s11  }
0x18: {  	s29 =	sadd.s32 $0x144000, s1;
	s26 =	sadd.s32 $0x1000, s11;
	[dreg:$0x9] =	wrdreg s12  }
0x19: {  	s13 =	sadd.s32 $0x27000, s3;
	s19 =	sadd.s32 $0x4000, s12;
	[dreg:$0x13] =	wrdreg s29  }
0x1a: {  	s22 =	sadd.s32 $0x8000, s12;
	s24 =	sadd.s32 $0xC000, s12;
	[dreg:$0x1f] =	wrdreg s26  }
0x1b: {  	s25 =	sadd.s32 $0x10000, s12;
	s12 =	sadd.s32 $0x4000, s21;
	[dreg:$0xb] =	wrdreg s13  }
0x1c: {  	s15 =	sor.u32 $0x40, s17;
	s29 =	sadd.s32 $0x1800, s11;
	[dreg:$0x16] =	wrdreg s12  }
0x1d: {  	s17 =	sor.u32 $0xC0, s17;
	s0 =	sshrl.u32 s19, $0x3;
	[smem:$0x7FD] =	sst s29  }
0x1e: {  	s10 =	simm.s32 $0x200;
	s23 =	sshrl.u32 s22, $0x3;
	[dreg:$0xd] =	wrdreg s0  }
0x1f: {  	s20 =	simm.s32 $0x4;
	s13 =	sadd.s32 $0x6000, s21;
	[dreg:$0xe] =	wrdreg s23  }
0x20: {  	s14 =	simm.s32 $0x6;
	s19 =	sadd.s32 $0xA000, s21;
	[dreg:$0x17] =	wrdreg s13  }
0x21: {  	s3 =	sadd.s32 $0x138000, s1;
	s22 =	sadd.s32 $0xE000, s21;
	[dreg:$0x19] =	wrdreg s19  }
0x22: {  	s26 =	simm.s32 $0x3;
	s0 =	sshrl.u32 s24, $0x3;
	[dreg:$0x1b] =	wrdreg s22  }
0x23: {  	s12 =	simm.s32 $0x6300;
	s23 =	sadd.s32 $0x10000, s21;
	[dreg:$0xf] =	wrdreg s0  }
0x24: {  	s24 =	sadd.s32 $0x12000, s21;
	s13 =	simm.s32 $0x5;
	[dreg:$0x1c] =	wrdreg s23  }
0x25: {  	s22 =	simm.s32 $0x0;
	s0 =	sshrl.u32 s25, $0x3;
	[dreg:$0x1d] =	wrdreg s24  }
0x26: {  	s25 =	sadd.s32 $0x800, s11;
	s24 =	simm.s32 $0x300;
	[dreg:$0x10] =	wrdreg s0  }
0x27: {  	s0 =	sshrl.u32 @!p0 s3, $0x3;
	s3 =	sadd.s32 $0x2000, s11;
	[dreg:$0x1e] =	wrdreg s25  }
0x28: {  	s25 =	simm.s32 $0x9;
	s11 =	simm.s32 $0x4300;
	[dreg:$0x11] =	wrdreg s0  }
0x29: {  	v2 =	vimm.f32 $0.0e+00;
	v1 =	vmov s18;
	v0 =	vmov s9;
	[dreg:$0x14] =	wrdreg s3;
	s0 =	simm.s32 $0x280;
	s3 =	simm.s32 $0x2  }
.LBB2_1:
0x2a: {  	s9 =	simm.s32 $0x0;
	s18 =	simm.s32 $0x200  }
.LBB2_2:
0x2b: {  	p1 =	sne.s32 s18, $0x7E00;
	[tilespmem:s9+$0x370] =	vst v2  }
0x2c: {  	[tilespmem:s9+$0x300] =	vst v2  }
0x2d: {  	[tilespmem:s9+$0x310] =	vst v2  }
.Ltmp0:
0x2e: {  	[tilespmem:s9+$0x320] =	vst v2;
	(pc) =	sbr.rel @p1 .LBB2_2-.Ltmp0, $4  }
0x2f: {  	[tilespmem:s9+$0x330] =	vst v2  }
0x30: {  	[tilespmem:s9+$0x340] =	vst v2  }
0x31: {  	[tilespmem:s9+$0x350] =	vst v2  }
0x32: {  	[tilespmem:s9+$0x360] =	vst v2;
	s9 =	sshra.s32 s18, $0x2;
	s18 =	sadd.s32 $0x200, s18  }
0x33: {  	[tilespmem:s9+$0x370] =	vst v2  }
0x34: {  	[tilespmem:s9+$0x300] =	vst v2  }
0x35: {  	[tilespmem:s9+$0x310] =	vst v2  }
0x36: {  	[tilespmem:s9+$0x320] =	vst v2  }
0x37: {  	[tilespmem:s9+$0x330] =	vst v2  }
0x38: {  	[tilespmem:s9+$0x340] =	vst v2  }
0x39: {  	[tilespmem:s9+$0x350] =	vst v2  }
0x3a: {  	[tilespmem:s9+$0x360] =	vst v2;
	s29 =	rddreg [dreg:$0x3]  }
0x3b: {  	[spmem:s29] =	stream.linear.scatter [tilespmem:s24], [sflag:$0x9], $0x2000, $0x38;
	[tilespmem:$0x1C800] =	vst v63  }
0x3c: {  	_ =	swait.ge [sflag:s25], $0x2000  }
0x3d: {  	[sflag:s25] =	ssyncset.done $0x0  }
0x3e: {  	s18 =	rddreg [dreg:$0x15];
	[sflag:s25] =	ssyncadd.s32 $0xFFFFE000  }
0x3f: {  	[spmem:s18] =	stream.linear.scatter [tilespmem:s24], [sflag:$0x9], $0x2000, $0x38;
	[tilespmem:$0x1C800] =	vst v63  }
0x40: {  	_ =	swait.ge [sflag:s25], $0x2000  }
0x41: {  	[sflag:s25] =	ssyncset.done $0x0  }
0x42: {  	s19 =	rddreg [dreg:$0x16];
	[sflag:s25] =	ssyncadd.s32 $0xFFFFE000  }
0x43: {  	[spmem:s19] =	stream.linear.scatter [tilespmem:s24], [sflag:$0x9], $0x2000, $0x38;
	[tilespmem:$0x1C800] =	vst v63  }
0x44: {  	_ =	swait.ge [sflag:s25], $0x2000  }
0x45: {  	[sflag:s25] =	ssyncset.done $0x0  }
0x46: {  	s21 =	rddreg [dreg:$0x17];
	[sflag:s25] =	ssyncadd.s32 $0xFFFFE000  }
0x47: {  	[spmem:s21] =	stream.linear.scatter [tilespmem:s24], [sflag:$0x9], $0x2000, $0x38;
	[tilespmem:$0x1C800] =	vst v63  }
0x48: {  	_ =	swait.ge [sflag:s25], $0x2000  }
0x49: {  	[sflag:s25] =	ssyncset.done $0x0  }
0x4a: {  	s23 =	rddreg [dreg:$0x18];
	[sflag:s25] =	ssyncadd.s32 $0xFFFFE000  }
0x4b: {  	[spmem:s23] =	stream.linear.scatter [tilespmem:s24], [sflag:$0x9], $0x2000, $0x38;
	[tilespmem:$0x1C800] =	vst v63  }
0x4c: {  	_ =	swait.ge [sflag:s25], $0x2000  }
0x4d: {  	[sflag:s25] =	ssyncset.done $0x0  }
0x4e: {  	s29 =	rddreg [dreg:$0x19];
	[sflag:s25] =	ssyncadd.s32 $0xFFFFE000  }
0x4f: {  	[spmem:s29] =	stream.linear.scatter [tilespmem:s24], [sflag:$0x9], $0x2000, $0x38;
	[tilespmem:$0x1C800] =	vst v63  }
0x50: {  	_ =	swait.ge [sflag:s25], $0x2000  }
0x51: {  	[sflag:s25] =	ssyncset.done $0x0  }
0x52: {  	s18 =	rddreg [dreg:$0x1a];
	[sflag:s25] =	ssyncadd.s32 $0xFFFFE000  }
0x53: {  	[spmem:s18] =	stream.linear.scatter [tilespmem:s24], [sflag:$0x9], $0x2000, $0x38;
	[tilespmem:$0x1C800] =	vst v63  }
0x54: {  	_ =	swait.ge [sflag:s25], $0x2000  }
0x55: {  	[sflag:s25] =	ssyncset.done $0x0  }
0x56: {  	s19 =	rddreg [dreg:$0x1b];
	[sflag:s25] =	ssyncadd.s32 $0xFFFFE000  }
0x57: {  	[spmem:s19] =	stream.linear.scatter [tilespmem:s24], [sflag:$0x9], $0x2000, $0x38;
	[tilespmem:$0x1C800] =	vst v63  }
0x58: {  	_ =	swait.ge [sflag:s25], $0x2000  }
0x59: {  	[sflag:s25] =	ssyncset.done $0x0  }
0x5a: {  	s21 =	rddreg [dreg:$0x1c];
	[sflag:s25] =	ssyncadd.s32 $0xFFFFE000  }
0x5b: {  	[spmem:s21] =	stream.linear.scatter [tilespmem:s24], [sflag:$0x9], $0x2000, $0x38;
	[tilespmem:$0x1C800] =	vst v63  }
0x5c: {  	_ =	swait.ge [sflag:s25], $0x2000  }
0x5d: {  	[sflag:s25] =	ssyncset.done $0x0  }
0x5e: {  	s23 =	rddreg [dreg:$0x1d];
	[sflag:s25] =	ssyncadd.s32 $0xFFFFE000  }
0x5f: {  	[spmem:s23] =	stream.linear.scatter [tilespmem:s24], [sflag:$0x9], $0x2000, $0x38;
	[tilespmem:$0x1C800] =	vst v63  }
0x60: {  	_ =	swait.ge [sflag:s25], $0x2000  }
0x61: {  	[sflag:s25] =	ssyncset.done $0x0  }
0x62: {  	s29 =	rddreg [dreg:$0x12];
	[sflag:s25] =	ssyncadd.s32 $0xFFFFE000  }
0x63: {  	[spmem:s29] =	stream.linear.scatter [tilespmem:s24], [sflag:$0x9], $0x400, $0x38;
	[tilespmem:$0x1C800] =	vst v63  }
0x64: {  	_ =	swait.ge [sflag:s25], $0x400  }
0x65: {  	[sflag:s25] =	ssyncset.done $0x0  }
0x66: {  	s9 =	simm.s32 @!p0 $0x300;
	s18 =	rddreg [dreg:$0x13];
	[sflag:s25] =	ssyncadd.s32 $0xFFFFFC00  }
0x67: {  	[spmem:s18] =	stream.linear.scatter @!p0 [tilespmem:s9], [sflag:$0x9], $0x1000, $0x38;
	[tilespmem:$0x1C800] =	vst v63  }
0x68: {  	s9 =	simm.s32 @!p0 $0x9  }
0x69: {  	_ =	swait.ge @!p0 [sflag:s9], $0x1000  }
0x6a: {  	[sflag:s9] =	ssyncset.done @!p0 $0x0  }
0x6b: {  	[sflag:s9] =	ssyncadd.s32 @!p0 $0xFFFFF000  }
0x6c: {  	[bflag:$0x0] =	sbarrier.arrive $0xFFFF  }
0x6d: {  	s23 =	simm.s32 $0x0;
	s18 =	rddreg [dreg:$0x4]  }
0x6e: {  	[tilespmem:s23], [sflag:$0x1] =	stream.linear.gather [hbm4b:s18+s23], $0x40, $0x38;
	[tilespmem:$0x1C800] =	vst v63  }
0x6f: {  	s19 =	rddreg [dreg:$0x5];
	s18 =	simm.s32 $0x100  }
0x70: {  	[tilespmem:s18], [sflag:$0x1] =	stream.linear.gather [hbm4b:s19+s23], $0x40, $0x38;
	[tilespmem:$0x1C800] =	vst v63  }
0x71: {  	s29 =	simm.s32 $0x1;
	s21 =	rddreg [dreg:$0x6]  }
0x72: {  	[tilespmem:s28], [sflag:$0x3] =	stream.linear.gather [hbm4b:s21+s23], $0x40, $0x38;
	[tilespmem:$0x1C800] =	vst v63  }
0x73: {  	_ =	swait.ge [sflag:s29], $0x40  }
0x74: {  	[sflag:s29] =	ssyncset.done $0x0  }
0x75: {  	[sflag:s29] =	ssyncadd.s32 $0xFFFFFFC0  }
0x76: {  	_ =	swait.ge [sflag:s29], $0x40  }
0x77: {  	[sflag:s29] =	ssyncset.done $0x0  }
0x78: {  	[sflag:s29] =	ssyncadd.s32 $0xFFFFFFC0  }
0x79: {  	v3 =	vld [tilespmem:$0x0]  }
0x7a: {  	v4 =	vld [tilespmem:$0x100]  }
0x7b: {  	v5 =	vld [tilespmem:$0x10]  }
0x7c: {  	v6 =	vld [tilespmem:$0x110]  }
0x7d: {  	v7 =	vld [tilespmem:$0x20]  }
0x7e: {  	v8 =	vld [tilespmem:$0x120];
	v3 =	vadd.s32 v0, v3  }
0x7f: {  	v62 =	vld [tilespmem:$0x30];
	[tilespmem:$0x0] =	vst v3;
	v3 =	vadd.s32 v1, v4  }
0x80: {  	v63 =	vld [tilespmem:$0x130];
	[tilespmem:$0x100] =	vst v3;
	v3 =	vadd.s32 v0, v5  }
0x81: {  	[tilespmem:$0x10] =	vst v3;
	v3 =	vadd.s32 v1, v6  }
0x82: {  	[tilespmem:$0x110] =	vst v3;
	v3 =	vadd.s32 v0, v7  }
0x83: {  	[tilespmem:$0x20] =	vst v3;
	v3 =	vadd.s32 v1, v8  }
0x84: {  	[tilespmem:$0x120] =	vst v3;
	v3 =	vadd.s32 v0, v62  }
0x85: {  	[tilespmem:$0x30] =	vst v3;
	v3 =	vadd.s32 v1, v63  }
0x86: {  	[tilespmem:$0x130] =	vst v3  }
0x87: {  	[tilespmem:s24], [sflag:$0x5] =	stream.indirect.gather [hbm4b:s4+s30], $0x80, s23, s30, $0xb8;
	[tilespmem:$0x1C800] =	vst v63  }
0x88: {  	s19 =	simm.s32 $0x2300  }
0x89: {  	[tilespmem:s19], [sflag:$0x5] =	stream.indirect.gather [hbm4b:s8+s30], $0x80, s18, s30, $0xb8;
	[tilespmem:$0x1C800] =	vst v63  }
0x8a: {  	s21 =	rddreg [dreg:$0x7]  }
0x8b: {  	[tilespmem:s31], [sflag:$0x2] =	stream.linear.gather [hbm4b:s21+s23], $0x40, $0x38;
	[tilespmem:$0x1C800] =	vst v63  }
0x8c: {  	s29 =	rddreg [dreg:$0x8]  }
0x8d: {  	[tilespmem:s0], [sflag:$0x2] =	stream.linear.gather [hbm4b:s29+s23], $0x40, $0x38;
	[tilespmem:$0x1C800] =	vst v63  }
.LBB2_4:
0x8e: {  	_ =	swait.ge [sflag:s3], $0x40  }
0x8f: {  	[sflag:s3] =	ssyncset.done $0x0  }
0x90: {  	[sflag:s3] =	ssyncadd.s32 $0xFFFFFFC0  }
0x91: {  	_ =	swait.ge [sflag:s3], $0x40  }
0x92: {  	[sflag:s3] =	ssyncset.done $0x0  }
0x93: {  	[sflag:s3] =	ssyncadd.s32 $0xFFFFFFC0  }
0x94: {  	v3 =	vld [tilespmem:$0x180]  }
0x95: {  	v4 =	vld [tilespmem:$0x280]  }
0x96: {  	v5 =	vld [tilespmem:$0x190]  }
0x97: {  	v6 =	vld [tilespmem:$0x290]  }
0x98: {  	v7 =	vld [tilespmem:$0x1A0]  }
0x99: {  	v8 =	vld [tilespmem:$0x2A0];
	v3 =	vadd.s32 v0, v3  }
0x9a: {  	[tilespmem:$0x180] =	vst v3;
	v3 =	vadd.s32 v1, v4;
	v4 =	vld [tilespmem:$0x1B0]  }
0x9b: {  	[tilespmem:$0x280] =	vst v3;
	v3 =	vadd.s32 v0, v5;
	v5 =	vld [tilespmem:$0x2B0]  }
0x9c: {  	[tilespmem:$0x190] =	vst v3;
	v3 =	vadd.s32 v1, v6  }
0x9d: {  	[tilespmem:$0x290] =	vst v3;
	v3 =	vadd.s32 v0, v7  }
0x9e: {  	[tilespmem:$0x1A0] =	vst v3;
	v3 =	vadd.s32 v1, v8  }
0x9f: {  	[tilespmem:$0x2A0] =	vst v3;
	v3 =	vadd.s32 v0, v4  }
0xa0: {  	p1 =	seq.s32 s23, $0x0;
	[tilespmem:$0x1B0] =	vst v3;
	v3 =	vadd.s32 v1, v5  }
0xa1: {  	s18 =	sshll.u32 s23, $0x7;
	s9 =	simm.s32 @!p1 $0x8;
	[tilespmem:$0x2B0] =	vst v3  }
0xa2: {  	s19 =	sadd.s32 s18, s15;
	_ =	swait.ge @!p1 [sflag:s9], $0x2000  }
0xa3: {  	s19 =	sshrl.u32 s19, $0x3;
	[sflag:s9] =	ssyncset.done @!p1 $0x0  }
0xa4: {  	s29 =	sadd.s32 s6, s19;
	[sflag:s9] =	ssyncadd.s32 @!p1 $0xFFFFE000  }
0xa5: {  	[tilespmem:s10], [sflag:$0x4] =	stream.linear.gather [hbm4b:s29+s2], $0x40, $0x38;
	[tilespmem:$0x1C800] =	vst v63  }
0xa6: {  	_ = 	snop  }
0xa7: {  	[tilespmem:s11], [sflag:$0x6] =	stream.indirect.gather [hbm4b:s4+s30], $0x80, s31, s30, $0xb8;
	[tilespmem:$0x1C800] =	vst v63  }
0xa8: {  	_ = 	snop  }
0xa9: {  	[tilespmem:s12], [sflag:$0x6] =	stream.indirect.gather [hbm4b:s8+s30], $0x80, s0, s30, $0xb8;
	[tilespmem:$0x1C800] =	vst v63  }
0xaa: {  	_ =	swait.ge [sflag:s13], $0x2000  }
0xab: {  	[sflag:s13] =	ssyncset.done $0x0  }
0xac: {  	p1 =	seq.s32 s23, $0x4F;
	[sflag:s13] =	ssyncadd.s32 $0xFFFFE000  }
0xad: {  	s9 =	sadd.s32 @!p1 s18, s16;
	_ =	swait.ge [sflag:s13], $0x2000  }
0xae: {  	s19 =	sshrl.u32 @!p1 s9, $0x3;
	[sflag:s13] =	ssyncset.done $0x0  }
0xaf: {  	s21 =	simm.s32 @!p1 $0x0;
	s9 =	sadd.s32 @!p1 s5, s19;
	[sflag:s13] =	ssyncadd.s32 $0xFFFFE000  }
0xb0: {  	[tilespmem:s21], [sflag:$0x1] =	stream.linear.gather @!p1 [hbm4b:s9+s21], $0x40, $0x38;
	[tilespmem:$0x1C800] =	vst v63  }
0xb1: {  	s29 =	simm.s32 @!p1 $0x100;
	s9 =	sadd.s32 @!p1 s7, s19  }
0xb2: {  	[tilespmem:s29], [sflag:$0x1] =	stream.linear.gather @!p1 [hbm4b:s9+s21], $0x40, $0x38;
	[tilespmem:$0x1C800] =	vst v63  }
0xb3: {  	s9 =	simm.s32 $0x0  }
0xb4: {  	v10 =	vld [tilespmem:s9+$0x2300]  }
0xb5: {  	v14 =	vld [tilespmem:s9+$0x2310]  }
0xb6: {  	v8 =	vld [tilespmem:s9+$0x2320]  }
0xb7: {  	v7 =	vld [tilespmem:s9+$0x2330]  }
0xb8: {  	v6 =	vld [tilespmem:s9+$0x2340]  }
0xb9: {  	v5 =	vld [tilespmem:s9+$0x2350]  }
0xba: {  	v4 =	vld [tilespmem:s9+$0x2360]  }
0xbb: {  	v3 =	vld [tilespmem:s9+$0x2370]  }
0xbc: {  	v15 =	vld [tilespmem:s9+$0x300]  }
0xbd: {  	v16 =	vld [tilespmem:s9+$0x310]  }
0xbe: {  	v13 =	vld [tilespmem:s9+$0x320]  }
0xbf: {  	v12 =	vld [tilespmem:s9+$0x330]  }
0xc0: {  	v11 =	vld [tilespmem:s9+$0x340]  }
0xc1: {  	v9 =	vld [tilespmem:s9+$0x350];
	v15 =	vmul.f32 v10, v15  }
0xc2: {  	s21 =	simm.s32 $0x200;
	v14 =	vmul.f32 v14, v16;
	v10 =	vld [tilespmem:s9+$0x360]  }
.LBB2_5:
0xc3: {  	s29 =	sshra.s32 s21, $0x2;
	p2 =	sne.s32 s21, $0x7E00;
	[tilespmem:s9+$0x300] =	vst v15;
	v8 =	vmul.f32 v8, v13;
	v13 =	vld [tilespmem:s9+$0x370]  }
0xc4: {  	v15 =	vld [tilespmem:s29+$0x2300];
	[tilespmem:s9+$0x310] =	vst v14;
	v7 =	vmul.f32 v7, v12  }
0xc5: {  	v14 =	vld [tilespmem:s29+$0x2310];
	[tilespmem:s9+$0x320] =	vst v8;
	v6 =	vmul.f32 v6, v11  }
0xc6: {  	v8 =	vld [tilespmem:s29+$0x2320];
	[tilespmem:s9+$0x330] =	vst v7;
	v5 =	vmul.f32 v5, v9  }
0xc7: {  	v7 =	vld [tilespmem:s29+$0x2330];
	[tilespmem:s9+$0x340] =	vst v6;
	v4 =	vmul.f32 v4, v10  }
0xc8: {  	v6 =	vld [tilespmem:s29+$0x2340];
	[tilespmem:s9+$0x350] =	vst v5;
	v3 =	vmul.f32 v3, v13  }
0xc9: {  	v5 =	vld [tilespmem:s29+$0x2350];
	[tilespmem:s9+$0x360] =	vst v4  }
0xca: {  	v4 =	vld [tilespmem:s29+$0x2360];
	[tilespmem:s9+$0x370] =	vst v3;
	s9 =	smov.u32 s29  }
0xcb: {  	v3 =	vld [tilespmem:s9+$0x2370]  }
0xcc: {  	v9 =	vld [tilespmem:s9+$0x300]  }
0xcd: {  	v10 =	vld [tilespmem:s9+$0x310]  }
.Ltmp1:
0xce: {  	v13 =	vld [tilespmem:s9+$0x320];
	(pc) =	sbr.rel @p2 .LBB2_5-.Ltmp1, $4  }
0xcf: {  	v12 =	vld [tilespmem:s9+$0x330]  }
0xd0: {  	v11 =	vld [tilespmem:s9+$0x340]  }
0xd1: {  	v15 =	vmul.f32 v15, v9;
	v9 =	vld [tilespmem:s9+$0x350]  }
0xd2: {  	s21 =	sadd.s32 $0x200, s21;
	v14 =	vmul.f32 v14, v10;
	v10 =	vld [tilespmem:s9+$0x360]  }
0xd3: {  	[tilespmem:s9+$0x300] =	vst v15;
	v8 =	vmul.f32 v8, v13;
	v13 =	vld [tilespmem:s9+$0x370]  }
0xd4: {  	[tilespmem:s9+$0x310] =	vst v14;
	v7 =	vmul.f32 v7, v12  }
0xd5: {  	[tilespmem:s9+$0x320] =	vst v8;
	v6 =	vmul.f32 v6, v11  }
0xd6: {  	[tilespmem:s9+$0x330] =	vst v7;
	v5 =	vmul.f32 v5, v9  }
0xd7: {  	[tilespmem:s9+$0x340] =	vst v6;
	v4 =	vmul.f32 v4, v10  }
0xd8: {  	[tilespmem:s9+$0x350] =	vst v5;
	v3 =	vmul.f32 v3, v13  }
0xd9: {  	[tilespmem:s9+$0x360] =	vst v4  }
0xda: {  	[tilespmem:s9+$0x370] =	vst v3  }
0xdb: {  	_ =	swait.ge [sflag:s26], $0x40  }
0xdc: {  	[sflag:s26] =	ssyncset.done $0x0  }
0xdd: {  	s9 =	simm.s32 @p1 $0x7;
	[sflag:s26] =	ssyncadd.s32 $0xFFFFFFC0  }
0xde: {  	[spmem:s1] =	stream.indirect.scatter.add.f32 [tilespmem:s24], [sflag:$0x7], $0x80, s28, s30, $0xb8;
	[tilespmem:$0x1C800] =	vst v63  }
0xdf: {  	_ =	swait.ge @p1 [sflag:s9], $0x2000  }
0xe0: {  	[sflag:s9] =	ssyncset.done @p1 $0x0  }
0xe1: {  	[sflag:s9] =	ssyncadd.s32 @p1 $0xFFFFE000;
	s9 =	simm.s32 @!p1 $0x1  }
0xe2: {  	_ =	swait.ge @!p1 [sflag:s9], $0x40  }
0xe3: {  	[sflag:s9] =	ssyncset.done @!p1 $0x0  }
0xe4: {  	[sflag:s9] =	ssyncadd.s32 @!p1 $0xFFFFFFC0  }
0xe5: {  	_ =	swait.ge @!p1 [sflag:s9], $0x40  }
0xe6: {  	[sflag:s9] =	ssyncset.done @!p1 $0x0  }
0xe7: {  	[sflag:s9] =	ssyncadd.s32 @!p1 $0xFFFFFFC0  }
0xe8: {  	v3 =	vld @!p1 [tilespmem:$0x0]  }
0xe9: {  	v4 =	vld @!p1 [tilespmem:$0x100]  }
0xea: {  	v5 =	vld @!p1 [tilespmem:$0x10]  }
0xeb: {  	v6 =	vld @!p1 [tilespmem:$0x110]  }
0xec: {  	v7 =	vld @!p1 [tilespmem:$0x20]  }
0xed: {  	v8 =	vld @!p1 [tilespmem:$0x120];
	v3 =	vadd.s32 @!p1 v0, v3  }
0xee: {  	[tilespmem:$0x0] =	vst @!p1 v3;
	v3 =	vadd.s32 @!p1 v1, v4;
	v4 =	vld @!p1 [tilespmem:$0x30]  }
0xef: {  	[tilespmem:$0x100] =	vst @!p1 v3;
	v3 =	vadd.s32 @!p1 v0, v5;
	v5 =	vld @!p1 [tilespmem:$0x130]  }
0xf0: {  	[tilespmem:$0x10] =	vst @!p1 v3;
	v3 =	vadd.s32 @!p1 v1, v6  }
0xf1: {  	[tilespmem:$0x110] =	vst @!p1 v3;
	v3 =	vadd.s32 @!p1 v0, v7  }
0xf2: {  	[tilespmem:$0x20] =	vst @!p1 v3;
	v3 =	vadd.s32 @!p1 v1, v8  }
0xf3: {  	[tilespmem:$0x120] =	vst @!p1 v3;
	v3 =	vadd.s32 @!p1 v0, v4  }
0xf4: {  	[tilespmem:$0x30] =	vst @!p1 v3;
	v3 =	vadd.s32 @!p1 v1, v5  }
0xf5: {  	s9 =	simm.s32 @!p1 $0x7;
	[tilespmem:$0x130] =	vst @!p1 v3  }
0xf6: {  	_ =	swait.ge @!p1 [sflag:s9], $0x2000  }
0xf7: {  	s21 =	simm.s32 @!p1 $0x80;
	[sflag:s9] =	ssyncset.done @!p1 $0x0  }
0xf8: {  	[sflag:s9] =	ssyncadd.s32 @!p1 $0xFFFFE000;
	s9 =	sadd.s32 @!p1 s6, s19;
	s19 =	simm.s32 @!p1 $0x0  }
0xf9: {  	[tilespmem:s21], [sflag:$0x3] =	stream.linear.gather @!p1 [hbm4b:s9+s19], $0x40, $0x38;
	[tilespmem:$0x1C800] =	vst v63  }
0xfa: {  	s9 =	simm.s32 @!p1 $0x40;
	s21 =	simm.s32 @!p1 $0x300  }
0xfb: {  	[tilespmem:s21], [sflag:$0x5] =	stream.indirect.gather @!p1 [hbm4b:s4+s9], $0x80, s19, s9, $0xb8;
	[tilespmem:$0x1C800] =	vst v63  }
0xfc: {  	s29 =	simm.s32 @!p1 $0x2300;
	s21 =	simm.s32 @!p1 $0x100  }
0xfd: {  	[tilespmem:s29], [sflag:$0x5] =	stream.indirect.gather @!p1 [hbm4b:s8+s9], $0x80, s21, s9, $0xb8;
	[tilespmem:$0x1C800] =	vst v63  }
0xfe: {  	_ =	swait.ge [sflag:s14], $0x2000  }
0xff: {  	[sflag:s14] =	ssyncset.done $0x0  }
0x100: {  	[sflag:s14] =	ssyncadd.s32 $0xFFFFE000  }
0x101: {  	s9 =	sadd.s32 @!p1 s18, s17;
	_ =	swait.ge [sflag:s14], $0x2000  }
0x102: {  	s9 =	sshrl.u32 @!p1 s9, $0x3;
	[sflag:s14] =	ssyncset.done $0x0  }
0x103: {  	s21 =	simm.s32 @!p1 $0x180;
	s18 =	sadd.s32 @!p1 s5, s9;
	[sflag:s14] =	ssyncadd.s32 $0xFFFFE000  }
0x104: {  	[tilespmem:s21], [sflag:$0x2] =	stream.linear.gather @!p1 [hbm4b:s18+s19], $0x40, $0x38;
	[tilespmem:$0x1C800] =	vst v63  }
0x105: {  	s9 =	sadd.s32 @!p1 s7, s9;
	s18 =	simm.s32 @!p1 $0x280  }
0x106: {  	[tilespmem:s18], [sflag:$0x2] =	stream.linear.gather @!p1 [hbm4b:s9+s19], $0x40, $0x38;
	[tilespmem:$0x1C800] =	vst v63  }
0x107: {  	s9 =	simm.s32 $0x0  }
0x108: {  	v10 =	vld [tilespmem:s9+$0x6300]  }
0x109: {  	v14 =	vld [tilespmem:s9+$0x6310]  }
0x10a: {  	v8 =	vld [tilespmem:s9+$0x6320]  }
0x10b: {  	v7 =	vld [tilespmem:s9+$0x6330]  }
0x10c: {  	v6 =	vld [tilespmem:s9+$0x6340]  }
0x10d: {  	v5 =	vld [tilespmem:s9+$0x6350]  }
0x10e: {  	v4 =	vld [tilespmem:s9+$0x6360]  }
0x10f: {  	v3 =	vld [tilespmem:s9+$0x6370]  }
0x110: {  	v15 =	vld [tilespmem:s9+$0x4300]  }
0x111: {  	v16 =	vld [tilespmem:s9+$0x4310]  }
0x112: {  	v13 =	vld [tilespmem:s9+$0x4320]  }
0x113: {  	v12 =	vld [tilespmem:s9+$0x4330]  }
0x114: {  	v11 =	vld [tilespmem:s9+$0x4340]  }
0x115: {  	v9 =	vld [tilespmem:s9+$0x4350];
	v15 =	vmul.f32 v10, v15  }
0x116: {  	s18 =	simm.s32 $0x200;
	v14 =	vmul.f32 v14, v16;
	v10 =	vld [tilespmem:s9+$0x4360]  }
.LBB2_7:
0x117: {  	s19 =	sshra.s32 s18, $0x2;
	p1 =	sne.s32 s18, $0x7E00;
	[tilespmem:s9+$0x4300] =	vst v15;
	v8 =	vmul.f32 v8, v13;
	v13 =	vld [tilespmem:s9+$0x4370]  }
0x118: {  	v15 =	vld [tilespmem:s19+$0x6300];
	[tilespmem:s9+$0x4310] =	vst v14;
	v7 =	vmul.f32 v7, v12  }
0x119: {  	v14 =	vld [tilespmem:s19+$0x6310];
	[tilespmem:s9+$0x4320] =	vst v8;
	v6 =	vmul.f32 v6, v11  }
0x11a: {  	v8 =	vld [tilespmem:s19+$0x6320];
	[tilespmem:s9+$0x4330] =	vst v7;
	v5 =	vmul.f32 v5, v9  }
0x11b: {  	v7 =	vld [tilespmem:s19+$0x6330];
	[tilespmem:s9+$0x4340] =	vst v6;
	v4 =	vmul.f32 v4, v10  }
0x11c: {  	v6 =	vld [tilespmem:s19+$0x6340];
	[tilespmem:s9+$0x4350] =	vst v5;
	v3 =	vmul.f32 v3, v13  }
0x11d: {  	v5 =	vld [tilespmem:s19+$0x6350];
	[tilespmem:s9+$0x4360] =	vst v4  }
0x11e: {  	v4 =	vld [tilespmem:s19+$0x6360];
	[tilespmem:s9+$0x4370] =	vst v3;
	s9 =	smov.u32 s19  }
0x11f: {  	v3 =	vld [tilespmem:s9+$0x6370]  }
0x120: {  	v9 =	vld [tilespmem:s9+$0x4300]  }
0x121: {  	v10 =	vld [tilespmem:s9+$0x4310]  }
.Ltmp2:
0x122: {  	v13 =	vld [tilespmem:s9+$0x4320];
	(pc) =	sbr.rel @p1 .LBB2_7-.Ltmp2, $4  }
0x123: {  	v12 =	vld [tilespmem:s9+$0x4330]  }
0x124: {  	v11 =	vld [tilespmem:s9+$0x4340]  }
0x125: {  	v15 =	vmul.f32 v15, v9;
	v9 =	vld [tilespmem:s9+$0x4350]  }
0x126: {  	s18 =	sadd.s32 $0x200, s18;
	v14 =	vmul.f32 v14, v10;
	v10 =	vld [tilespmem:s9+$0x4360]  }
0x127: {  	[tilespmem:s9+$0x4300] =	vst v15;
	v8 =	vmul.f32 v8, v13;
	v63 =	vld [tilespmem:s9+$0x4370]  }
0x128: {  	[tilespmem:s9+$0x4310] =	vst v14;
	v7 =	vmul.f32 v7, v12  }
0x129: {  	[tilespmem:s9+$0x4320] =	vst v8;
	v6 =	vmul.f32 v6, v11  }
0x12a: {  	[tilespmem:s9+$0x4330] =	vst v7;
	v5 =	vmul.f32 v5, v9  }
0x12b: {  	[tilespmem:s9+$0x4340] =	vst v6;
	v4 =	vmul.f32 v4, v10  }
0x12c: {  	s23 =	sadd.s32 $0x1, s23;
	[tilespmem:s9+$0x4350] =	vst v5;
	v3 =	vmul.f32 v3, v63  }
0x12d: {  	p1 =	sne.s32 s23, $0x50;
	[tilespmem:s9+$0x4360] =	vst v4  }
.Ltmp3:
0x12e: {  	[tilespmem:s9+$0x4370] =	vst v3;
	(pc) =	sbr.rel @p1 .LBB2_4-.Ltmp3, $4  }
0x12f: {  	_ =	swait.ge [sflag:s20], $0x40  }
0x130: {  	[sflag:s20] =	ssyncset.done $0x0  }
0x131: {  	[sflag:s20] =	ssyncadd.s32 $0xFFFFFFC0  }
0x132: {  	[spmem:s1] =	stream.indirect.scatter.add.f32 [tilespmem:s11], [sflag:$0x8], $0x80, s10, s30, $0xb8;
	[tilespmem:$0x1C800] =	vst v63  }
0x133: {  	s9 =	simm.s32 $0x8  }
0x134: {  	_ =	swait.ge [sflag:s9], $0x2000  }
0x135: {  	[sflag:s9] =	ssyncset.done $0x0  }
0x136: {  	[sflag:s9] =	ssyncadd.s32 $0xFFFFE000  }
0x137: {  	s21 =	stileid.u32;
	[bflag:$0x0] =	sbarrier.arrive $0xFFFF  }
0x138: {  	s9 =	sshll.u32 s21, $0x6;
	s18 =	rddreg [dreg:$0x9]  }
0x139: {  	s9 =	sor.u32 $0x1C09, s9;
	s19 =	rddreg [dreg:$0xa];
	s18 =	sshrl.u32 s18, $0x3  }
0x13a: {  	[hbm:s19], [sflag:s9] =	dma.local [spmem:s18], $0x800  }
0x13b: {  	_ =	swait.ge [sflag:s25], $0x800  }
0x13c: {  	[sflag:s25] =	ssyncset.done $0x0;
	s23 =	rddreg [dreg:$0xd]  }
0x13d: {  	s29 =	rddreg [dreg:$0x1e];
	[sflag:s25] =	ssyncadd.s32 $0xFFFFF800  }
0x13e: {  	[hbm:s29], [sflag:s9] =	dma.local [spmem:s23], $0x800  }
0x13f: {  	_ =	swait.ge [sflag:s25], $0x800  }
0x140: {  	[sflag:s25] =	ssyncset.done $0x0;
	s19 =	rddreg [dreg:$0xe]  }
0x141: {  	s21 =	rddreg [dreg:$0x1f];
	[sflag:s25] =	ssyncadd.s32 $0xFFFFF800  }
0x142: {  	[hbm:s21], [sflag:s9] =	dma.local [spmem:s19], $0x800  }
0x143: {  	_ =	swait.ge [sflag:s25], $0x800  }
0x144: {  	s29 =	sld [smem:$0x7FD]  }
0x145: {  	[sflag:s25] =	ssyncset.done $0x0  }
0x146: {  	s23 =	rddreg [dreg:$0xf];
	[sflag:s25] =	ssyncadd.s32 $0xFFFFF800  }
0x147: {  	[hbm:s29], [sflag:s9] =	dma.local [spmem:s23], $0x800  }
0x148: {  	_ =	swait.ge [sflag:s25], $0x800  }
0x149: {  	[sflag:s25] =	ssyncset.done $0x0;
	s21 =	rddreg [dreg:$0x10]  }
0x14a: {  	s23 =	rddreg [dreg:$0x14];
	[sflag:s25] =	ssyncadd.s32 $0xFFFFF800  }
0x14b: {  	[hbm:s23], [sflag:s9] =	dma.local [spmem:s21], $0x700  }
0x14c: {  	_ =	swait.ge [sflag:s25], $0x700  }
0x14d: {  	[sflag:s25] =	ssyncset.done $0x0;
	s18 =	rddreg [dreg:$0xb]  }
0x14e: {  	s19 =	rddreg [dreg:$0x11];
	[sflag:s25] =	ssyncadd.s32 $0xFFFFF900  }
0x14f: {  	[hbm:s18], [sflag:s9] =	dma.local @!p0 [spmem:s19], $0x100  }
0x150: {  	s9 =	simm.s32 @!p0 $0x9  }
0x151: {  	_ =	swait.ge @!p0 [sflag:s9], $0x100  }
0x152: {  	s22 =	sadd.s32 $0x1, s22;
	s29 =	rddreg [dreg:$0xc]  }
0x153: {  	p1 =	sne.s32 s22, s29  }
.Ltmp4:
0x154: {  	_ = 	snop;
	(pc) =	sbr.rel @p1 .LBB2_1-.Ltmp4, $3  }
0x155: {  	_ =	sdelay $0x1  }
0x156: {  	[sflag:s9] =	ssyncset.done @!p0 $0x0  }
0x157: {  	[sflag:s9] =	ssyncadd.s32 @!p0 $0xFFFFFF00  }
0x158: {  	_ =	sfence.sel $0x180000  }
0x159: {  	[bflag:$0x0] =	sbarrier.arrive $0xFFFF  }
0x15a: {  	_ =	strace $0x9000004D  }
0x15b: {  	s0 =	stileid.u32;
	[bflag:$0x2] =	sbarrier.arrive $0xFFFF  }
0x15c: {  	p0 =	sne.s32 s0, $0x0;
	s0 =	rddreg [dreg:$0x2]  }
0x15d: {  	s0 =	sadd.s32 @!p0 $0x100000, s0  }
0x15e: {  	[sflag:s0] =	ssyncadd.tile.s32 @!p0 $0x1;
	_ =	shalt  }
.Lfunc_end2:
_tile_overlayer_lowered:
.L_overlay_start_2:
0x15f: {  	(tag) =	ssettag $0x2  }
0x160: {  	s0 =	rddreg [dreg:$0x0];
	s2 =	stileid.u32  }
0x161: {  	s1 =	rddreg [dreg:$0x1];
	p0 =	sne.s32 s2, $0x0  }
0x162: {  	s3 =	rddreg [dreg:$0x2];
	[bflag:$0x3] =	sbarrier.arrive $0xFFFF;
	s2 =	simm.s32 @!p0 $0x1C09  }
0x163: {  	[timem:s3], [sflag:s2] =	dma.local @!p0 [hbm:s0], s1  }
0x164: {  	s0 =	simm.s32 @!p0 $0x9  }
0x165: {  	_ =	swait.ge @!p0 [sflag:s0], s1  }
0x166: {  	s1 =	ssub.s32 @!p0 $0x0, s1;
	[sflag:s0] =	ssyncset.done @!p0 $0x0  }
0x167: {  	[sflag:s0] =	ssyncadd.s32 @!p0 s1  }
0x168: {  	[bflag:$0x3] =	sbarrier.arrive $0xFFFF  }
0x169: {  	_ =	shalt  }

// kernel: kernel.18.cloned.1.call-start
scs
__scs_entry_jumppad:
0x0: {  	(pc) =	sbr.rel $0x88, $3  }
0x1: {  	(tag) =	ssettag $0x0;
	lr =	simm.s32 $0x1  }
0x2: {  	[smem:$0x3F98] =	sst lr;
	_ =	strace $0xD0000000  }
0x3: {  	_ = 	snop  }
0x4: {  	_ = 	snop  }
0x5: {  	_ = 	snop  }
0x6: {  	_ = 	snop  }
0x7: {  	_ = 	snop  }
__scs_overlays_trampoline_lowered:
0x8: {  	[smem:$0x3FA7] =	sst s0  }
0x9: {  	[smem:$0x3FA8] =	sst s1  }
0xa: {  	[smem:$0x3FA9] =	sst s2  }
0xb: {  	[smem:$0x3FAA] =	sst s3  }
0xc: {  	[smem:$0x3FAB] =	sst s4  }
0xd: {  	[smem:$0x3FAC] =	sst s5  }
0xe: {  	[smem:$0x3FAD] =	sst s6  }
0xf: {  	[smem:$0x3FAE] =	sst s7  }
0x10: {  	[smem:$0x3FAF] =	sst s8  }
0x11: {  	[smem:$0x3FB0] =	sst s9;
	s0 =	simm.s32 @!p0 $0x0  }
0x12: {  	s1 =	sld [smem:$0x3F96];
	s0 =	simm.s32 @p0 $0x1  }
0x13: {  	[smem:$0x3FB1] =	sst s0;
	s0 =	simm.s32 @!p1 $0x0  }
0x14: {  	s2 =	sld [smem:$0x3F95];
	s0 =	simm.s32 @p1 $0x1  }
0x15: {  	[smem:$0x3FB2] =	sst s0;
	s0 =	simm.s32 @!p2 $0x0  }
0x16: {  	s3 =	sld [smem:$0x3FDB];
	s0 =	simm.s32 @p2 $0x1  }
0x17: {  	s4 =	simm.s32 $0x1BF5;
	[smem:$0x3FB4] =	sst s0  }
0x18: {  	s0 =	sld [smem:$0x3F97];
	_ =	swait.ge [sflag:s4], $0x0  }
0x19: {  	s7 =	sld [smem:$0x3F98]  }
0x1a: {  	s8 =	sadd.s32 $0xFFFFE003, lr  }
0x1b: {  	s9 =	sadd.s32 $0xFFFFFEF7, lr;
	s5 =	simm.s32 $0xFFFFFFFF;
	p2 =	slt.u32 s8, $0xFFFFF086  }
0x1c: {  	p1 =	slt.u32 s9, $0xF7A;
	s5 =	simm.s32 @!p2 $0x0  }
0x1d: {  	s5 =	simm.s32 @p1 $0x1;
	p0 =	seq.s32 s7, s2  }
0x1e: {  	s7 =	smul.u32 @!p0 $0xF7A, s2;
	p2 =	seq.s32 @!p0 s5, $0x0  }
0x1f: {  	s9 =	smul.u32 $0xF7A, s1;
	s8 =	simm.s32 @!p0 $0x1BF5;
	p2 =	por !p2, p0  }
0x20: {  	[sflag:s8] =	ssyncset.s32 @!p0 $0xFFFFF086;
	s6 =	sadd.s32 @!p0 s3, s7;
	s7 =	simm.s32 @!p0 $0x108  }
0x21: {  	s3 =	sadd.s32 s3, s9;
	s6 =	sadd.s32 @!p0 $0x88, s6;
	s7 =	simm.s32 @p2 $0x1082  }
0x22: {  	[simem:s7], [sflag:s8] =	dma.local @!p0 [hbm:s6], $0xF7A  }
0x23: {  	s9 =	sor.u32 $0xD0000000, s2;
	s6 =	simm.s32 $0x108;
	_ =	swait.ge @!p0 [sflag:s8], $0x0  }
0x24: {  	s3 =	sadd.s32 $0x88, s3;
	s6 =	simm.s32 @!p1 $0x1082;
	[sflag:s4] =	ssyncset.s32 $0xFFFFF086  }
0x25: {  	[simem:s6], [sflag:s4] =	dma.local [hbm:s3], $0xF7A  }
0x26: {  	[smem:$0x3F98] =	sst s1;
	(tag) =	ssettag s2;
	_ =	strace s9  }
0x27: {  	s1 =	sld [smem:$0x3FA8]  }
0x28: {  	s2 =	sld [smem:$0x3FA9]  }
0x29: {  	s4 =	sld [smem:$0x3FAB]  }
0x2a: {  	p0 =	seq.s32 s5, $0x0;
	s5 =	sld [smem:$0x3FAC]  }
0x2b: {  	s6 =	sld [smem:$0x3FAD]  }
0x2c: {  	s7 =	sld [smem:$0x3FAE]  }
0x2d: {  	s3 =	simm.s32 $0x108;
	s8 =	sld [smem:$0x3FAF]  }
0x2e: {  	s3 =	simm.s32 @!p0 $0x1082;
	s9 =	sld [smem:$0x3FB0]  }
0x2f: {  	lr =	sadd.s32 s0, s3;
	s0 =	sld [smem:$0x3FA7]  }
0x30: {  	s3 =	sld [smem:$0x3FAA]  }
0x31: {  	[smem:$0x3FB3] =	sst s10  }
0x32: {  	s10 =	sld [smem:$0x3FB1];
	_ =	sdelay $0x3  }
0x33: {  	p0 =	seq.s32 s10, $0x1;
	s10 =	sld [smem:$0x3FB3];
	_ =	sdelay $0x3  }
0x34: {  	[smem:$0x3FB3] =	sst s10  }
0x35: {  	s10 =	sld [smem:$0x3FB2];
	_ =	sdelay $0x3  }
0x36: {  	p1 =	seq.s32 s10, $0x1;
	s10 =	sld [smem:$0x3FB3];
	_ =	sdelay $0x3  }
0x37: {  	[smem:$0x3FB3] =	sst s10  }
0x38: {  	s10 =	sld [smem:$0x3FB4]  }
0x39: {  	_ = 	snop;
	(pc) =	sbr.ind lr, $3  }
0x3a: {  	_ = 	snop  }
0x3b: {  	_ = 	snop  }
0x3c: {  	p2 =	seq.s32 s10, $0x1;
	s10 =	sld [smem:$0x3FB3]  }
0x3d: {  	_ =	shalt  }
0x3e: {  	_ =	shalt  }
0x3f: {  	_ =	shalt  }
0x40: {  	_ =	shalt  }
0x41: {  	_ =	shalt  }
0x42: {  	_ =	shalt  }
0x43: {  	_ =	shalt  }
0x44: {  	_ =	shalt  }
0x45: {  	_ =	shalt  }
0x46: {  	_ =	shalt  }
0x47: {  	_ =	shalt  }
0x48: {  	_ =	shalt  }
0x49: {  	_ =	shalt  }
0x4a: {  	_ =	shalt  }
0x4b: {  	_ =	shalt  }
0x4c: {  	_ =	shalt  }
0x4d: {  	_ =	shalt  }
0x4e: {  	_ =	shalt  }
0x4f: {  	_ =	shalt  }
0x50: {  	_ =	shalt  }
0x51: {  	_ =	shalt  }
0x52: {  	_ =	shalt  }
0x53: {  	_ =	shalt  }
0x54: {  	_ =	shalt  }
0x55: {  	_ =	shalt  }
0x56: {  	_ =	shalt  }
0x57: {  	_ =	shalt  }
0x58: {  	_ =	shalt  }
0x59: {  	_ =	shalt  }
0x5a: {  	_ =	shalt  }
0x5b: {  	_ =	shalt  }
0x5c: {  	_ =	shalt  }
0x5d: {  	_ =	shalt  }
0x5e: {  	_ =	shalt  }
0x5f: {  	_ =	shalt  }
0x60: {  	_ =	shalt  }
0x61: {  	_ =	shalt  }
0x62: {  	_ =	shalt  }
0x63: {  	_ =	shalt  }
0x64: {  	_ =	shalt  }
0x65: {  	_ =	shalt  }
0x66: {  	_ =	shalt  }
0x67: {  	_ =	shalt  }
0x68: {  	_ =	shalt  }
0x69: {  	_ =	shalt  }
0x6a: {  	_ =	shalt  }
0x6b: {  	_ =	shalt  }
0x6c: {  	_ =	shalt  }
0x6d: {  	_ =	shalt  }
0x6e: {  	_ =	shalt  }
0x6f: {  	_ =	shalt  }
0x70: {  	_ =	shalt  }
0x71: {  	_ =	shalt  }
0x72: {  	_ =	shalt  }
0x73: {  	_ =	shalt  }
0x74: {  	_ =	shalt  }
0x75: {  	_ =	shalt  }
0x76: {  	_ =	shalt  }
0x77: {  	_ =	shalt  }
0x78: {  	_ =	shalt  }
0x79: {  	_ =	shalt  }
0x7a: {  	_ =	shalt  }
0x7b: {  	_ =	shalt  }
0x7c: {  	_ =	shalt  }
0x7d: {  	_ =	shalt  }
0x7e: {  	_ =	shalt  }
0x7f: {  	_ =	shalt  }
0x80: {  	_ =	shalt  }
0x81: {  	_ =	shalt  }
0x82: {  	_ =	shalt  }
0x83: {  	_ =	shalt  }
0x84: {  	_ =	shalt  }
0x85: {  	_ =	shalt  }
0x86: {  	_ =	shalt  }
0x87: {  	_ =	shalt  }
.Lfunc_end0:
.L_simem_size_0:
called_computation.3_lowered:
.L_overlay_start_0:
0x88: {  	s2 =	sld [smem:$0x3FD9]  }
0x89: {  	s3 =	sld [smem:$0x3FFE];
	_ =	sdelay $0x1  }
0x8a: {  	s1 =	srdreg.scid  }
0x8b: {  	s0 =	sand.u32 $0x1, s1  }
0x8c: {  	s16 =	sshll.u32 s0, $0xA;
	s2 =	sadd.s32 s3, s2  }
0x8d: {  	s2 =	sadd.s32 s2, s16  }
0x8e: {  	[smem:$0x3FBF] =	sst s2  }
0x8f: {  	_ = 	snop  }
0x90: {  	(tm) =	ssettm $0x1  }
0x91: {  	s17 =	sld [smem:$0x3FFB];
	_ =	sdelay $0x3  }
0x92: {  	_ =	strace s17  }
0x93: {  	s2 =	sld [smem:$0x3FFC];
	_ =	sdelay $0x3  }
0x94: {  	_ =	strace s2  }
0x95: {  	s2 =	sld [smem:$0x3FFD];
	_ =	sdelay $0x3  }
0x96: {  	_ =	strace s2  }
0x97: {  	_ =	strace $0x8FFFFFFF  }
0x98: {  	s18 =	sld [smem:$0x3FDB];
	_ =	sdelay $0x1  }
0x99: {  	s19 =	simm.s32 $_scs_section_size  }
0x9a: {  	s4 =	simm.s32 $_size__tile_overlayer_lowered;
	s5 =	simm.s32 $_tile_overlayer_lowered  }
0x9b: {  	s22 =	simm.s32 $0x1BFF;
	s21 =	sshll.u32 s5, $0x1;
	s2 =	sadd.s32 s19, s18  }
0x9c: {  	s6 =	simm.s32 $0x0;
	s20 =	sshll.u32 s4, $0x1;
	s4 =	sadd.s32 s21, s2  }
0x9d: {  	[timem:s6], [sflag:s22] =	dma.local [hbm:s4], s20  }
0x9e: {  	_ =	swait.ge [sflag:s22], s20  }
0x9f: {  	s3 =	ssub.s32 $0x0, s20;
	[sflag:s22] =	ssyncset.done $0x0  }
0xa0: {  	[sflag:s22] =	ssyncadd.s32 s3;
	_ =	sdelay $0x1  }
0xa1: {  	s23 =	simm.s32 $0x1B8B  }
0xa2: {  	_ =	swait.ge [sflag:s23], $0x1  }
0xa3: {  	[sflag:s23] =	ssyncset.done $0x0  }
0xa4: {  	s25 =	simm.s32 $0x1B8E;
	s24 =	sld [smem:$0x3FFE];
	[sflag:s23] =	ssyncadd.s32 $0xFFFFFFFF  }
0xa5: {  	s26 =	simm.s32 $execute0_lowered;
	[smem:$0x3FD2] =	sst s25  }
0xa6: {  	s4 =	sshll.u32 s26, $0x1;
	_ =	strace $0x8000004F;
	[dreg:$0x1] =	wrdreg $0xFFFFFFFF  }
0xa7: {  	s28 =	simm.s32 $_size_execute0_lowered;
	s2 =	sadd.s32 s2, s4;
	[dreg:$0x0] =	wrdreg $0x0  }
0xa8: {  	s4 =	sshll.u32 s28, $0x1;
	[dreg:$0x2] =	wrdreg s2  }
0xa9: {  	[dreg:$0x3] =	wrdreg s4  }
0xaa: {  	[dreg:$0x4] =	wrdreg $0xC0  }
0xab: {  	_ =	task [dreg:s6], $0x5FFFF  }
0xac: {  	[dreg:$0x1] =	wrdreg $0xFFFFFFFF  }
0xad: {  	[dreg:$0x0] =	wrdreg $0x60  }
0xae: {  	[dreg:$0x2] =	wrdreg s24  }
0xaf: {  	[dreg:$0x3] =	wrdreg $0x83000  }
0xb0: {  	[dreg:$0x4] =	wrdreg $0x9  }
0xb1: {  	_ =	task.clear_ibuf [dreg:s6], $0x5FFFF;
	_ =	strace $0x9000004F  }
0xb2: {  	s29 =	simm.s32 $0x9;
	_ =	strace $0x80000051  }
0xb3: {  	_ =	swait.ge [sflag:s29], $0x1  }
0xb4: {  	[sflag:s29] =	ssyncadd.s32 $0xFFFFFFFF  }
0xb5: {  	_ =	strace $0x90000051  }
0xb6: {  	_ =	sfence  }
0xb7: {  	s30 =	sld [smem:$0x0];
	_ =	sdelay $0x2  }
0xb8: {  	s31 =	sshll.u32 s1, $0xD;
	s1 =	sshrl.u32 s1, $0x2  }
0xb9: {  	s3 =	sand.u32 $0x4000, s31;
	s1 =	sadd.s32 s1, s30  }
0xba: {  	s0 =	sor.u32 s3, s0;
	s1 =	sshll.u32 s1, $0x11  }
0xbb: {  	s0 =	sor.u32 s1, s0  }
0xbc: {  	s0 =	sadd.s32 $0x8F2B, s0  }
0xbd: {  	[sflag:s0] =	ssyncadd.remote.s32 $0x1  }
0xbe: {  	_ =	sfence.sel $0xFFFF  }
0xbf: {  	[dreg:$0x0] =	wrdreg $0xFFFFFFFF;
	(pc) =	sbr.abs _section_cstart, $3  }
0xc0: {  	[dreg:$0x1] =	wrdreg $0xFFFFFFFF  }
0xc1: {  	_ =	task.clear_ibuf [dreg:s6], $0x2FFFF;
	_ =	strace $0x9FFFFFFF  }
0xc2: {  	(tm) =	ssettm $0x7FFFFFFF  }
0xc3: {  	_ =	shalt  }
tec
execute0_lowered:
.L_overlay_start_1:
0x0: {  	(tag) =	ssettag $0x1  }
0x1: {  	s0 =	rddreg [dreg:$0x0]  }
0x2: {  	s1 =	rddreg [dreg:$0x1]  }
0x3: {  	s2 =	simm.s32 $0x0;
	s3 =	srdreg.scid;
	s20 =	stileid.u32  }
0x4: {  	s28 =	simm.s32 $0x80;
	s30 =	simm.s32 $0x40;
	s31 =	simm.s32 $0x180  }
0x5: {  	[smem:$0x7FF] =	sst s2;
	s4 =	sadd.s32 $0x2400, s0;
	s5 =	sadd.s32 $0x62E00, s0  }
0x6: {  	s6 =	sadd.s32 $0x67E00, s0;
	s3 =	sand.u32 $0x1, s3;
	s9 =	smul.u32 $0x51000, s20  }
0x7: {  	s7 =	sadd.s32 $0x5DE00, s0;
	s8 =	sadd.s32 $0xDE200, s0;
	s17 =	smul.u32 $0x2800, s20  }
0x8: {  	s0 =	sadd.s32 $0x6CE00, s0;
	s13 =	sshll.u32 s20, $0x7;
	s24 =	smul.u32 $0x270, s20  }
0x9: {  	p0 =	sne.s32 s20, $0xF;
	_ =	strace $0x80000050;
	s10 =	ssub.s32 $0x2, s3  }
0xa: {  	s12 =	sshll.u32 s3, $0xB;
	s22 =	smul.u32 $0x28A0, s3;
	s19 =	sshrl.u32 s17, $0x3  }
0xb: {  	s11 =	sshrl.u32 s10, $0x1;
	s9 =	sshrl.u32 s9, $0x2;
	s14 =	sadd.s32 s5, s19  }
0xc: {  	s18 =	sor.u32 s13, s12;
	s23 =	sadd.s32 s7, s19;
	[dreg:$0x4] =	wrdreg s14  }
0xd: {  	s16 =	sor.u32 $0x80, s17;
	s15 =	sadd.s32 s6, s19;
	[dreg:$0x5] =	wrdreg s23  }
0xe: {  	s21 =	sadd.s32 s9, s1;
	s12 =	sor.u32 $0x8, s19;
	[dreg:$0x6] =	wrdreg s15  }
0xf: {  	s10 =	ssub.s32 s10, s11;
	s25 =	sadd.s32 s5, s12;
	[dreg:$0x3] =	wrdreg s21  }
0x10: {  	s9 =	smul.u32 $0x2710, s3;
	s12 =	sadd.s32 s7, s12;
	[dreg:$0x7] =	wrdreg s25  }
0x11: {  	s26 =	sadd.s32 s24, s22;
	s14 =	smax.u32 s10, $0x1;
	[dreg:$0x8] =	wrdreg s12  }
0x12: {  	s11 =	sshll.u32 s26, $0x4;
	s26 =	sadd.s32 $0x14000, s21;
	[dreg:$0xc] =	wrdreg s14  }
0x13: {  	s19 =	smul.u32 $0x4E000, s20;
	s10 =	sadd.s32 $0x2000, s21;
	[dreg:$0x12] =	wrdreg s26  }
0x14: {  	s3 =	smul.u32 $0x145000, s3;
	s20 =	sadd.s32 $0xC000, s21;
	[dreg:$0x15] =	wrdreg s10  }
0x15: {  	s29 =	sshrl.u32 s19, $0x2;
	s14 =	sadd.s32 $0x8000, s21;
	[dreg:$0x1a] =	wrdreg s20  }
0x16: {  	s3 =	sshrl.u32 s3, $0x3;
	s11 =	sadd.s32 s0, s11;
	[dreg:$0x18] =	wrdreg s14  }
0x17: {  	s12 =	sadd.s32 s29, s1;
	s3 =	sadd.s32 s0, s3;
	[dreg:$0xa] =	wrdreg s11  }
0x18: {  	s29 =	sadd.s32 $0x144000, s1;
	s26 =	sadd.s32 $0x1000, s11;
	[dreg:$0x9] =	wrdreg s12  }
0x19: {  	s13 =	sadd.s32 $0x27000, s3;
	s19 =	sadd.s32 $0x4000, s12;
	[dreg:$0x13] =	wrdreg s29  }
0x1a: {  	s22 =	sadd.s32 $0x8000, s12;
	s24 =	sadd.s32 $0xC000, s12;
	[dreg:$0x1f] =	wrdreg s26  }
0x1b: {  	s25 =	sadd.s32 $0x10000, s12;
	s12 =	sadd.s32 $0x4000, s21;
	[dreg:$0xb] =	wrdreg s13  }
0x1c: {  	s15 =	sor.u32 $0x40, s17;
	s29 =	sadd.s32 $0x1800, s11;
	[dreg:$0x16] =	wrdreg s12  }
0x1d: {  	s17 =	sor.u32 $0xC0, s17;
	s0 =	sshrl.u32 s19, $0x3;
	[smem:$0x7FD] =	sst s29  }
0x1e: {  	s10 =	simm.s32 $0x200;
	s23 =	sshrl.u32 s22, $0x3;
	[dreg:$0xd] =	wrdreg s0  }
0x1f: {  	s20 =	simm.s32 $0x4;
	s13 =	sadd.s32 $0x6000, s21;
	[dreg:$0xe] =	wrdreg s23  }
0x20: {  	s14 =	simm.s32 $0x6;
	s19 =	sadd.s32 $0xA000, s21;
	[dreg:$0x17] =	wrdreg s13  }
0x21: {  	s3 =	sadd.s32 $0x138000, s1;
	s22 =	sadd.s32 $0xE000, s21;
	[dreg:$0x19] =	wrdreg s19  }
0x22: {  	s26 =	simm.s32 $0x3;
	s0 =	sshrl.u32 s24, $0x3;
	[dreg:$0x1b] =	wrdreg s22  }
0x23: {  	s12 =	simm.s32 $0x6300;
	s23 =	sadd.s32 $0x10000, s21;
	[dreg:$0xf] =	wrdreg s0  }
0x24: {  	s24 =	sadd.s32 $0x12000, s21;
	s13 =	simm.s32 $0x5;
	[dreg:$0x1c] =	wrdreg s23  }
0x25: {  	s22 =	simm.s32 $0x0;
	s0 =	sshrl.u32 s25, $0x3;
	[dreg:$0x1d] =	wrdreg s24  }
0x26: {  	s25 =	sadd.s32 $0x800, s11;
	s24 =	simm.s32 $0x300;
	[dreg:$0x10] =	wrdreg s0  }
0x27: {  	s0 =	sshrl.u32 @!p0 s3, $0x3;
	s3 =	sadd.s32 $0x2000, s11;
	[dreg:$0x1e] =	wrdreg s25  }
0x28: {  	s25 =	simm.s32 $0x9;
	s11 =	simm.s32 $0x4300;
	[dreg:$0x11] =	wrdreg s0  }
0x29: {  	v2 =	vimm.f32 $0.0e+00;
	v1 =	vmov s18;
	v0 =	vmov s9;
	[dreg:$0x14] =	wrdreg s3;
	s0 =	simm.s32 $0x280;
	s3 =	simm.s32 $0x2  }
.LBB2_1:
0x2a: {  	s9 =	simm.s32 $0x0;
	s18 =	simm.s32 $0x200  }
.LBB2_2:
0x2b: {  	p1 =	sne.s32 s18, $0x7E00;
	[tilespmem:s9+$0x370] =	vst v2  }
0x2c: {  	[tilespmem:s9+$0x300] =	vst v2  }
0x2d: {  	[tilespmem:s9+$0x310] =	vst v2  }
.Ltmp0:
0x2e: {  	[tilespmem:s9+$0x320] =	vst v2;
	(pc) =	sbr.rel @p1 .LBB2_2-.Ltmp0, $4  }
0x2f: {  	[tilespmem:s9+$0x330] =	vst v2  }
0x30: {  	[tilespmem:s9+$0x340] =	vst v2  }
0x31: {  	[tilespmem:s9+$0x350] =	vst v2  }
0x32: {  	[tilespmem:s9+$0x360] =	vst v2;
	s9 =	sshra.s32 s18, $0x2;
	s18 =	sadd.s32 $0x200, s18  }
0x33: {  	[tilespmem:s9+$0x370] =	vst v2  }
0x34: {  	[tilespmem:s9+$0x300] =	vst v2  }
0x35: {  	[tilespmem:s9+$0x310] =	vst v2  }
0x36: {  	[tilespmem:s9+$0x320] =	vst v2  }
0x37: {  	[tilespmem:s9+$0x330] =	vst v2  }
0x38: {  	[tilespmem:s9+$0x340] =	vst v2  }
0x39: {  	[tilespmem:s9+$0x350] =	vst v2  }
0x3a: {  	[tilespmem:s9+$0x360] =	vst v2;
	s29 =	rddreg [dreg:$0x3]  }
0x3b: {  	[spmem:s29] =	stream.linear.scatter [tilespmem:s24], [sflag:$0x9], $0x2000, $0x38;
	[tilespmem:$0x1C800] =	vst v63  }
0x3c: {  	_ =	swait.ge [sflag:s25], $0x2000  }
0x3d: {  	[sflag:s25] =	ssyncset.done $0x0  }
0x3e: {  	s18 =	rddreg [dreg:$0x15];
	[sflag:s25] =	ssyncadd.s32 $0xFFFFE000  }
0x3f: {  	[spmem:s18] =	stream.linear.scatter [tilespmem:s24], [sflag:$0x9], $0x2000, $0x38;
	[tilespmem:$0x1C800] =	vst v63  }
0x40: {  	_ =	swait.ge [sflag:s25], $0x2000  }
0x41: {  	[sflag:s25] =	ssyncset.done $0x0  }
0x42: {  	s19 =	rddreg [dreg:$0x16];
	[sflag:s25] =	ssyncadd.s32 $0xFFFFE000  }
0x43: {  	[spmem:s19] =	stream.linear.scatter [tilespmem:s24], [sflag:$0x9], $0x2000, $0x38;
	[tilespmem:$0x1C800] =	vst v63  }
0x44: {  	_ =	swait.ge [sflag:s25], $0x2000  }
0x45: {  	[sflag:s25] =	ssyncset.done $0x0  }
0x46: {  	s21 =	rddreg [dreg:$0x17];
	[sflag:s25] =	ssyncadd.s32 $0xFFFFE000  }
0x47: {  	[spmem:s21] =	stream.linear.scatter [tilespmem:s24], [sflag:$0x9], $0x2000, $0x38;
	[tilespmem:$0x1C800] =	vst v63  }
0x48: {  	_ =	swait.ge [sflag:s25], $0x2000  }
0x49: {  	[sflag:s25] =	ssyncset.done $0x0  }
0x4a: {  	s23 =	rddreg [dreg:$0x18];
	[sflag:s25] =	ssyncadd.s32 $0xFFFFE000  }
0x4b: {  	[spmem:s23] =	stream.linear.scatter [tilespmem:s24], [sflag:$0x9], $0x2000, $0x38;
	[tilespmem:$0x1C800] =	vst v63  }
0x4c: {  	_ =	swait.ge [sflag:s25], $0x2000  }
0x4d: {  	[sflag:s25] =	ssyncset.done $0x0  }
0x4e: {  	s29 =	rddreg [dreg:$0x19];
	[sflag:s25] =	ssyncadd.s32 $0xFFFFE000  }
0x4f: {  	[spmem:s29] =	stream.linear.scatter [tilespmem:s24], [sflag:$0x9], $0x2000, $0x38;
	[tilespmem:$0x1C800] =	vst v63  }
0x50: {  	_ =	swait.ge [sflag:s25], $0x2000  }
0x51: {  	[sflag:s25] =	ssyncset.done $0x0  }
0x52: {  	s18 =	rddreg [dreg:$0x1a];
	[sflag:s25] =	ssyncadd.s32 $0xFFFFE000  }
0x53: {  	[spmem:s18] =	stream.linear.scatter [tilespmem:s24], [sflag:$0x9], $0x2000, $0x38;
	[tilespmem:$0x1C800] =	vst v63  }
0x54: {  	_ =	swait.ge [sflag:s25], $0x2000  }
0x55: {  	[sflag:s25] =	ssyncset.done $0x0  }
0x56: {  	s19 =	rddreg [dreg:$0x1b];
	[sflag:s25] =	ssyncadd.s32 $0xFFFFE000  }
0x57: {  	[spmem:s19] =	stream.linear.scatter [tilespmem:s24], [sflag:$0x9], $0x2000, $0x38;
	[tilespmem:$0x1C800] =	vst v63  }
0x58: {  	_ =	swait.ge [sflag:s25], $0x2000  }
0x59: {  	[sflag:s25] =	ssyncset.done $0x0  }
0x5a: {  	s21 =	rddreg [dreg:$0x1c];
	[sflag:s25] =	ssyncadd.s32 $0xFFFFE000  }
0x5b: {  	[spmem:s21] =	stream.linear.scatter [tilespmem:s24], [sflag:$0x9], $0x2000, $0x38;
	[tilespmem:$0x1C800] =	vst v63  }
0x5c: {  	_ =	swait.ge [sflag:s25], $0x2000  }
0x5d: {  	[sflag:s25] =	ssyncset.done $0x0  }
0x5e: {  	s23 =	rddreg [dreg:$0x1d];
	[sflag:s25] =	ssyncadd.s32 $0xFFFFE000  }
0x5f: {  	[spmem:s23] =	stream.linear.scatter [tilespmem:s24], [sflag:$0x9], $0x2000, $0x38;
	[tilespmem:$0x1C800] =	vst v63  }
0x60: {  	_ =	swait.ge [sflag:s25], $0x2000  }
0x61: {  	[sflag:s25] =	ssyncset.done $0x0  }
0x62: {  	s29 =	rddreg [dreg:$0x12];
	[sflag:s25] =	ssyncadd.s32 $0xFFFFE000  }
0x63: {  	[spmem:s29] =	stream.linear.scatter [tilespmem:s24], [sflag:$0x9], $0x400, $0x38;
	[tilespmem:$0x1C800] =	vst v63  }
0x64: {  	_ =	swait.ge [sflag:s25], $0x400  }
0x65: {  	[sflag:s25] =	ssyncset.done $0x0  }
0x66: {  	s9 =	simm.s32 @!p0 $0x300;
	s18 =	rddreg [dreg:$0x13];
	[sflag:s25] =	ssyncadd.s32 $0xFFFFFC00  }
0x67: {  	[spmem:s18] =	stream.linear.scatter @!p0 [tilespmem:s9], [sflag:$0x9], $0x1000, $0x38;
	[tilespmem:$0x1C800] =	vst v63  }
0x68: {  	s9 =	simm.s32 @!p0 $0x9  }
0x69: {  	_ =	swait.ge @!p0 [sflag:s9], $0x1000  }
0x6a: {  	[sflag:s9] =	ssyncset.done @!p0 $0x0  }
0x6b: {  	[sflag:s9] =	ssyncadd.s32 @!p0 $0xFFFFF000  }
0x6c: {  	[bflag:$0x0] =	sbarrier.arrive $0xFFFF  }
0x6d: {  	s23 =	simm.s32 $0x0;
	s18 =	rddreg [dreg:$0x4]  }
0x6e: {  	[tilespmem:s23], [sflag:$0x1] =	stream.linear.gather [hbm4b:s18+s23], $0x40, $0x38;
	[tilespmem:$0x1C800] =	vst v63  }
0x6f: {  	s19 =	rddreg [dreg:$0x5];
	s18 =	simm.s32 $0x100  }
0x70: {  	[tilespmem:s18], [sflag:$0x1] =	stream.linear.gather [hbm4b:s19+s23], $0x40, $0x38;
	[tilespmem:$0x1C800] =	vst v63  }
0x71: {  	s29 =	simm.s32 $0x1;
	s21 =	rddreg [dreg:$0x6]  }
0x72: {  	[tilespmem:s28], [sflag:$0x3] =	stream.linear.gather [hbm4b:s21+s23], $0x40, $0x38;
	[tilespmem:$0x1C800] =	vst v63  }
0x73: {  	_ =	swait.ge [sflag:s29], $0x40  }
0x74: {  	[sflag:s29] =	ssyncset.done $0x0  }
0x75: {  	[sflag:s29] =	ssyncadd.s32 $0xFFFFFFC0  }
0x76: {  	_ =	swait.ge [sflag:s29], $0x40  }
0x77: {  	[sflag:s29] =	ssyncset.done $0x0  }
0x78: {  	[sflag:s29] =	ssyncadd.s32 $0xFFFFFFC0  }
0x79: {  	v3 =	vld [tilespmem:$0x0]  }
0x7a: {  	v4 =	vld [tilespmem:$0x100]  }
0x7b: {  	v5 =	vld [tilespmem:$0x10]  }
0x7c: {  	v6 =	vld [tilespmem:$0x110]  }
0x7d: {  	v7 =	vld [tilespmem:$0x20]  }
0x7e: {  	v8 =	vld [tilespmem:$0x120];
	v3 =	vadd.s32 v0, v3  }
0x7f: {  	v62 =	vld [tilespmem:$0x30];
	[tilespmem:$0x0] =	vst v3;
	v3 =	vadd.s32 v1, v4  }
0x80: {  	v63 =	vld [tilespmem:$0x130];
	[tilespmem:$0x100] =	vst v3;
	v3 =	vadd.s32 v0, v5  }
0x81: {  	[tilespmem:$0x10] =	vst v3;
	v3 =	vadd.s32 v1, v6  }
0x82: {  	[tilespmem:$0x110] =	vst v3;
	v3 =	vadd.s32 v0, v7  }
0x83: {  	[tilespmem:$0x20] =	vst v3;
	v3 =	vadd.s32 v1, v8  }
0x84: {  	[tilespmem:$0x120] =	vst v3;
	v3 =	vadd.s32 v0, v62  }
0x85: {  	[tilespmem:$0x30] =	vst v3;
	v3 =	vadd.s32 v1, v63  }
0x86: {  	[tilespmem:$0x130] =	vst v3  }
0x87: {  	[tilespmem:s24], [sflag:$0x5] =	stream.indirect.gather [hbm4b:s4+s30], $0x80, s23, s30, $0xb8;
	[tilespmem:$0x1C800] =	vst v63  }
0x88: {  	s19 =	simm.s32 $0x2300  }
0x89: {  	[tilespmem:s19], [sflag:$0x5] =	stream.indirect.gather [hbm4b:s8+s30], $0x80, s18, s30, $0xb8;
	[tilespmem:$0x1C800] =	vst v63  }
0x8a: {  	s21 =	rddreg [dreg:$0x7]  }
0x8b: {  	[tilespmem:s31], [sflag:$0x2] =	stream.linear.gather [hbm4b:s21+s23], $0x40, $0x38;
	[tilespmem:$0x1C800] =	vst v63  }
0x8c: {  	s29 =	rddreg [dreg:$0x8]  }
0x8d: {  	[tilespmem:s0], [sflag:$0x2] =	stream.linear.gather [hbm4b:s29+s23], $0x40, $0x38;
	[tilespmem:$0x1C800] =	vst v63  }
.LBB2_4:
0x8e: {  	_ =	swait.ge [sflag:s3], $0x40  }
0x8f: {  	[sflag:s3] =	ssyncset.done $0x0  }
0x90: {  	[sflag:s3] =	ssyncadd.s32 $0xFFFFFFC0  }
0x91: {  	_ =	swait.ge [sflag:s3], $0x40  }
0x92: {  	[sflag:s3] =	ssyncset.done $0x0  }
0x93: {  	[sflag:s3] =	ssyncadd.s32 $0xFFFFFFC0  }
0x94: {  	v3 =	vld [tilespmem:$0x180]  }
0x95: {  	v4 =	vld [tilespmem:$0x280]  }
0x96: {  	v5 =	vld [tilespmem:$0x190]  }
0x97: {  	v6 =	vld [tilespmem:$0x290]  }
0x98: {  	v7 =	vld [tilespmem:$0x1A0]  }
0x99: {  	v8 =	vld [tilespmem:$0x2A0];
	v3 =	vadd.s32 v0, v3  }
0x9a: {  	[tilespmem:$0x180] =	vst v3;
	v3 =	vadd.s32 v1, v4;
	v4 =	vld [tilespmem:$0x1B0]  }
0x9b: {  	[tilespmem:$0x280] =	vst v3;
	v3 =	vadd.s32 v0, v5;
	v5 =	vld [tilespmem:$0x2B0]  }
0x9c: {  	[tilespmem:$0x190] =	vst v3;
	v3 =	vadd.s32 v1, v6  }
0x9d: {  	[tilespmem:$0x290] =	vst v3;
	v3 =	vadd.s32 v0, v7  }
0x9e: {  	[tilespmem:$0x1A0] =	vst v3;
	v3 =	vadd.s32 v1, v8  }
0x9f: {  	[tilespmem:$0x2A0] =	vst v3;
	v3 =	vadd.s32 v0, v4  }
0xa0: {  	p1 =	seq.s32 s23, $0x0;
	[tilespmem:$0x1B0] =	vst v3;
	v3 =	vadd.s32 v1, v5  }
0xa1: {  	s18 =	sshll.u32 s23, $0x7;
	s9 =	simm.s32 @!p1 $0x8;
	[tilespmem:$0x2B0] =	vst v3  }
0xa2: {  	s19 =	sadd.s32 s18, s15;
	_ =	swait.ge @!p1 [sflag:s9], $0x2000  }
0xa3: {  	s19 =	sshrl.u32 s19, $0x3;
	[sflag:s9] =	ssyncset.done @!p1 $0x0  }
0xa4: {  	s29 =	sadd.s32 s6, s19;
	[sflag:s9] =	ssyncadd.s32 @!p1 $0xFFFFE000  }
0xa5: {  	[tilespmem:s10], [sflag:$0x4] =	stream.linear.gather [hbm4b:s29+s2], $0x40, $0x38;
	[tilespmem:$0x1C800] =	vst v63  }
0xa6: {  	_ = 	snop  }
0xa7: {  	[tilespmem:s11], [sflag:$0x6] =	stream.indirect.gather [hbm4b:s4+s30], $0x80, s31, s30, $0xb8;
	[tilespmem:$0x1C800] =	vst v63  }
0xa8: {  	_ = 	snop  }
0xa9: {  	[tilespmem:s12], [sflag:$0x6] =	stream.indirect.gather [hbm4b:s8+s30], $0x80, s0, s30, $0xb8;
	[tilespmem:$0x1C800] =	vst v63  }
0xaa: {  	_ =	swait.ge [sflag:s13], $0x2000  }
0xab: {  	[sflag:s13] =	ssyncset.done $0x0  }
0xac: {  	p1 =	seq.s32 s23, $0x4F;
	[sflag:s13] =	ssyncadd.s32 $0xFFFFE000  }
0xad: {  	s9 =	sadd.s32 @!p1 s18, s16;
	_ =	swait.ge [sflag:s13], $0x2000  }
0xae: {  	s19 =	sshrl.u32 @!p1 s9, $0x3;
	[sflag:s13] =	ssyncset.done $0x0  }
0xaf: {  	s21 =	simm.s32 @!p1 $0x0;
	s9 =	sadd.s32 @!p1 s5, s19;
	[sflag:s13] =	ssyncadd.s32 $0xFFFFE000  }
0xb0: {  	[tilespmem:s21], [sflag:$0x1] =	stream.linear.gather @!p1 [hbm4b:s9+s21], $0x40, $0x38;
	[tilespmem:$0x1C800] =	vst v63  }
0xb1: {  	s29 =	simm.s32 @!p1 $0x100;
	s9 =	sadd.s32 @!p1 s7, s19  }
0xb2: {  	[tilespmem:s29], [sflag:$0x1] =	stream.linear.gather @!p1 [hbm4b:s9+s21], $0x40, $0x38;
	[tilespmem:$0x1C800] =	vst v63  }
0xb3: {  	s9 =	simm.s32 $0x0  }
0xb4: {  	v10 =	vld [tilespmem:s9+$0x2300]  }
0xb5: {  	v14 =	vld [tilespmem:s9+$0x2310]  }
0xb6: {  	v8 =	vld [tilespmem:s9+$0x2320]  }
0xb7: {  	v7 =	vld [tilespmem:s9+$0x2330]  }
0xb8: {  	v6 =	vld [tilespmem:s9+$0x2340]  }
0xb9: {  	v5 =	vld [tilespmem:s9+$0x2350]  }
0xba: {  	v4 =	vld [tilespmem:s9+$0x2360]  }
0xbb: {  	v3 =	vld [tilespmem:s9+$0x2370]  }
0xbc: {  	v15 =	vld [tilespmem:s9+$0x300]  }
0xbd: {  	v16 =	vld [tilespmem:s9+$0x310]  }
0xbe: {  	v13 =	vld [tilespmem:s9+$0x320]  }
0xbf: {  	v12 =	vld [tilespmem:s9+$0x330]  }
0xc0: {  	v11 =	vld [tilespmem:s9+$0x340]  }
0xc1: {  	v9 =	vld [tilespmem:s9+$0x350];
	v15 =	vmul.f32 v10, v15  }
0xc2: {  	s21 =	simm.s32 $0x200;
	v14 =	vmul.f32 v14, v16;
	v10 =	vld [tilespmem:s9+$0x360]  }
.LBB2_5:
0xc3: {  	s29 =	sshra.s32 s21, $0x2;
	p2 =	sne.s32 s21, $0x7E00;
	[tilespmem:s9+$0x300] =	vst v15;
	v8 =	vmul.f32 v8, v13;
	v13 =	vld [tilespmem:s9+$0x370]  }
0xc4: {  	v15 =	vld [tilespmem:s29+$0x2300];
	[tilespmem:s9+$0x310] =	vst v14;
	v7 =	vmul.f32 v7, v12  }
0xc5: {  	v14 =	vld [tilespmem:s29+$0x2310];
	[tilespmem:s9+$0x320] =	vst v8;
	v6 =	vmul.f32 v6, v11  }
0xc6: {  	v8 =	vld [tilespmem:s29+$0x2320];
	[tilespmem:s9+$0x330] =	vst v7;
	v5 =	vmul.f32 v5, v9  }
0xc7: {  	v7 =	vld [tilespmem:s29+$0x2330];
	[tilespmem:s9+$0x340] =	vst v6;
	v4 =	vmul.f32 v4, v10  }
0xc8: {  	v6 =	vld [tilespmem:s29+$0x2340];
	[tilespmem:s9+$0x350] =	vst v5;
	v3 =	vmul.f32 v3, v13  }
0xc9: {  	v5 =	vld [tilespmem:s29+$0x2350];
	[tilespmem:s9+$0x360] =	vst v4  }
0xca: {  	v4 =	vld [tilespmem:s29+$0x2360];
	[tilespmem:s9+$0x370] =	vst v3;
	s9 =	smov.u32 s29  }
0xcb: {  	v3 =	vld [tilespmem:s9+$0x2370]  }
0xcc: {  	v9 =	vld [tilespmem:s9+$0x300]  }
0xcd: {  	v10 =	vld [tilespmem:s9+$0x310]  }
.Ltmp1:
0xce: {  	v13 =	vld [tilespmem:s9+$0x320];
	(pc) =	sbr.rel @p2 .LBB2_5-.Ltmp1, $4  }
0xcf: {  	v12 =	vld [tilespmem:s9+$0x330]  }
0xd0: {  	v11 =	vld [tilespmem:s9+$0x340]  }
0xd1: {  	v15 =	vmul.f32 v15, v9;
	v9 =	vld [tilespmem:s9+$0x350]  }
0xd2: {  	s21 =	sadd.s32 $0x200, s21;
	v14 =	vmul.f32 v14, v10;
	v10 =	vld [tilespmem:s9+$0x360]  }
0xd3: {  	[tilespmem:s9+$0x300] =	vst v15;
	v8 =	vmul.f32 v8, v13;
	v13 =	vld [tilespmem:s9+$0x370]  }
0xd4: {  	[tilespmem:s9+$0x310] =	vst v14;
	v7 =	vmul.f32 v7, v12  }
0xd5: {  	[tilespmem:s9+$0x320] =	vst v8;
	v6 =	vmul.f32 v6, v11  }
0xd6: {  	[tilespmem:s9+$0x330] =	vst v7;
	v5 =	vmul.f32 v5, v9  }
0xd7: {  	[tilespmem:s9+$0x340] =	vst v6;
	v4 =	vmul.f32 v4, v10  }
0xd8: {  	[tilespmem:s9+$0x350] =	vst v5;
	v3 =	vmul.f32 v3, v13  }
0xd9: {  	[tilespmem:s9+$0x360] =	vst v4  }
0xda: {  	[tilespmem:s9+$0x370] =	vst v3  }
0xdb: {  	_ =	swait.ge [sflag:s26], $0x40  }
0xdc: {  	[sflag:s26] =	ssyncset.done $0x0  }
0xdd: {  	s9 =	simm.s32 @p1 $0x7;
	[sflag:s26] =	ssyncadd.s32 $0xFFFFFFC0  }
0xde: {  	[spmem:s1] =	stream.indirect.scatter.add.f32 [tilespmem:s24], [sflag:$0x7], $0x80, s28, s30, $0xb8;
	[tilespmem:$0x1C800] =	vst v63  }
0xdf: {  	_ =	swait.ge @p1 [sflag:s9], $0x2000  }
0xe0: {  	[sflag:s9] =	ssyncset.done @p1 $0x0  }
0xe1: {  	[sflag:s9] =	ssyncadd.s32 @p1 $0xFFFFE000;
	s9 =	simm.s32 @!p1 $0x1  }
0xe2: {  	_ =	swait.ge @!p1 [sflag:s9], $0x40  }
0xe3: {  	[sflag:s9] =	ssyncset.done @!p1 $0x0  }
0xe4: {  	[sflag:s9] =	ssyncadd.s32 @!p1 $0xFFFFFFC0  }
0xe5: {  	_ =	swait.ge @!p1 [sflag:s9], $0x40  }
0xe6: {  	[sflag:s9] =	ssyncset.done @!p1 $0x0  }
0xe7: {  	[sflag:s9] =	ssyncadd.s32 @!p1 $0xFFFFFFC0  }
0xe8: {  	v3 =	vld @!p1 [tilespmem:$0x0]  }
0xe9: {  	v4 =	vld @!p1 [tilespmem:$0x100]  }
0xea: {  	v5 =	vld @!p1 [tilespmem:$0x10]  }
0xeb: {  	v6 =	vld @!p1 [tilespmem:$0x110]  }
0xec: {  	v7 =	vld @!p1 [tilespmem:$0x20]  }
0xed: {  	v8 =	vld @!p1 [tilespmem:$0x120];
	v3 =	vadd.s32 @!p1 v0, v3  }
0xee: {  	[tilespmem:$0x0] =	vst @!p1 v3;
	v3 =	vadd.s32 @!p1 v1, v4;
	v4 =	vld @!p1 [tilespmem:$0x30]  }
0xef: {  	[tilespmem:$0x100] =	vst @!p1 v3;
	v3 =	vadd.s32 @!p1 v0, v5;
	v5 =	vld @!p1 [tilespmem:$0x130]  }
0xf0: {  	[tilespmem:$0x10] =	vst @!p1 v3;
	v3 =	vadd.s32 @!p1 v1, v6  }
0xf1: {  	[tilespmem:$0x110] =	vst @!p1 v3;
	v3 =	vadd.s32 @!p1 v0, v7  }
0xf2: {  	[tilespmem:$0x20] =	vst @!p1 v3;
	v3 =	vadd.s32 @!p1 v1, v8  }
0xf3: {  	[tilespmem:$0x120] =	vst @!p1 v3;
	v3 =	vadd.s32 @!p1 v0, v4  }
0xf4: {  	[tilespmem:$0x30] =	vst @!p1 v3;
	v3 =	vadd.s32 @!p1 v1, v5  }
0xf5: {  	s9 =	simm.s32 @!p1 $0x7;
	[tilespmem:$0x130] =	vst @!p1 v3  }
0xf6: {  	_ =	swait.ge @!p1 [sflag:s9], $0x2000  }
0xf7: {  	s21 =	simm.s32 @!p1 $0x80;
	[sflag:s9] =	ssyncset.done @!p1 $0x0  }
0xf8: {  	[sflag:s9] =	ssyncadd.s32 @!p1 $0xFFFFE000;
	s9 =	sadd.s32 @!p1 s6, s19;
	s19 =	simm.s32 @!p1 $0x0  }
0xf9: {  	[tilespmem:s21], [sflag:$0x3] =	stream.linear.gather @!p1 [hbm4b:s9+s19], $0x40, $0x38;
	[tilespmem:$0x1C800] =	vst v63  }
0xfa: {  	s9 =	simm.s32 @!p1 $0x40;
	s21 =	simm.s32 @!p1 $0x300  }
0xfb: {  	[tilespmem:s21], [sflag:$0x5] =	stream.indirect.gather @!p1 [hbm4b:s4+s9], $0x80, s19, s9, $0xb8;
	[tilespmem:$0x1C800] =	vst v63  }
0xfc: {  	s29 =	simm.s32 @!p1 $0x2300;
	s21 =	simm.s32 @!p1 $0x100  }
0xfd: {  	[tilespmem:s29], [sflag:$0x5] =	stream.indirect.gather @!p1 [hbm4b:s8+s9], $0x80, s21, s9, $0xb8;
	[tilespmem:$0x1C800] =	vst v63  }
0xfe: {  	_ =	swait.ge [sflag:s14], $0x2000  }
0xff: {  	[sflag:s14] =	ssyncset.done $0x0  }
0x100: {  	[sflag:s14] =	ssyncadd.s32 $0xFFFFE000  }
0x101: {  	s9 =	sadd.s32 @!p1 s18, s17;
	_ =	swait.ge [sflag:s14], $0x2000  }
0x102: {  	s9 =	sshrl.u32 @!p1 s9, $0x3;
	[sflag:s14] =	ssyncset.done $0x0  }
0x103: {  	s21 =	simm.s32 @!p1 $0x180;
	s18 =	sadd.s32 @!p1 s5, s9;
	[sflag:s14] =	ssyncadd.s32 $0xFFFFE000  }
0x104: {  	[tilespmem:s21], [sflag:$0x2] =	stream.linear.gather @!p1 [hbm4b:s18+s19], $0x40, $0x38;
	[tilespmem:$0x1C800] =	vst v63  }
0x105: {  	s9 =	sadd.s32 @!p1 s7, s9;
	s18 =	simm.s32 @!p1 $0x280  }
0x106: {  	[tilespmem:s18], [sflag:$0x2] =	stream.linear.gather @!p1 [hbm4b:s9+s19], $0x40, $0x38;
	[tilespmem:$0x1C800] =	vst v63  }
0x107: {  	s9 =	simm.s32 $0x0  }
0x108: {  	v10 =	vld [tilespmem:s9+$0x6300]  }
0x109: {  	v14 =	vld [tilespmem:s9+$0x6310]  }
0x10a: {  	v8 =	vld [tilespmem:s9+$0x6320]  }
0x10b: {  	v7 =	vld [tilespmem:s9+$0x6330]  }
0x10c: {  	v6 =	vld [tilespmem:s9+$0x6340]  }
0x10d: {  	v5 =	vld [tilespmem:s9+$0x6350]  }
0x10e: {  	v4 =	vld [tilespmem:s9+$0x6360]  }
0x10f: {  	v3 =	vld [tilespmem:s9+$0x6370]  }
0x110: {  	v15 =	vld [tilespmem:s9+$0x4300]  }
0x111: {  	v16 =	vld [tilespmem:s9+$0x4310]  }
0x112: {  	v13 =	vld [tilespmem:s9+$0x4320]  }
0x113: {  	v12 =	vld [tilespmem:s9+$0x4330]  }
0x114: {  	v11 =	vld [tilespmem:s9+$0x4340]  }
0x115: {  	v9 =	vld [tilespmem:s9+$0x4350];
	v15 =	vmul.f32 v10, v15  }
0x116: {  	s18 =	simm.s32 $0x200;
	v14 =	vmul.f32 v14, v16;
	v10 =	vld [tilespmem:s9+$0x4360]  }
.LBB2_7:
0x117: {  	s19 =	sshra.s32 s18, $0x2;
	p1 =	sne.s32 s18, $0x7E00;
	[tilespmem:s9+$0x4300] =	vst v15;
	v8 =	vmul.f32 v8, v13;
	v13 =	vld [tilespmem:s9+$0x4370]  }
0x118: {  	v15 =	vld [tilespmem:s19+$0x6300];
	[tilespmem:s9+$0x4310] =	vst v14;
	v7 =	vmul.f32 v7, v12  }
0x119: {  	v14 =	vld [tilespmem:s19+$0x6310];
	[tilespmem:s9+$0x4320] =	vst v8;
	v6 =	vmul.f32 v6, v11  }
0x11a: {  	v8 =	vld [tilespmem:s19+$0x6320];
	[tilespmem:s9+$0x4330] =	vst v7;
	v5 =	vmul.f32 v5, v9  }
0x11b: {  	v7 =	vld [tilespmem:s19+$0x6330];
	[tilespmem:s9+$0x4340] =	vst v6;
	v4 =	vmul.f32 v4, v10  }
0x11c: {  	v6 =	vld [tilespmem:s19+$0x6340];
	[tilespmem:s9+$0x4350] =	vst v5;
	v3 =	vmul.f32 v3, v13  }
0x11d: {  	v5 =	vld [tilespmem:s19+$0x6350];
	[tilespmem:s9+$0x4360] =	vst v4  }
0x11e: {  	v4 =	vld [tilespmem:s19+$0x6360];
	[tilespmem:s9+$0x4370] =	vst v3;
	s9 =	smov.u32 s19  }
0x11f: {  	v3 =	vld [tilespmem:s9+$0x6370]  }
0x120: {  	v9 =	vld [tilespmem:s9+$0x4300]  }
0x121: {  	v10 =	vld [tilespmem:s9+$0x4310]  }
.Ltmp2:
0x122: {  	v13 =	vld [tilespmem:s9+$0x4320];
	(pc) =	sbr.rel @p1 .LBB2_7-.Ltmp2, $4  }
0x123: {  	v12 =	vld [tilespmem:s9+$0x4330]  }
0x124: {  	v11 =	vld [tilespmem:s9+$0x4340]  }
0x125: {  	v15 =	vmul.f32 v15, v9;
	v9 =	vld [tilespmem:s9+$0x4350]  }
0x126: {  	s18 =	sadd.s32 $0x200, s18;
	v14 =	vmul.f32 v14, v10;
	v10 =	vld [tilespmem:s9+$0x4360]  }
0x127: {  	[tilespmem:s9+$0x4300] =	vst v15;
	v8 =	vmul.f32 v8, v13;
	v63 =	vld [tilespmem:s9+$0x4370]  }
0x128: {  	[tilespmem:s9+$0x4310] =	vst v14;
	v7 =	vmul.f32 v7, v12  }
0x129: {  	[tilespmem:s9+$0x4320] =	vst v8;
	v6 =	vmul.f32 v6, v11  }
0x12a: {  	[tilespmem:s9+$0x4330] =	vst v7;
	v5 =	vmul.f32 v5, v9  }
0x12b: {  	[tilespmem:s9+$0x4340] =	vst v6;
	v4 =	vmul.f32 v4, v10  }
0x12c: {  	s23 =	sadd.s32 $0x1, s23;
	[tilespmem:s9+$0x4350] =	vst v5;
	v3 =	vmul.f32 v3, v63  }
0x12d: {  	p1 =	sne.s32 s23, $0x50;
	[tilespmem:s9+$0x4360] =	vst v4  }
.Ltmp3:
0x12e: {  	[tilespmem:s9+$0x4370] =	vst v3;
	(pc) =	sbr.rel @p1 .LBB2_4-.Ltmp3, $4  }
0x12f: {  	_ =	swait.ge [sflag:s20], $0x40  }
0x130: {  	[sflag:s20] =	ssyncset.done $0x0  }
0x131: {  	[sflag:s20] =	ssyncadd.s32 $0xFFFFFFC0  }
0x132: {  	[spmem:s1] =	stream.indirect.scatter.add.f32 [tilespmem:s11], [sflag:$0x8], $0x80, s10, s30, $0xb8;
	[tilespmem:$0x1C800] =	vst v63  }
0x133: {  	s9 =	simm.s32 $0x8  }
0x134: {  	_ =	swait.ge [sflag:s9], $0x2000  }
0x135: {  	[sflag:s9] =	ssyncset.done $0x0  }
0x136: {  	[sflag:s9] =	ssyncadd.s32 $0xFFFFE000  }
0x137: {  	s21 =	stileid.u32;
	[bflag:$0x0] =	sbarrier.arrive $0xFFFF  }
0x138: {  	s9 =	sshll.u32 s21, $0x6;
	s18 =	rddreg [dreg:$0x9]  }
0x139: {  	s9 =	sor.u32 $0x1C09, s9;
	s19 =	rddreg [dreg:$0xa];
	s18 =	sshrl.u32 s18, $0x3  }
0x13a: {  	[hbm:s19], [sflag:s9] =	dma.local [spmem:s18], $0x800  }
0x13b: {  	_ =	swait.ge [sflag:s25], $0x800  }
0x13c: {  	[sflag:s25] =	ssyncset.done $0x0;
	s23 =	rddreg [dreg:$0xd]  }
0x13d: {  	s29 =	rddreg [dreg:$0x1e];
	[sflag:s25] =	ssyncadd.s32 $0xFFFFF800  }
0x13e: {  	[hbm:s29], [sflag:s9] =	dma.local [spmem:s23], $0x800  }
0x13f: {  	_ =	swait.ge [sflag:s25], $0x800  }
0x140: {  	[sflag:s25] =	ssyncset.done $0x0;
	s19 =	rddreg [dreg:$0xe]  }
0x141: {  	s21 =	rddreg [dreg:$0x1f];
	[sflag:s25] =	ssyncadd.s32 $0xFFFFF800  }
0x142: {  	[hbm:s21], [sflag:s9] =	dma.local [spmem:s19], $0x800  }
0x143: {  	_ =	swait.ge [sflag:s25], $0x800  }
0x144: {  	s29 =	sld [smem:$0x7FD]  }
0x145: {  	[sflag:s25] =	ssyncset.done $0x0  }
0x146: {  	s23 =	rddreg [dreg:$0xf];
	[sflag:s25] =	ssyncadd.s32 $0xFFFFF800  }
0x147: {  	[hbm:s29], [sflag:s9] =	dma.local [spmem:s23], $0x800  }
0x148: {  	_ =	swait.ge [sflag:s25], $0x800  }
0x149: {  	[sflag:s25] =	ssyncset.done $0x0;
	s21 =	rddreg [dreg:$0x10]  }
0x14a: {  	s23 =	rddreg [dreg:$0x14];
	[sflag:s25] =	ssyncadd.s32 $0xFFFFF800  }
0x14b: {  	[hbm:s23], [sflag:s9] =	dma.local [spmem:s21], $0x700  }
0x14c: {  	_ =	swait.ge [sflag:s25], $0x700  }
0x14d: {  	[sflag:s25] =	ssyncset.done $0x0;
	s18 =	rddreg [dreg:$0xb]  }
0x14e: {  	s19 =	rddreg [dreg:$0x11];
	[sflag:s25] =	ssyncadd.s32 $0xFFFFF900  }
0x14f: {  	[hbm:s18], [sflag:s9] =	dma.local @!p0 [spmem:s19], $0x100  }
0x150: {  	s9 =	simm.s32 @!p0 $0x9  }
0x151: {  	_ =	swait.ge @!p0 [sflag:s9], $0x100  }
0x152: {  	s22 =	sadd.s32 $0x1, s22;
	s29 =	rddreg [dreg:$0xc]  }
0x153: {  	p1 =	sne.s32 s22, s29  }
.Ltmp4:
0x154: {  	_ = 	snop;
	(pc) =	sbr.rel @p1 .LBB2_1-.Ltmp4, $3  }
0x155: {  	_ =	sdelay $0x1  }
0x156: {  	[sflag:s9] =	ssyncset.done @!p0 $0x0  }
0x157: {  	[sflag:s9] =	ssyncadd.s32 @!p0 $0xFFFFFF00  }
0x158: {  	_ =	sfence.sel $0x180000  }
0x159: {  	[bflag:$0x0] =	sbarrier.arrive $0xFFFF  }
0x15a: {  	_ =	strace $0x90000050  }
0x15b: {  	s0 =	stileid.u32;
	[bflag:$0x2] =	sbarrier.arrive $0xFFFF  }
0x15c: {  	p0 =	sne.s32 s0, $0x0;
	s0 =	rddreg [dreg:$0x2]  }
0x15d: {  	s0 =	sadd.s32 @!p0 $0x100000, s0  }
0x15e: {  	[sflag:s0] =	ssyncadd.tile.s32 @!p0 $0x1;
	_ =	shalt  }
.Lfunc_end2:
_tile_overlayer_lowered:
.L_overlay_start_2:
0x15f: {  	(tag) =	ssettag $0x2  }
0x160: {  	s0 =	rddreg [dreg:$0x0];
	s2 =	stileid.u32  }
0x161: {  	s1 =	rddreg [dreg:$0x1];
	p0 =	sne.s32 s2, $0x0  }
0x162: {  	s3 =	rddreg [dreg:$0x2];
	[bflag:$0x3] =	sbarrier.arrive $0xFFFF;
	s2 =	simm.s32 @!p0 $0x1C09  }
0x163: {  	[timem:s3], [sflag:s2] =	dma.local @!p0 [hbm:s0], s1  }
0x164: {  	s0 =	simm.s32 @!p0 $0x9  }
0x165: {  	_ =	swait.ge @!p0 [sflag:s0], s1  }
0x166: {  	s1 =	ssub.s32 @!p0 $0x0, s1;
	[sflag:s0] =	ssyncset.done @!p0 $0x0  }
0x167: {  	[sflag:s0] =	ssyncadd.s32 @!p0 s1  }
0x168: {  	[bflag:$0x3] =	sbarrier.arrive $0xFFFF  }
0x169: {  	_ =	shalt  }

// kernel: kernel.9.cloned.1.call-start
scs
__scs_entry_jumppad:
0x0: {  	(pc) =	sbr.rel $0x88, $3  }
0x1: {  	(tag) =	ssettag $0x0;
	lr =	simm.s32 $0x1  }
0x2: {  	[smem:$0x3F98] =	sst lr;
	_ =	strace $0xD0000000  }
0x3: {  	_ = 	snop  }
0x4: {  	_ = 	snop  }
0x5: {  	_ = 	snop  }
0x6: {  	_ = 	snop  }
0x7: {  	_ = 	snop  }
__scs_overlays_trampoline_lowered:
0x8: {  	[smem:$0x3FA7] =	sst s0  }
0x9: {  	[smem:$0x3FA8] =	sst s1  }
0xa: {  	[smem:$0x3FA9] =	sst s2  }
0xb: {  	[smem:$0x3FAA] =	sst s3  }
0xc: {  	[smem:$0x3FAB] =	sst s4  }
0xd: {  	[smem:$0x3FAC] =	sst s5  }
0xe: {  	[smem:$0x3FAD] =	sst s6  }
0xf: {  	[smem:$0x3FAE] =	sst s7  }
0x10: {  	[smem:$0x3FAF] =	sst s8  }
0x11: {  	[smem:$0x3FB0] =	sst s9;
	s0 =	simm.s32 @!p0 $0x0  }
0x12: {  	s1 =	sld [smem:$0x3F96];
	s0 =	simm.s32 @p0 $0x1  }
0x13: {  	[smem:$0x3FB1] =	sst s0;
	s0 =	simm.s32 @!p1 $0x0  }
0x14: {  	s2 =	sld [smem:$0x3F95];
	s0 =	simm.s32 @p1 $0x1  }
0x15: {  	[smem:$0x3FB2] =	sst s0;
	s0 =	simm.s32 @!p2 $0x0  }
0x16: {  	s3 =	sld [smem:$0x3FDB];
	s0 =	simm.s32 @p2 $0x1  }
0x17: {  	s4 =	simm.s32 $0x1BF5;
	[smem:$0x3FB4] =	sst s0  }
0x18: {  	s0 =	sld [smem:$0x3F97];
	_ =	swait.ge [sflag:s4], $0x0  }
0x19: {  	s7 =	sld [smem:$0x3F98]  }
0x1a: {  	s8 =	sadd.s32 $0xFFFFE003, lr  }
0x1b: {  	s9 =	sadd.s32 $0xFFFFFEF7, lr;
	s5 =	simm.s32 $0xFFFFFFFF;
	p2 =	slt.u32 s8, $0xFFFFF086  }
0x1c: {  	p1 =	slt.u32 s9, $0xF7A;
	s5 =	simm.s32 @!p2 $0x0  }
0x1d: {  	s5 =	simm.s32 @p1 $0x1;
	p0 =	seq.s32 s7, s2  }
0x1e: {  	s7 =	smul.u32 @!p0 $0xF7A, s2;
	p2 =	seq.s32 @!p0 s5, $0x0  }
0x1f: {  	s9 =	smul.u32 $0xF7A, s1;
	s8 =	simm.s32 @!p0 $0x1BF5;
	p2 =	por !p2, p0  }
0x20: {  	[sflag:s8] =	ssyncset.s32 @!p0 $0xFFFFF086;
	s6 =	sadd.s32 @!p0 s3, s7;
	s7 =	simm.s32 @!p0 $0x108  }
0x21: {  	s3 =	sadd.s32 s3, s9;
	s6 =	sadd.s32 @!p0 $0x88, s6;
	s7 =	simm.s32 @p2 $0x1082  }
0x22: {  	[simem:s7], [sflag:s8] =	dma.local @!p0 [hbm:s6], $0xF7A  }
0x23: {  	s9 =	sor.u32 $0xD0000000, s2;
	s6 =	simm.s32 $0x108;
	_ =	swait.ge @!p0 [sflag:s8], $0x0  }
0x24: {  	s3 =	sadd.s32 $0x88, s3;
	s6 =	simm.s32 @!p1 $0x1082;
	[sflag:s4] =	ssyncset.s32 $0xFFFFF086  }
0x25: {  	[simem:s6], [sflag:s4] =	dma.local [hbm:s3], $0xF7A  }
0x26: {  	[smem:$0x3F98] =	sst s1;
	(tag) =	ssettag s2;
	_ =	strace s9  }
0x27: {  	s1 =	sld [smem:$0x3FA8]  }
0x28: {  	s2 =	sld [smem:$0x3FA9]  }
0x29: {  	s4 =	sld [smem:$0x3FAB]  }
0x2a: {  	p0 =	seq.s32 s5, $0x0;
	s5 =	sld [smem:$0x3FAC]  }
0x2b: {  	s6 =	sld [smem:$0x3FAD]  }
0x2c: {  	s7 =	sld [smem:$0x3FAE]  }
0x2d: {  	s3 =	simm.s32 $0x108;
	s8 =	sld [smem:$0x3FAF]  }
0x2e: {  	s3 =	simm.s32 @!p0 $0x1082;
	s9 =	sld [smem:$0x3FB0]  }
0x2f: {  	lr =	sadd.s32 s0, s3;
	s0 =	sld [smem:$0x3FA7]  }
0x30: {  	s3 =	sld [smem:$0x3FAA]  }
0x31: {  	[smem:$0x3FB3] =	sst s10  }
0x32: {  	s10 =	sld [smem:$0x3FB1];
	_ =	sdelay $0x3  }
0x33: {  	p0 =	seq.s32 s10, $0x1;
	s10 =	sld [smem:$0x3FB3];
	_ =	sdelay $0x3  }
0x34: {  	[smem:$0x3FB3] =	sst s10  }
0x35: {  	s10 =	sld [smem:$0x3FB2];
	_ =	sdelay $0x3  }
0x36: {  	p1 =	seq.s32 s10, $0x1;
	s10 =	sld [smem:$0x3FB3];
	_ =	sdelay $0x3  }
0x37: {  	[smem:$0x3FB3] =	sst s10  }
0x38: {  	s10 =	sld [smem:$0x3FB4]  }
0x39: {  	_ = 	snop;
	(pc) =	sbr.ind lr, $3  }
0x3a: {  	_ = 	snop  }
0x3b: {  	_ = 	snop  }
0x3c: {  	p2 =	seq.s32 s10, $0x1;
	s10 =	sld [smem:$0x3FB3]  }
0x3d: {  	_ =	shalt  }
0x3e: {  	_ =	shalt  }
0x3f: {  	_ =	shalt  }
0x40: {  	_ =	shalt  }
0x41: {  	_ =	shalt  }
0x42: {  	_ =	shalt  }
0x43: {  	_ =	shalt  }
0x44: {  	_ =	shalt  }
0x45: {  	_ =	shalt  }
0x46: {  	_ =	shalt  }
0x47: {  	_ =	shalt  }
0x48: {  	_ =	shalt  }
0x49: {  	_ =	shalt  }
0x4a: {  	_ =	shalt  }
0x4b: {  	_ =	shalt  }
0x4c: {  	_ =	shalt  }
0x4d: {  	_ =	shalt  }
0x4e: {  	_ =	shalt  }
0x4f: {  	_ =	shalt  }
0x50: {  	_ =	shalt  }
0x51: {  	_ =	shalt  }
0x52: {  	_ =	shalt  }
0x53: {  	_ =	shalt  }
0x54: {  	_ =	shalt  }
0x55: {  	_ =	shalt  }
0x56: {  	_ =	shalt  }
0x57: {  	_ =	shalt  }
0x58: {  	_ =	shalt  }
0x59: {  	_ =	shalt  }
0x5a: {  	_ =	shalt  }
0x5b: {  	_ =	shalt  }
0x5c: {  	_ =	shalt  }
0x5d: {  	_ =	shalt  }
0x5e: {  	_ =	shalt  }
0x5f: {  	_ =	shalt  }
0x60: {  	_ =	shalt  }
0x61: {  	_ =	shalt  }
0x62: {  	_ =	shalt  }
0x63: {  	_ =	shalt  }
0x64: {  	_ =	shalt  }
0x65: {  	_ =	shalt  }
0x66: {  	_ =	shalt  }
0x67: {  	_ =	shalt  }
0x68: {  	_ =	shalt  }
0x69: {  	_ =	shalt  }
0x6a: {  	_ =	shalt  }
0x6b: {  	_ =	shalt  }
0x6c: {  	_ =	shalt  }
0x6d: {  	_ =	shalt  }
0x6e: {  	_ =	shalt  }
0x6f: {  	_ =	shalt  }
0x70: {  	_ =	shalt  }
0x71: {  	_ =	shalt  }
0x72: {  	_ =	shalt  }
0x73: {  	_ =	shalt  }
0x74: {  	_ =	shalt  }
0x75: {  	_ =	shalt  }
0x76: {  	_ =	shalt  }
0x77: {  	_ =	shalt  }
0x78: {  	_ =	shalt  }
0x79: {  	_ =	shalt  }
0x7a: {  	_ =	shalt  }
0x7b: {  	_ =	shalt  }
0x7c: {  	_ =	shalt  }
0x7d: {  	_ =	shalt  }
0x7e: {  	_ =	shalt  }
0x7f: {  	_ =	shalt  }
0x80: {  	_ =	shalt  }
0x81: {  	_ =	shalt  }
0x82: {  	_ =	shalt  }
0x83: {  	_ =	shalt  }
0x84: {  	_ =	shalt  }
0x85: {  	_ =	shalt  }
0x86: {  	_ =	shalt  }
0x87: {  	_ =	shalt  }
.Lfunc_end0:
.L_simem_size_0:
called_computation_lowered:
.L_overlay_start_0:
0x88: {  	s2 =	sld [smem:$0x3FD9]  }
0x89: {  	s3 =	sld [smem:$0x3FFE];
	_ =	sdelay $0x1  }
0x8a: {  	s1 =	srdreg.scid  }
0x8b: {  	s0 =	sand.u32 $0x1, s1  }
0x8c: {  	s16 =	sshll.u32 s0, $0xA;
	s2 =	sadd.s32 s3, s2  }
0x8d: {  	s2 =	sadd.s32 s2, s16  }
0x8e: {  	[smem:$0x3FBF] =	sst s2  }
0x8f: {  	_ = 	snop  }
0x90: {  	(tm) =	ssettm $0x1  }
0x91: {  	s17 =	sld [smem:$0x3FFB];
	_ =	sdelay $0x3  }
0x92: {  	_ =	strace s17  }
0x93: {  	s2 =	sld [smem:$0x3FFC];
	_ =	sdelay $0x3  }
0x94: {  	_ =	strace s2  }
0x95: {  	s2 =	sld [smem:$0x3FFD];
	_ =	sdelay $0x3  }
0x96: {  	_ =	strace s2  }
0x97: {  	_ =	strace $0x8FFFFFFF  }
0x98: {  	s18 =	sld [smem:$0x3FDB];
	_ =	sdelay $0x1  }
0x99: {  	s19 =	simm.s32 $_scs_section_size  }
0x9a: {  	s4 =	simm.s32 $_size__tile_overlayer_lowered;
	s5 =	simm.s32 $_tile_overlayer_lowered  }
0x9b: {  	s22 =	simm.s32 $0x1BFF;
	s21 =	sshll.u32 s5, $0x1;
	s2 =	sadd.s32 s19, s18  }
0x9c: {  	s6 =	simm.s32 $0x0;
	s20 =	sshll.u32 s4, $0x1;
	s4 =	sadd.s32 s21, s2  }
0x9d: {  	[timem:s6], [sflag:s22] =	dma.local [hbm:s4], s20  }
0x9e: {  	_ =	swait.ge [sflag:s22], s20  }
0x9f: {  	s3 =	ssub.s32 $0x0, s20;
	[sflag:s22] =	ssyncset.done $0x0  }
0xa0: {  	[sflag:s22] =	ssyncadd.s32 s3;
	_ =	sdelay $0x1  }
0xa1: {  	s23 =	simm.s32 $0x1B8B  }
0xa2: {  	_ =	swait.ge [sflag:s23], $0x1  }
0xa3: {  	[sflag:s23] =	ssyncset.done $0x0  }
0xa4: {  	s25 =	simm.s32 $0x1B8E;
	s24 =	sld [smem:$0x3FFE];
	[sflag:s23] =	ssyncadd.s32 $0xFFFFFFFF  }
0xa5: {  	s26 =	simm.s32 $execute0_lowered;
	[smem:$0x3FD2] =	sst s25  }
0xa6: {  	s4 =	sshll.u32 s26, $0x1;
	_ =	strace $0x80000046;
	[dreg:$0x1] =	wrdreg $0xFFFFFFFF  }
0xa7: {  	s28 =	simm.s32 $_size_execute0_lowered;
	s2 =	sadd.s32 s2, s4;
	[dreg:$0x0] =	wrdreg $0x0  }
0xa8: {  	s4 =	sshll.u32 s28, $0x1;
	[dreg:$0x2] =	wrdreg s2  }
0xa9: {  	[dreg:$0x3] =	wrdreg s4  }
0xaa: {  	[dreg:$0x4] =	wrdreg $0xC0  }
0xab: {  	_ =	task [dreg:s6], $0x5FFFF  }
0xac: {  	[dreg:$0x1] =	wrdreg $0xFFFFFFFF  }
0xad: {  	[dreg:$0x0] =	wrdreg $0x60  }
0xae: {  	[dreg:$0x2] =	wrdreg s24  }
0xaf: {  	[dreg:$0x3] =	wrdreg $0x41800  }
0xb0: {  	[dreg:$0x4] =	wrdreg $0x9  }
0xb1: {  	_ =	task.clear_ibuf [dreg:s6], $0x5FFFF;
	_ =	strace $0x90000046  }
0xb2: {  	s29 =	simm.s32 $0x9;
	_ =	strace $0x80000048  }
0xb3: {  	_ =	swait.ge [sflag:s29], $0x1  }
0xb4: {  	[sflag:s29] =	ssyncadd.s32 $0xFFFFFFFF  }
0xb5: {  	_ =	strace $0x90000048  }
0xb6: {  	_ =	sfence  }
0xb7: {  	s30 =	sld [smem:$0x0];
	_ =	sdelay $0x2  }
0xb8: {  	s31 =	sshll.u32 s1, $0xD;
	s1 =	sshrl.u32 s1, $0x2  }
0xb9: {  	s3 =	sand.u32 $0x4000, s31;
	s1 =	sadd.s32 s1, s30  }
0xba: {  	s0 =	sor.u32 s3, s0;
	s1 =	sshll.u32 s1, $0x11  }
0xbb: {  	s0 =	sor.u32 s1, s0  }
0xbc: {  	s0 =	sadd.s32 $0x8F2B, s0  }
0xbd: {  	[sflag:s0] =	ssyncadd.remote.s32 $0x1  }
0xbe: {  	_ =	sfence.sel $0xFFFF  }
0xbf: {  	[dreg:$0x0] =	wrdreg $0xFFFFFFFF;
	(pc) =	sbr.abs _section_cstart, $3  }
0xc0: {  	[dreg:$0x1] =	wrdreg $0xFFFFFFFF  }
0xc1: {  	_ =	task.clear_ibuf [dreg:s6], $0x2FFFF;
	_ =	strace $0x9FFFFFFF  }
0xc2: {  	(tm) =	ssettm $0x7FFFFFFF  }
0xc3: {  	_ =	shalt  }
tec
execute0_lowered:
.L_overlay_start_1:
0x0: {  	(tag) =	ssettag $0x1  }
0x1: {  	s0 =	rddreg [dreg:$0x0]  }
0x2: {  	s2 =	rddreg [dreg:$0x1]  }
0x3: {  	s3 =	simm.s32 $0x0;
	s20 =	stileid.u32;
	s5 =	srdreg.scid  }
0x4: {  	s28 =	simm.s32 $0x180;
	s29 =	simm.s32 $0x1;
	s1 =	smul.u32 $0x300, s20  }
0x5: {  	s30 =	simm.s32 $0x100;
	s31 =	simm.s32 $0x80;
	s18 =	smul.u32 $0x51000, s20  }
0x6: {  	[smem:$0x7FF] =	sst s3;
	s4 =	sadd.s32 $0x2400, s0;
	s10 =	smul.u32 $0x270, s20  }
0x7: {  	s6 =	sand.u32 $0x1, s5;
	s19 =	smul.u32 $0x4E000, s20;
	s22 =	sadd.s32 $0x144000, s2  }
0x8: {  	p0 =	sne.s32 s20, $0xF;
	_ =	strace $0x80000047;
	s8 =	smul.u32 $0x2710, s6  }
0x9: {  	s7 =	ssub.s32 $0x2, s6;
	[dreg:$0x4] =	wrdreg s22;
	s11 =	smul.u32 $0x138800, s6  }
0xa: {  	s6 =	smul.u32 $0x3C0, s6;
	s1 =	sadd.s32 s1, s0;
	s0 =	sadd.s32 $0xFC00, s0  }
0xb: {  	s9 =	sshrl.u32 s7, $0x1;
	s5 =	sshrl.u32 s18, $0x2;
	s23 =	sshrl.u32 s19, $0x2  }
0xc: {  	s12 =	ssub.s32 s7, s9;
	s5 =	sadd.s32 s5, s2;
	s10 =	sadd.s32 s10, s8  }
0xd: {  	s8 =	sadd.s32 s23, s2;
	s25 =	sshrl.u32 s11, $0x3;
	s18 =	sadd.s32 $0xCC00, s1  }
0xe: {  	s19 =	sadd.s32 $0x9C00, s1;
	s21 =	sadd.s32 $0x14000, s5;
	s24 =	sshll.u32 s10, $0x4  }
0xf: {  	s23 =	sadd.s32 $0x10000, s8;
	s12 =	smax.u32 s12, $0x1;
	s13 =	sadd.s32 $0x4000, s5  }
0x10: {  	s14 =	sadd.s32 $0x8000, s5;
	s15 =	sadd.s32 $0xC000, s5;
	s16 =	sadd.s32 $0x10000, s5  }
0x11: {  	s26 =	sadd.s32 $0x4000, s8;
	s22 =	sadd.s32 $0xC000, s8;
	[dreg:$0x3] =	wrdreg s21  }
0x12: {  	s9 =	sadd.s32 s0, s24;
	s0 =	sadd.s32 s0, s25;
	s24 =	sadd.s32 $0x138000, s2  }
0x13: {  	s21 =	sadd.s32 $0x8000, s8;
	s20 =	sshrl.u32 s26, $0x3;
	s22 =	sshrl.u32 s22, $0x3  }
0x14: {  	s23 =	sshrl.u32 s23, $0x3;
	s10 =	sadd.s32 $0x2000, s9;
	s11 =	sadd.s32 $0x27000, s0  }
0x15: {  	s17 =	sadd.s32 $0x800, s9;
	s21 =	sshrl.u32 s21, $0x3;
	s24 =	sshrl.u32 @!p0 s24, $0x3  }
0x16: {  	v1 =	vimm.f32 $0.0e+00;
	v0 =	vmov s6;
	s25 =	sadd.s32 $0x1000, s9;
	s26 =	sadd.s32 $0x1800, s9;
	s0 =	simm.s32 $0x0  }
.LBB2_1:
0x17: {  	s1 =	simm.s32 $0x0;
	s6 =	simm.s32 $0x200  }
.LBB2_2:
0x18: {  	p1 =	sne.s32 s6, $0xFE00;
	[tilespmem:s1+$0x1F0] =	vst v1  }
0x19: {  	[tilespmem:s1+$0x180] =	vst v1  }
0x1a: {  	[tilespmem:s1+$0x190] =	vst v1  }
.Ltmp0:
0x1b: {  	[tilespmem:s1+$0x1A0] =	vst v1;
	(pc) =	sbr.rel @p1 .LBB2_2-.Ltmp0, $4  }
0x1c: {  	[tilespmem:s1+$0x1B0] =	vst v1  }
0x1d: {  	[tilespmem:s1+$0x1C0] =	vst v1  }
0x1e: {  	[tilespmem:s1+$0x1D0] =	vst v1  }
0x1f: {  	[tilespmem:s1+$0x1E0] =	vst v1;
	s1 =	sshra.s32 s6, $0x2;
	s6 =	sadd.s32 $0x200, s6  }
0x20: {  	[tilespmem:s1+$0x1F0] =	vst v1  }
0x21: {  	[tilespmem:s1+$0x180] =	vst v1  }
0x22: {  	[tilespmem:s1+$0x190] =	vst v1  }
0x23: {  	[tilespmem:s1+$0x1A0] =	vst v1  }
0x24: {  	[tilespmem:s1+$0x1B0] =	vst v1  }
0x25: {  	[tilespmem:s1+$0x1C0] =	vst v1  }
0x26: {  	[tilespmem:s1+$0x1D0] =	vst v1  }
0x27: {  	[tilespmem:s1+$0x1E0] =	vst v1  }
0x28: {  	[spmem:s5] =	stream.linear.scatter [tilespmem:s28], [sflag:$0x1], $0x4000, $0x38;
	[tilespmem:$0x18680] =	vst v63  }
0x29: {  	_ =	swait.ge [sflag:s29], $0x4000  }
0x2a: {  	[sflag:s29] =	ssyncset.done $0x0  }
0x2b: {  	[sflag:s29] =	ssyncadd.s32 $0xFFFFC000  }
0x2c: {  	[spmem:s13] =	stream.linear.scatter [tilespmem:s28], [sflag:$0x1], $0x4000, $0x38;
	[tilespmem:$0x18680] =	vst v63  }
0x2d: {  	_ =	swait.ge [sflag:s29], $0x4000  }
0x2e: {  	[sflag:s29] =	ssyncset.done $0x0  }
0x2f: {  	[sflag:s29] =	ssyncadd.s32 $0xFFFFC000  }
0x30: {  	[spmem:s14] =	stream.linear.scatter [tilespmem:s28], [sflag:$0x1], $0x4000, $0x38;
	[tilespmem:$0x18680] =	vst v63  }
0x31: {  	_ =	swait.ge [sflag:s29], $0x4000  }
0x32: {  	[sflag:s29] =	ssyncset.done $0x0  }
0x33: {  	[sflag:s29] =	ssyncadd.s32 $0xFFFFC000  }
0x34: {  	[spmem:s15] =	stream.linear.scatter [tilespmem:s28], [sflag:$0x1], $0x4000, $0x38;
	[tilespmem:$0x18680] =	vst v63  }
0x35: {  	_ =	swait.ge [sflag:s29], $0x4000  }
0x36: {  	[sflag:s29] =	ssyncset.done $0x0  }
0x37: {  	[sflag:s29] =	ssyncadd.s32 $0xFFFFC000  }
0x38: {  	[spmem:s16] =	stream.linear.scatter [tilespmem:s28], [sflag:$0x1], $0x4000, $0x38;
	[tilespmem:$0x18680] =	vst v63  }
0x39: {  	_ =	swait.ge [sflag:s29], $0x4000  }
0x3a: {  	[sflag:s29] =	ssyncset.done $0x0  }
0x3b: {  	s7 =	rddreg [dreg:$0x3];
	[sflag:s29] =	ssyncadd.s32 $0xFFFFC000  }
0x3c: {  	[spmem:s7] =	stream.linear.scatter [tilespmem:s28], [sflag:$0x1], $0x400, $0x38;
	[tilespmem:$0x18680] =	vst v63  }
0x3d: {  	_ =	swait.ge [sflag:s29], $0x400  }
0x3e: {  	[sflag:s29] =	ssyncset.done $0x0  }
0x3f: {  	s1 =	simm.s32 @!p0 $0x180;
	s6 =	rddreg [dreg:$0x4];
	[sflag:s29] =	ssyncadd.s32 $0xFFFFFC00  }
0x40: {  	[spmem:s6] =	stream.linear.scatter @!p0 [tilespmem:s1], [sflag:$0x1], $0x1000, $0x38;
	[tilespmem:$0x18680] =	vst v63  }
0x41: {  	s1 =	simm.s32 @!p0 $0x1  }
0x42: {  	_ =	swait.ge @!p0 [sflag:s1], $0x1000  }
0x43: {  	[sflag:s1] =	ssyncset.done @!p0 $0x0  }
0x44: {  	[sflag:s1] =	ssyncadd.s32 @!p0 $0xFFFFF000  }
0x45: {  	s6 =	sadd.s32 $0x0, s19;
	[bflag:$0x0] =	sbarrier.arrive $0xFFFF  }
0x46: {  	[tilespmem:s3], [sflag:$0x1] =	stream.linear.gather [hbm4b:s6+s3], $0x80, $0x38;
	[tilespmem:$0x18680] =	vst v63  }
0x47: {  	_ =	swait.ge [sflag:s29], $0x80  }
0x48: {  	[sflag:s29] =	ssyncset.done $0x0  }
0x49: {  	s7 =	sadd.s32 $0x0, s18;
	[sflag:s29] =	ssyncadd.s32 $0xFFFFFF80  }
0x4a: {  	[tilespmem:s30], [sflag:$0x1] =	stream.linear.gather [hbm4b:s7+s3], $0x80, $0x38;
	[tilespmem:$0x18680] =	vst v63  }
0x4b: {  	_ =	swait.ge [sflag:s29], $0x80  }
0x4c: {  	[sflag:s29] =	ssyncset.done $0x0  }
0x4d: {  	[sflag:s29] =	ssyncadd.s32 $0xFFFFFF80  }
0x4e: {  	v2 =	vld [tilespmem:$0x70]  }
0x4f: {  	v3 =	vld [tilespmem:$0x30]  }
0x50: {  	v6 =	vld [tilespmem:$0x20]  }
0x51: {  	v4 =	vld [tilespmem:$0x50]  }
0x52: {  	v5 =	vld [tilespmem:$0x60]  }
0x53: {  	v7 =	vld [tilespmem:$0x10];
	v2 =	vadd.s32 v0, v2  }
0x54: {  	v8 =	vld [tilespmem:$0x40];
	v3 =	vadd.s32 v0, v3;
	[tilespmem:$0xF0] =	vst v2  }
0x55: {  	v63 =	vadd.s32 v0, v6;
	v2 =	vld [tilespmem:$0x0];
	[tilespmem:$0xB0] =	vst v3  }
0x56: {  	v3 =	vadd.s32 v0, v4;
	[tilespmem:$0xA0] =	vst v63  }
0x57: {  	[tilespmem:$0xD0] =	vst v3;
	v3 =	vadd.s32 v0, v5  }
0x58: {  	[tilespmem:$0xE0] =	vst v3;
	v3 =	vadd.s32 v0, v7  }
0x59: {  	[tilespmem:$0x90] =	vst v3;
	v3 =	vadd.s32 v0, v8  }
0x5a: {  	[tilespmem:$0xC0] =	vst v3;
	v2 =	vadd.s32 v0, v2  }
0x5b: {  	s1 =	simm.s32 $0x10;
	[tilespmem:$0x80] =	vst v2  }
.LBB2_4:
0x5c: {  	[tilespmem:s28], [sflag:$0x1] =	stream.indirect.gather [hbm4b:s4+s31], $0x80, s31, s31, $0xb8;
	[tilespmem:$0x18680] =	vst v63  }
0x5d: {  	s6 =	smov.u32 s1  }
0x5e: {  	p1 =	sne.s32 s1, $0x2F0;
	s1 =	sadd.s32 $0x10, s1;
	_ =	swait.ge [sflag:s29], $0x4000  }
0x5f: {  	[sflag:s29] =	ssyncset.done $0x0  }
0x60: {  	[sflag:s29] =	ssyncadd.s32 $0xFFFFC000  }
0x61: {  	[spmem:s2] =	stream.indirect.scatter.add.f32 [tilespmem:s28], [sflag:$0x1], $0x80, s30, s31, $0xb8;
	[tilespmem:$0x18680] =	vst v63  }
0x62: {  	_ =	swait.ge [sflag:s29], $0x4000  }
0x63: {  	[sflag:s29] =	ssyncset.done $0x0  }
0x64: {  	s7 =	sadd.s32 s6, s19;
	[sflag:s29] =	ssyncadd.s32 $0xFFFFC000  }
0x65: {  	[tilespmem:s3], [sflag:$0x1] =	stream.linear.gather [hbm4b:s7+s3], $0x80, $0x38;
	[tilespmem:$0x18680] =	vst v63  }
0x66: {  	_ =	swait.ge [sflag:s29], $0x80  }
0x67: {  	[sflag:s29] =	ssyncset.done $0x0  }
0x68: {  	s6 =	sadd.s32 s6, s18;
	[sflag:s29] =	ssyncadd.s32 $0xFFFFFF80  }
0x69: {  	[tilespmem:s30], [sflag:$0x1] =	stream.linear.gather [hbm4b:s6+s3], $0x80, $0x38;
	[tilespmem:$0x18680] =	vst v63  }
0x6a: {  	_ =	swait.ge [sflag:s29], $0x80  }
0x6b: {  	[sflag:s29] =	ssyncset.done $0x0  }
0x6c: {  	[sflag:s29] =	ssyncadd.s32 $0xFFFFFF80  }
0x6d: {  	v2 =	vld [tilespmem:$0x70]  }
0x6e: {  	v3 =	vld [tilespmem:$0x30]  }
0x6f: {  	v4 =	vld [tilespmem:$0x50]  }
0x70: {  	v5 =	vld [tilespmem:$0x60]  }
0x71: {  	v6 =	vld [tilespmem:$0x20]  }
0x72: {  	v7 =	vld [tilespmem:$0x10];
	v2 =	vadd.s32 v0, v2  }
0x73: {  	v3 =	vadd.s32 v0, v3;
	v8 =	vld [tilespmem:$0x40];
	[tilespmem:$0xF0] =	vst v2  }
0x74: {  	v2 =	vld [tilespmem:$0x0];
	[tilespmem:$0xB0] =	vst v3;
	v3 =	vadd.s32 v0, v4  }
0x75: {  	[tilespmem:$0xD0] =	vst v3;
	v3 =	vadd.s32 v0, v5  }
.Ltmp1:
0x76: {  	v4 =	vadd.s32 v0, v6;
	[tilespmem:$0xE0] =	vst v3;
	(pc) =	sbr.rel @p1 .LBB2_4-.Ltmp1, $4  }
0x77: {  	v3 =	vadd.s32 v0, v7;
	[tilespmem:$0xA0] =	vst v4  }
0x78: {  	[tilespmem:$0x90] =	vst v3;
	v3 =	vadd.s32 v0, v8  }
0x79: {  	v2 =	vadd.s32 v0, v2;
	[tilespmem:$0xC0] =	vst v3  }
0x7a: {  	[tilespmem:$0x80] =	vst v2  }
0x7b: {  	[tilespmem:s28], [sflag:$0x1] =	stream.indirect.gather [hbm4b:s4+s31], $0x80, s31, s31, $0xb8;
	[tilespmem:$0x18680] =	vst v63  }
0x7c: {  	_ =	swait.ge [sflag:s29], $0x4000  }
0x7d: {  	[sflag:s29] =	ssyncset.done $0x0  }
0x7e: {  	[sflag:s29] =	ssyncadd.s32 $0xFFFFC000  }
0x7f: {  	[spmem:s2] =	stream.indirect.scatter.add.f32 [tilespmem:s28], [sflag:$0x1], $0x80, s30, s31, $0xb8;
	[tilespmem:$0x18680] =	vst v63  }
0x80: {  	_ =	swait.ge [sflag:s29], $0x4000  }
0x81: {  	s1 =	stileid.u32;
	[sflag:s29] =	ssyncset.done $0x0  }
0x82: {  	s1 =	sshll.u32 s1, $0x6;
	[sflag:s29] =	ssyncadd.s32 $0xFFFFC000  }
0x83: {  	s6 =	sshrl.u32 s8, $0x3;
	s1 =	sor.u32 $0x1C01, s1;
	[bflag:$0x0] =	sbarrier.arrive $0xFFFF  }
0x84: {  	[hbm:s9], [sflag:s1] =	dma.local [spmem:s6], $0x800  }
0x85: {  	_ =	swait.ge [sflag:s29], $0x800  }
0x86: {  	[sflag:s29] =	ssyncset.done $0x0  }
0x87: {  	[sflag:s29] =	ssyncadd.s32 $0xFFFFF800  }
0x88: {  	[hbm:s17], [sflag:s1] =	dma.local [spmem:s20], $0x800  }
0x89: {  	_ =	swait.ge [sflag:s29], $0x800  }
0x8a: {  	[sflag:s29] =	ssyncset.done $0x0  }
0x8b: {  	[sflag:s29] =	ssyncadd.s32 $0xFFFFF800  }
0x8c: {  	[hbm:s25], [sflag:s1] =	dma.local [spmem:s21], $0x800  }
0x8d: {  	_ =	swait.ge [sflag:s29], $0x800  }
0x8e: {  	[sflag:s29] =	ssyncset.done $0x0  }
0x8f: {  	[sflag:s29] =	ssyncadd.s32 $0xFFFFF800  }
0x90: {  	[hbm:s26], [sflag:s1] =	dma.local [spmem:s22], $0x800  }
0x91: {  	_ =	swait.ge [sflag:s29], $0x800  }
0x92: {  	[sflag:s29] =	ssyncset.done $0x0  }
0x93: {  	[sflag:s29] =	ssyncadd.s32 $0xFFFFF800  }
0x94: {  	[hbm:s10], [sflag:s1] =	dma.local [spmem:s23], $0x700  }
0x95: {  	_ =	swait.ge [sflag:s29], $0x700  }
0x96: {  	s0 =	sadd.s32 $0x1, s0;
	[sflag:s29] =	ssyncset.done $0x0  }
0x97: {  	p1 =	sne.s32 s0, s12;
	[sflag:s29] =	ssyncadd.s32 $0xFFFFF900  }
0x98: {  	[hbm:s11], [sflag:s1] =	dma.local @!p0 [spmem:s24], $0x100  }
.Ltmp2:
0x99: {  	_ = 	snop;
	(pc) =	sbr.rel @p1 .LBB2_1-.Ltmp2, $4  }
0x9a: {  	s1 =	simm.s32 @!p0 $0x1  }
0x9b: {  	_ =	swait.ge @!p0 [sflag:s1], $0x100  }
0x9c: {  	[sflag:s1] =	ssyncset.done @!p0 $0x0  }
0x9d: {  	[sflag:s1] =	ssyncadd.s32 @!p0 $0xFFFFFF00  }
0x9e: {  	_ =	sfence.sel $0x180000  }
0x9f: {  	[bflag:$0x0] =	sbarrier.arrive $0xFFFF  }
0xa0: {  	_ =	strace $0x90000047  }
0xa1: {  	s0 =	stileid.u32;
	[bflag:$0x2] =	sbarrier.arrive $0xFFFF  }
0xa2: {  	p0 =	sne.s32 s0, $0x0;
	s0 =	rddreg [dreg:$0x2]  }
0xa3: {  	s0 =	sadd.s32 @!p0 $0x100000, s0  }
0xa4: {  	[sflag:s0] =	ssyncadd.tile.s32 @!p0 $0x1;
	_ =	shalt  }
.Lfunc_end2:
_tile_overlayer_lowered:
.L_overlay_start_2:
0xa5: {  	(tag) =	ssettag $0x2  }
0xa6: {  	s0 =	rddreg [dreg:$0x0];
	s2 =	stileid.u32  }
0xa7: {  	s1 =	rddreg [dreg:$0x1];
	p0 =	sne.s32 s2, $0x0  }
0xa8: {  	s3 =	rddreg [dreg:$0x2];
	[bflag:$0x3] =	sbarrier.arrive $0xFFFF;
	s2 =	simm.s32 @!p0 $0x1C01  }
0xa9: {  	[timem:s3], [sflag:s2] =	dma.local @!p0 [hbm:s0], s1  }
0xaa: {  	s0 =	simm.s32 @!p0 $0x1  }
0xab: {  	_ =	swait.ge @!p0 [sflag:s0], s1  }
0xac: {  	s1 =	ssub.s32 @!p0 $0x0, s1;
	[sflag:s0] =	ssyncset.done @!p0 $0x0  }
0xad: {  	[sflag:s0] =	ssyncadd.s32 @!p0 s1  }
0xae: {  	[bflag:$0x3] =	sbarrier.arrive $0xFFFF  }
0xaf: {  	_ =	shalt  }

</sc_bundles>
